<compile_context>
chip_gen: v7x
topology: tpu7x:2x2x1
jax: 0.10.2.dev20260603
libtpu: 0.0.44.dev20260713+nightly
codegen_flags: <defaults>
</compile_context>

<pallas_src>
import functools

import jax
import jax.numpy as jnp
from jax import lax
from jax.experimental import pallas as pl
from jax.experimental.pallas import tpu as pltpu
from jax.experimental.pallas import tpu_sc as plsc

_VOCAB = 1000000
_EMBED_DIM = 32
_BATCH = 16384
_FIELDS = 26
_NW = 32
_BSL = _BATCH // _NW
_NBUF = 2

_mesh = plsc.VectorSubcoreMesh(core_axis_name="c", subcore_axis_name="s")


@functools.partial(
    pl.kernel,
    out_type=jax.ShapeDtypeStruct((_FIELDS, _BATCH, _EMBED_DIM), jnp.float32),
    mesh=_mesh,
    scratch_types=[
        pltpu.VMEM((_FIELDS * _BSL,), jnp.int32),
        pltpu.VMEM((_NBUF, _BSL, _EMBED_DIM), jnp.float32),
        pltpu.SemaphoreType.DMA,
        [pltpu.SemaphoreType.DMA] * _NBUF,
        [pltpu.SemaphoreType.DMA] * _NBUF,
    ],
    compiler_params=pltpu.CompilerParams(use_tc_tiling_on_sc=False),
)
def _gather(table_hbm, idx_hbm, out_hbm, idx_fm, rows_v, sem_ix, sems_g, sems_w):
    wid = lax.axis_index("s") * 2 + lax.axis_index("c")
    b0 = wid * _BSL

    for f in range(_FIELDS):
        pltpu.async_copy(
            idx_hbm.at[f, pl.ds(b0, _BSL)], idx_fm.at[pl.ds(f * _BSL, _BSL)], sem_ix
        )
    for f in range(_FIELDS):
        pltpu.make_async_copy(
            idx_hbm.at[0, pl.ds(0, _BSL)], idx_fm.at[pl.ds(0, _BSL)], sem_ix
        ).wait()

    def gather_start(f, b):
        idx_chunk = idx_fm.at[pl.ds(f * _BSL, _BSL)]
        return pltpu.async_copy(table_hbm.at[idx_chunk], rows_v.at[b], sems_g[b])

    def write_start(f, b):
        dst = out_hbm.at[f, pl.ds(b0, _BSL), :]
        return pltpu.async_copy(rows_v.at[b], dst, sems_w[b])

    gathers = [gather_start(b, b) for b in range(_NBUF)]
    writes = [None] * _NBUF

    for f in range(_FIELDS):
        b = f % _NBUF
        gathers[b].wait()
        writes[b] = write_start(f, b)
        nxt = f + _NBUF
        if nxt < _FIELDS:
            writes[b].wait()
            gathers[b] = gather_start(nxt, b)

    for b in range(_NBUF):
        if writes[b] is not None:
            writes[b].wait()


def kernel(embedding, indices):
    out = _gather(embedding, indices.T)
    return out.transpose(1, 0, 2)

# --- scband reference (transcript-rebuilt; emitter-appended) ---
"""Pipeline reference for scband-model-71055938945171 (READ-ONLY COPY).

The authoritative reference and input builder live on the scoring server;
editing this copy changes nothing except your own understanding.
"""

import jax, jax.numpy as jnp
import numpy as np

VOCAB = 1000000
EMBED_DIM = 32
BATCH = 16384
FIELDS = 26

def setup_inputs(seed: int = 0) -> dict:
    key = jax.random.key(seed)
    k1, k2 = jax.random.split(key)
    indices = jax.random.randint(k1, (BATCH, FIELDS), 0, VOCAB, dtype=jnp.int64 if jax.config.jax_enable_x64 else jnp.int32)
    embedding = jax.random.normal(k2, (VOCAB, EMBED_DIM), dtype=jnp.float32)
    return {"embedding": embedding, "indices": indices}

def reference(embedding, indices):
    # Faithful translation of: return self.embedding[indices]
    return jnp.take(embedding, indices, axis=0)

if __name__ == "__main__":
    import jax
    _d = setup_inputs()
    print(jax.jit(kernel)(*tuple(_d.values())))

</pallas_src>

<mosaic_0001>
#map = affine_map<(d0, d1) -> (0, 0)>
#map1 = affine_map<(d0, d1) -> (0, 0, 0)>
module attributes {stable_mosaic.version = 14 : i64} {
  func.func @_gather(%arg0: i32, %arg1: i32, %arg2: memref<1000000x32xf32, #tpu.memory_space<hbm>>, %arg3: memref<26x16384xi32, #tpu.memory_space<hbm>>, %arg4: memref<26x16384x32xf32, #tpu.memory_space<hbm>>, %arg5: memref<13312xi32, #tpu.memory_space<vmem>>, %arg6: memref<2x512x32xf32, #tpu.memory_space<vmem>>, %arg7: memref<!tpu.dma_semaphore, #tpu.memory_space<semaphore_mem>>, %arg8: memref<!tpu.dma_semaphore, #tpu.memory_space<semaphore_mem>>, %arg9: memref<!tpu.dma_semaphore, #tpu.memory_space<semaphore_mem>>, %arg10: memref<!tpu.dma_semaphore, #tpu.memory_space<semaphore_mem>>, %arg11: memref<!tpu.dma_semaphore, #tpu.memory_space<semaphore_mem>>) attributes {dimension_semantics = [#tpu.dimension_semantics<core_parallel>, #tpu.dimension_semantics<subcore_parallel>], iteration_bounds = array<i64: 2, 16>, scalar_prefetch = 0 : i64, scratch_operands = 7 : i64, tpu.core_type = #tpu.core_type<sc_vector_subcore>, window_params = [{transform_indices = #map}, {transform_indices = #map}, {transform_indices = #map1}]} {
    %mul3A = arith.constant 2 : i32
    %mul3A_0 = arith.muli %arg1, %mul3A : i32
    %add3A = arith.addi %mul3A_0, %arg0 : i32
    %mul3A_1 = arith.constant 512 : i32
    %mul3A_2 = arith.muli %add3A, %mul3A_1 : i32
    %dma_start3A = arith.constant 0 : i32
    %dma_start3A_3 = arith.constant 0 : i32
    %dma_start3A_4 = tpu.memref_slice %arg5[%dma_start3A_3] : memref<13312xi32, #tpu.memory_space<vmem>> -> memref<512xi32, #tpu.memory_space<vmem>>
    %dma_start3A_5 = tpu.memref_slice %arg3[%dma_start3A, %mul3A_2] : memref<26x16384xi32, #tpu.memory_space<hbm>> -> memref<1x512xi32, #tpu.memory_space<hbm>>
    %dma_start3A_6 = tpu.memref_squeeze %dma_start3A_5 : memref<1x512xi32, #tpu.memory_space<hbm>> -> memref<512xi32, #tpu.memory_space<hbm>>
    %dma_start3A_7 = arith.constant 0 : i32
    %dma_start3A_8 = tpu.memref_slice %arg5[%dma_start3A_7] : memref<13312xi32, #tpu.memory_space<vmem>> -> memref<512xi32, #tpu.memory_space<vmem>>
    %dma_start3A_9 = tpu.memref_slice %arg3[%dma_start3A, %mul3A_2] : memref<26x16384xi32, #tpu.memory_space<hbm>> -> memref<1x512xi32, #tpu.memory_space<hbm>>
    %dma_start3A_10 = tpu.memref_squeeze %dma_start3A_9 : memref<1x512xi32, #tpu.memory_space<hbm>> -> memref<512xi32, #tpu.memory_space<hbm>>
    tpu.enqueue_dma source(%dma_start3A_10 : memref<512xi32, #tpu.memory_space<hbm>>) target(%dma_start3A_8 : memref<512xi32, #tpu.memory_space<vmem>>) target_semaphore(%arg7 : memref<!tpu.dma_semaphore, #tpu.memory_space<semaphore_mem>>)
    %dma_start3A_11 = arith.constant 1 : i32
    %dma_start3A_12 = arith.constant 512 : i32
    %dma_start3A_13 = tpu.memref_slice %arg5[%dma_start3A_12] : memref<13312xi32, #tpu.memory_space<vmem>> -> memref<512xi32, #tpu.memory_space<vmem>>
    %dma_start3A_14 = tpu.memref_slice %arg3[%dma_start3A_11, %mul3A_2] : memref<26x16384xi32, #tpu.memory_space<hbm>> -> memref<1x512xi32, #tpu.memory_space<hbm>>
    %dma_start3A_15 = tpu.memref_squeeze %dma_start3A_14 : memref<1x512xi32, #tpu.memory_space<hbm>> -> memref<512xi32, #tpu.memory_space<hbm>>
    %dma_start3A_16 = arith.constant 512 : i32
    %dma_start3A_17 = tpu.memref_slice %arg5[%dma_start3A_16] : memref<13312xi32, #tpu.memory_space<vmem>> -> memref<512xi32, #tpu.memory_space<vmem>>
    %dma_start3A_18 = tpu.memref_slice %arg3[%dma_start3A_11, %mul3A_2] : memref<26x16384xi32, #tpu.memory_space<hbm>> -> memref<1x512xi32, #tpu.memory_space<hbm>>
    %dma_start3A_19 = tpu.memref_squeeze %dma_start3A_18 : memref<1x512xi32, #tpu.memory_space<hbm>> -> memref<512xi32, #tpu.memory_space<hbm>>
    tpu.enqueue_dma source(%dma_start3A_19 : memref<512xi32, #tpu.memory_space<hbm>>) target(%dma_start3A_17 : memref<512xi32, #tpu.memory_space<vmem>>) target_semaphore(%arg7 : memref<!tpu.dma_semaphore, #tpu.memory_space<semaphore_mem>>)
    %dma_start3A_20 = arith.constant 2 : i32
    %dma_start3A_21 = arith.constant 1024 : i32
    %dma_start3A_22 = tpu.memref_slice %arg5[%dma_start3A_21] : memref<13312xi32, #tpu.memory_space<vmem>> -> memref<512xi32, #tpu.memory_space<vmem>>
    %dma_start3A_23 = tpu.memref_slice %arg3[%dma_start3A_20, %mul3A_2] : memref<26x16384xi32, #tpu.memory_space<hbm>> -> memref<1x512xi32, #tpu.memory_space<hbm>>
    %dma_start3A_24 = tpu.memref_squeeze %dma_start3A_23 : memref<1x512xi32, #tpu.memory_space<hbm>> -> memref<512xi32, #tpu.memory_space<hbm>>
    %dma_start3A_25 = arith.constant 1024 : i32
    %dma_start3A_26 = tpu.memref_slice %arg5[%dma_start3A_25] : memref<13312xi32, #tpu.memory_space<vmem>> -> memref<512xi32, #tpu.memory_space<vmem>>
    %dma_start3A_27 = tpu.memref_slice %arg3[%dma_start3A_20, %mul3A_2] : memref<26x16384xi32, #tpu.memory_space<hbm>> -> memref<1x512xi32, #tpu.memory_space<hbm>>
    %dma_start3A_28 = tpu.memref_squeeze %dma_start3A_27 : memref<1x512xi32, #tpu.memory_space<hbm>> -> memref<512xi32, #tpu.memory_space<hbm>>
    tpu.enqueue_dma source(%dma_start3A_28 : memref<512xi32, #tpu.memory_space<hbm>>) target(%dma_start3A_26 : memref<512xi32, #tpu.memory_space<vmem>>) target_semaphore(%arg7 : memref<!tpu.dma_semaphore, #tpu.memory_space<semaphore_mem>>)
    %dma_start3A_29 = arith.constant 3 : i32
    %dma_start3A_30 = arith.constant 1536 : i32
    %dma_start3A_31 = tpu.memref_slice %arg5[%dma_start3A_30] : memref<13312xi32, #tpu.memory_space<vmem>> -> memref<512xi32, #tpu.memory_space<vmem>>
    %dma_start3A_32 = tpu.memref_slice %arg3[%dma_start3A_29, %mul3A_2] : memref<26x16384xi32, #tpu.memory_space<hbm>> -> memref<1x512xi32, #tpu.memory_space<hbm>>
    %dma_start3A_33 = tpu.memref_squeeze %dma_start3A_32 : memref<1x512xi32, #tpu.memory_space<hbm>> -> memref<512xi32, #tpu.memory_space<hbm>>
    %dma_start3A_34 = arith.constant 1536 : i32
    %dma_start3A_35 = tpu.memref_slice %arg5[%dma_start3A_34] : memref<13312xi32, #tpu.memory_space<vmem>> -> memref<512xi32, #tpu.memory_space<vmem>>
    %dma_start3A_36 = tpu.memref_slice %arg3[%dma_start3A_29, %mul3A_2] : memref<26x16384xi32, #tpu.memory_space<hbm>> -> memref<1x512xi32, #tpu.memory_space<hbm>>
    %dma_start3A_37 = tpu.memref_squeeze %dma_start3A_36 : memref<1x512xi32, #tpu.memory_space<hbm>> -> memref<512xi32, #tpu.memory_space<hbm>>
    tpu.enqueue_dma source(%dma_start3A_37 : memref<512xi32, #tpu.memory_space<hbm>>) target(%dma_start3A_35 : memref<512xi32, #tpu.memory_space<vmem>>) target_semaphore(%arg7 : memref<!tpu.dma_semaphore, #tpu.memory_space<semaphore_mem>>)
    %dma_start3A_38 = arith.constant 4 : i32
    %dma_start3A_39 = arith.constant 2048 : i32
    %dma_start3A_40 = tpu.memref_slice %arg5[%dma_start3A_39] : memref<13312xi32, #tpu.memory_space<vmem>> -> memref<512xi32, #tpu.memory_space<vmem>>
    %dma_start3A_41 = tpu.memref_slice %arg3[%dma_start3A_38, %mul3A_2] : memref<26x16384xi32, #tpu.memory_space<hbm>> -> memref<1x512xi32, #tpu.memory_space<hbm>>
    %dma_start3A_42 = tpu.memref_squeeze %dma_start3A_41 : memref<1x512xi32, #tpu.memory_space<hbm>> -> memref<512xi32, #tpu.memory_space<hbm>>
    %dma_start3A_43 = arith.constant 2048 : i32
    %dma_start3A_44 = tpu.memref_slice %arg5[%dma_start3A_43] : memref<13312xi32, #tpu.memory_space<vmem>> -> memref<512xi32, #tpu.memory_space<vmem>>
    %dma_start3A_45 = tpu.memref_slice %arg3[%dma_start3A_38, %mul3A_2] : memref<26x16384xi32, #tpu.memory_space<hbm>> -> memref<1x512xi32, #tpu.memory_space<hbm>>
    %dma_start3A_46 = tpu.memref_squeeze %dma_start3A_45 : memref<1x512xi32, #tpu.memory_space<hbm>> -> memref<512xi32, #tpu.memory_space<hbm>>
    tpu.enqueue_dma source(%dma_start3A_46 : memref<512xi32, #tpu.memory_space<hbm>>) target(%dma_start3A_44 : memref<512xi32, #tpu.memory_space<vmem>>) target_semaphore(%arg7 : memref<!tpu.dma_semaphore, #tpu.memory_space<semaphore_mem>>)
    %dma_start3A_47 = arith.constant 5 : i32
    %dma_start3A_48 = arith.constant 2560 : i32
    %dma_start3A_49 = tpu.memref_slice %arg5[%dma_start3A_48] : memref<13312xi32, #tpu.memory_space<vmem>> -> memref<512xi32, #tpu.memory_space<vmem>>
    %dma_start3A_50 = tpu.memref_slice %arg3[%dma_start3A_47, %mul3A_2] : memref<26x16384xi32, #tpu.memory_space<hbm>> -> memref<1x512xi32, #tpu.memory_space<hbm>>
    %dma_start3A_51 = tpu.memref_squeeze %dma_start3A_50 : memref<1x512xi32, #tpu.memory_space<hbm>> -> memref<512xi32, #tpu.memory_space<hbm>>
    %dma_start3A_52 = arith.constant 2560 : i32
    %dma_start3A_53 = tpu.memref_slice %arg5[%dma_start3A_52] : memref<13312xi32, #tpu.memory_space<vmem>> -> memref<512xi32, #tpu.memory_space<vmem>>
    %dma_start3A_54 = tpu.memref_slice %arg3[%dma_start3A_47, %mul3A_2] : memref<26x16384xi32, #tpu.memory_space<hbm>> -> memref<1x512xi32, #tpu.memory_space<hbm>>
    %dma_start3A_55 = tpu.memref_squeeze %dma_start3A_54 : memref<1x512xi32, #tpu.memory_space<hbm>> -> memref<512xi32, #tpu.memory_space<hbm>>
    tpu.enqueue_dma source(%dma_start3A_55 : memref<512xi32, #tpu.memory_space<hbm>>) target(%dma_start3A_53 : memref<512xi32, #tpu.memory_space<vmem>>) target_semaphore(%arg7 : memref<!tpu.dma_semaphore, #tpu.memory_space<semaphore_mem>>)
    %dma_start3A_56 = arith.constant 6 : i32
    %dma_start3A_57 = arith.constant 3072 : i32
    %dma_start3A_58 = tpu.memref_slice %arg5[%dma_start3A_57] : memref<13312xi32, #tpu.memory_space<vmem>> -> memref<512xi32, #tpu.memory_space<vmem>>
    %dma_start3A_59 = tpu.memref_slice %arg3[%dma_start3A_56, %mul3A_2] : memref<26x16384xi32, #tpu.memory_space<hbm>> -> memref<1x512xi32, #tpu.memory_space<hbm>>
    %dma_start3A_60 = tpu.memref_squeeze %dma_start3A_59 : memref<1x512xi32, #tpu.memory_space<hbm>> -> memref<512xi32, #tpu.memory_space<hbm>>
    %dma_start3A_61 = arith.constant 3072 : i32
    %dma_start3A_62 = tpu.memref_slice %arg5[%dma_start3A_61] : memref<13312xi32, #tpu.memory_space<vmem>> -> memref<512xi32, #tpu.memory_space<vmem>>
    %dma_start3A_63 = tpu.memref_slice %arg3[%dma_start3A_56, %mul3A_2] : memref<26x16384xi32, #tpu.memory_space<hbm>> -> memref<1x512xi32, #tpu.memory_space<hbm>>
    %dma_start3A_64 = tpu.memref_squeeze %dma_start3A_63 : memref<1x512xi32, #tpu.memory_space<hbm>> -> memref<512xi32, #tpu.memory_space<hbm>>
    tpu.enqueue_dma source(%dma_start3A_64 : memref<512xi32, #tpu.memory_space<hbm>>) target(%dma_start3A_62 : memref<512xi32, #tpu.memory_space<vmem>>) target_semaphore(%arg7 : memref<!tpu.dma_semaphore, #tpu.memory_space<semaphore_mem>>)
    %dma_start3A_65 = arith.constant 7 : i32
    %dma_start3A_66 = arith.constant 3584 : i32
    %dma_start3A_67 = tpu.memref_slice %arg5[%dma_start3A_66] : memref<13312xi32, #tpu.memory_space<vmem>> -> memref<512xi32, #tpu.memory_space<vmem>>
    %dma_start3A_68 = tpu.memref_slice %arg3[%dma_start3A_65, %mul3A_2] : memref<26x16384xi32, #tpu.memory_space<hbm>> -> memref<1x512xi32, #tpu.memory_space<hbm>>
    %dma_start3A_69 = tpu.memref_squeeze %dma_start3A_68 : memref<1x512xi32, #tpu.memory_space<hbm>> -> memref<512xi32, #tpu.memory_space<hbm>>
    %dma_start3A_70 = arith.constant 3584 : i32
    %dma_start3A_71 = tpu.memref_slice %arg5[%dma_start3A_70] : memref<13312xi32, #tpu.memory_space<vmem>> -> memref<512xi32, #tpu.memory_space<vmem>>
    %dma_start3A_72 = tpu.memref_slice %arg3[%dma_start3A_65, %mul3A_2] : memref<26x16384xi32, #tpu.memory_space<hbm>> -> memref<1x512xi32, #tpu.memory_space<hbm>>
    %dma_start3A_73 = tpu.memref_squeeze %dma_start3A_72 : memref<1x512xi32, #tpu.memory_space<hbm>> -> memref<512xi32, #tpu.memory_space<hbm>>
    tpu.enqueue_dma source(%dma_start3A_73 : memref<512xi32, #tpu.memory_space<hbm>>) target(%dma_start3A_71 : memref<512xi32, #tpu.memory_space<vmem>>) target_semaphore(%arg7 : memref<!tpu.dma_semaphore, #tpu.memory_space<semaphore_mem>>)
    %dma_start3A_74 = arith.constant 8 : i32
    %dma_start3A_75 = arith.constant 4096 : i32
    %dma_start3A_76 = tpu.memref_slice %arg5[%dma_start3A_75] : memref<13312xi32, #tpu.memory_space<vmem>> -> memref<512xi32, #tpu.memory_space<vmem>>
    %dma_start3A_77 = tpu.memref_slice %arg3[%dma_start3A_74, %mul3A_2] : memref<26x16384xi32, #tpu.memory_space<hbm>> -> memref<1x512xi32, #tpu.memory_space<hbm>>
    %dma_start3A_78 = tpu.memref_squeeze %dma_start3A_77 : memref<1x512xi32, #tpu.memory_space<hbm>> -> memref<512xi32, #tpu.memory_space<hbm>>
    %dma_start3A_79 = arith.constant 4096 : i32
    %dma_start3A_80 = tpu.memref_slice %arg5[%dma_start3A_79] : memref<13312xi32, #tpu.memory_space<vmem>> -> memref<512xi32, #tpu.memory_space<vmem>>
    %dma_start3A_81 = tpu.memref_slice %arg3[%dma_start3A_74, %mul3A_2] : memref<26x16384xi32, #tpu.memory_space<hbm>> -> memref<1x512xi32, #tpu.memory_space<hbm>>
    %dma_start3A_82 = tpu.memref_squeeze %dma_start3A_81 : memref<1x512xi32, #tpu.memory_space<hbm>> -> memref<512xi32, #tpu.memory_space<hbm>>
    tpu.enqueue_dma source(%dma_start3A_82 : memref<512xi32, #tpu.memory_space<hbm>>) target(%dma_start3A_80 : memref<512xi32, #tpu.memory_space<vmem>>) target_semaphore(%arg7 : memref<!tpu.dma_semaphore, #tpu.memory_space<semaphore_mem>>)
    %dma_start3A_83 = arith.constant 9 : i32
    %dma_start3A_84 = arith.constant 4608 : i32
    %dma_start3A_85 = tpu.memref_slice %arg5[%dma_start3A_84] : memref<13312xi32, #tpu.memory_space<vmem>> -> memref<512xi32, #tpu.memory_space<vmem>>
    %dma_start3A_86 = tpu.memref_slice %arg3[%dma_start3A_83, %mul3A_2] : memref<26x16384xi32, #tpu.memory_space<hbm>> -> memref<1x512xi32, #tpu.memory_space<hbm>>
    %dma_start3A_87 = tpu.memref_squeeze %dma_start3A_86 : memref<1x512xi32, #tpu.memory_space<hbm>> -> memref<512xi32, #tpu.memory_space<hbm>>
    %dma_start3A_88 = arith.constant 4608 : i32
    %dma_start3A_89 = tpu.memref_slice %arg5[%dma_start3A_88] : memref<13312xi32, #tpu.memory_space<vmem>> -> memref<512xi32, #tpu.memory_space<vmem>>
    %dma_start3A_90 = tpu.memref_slice %arg3[%dma_start3A_83, %mul3A_2] : memref<26x16384xi32, #tpu.memory_space<hbm>> -> memref<1x512xi32, #tpu.memory_space<hbm>>
    %dma_start3A_91 = tpu.memref_squeeze %dma_start3A_90 : memref<1x512xi32, #tpu.memory_space<hbm>> -> memref<512xi32, #tpu.memory_space<hbm>>
    tpu.enqueue_dma source(%dma_start3A_91 : memref<512xi32, #tpu.memory_space<hbm>>) target(%dma_start3A_89 : memref<512xi32, #tpu.memory_space<vmem>>) target_semaphore(%arg7 : memref<!tpu.dma_semaphore, #tpu.memory_space<semaphore_mem>>)
    %dma_start3A_92 = arith.constant 10 : i32
    %dma_start3A_93 = arith.constant 5120 : i32
    %dma_start3A_94 = tpu.memref_slice %arg5[%dma_start3A_93] : memref<13312xi32, #tpu.memory_space<vmem>> -> memref<512xi32, #tpu.memory_space<vmem>>
    %dma_start3A_95 = tpu.memref_slice %arg3[%dma_start3A_92, %mul3A_2] : memref<26x16384xi32, #tpu.memory_space<hbm>> -> memref<1x512xi32, #tpu.memory_space<hbm>>
    %dma_start3A_96 = tpu.memref_squeeze %dma_start3A_95 : memref<1x512xi32, #tpu.memory_space<hbm>> -> memref<512xi32, #tpu.memory_space<hbm>>
    %dma_start3A_97 = arith.constant 5120 : i32
    %dma_start3A_98 = tpu.memref_slice %arg5[%dma_start3A_97] : memref<13312xi32, #tpu.memory_space<vmem>> -> memref<512xi32, #tpu.memory_space<vmem>>
    %dma_start3A_99 = tpu.memref_slice %arg3[%dma_start3A_92, %mul3A_2] : memref<26x16384xi32, #tpu.memory_space<hbm>> -> memref<1x512xi32, #tpu.memory_space<hbm>>
    %dma_start3A_100 = tpu.memref_squeeze %dma_start3A_99 : memref<1x512xi32, #tpu.memory_space<hbm>> -> memref<512xi32, #tpu.memory_space<hbm>>
    tpu.enqueue_dma source(%dma_start3A_100 : memref<512xi32, #tpu.memory_space<hbm>>) target(%dma_start3A_98 : memref<512xi32, #tpu.memory_space<vmem>>) target_semaphore(%arg7 : memref<!tpu.dma_semaphore, #tpu.memory_space<semaphore_mem>>)
    %dma_start3A_101 = arith.constant 11 : i32
    %dma_start3A_102 = arith.constant 5632 : i32
    %dma_start3A_103 = tpu.memref_slice %arg5[%dma_start3A_102] : memref<13312xi32, #tpu.memory_space<vmem>> -> memref<512xi32, #tpu.memory_space<vmem>>
    %dma_start3A_104 = tpu.memref_slice %arg3[%dma_start3A_101, %mul3A_2] : memref<26x16384xi32, #tpu.memory_space<hbm>> -> memref<1x512xi32, #tpu.memory_space<hbm>>
    %dma_start3A_105 = tpu.memref_squeeze %dma_start3A_104 : memref<1x512xi32, #tpu.memory_space<hbm>> -> memref<512xi32, #tpu.memory_space<hbm>>
    %dma_start3A_106 = arith.constant 5632 : i32
    %dma_start3A_107 = tpu.memref_slice %arg5[%dma_start3A_106] : memref<13312xi32, #tpu.memory_space<vmem>> -> memref<512xi32, #tpu.memory_space<vmem>>
    %dma_start3A_108 = tpu.memref_slice %arg3[%dma_start3A_101, %mul3A_2] : memref<26x16384xi32, #tpu.memory_space<hbm>> -> memref<1x512xi32, #tpu.memory_space<hbm>>
    %dma_start3A_109 = tpu.memref_squeeze %dma_start3A_108 : memref<1x512xi32, #tpu.memory_space<hbm>> -> memref<512xi32, #tpu.memory_space<hbm>>
    tpu.enqueue_dma source(%dma_start3A_109 : memref<512xi32, #tpu.memory_space<hbm>>) target(%dma_start3A_107 : memref<512xi32, #tpu.memory_space<vmem>>) target_semaphore(%arg7 : memref<!tpu.dma_semaphore, #tpu.memory_space<semaphore_mem>>)
    %dma_start3A_110 = arith.constant 12 : i32
    %dma_start3A_111 = arith.constant 6144 : i32
    %dma_start3A_112 = tpu.memref_slice %arg5[%dma_start3A_111] : memref<13312xi32, #tpu.memory_space<vmem>> -> memref<512xi32, #tpu.memory_space<vmem>>
    %dma_start3A_113 = tpu.memref_slice %arg3[%dma_start3A_110, %mul3A_2] : memref<26x16384xi32, #tpu.memory_space<hbm>> -> memref<1x512xi32, #tpu.memory_space<hbm>>
    %dma_start3A_114 = tpu.memref_squeeze %dma_start3A_113 : memref<1x512xi32, #tpu.memory_space<hbm>> -> memref<512xi32, #tpu.memory_space<hbm>>
    %dma_start3A_115 = arith.constant 6144 : i32
    %dma_start3A_116 = tpu.memref_slice %arg5[%dma_start3A_115] : memref<13312xi32, #tpu.memory_space<vmem>> -> memref<512xi32, #tpu.memory_space<vmem>>
    %dma_start3A_117 = tpu.memref_slice %arg3[%dma_start3A_110, %mul3A_2] : memref<26x16384xi32, #tpu.memory_space<hbm>> -> memref<1x512xi32, #tpu.memory_space<hbm>>
    %dma_start3A_118 = tpu.memref_squeeze %dma_start3A_117 : memref<1x512xi32, #tpu.memory_space<hbm>> -> memref<512xi32, #tpu.memory_space<hbm>>
    tpu.enqueue_dma source(%dma_start3A_118 : memref<512xi32, #tpu.memory_space<hbm>>) target(%dma_start3A_116 : memref<512xi32, #tpu.memory_space<vmem>>) target_semaphore(%arg7 : memref<!tpu.dma_semaphore, #tpu.memory_space<semaphore_mem>>)
    %dma_start3A_119 = arith.constant 13 : i32
    %dma_start3A_120 = arith.constant 6656 : i32
    %dma_start3A_121 = tpu.memref_slice %arg5[%dma_start3A_120] : memref<13312xi32, #tpu.memory_space<vmem>> -> memref<512xi32, #tpu.memory_space<vmem>>
    %dma_start3A_122 = tpu.memref_slice %arg3[%dma_start3A_119, %mul3A_2] : memref<26x16384xi32, #tpu.memory_space<hbm>> -> memref<1x512xi32, #tpu.memory_space<hbm>>
    %dma_start3A_123 = tpu.memref_squeeze %dma_start3A_122 : memref<1x512xi32, #tpu.memory_space<hbm>> -> memref<512xi32, #tpu.memory_space<hbm>>
    %dma_start3A_124 = arith.constant 6656 : i32
    %dma_start3A_125 = tpu.memref_slice %arg5[%dma_start3A_124] : memref<13312xi32, #tpu.memory_space<vmem>> -> memref<512xi32, #tpu.memory_space<vmem>>
    %dma_start3A_126 = tpu.memref_slice %arg3[%dma_start3A_119, %mul3A_2] : memref<26x16384xi32, #tpu.memory_space<hbm>> -> memref<1x512xi32, #tpu.memory_space<hbm>>
    %dma_start3A_127 = tpu.memref_squeeze %dma_start3A_126 : memref<1x512xi32, #tpu.memory_space<hbm>> -> memref<512xi32, #tpu.memory_space<hbm>>
    tpu.enqueue_dma source(%dma_start3A_127 : memref<512xi32, #tpu.memory_space<hbm>>) target(%dma_start3A_125 : memref<512xi32, #tpu.memory_space<vmem>>) target_semaphore(%arg7 : memref<!tpu.dma_semaphore, #tpu.memory_space<semaphore_mem>>)
    %dma_start3A_128 = arith.constant 14 : i32
    %dma_start3A_129 = arith.constant 7168 : i32
    %dma_start3A_130 = tpu.memref_slice %arg5[%dma_start3A_129] : memref<13312xi32, #tpu.memory_space<vmem>> -> memref<512xi32, #tpu.memory_space<vmem>>
    %dma_start3A_131 = tpu.memref_slice %arg3[%dma_start3A_128, %mul3A_2] : memref<26x16384xi32, #tpu.memory_space<hbm>> -> memref<1x512xi32, #tpu.memory_space<hbm>>
    %dma_start3A_132 = tpu.memref_squeeze %dma_start3A_131 : memref<1x512xi32, #tpu.memory_space<hbm>> -> memref<512xi32, #tpu.memory_space<hbm>>
    %dma_start3A_133 = arith.constant 7168 : i32
    %dma_start3A_134 = tpu.memref_slice %arg5[%dma_start3A_133] : memref<13312xi32, #tpu.memory_space<vmem>> -> memref<512xi32, #tpu.memory_space<vmem>>
    %dma_start3A_135 = tpu.memref_slice %arg3[%dma_start3A_128, %mul3A_2] : memref<26x16384xi32, #tpu.memory_space<hbm>> -> memref<1x512xi32, #tpu.memory_space<hbm>>
    %dma_start3A_136 = tpu.memref_squeeze %dma_start3A_135 : memref<1x512xi32, #tpu.memory_space<hbm>> -> memref<512xi32, #tpu.memory_space<hbm>>
    tpu.enqueue_dma source(%dma_start3A_136 : memref<512xi32, #tpu.memory_space<hbm>>) target(%dma_start3A_134 : memref<512xi32, #tpu.memory_space<vmem>>) target_semaphore(%arg7 : memref<!tpu.dma_semaphore, #tpu.memory_space<semaphore_mem>>)
    %dma_start3A_137 = arith.constant 15 : i32
    %dma_start3A_138 = arith.constant 7680 : i32
    %dma_start3A_139 = tpu.memref_slice %arg5[%dma_start3A_138] : memref<13312xi32, #tpu.memory_space<vmem>> -> memref<512xi32, #tpu.memory_space<vmem>>
    %dma_start3A_140 = tpu.memref_slice %arg3[%dma_start3A_137, %mul3A_2] : memref<26x16384xi32, #tpu.memory_space<hbm>> -> memref<1x512xi32, #tpu.memory_space<hbm>>
    %dma_start3A_141 = tpu.memref_squeeze %dma_start3A_140 : memref<1x512xi32, #tpu.memory_space<hbm>> -> memref<512xi32, #tpu.memory_space<hbm>>
    %dma_start3A_142 = arith.constant 7680 : i32
    %dma_start3A_143 = tpu.memref_slice %arg5[%dma_start3A_142] : memref<13312xi32, #tpu.memory_space<vmem>> -> memref<512xi32, #tpu.memory_space<vmem>>
    %dma_start3A_144 = tpu.memref_slice %arg3[%dma_start3A_137, %mul3A_2] : memref<26x16384xi32, #tpu.memory_space<hbm>> -> memref<1x512xi32, #tpu.memory_space<hbm>>
    %dma_start3A_145 = tpu.memref_squeeze %dma_start3A_144 : memref<1x512xi32, #tpu.memory_space<hbm>> -> memref<512xi32, #tpu.memory_space<hbm>>
    tpu.enqueue_dma source(%dma_start3A_145 : memref<512xi32, #tpu.memory_space<hbm>>) target(%dma_start3A_143 : memref<512xi32, #tpu.memory_space<vmem>>) target_semaphore(%arg7 : memref<!tpu.dma_semaphore, #tpu.memory_space<semaphore_mem>>)
    %dma_start3A_146 = arith.constant 16 : i32
    %dma_start3A_147 = arith.constant 8192 : i32
    %dma_start3A_148 = tpu.memref_slice %arg5[%dma_start3A_147] : memref<13312xi32, #tpu.memory_space<vmem>> -> memref<512xi32, #tpu.memory_space<vmem>>
    %dma_start3A_149 = tpu.memref_slice %arg3[%dma_start3A_146, %mul3A_2] : memref<26x16384xi32, #tpu.memory_space<hbm>> -> memref<1x512xi32, #tpu.memory_space<hbm>>
    %dma_start3A_150 = tpu.memref_squeeze %dma_start3A_149 : memref<1x512xi32, #tpu.memory_space<hbm>> -> memref<512xi32, #tpu.memory_space<hbm>>
    %dma_start3A_151 = arith.constant 8192 : i32
    %dma_start3A_152 = tpu.memref_slice %arg5[%dma_start3A_151] : memref<13312xi32, #tpu.memory_space<vmem>> -> memref<512xi32, #tpu.memory_space<vmem>>
    %dma_start3A_153 = tpu.memref_slice %arg3[%dma_start3A_146, %mul3A_2] : memref<26x16384xi32, #tpu.memory_space<hbm>> -> memref<1x512xi32, #tpu.memory_space<hbm>>
    %dma_start3A_154 = tpu.memref_squeeze %dma_start3A_153 : memref<1x512xi32, #tpu.memory_space<hbm>> -> memref<512xi32, #tpu.memory_space<hbm>>
    tpu.enqueue_dma source(%dma_start3A_154 : memref<512xi32, #tpu.memory_space<hbm>>) target(%dma_start3A_152 : memref<512xi32, #tpu.memory_space<vmem>>) target_semaphore(%arg7 : memref<!tpu.dma_semaphore, #tpu.memory_space<semaphore_mem>>)
    %dma_start3A_155 = arith.constant 17 : i32
    %dma_start3A_156 = arith.constant 8704 : i32
    %dma_start3A_157 = tpu.memref_slice %arg5[%dma_start3A_156] : memref<13312xi32, #tpu.memory_space<vmem>> -> memref<512xi32, #tpu.memory_space<vmem>>
    %dma_start3A_158 = tpu.memref_slice %arg3[%dma_start3A_155, %mul3A_2] : memref<26x16384xi32, #tpu.memory_space<hbm>> -> memref<1x512xi32, #tpu.memory_space<hbm>>
    %dma_start3A_159 = tpu.memref_squeeze %dma_start3A_158 : memref<1x512xi32, #tpu.memory_space<hbm>> -> memref<512xi32, #tpu.memory_space<hbm>>
    %dma_start3A_160 = arith.constant 8704 : i32
    %dma_start3A_161 = tpu.memref_slice %arg5[%dma_start3A_160] : memref<13312xi32, #tpu.memory_space<vmem>> -> memref<512xi32, #tpu.memory_space<vmem>>
    %dma_start3A_162 = tpu.memref_slice %arg3[%dma_start3A_155, %mul3A_2] : memref<26x16384xi32, #tpu.memory_space<hbm>> -> memref<1x512xi32, #tpu.memory_space<hbm>>
    %dma_start3A_163 = tpu.memref_squeeze %dma_start3A_162 : memref<1x512xi32, #tpu.memory_space<hbm>> -> memref<512xi32, #tpu.memory_space<hbm>>
    tpu.enqueue_dma source(%dma_start3A_163 : memref<512xi32, #tpu.memory_space<hbm>>) target(%dma_start3A_161 : memref<512xi32, #tpu.memory_space<vmem>>) target_semaphore(%arg7 : memref<!tpu.dma_semaphore, #tpu.memory_space<semaphore_mem>>)
    %dma_start3A_164 = arith.constant 18 : i32
    %dma_start3A_165 = arith.constant 9216 : i32
    %dma_start3A_166 = tpu.memref_slice %arg5[%dma_start3A_165] : memref<13312xi32, #tpu.memory_space<vmem>> -> memref<512xi32, #tpu.memory_space<vmem>>
    %dma_start3A_167 = tpu.memref_slice %arg3[%dma_start3A_164, %mul3A_2] : memref<26x16384xi32, #tpu.memory_space<hbm>> -> memref<1x512xi32, #tpu.memory_space<hbm>>
    %dma_start3A_168 = tpu.memref_squeeze %dma_start3A_167 : memref<1x512xi32, #tpu.memory_space<hbm>> -> memref<512xi32, #tpu.memory_space<hbm>>
    %dma_start3A_169 = arith.constant 9216 : i32
    %dma_start3A_170 = tpu.memref_slice %arg5[%dma_start3A_169] : memref<13312xi32, #tpu.memory_space<vmem>> -> memref<512xi32, #tpu.memory_space<vmem>>
    %dma_start3A_171 = tpu.memref_slice %arg3[%dma_start3A_164, %mul3A_2] : memref<26x16384xi32, #tpu.memory_space<hbm>> -> memref<1x512xi32, #tpu.memory_space<hbm>>
    %dma_start3A_172 = tpu.memref_squeeze %dma_start3A_171 : memref<1x512xi32, #tpu.memory_space<hbm>> -> memref<512xi32, #tpu.memory_space<hbm>>
    tpu.enqueue_dma source(%dma_start3A_172 : memref<512xi32, #tpu.memory_space<hbm>>) target(%dma_start3A_170 : memref<512xi32, #tpu.memory_space<vmem>>) target_semaphore(%arg7 : memref<!tpu.dma_semaphore, #tpu.memory_space<semaphore_mem>>)
    %dma_start3A_173 = arith.constant 19 : i32
    %dma_start3A_174 = arith.constant 9728 : i32
    %dma_start3A_175 = tpu.memref_slice %arg5[%dma_start3A_174] : memref<13312xi32, #tpu.memory_space<vmem>> -> memref<512xi32, #tpu.memory_space<vmem>>
    %dma_start3A_176 = tpu.memref_slice %arg3[%dma_start3A_173, %mul3A_2] : memref<26x16384xi32, #tpu.memory_space<hbm>> -> memref<1x512xi32, #tpu.memory_space<hbm>>
    %dma_start3A_177 = tpu.memref_squeeze %dma_start3A_176 : memref<1x512xi32, #tpu.memory_space<hbm>> -> memref<512xi32, #tpu.memory_space<hbm>>
    %dma_start3A_178 = arith.constant 9728 : i32
    %dma_start3A_179 = tpu.memref_slice %arg5[%dma_start3A_178] : memref<13312xi32, #tpu.memory_space<vmem>> -> memref<512xi32, #tpu.memory_space<vmem>>
    %dma_start3A_180 = tpu.memref_slice %arg3[%dma_start3A_173, %mul3A_2] : memref<26x16384xi32, #tpu.memory_space<hbm>> -> memref<1x512xi32, #tpu.memory_space<hbm>>
    %dma_start3A_181 = tpu.memref_squeeze %dma_start3A_180 : memref<1x512xi32, #tpu.memory_space<hbm>> -> memref<512xi32, #tpu.memory_space<hbm>>
    tpu.enqueue_dma source(%dma_start3A_181 : memref<512xi32, #tpu.memory_space<hbm>>) target(%dma_start3A_179 : memref<512xi32, #tpu.memory_space<vmem>>) target_semaphore(%arg7 : memref<!tpu.dma_semaphore, #tpu.memory_space<semaphore_mem>>)
    %dma_start3A_182 = arith.constant 20 : i32
    %dma_start3A_183 = arith.constant 10240 : i32
    %dma_start3A_184 = tpu.memref_slice %arg5[%dma_start3A_183] : memref<13312xi32, #tpu.memory_space<vmem>> -> memref<512xi32, #tpu.memory_space<vmem>>
    %dma_start3A_185 = tpu.memref_slice %arg3[%dma_start3A_182, %mul3A_2] : memref<26x16384xi32, #tpu.memory_space<hbm>> -> memref<1x512xi32, #tpu.memory_space<hbm>>
    %dma_start3A_186 = tpu.memref_squeeze %dma_start3A_185 : memref<1x512xi32, #tpu.memory_space<hbm>> -> memref<512xi32, #tpu.memory_space<hbm>>
    %dma_start3A_187 = arith.constant 10240 : i32
    %dma_start3A_188 = tpu.memref_slice %arg5[%dma_start3A_187] : memref<13312xi32, #tpu.memory_space<vmem>> -> memref<512xi32, #tpu.memory_space<vmem>>
    %dma_start3A_189 = tpu.memref_slice %arg3[%dma_start3A_182, %mul3A_2] : memref<26x16384xi32, #tpu.memory_space<hbm>> -> memref<1x512xi32, #tpu.memory_space<hbm>>
    %dma_start3A_190 = tpu.memref_squeeze %dma_start3A_189 : memref<1x512xi32, #tpu.memory_space<hbm>> -> memref<512xi32, #tpu.memory_space<hbm>>
    tpu.enqueue_dma source(%dma_start3A_190 : memref<512xi32, #tpu.memory_space<hbm>>) target(%dma_start3A_188 : memref<512xi32, #tpu.memory_space<vmem>>) target_semaphore(%arg7 : memref<!tpu.dma_semaphore, #tpu.memory_space<semaphore_mem>>)
    %dma_start3A_191 = arith.constant 21 : i32
    %dma_start3A_192 = arith.constant 10752 : i32
    %dma_start3A_193 = tpu.memref_slice %arg5[%dma_start3A_192] : memref<13312xi32, #tpu.memory_space<vmem>> -> memref<512xi32, #tpu.memory_space<vmem>>
    %dma_start3A_194 = tpu.memref_slice %arg3[%dma_start3A_191, %mul3A_2] : memref<26x16384xi32, #tpu.memory_space<hbm>> -> memref<1x512xi32, #tpu.memory_space<hbm>>
    %dma_start3A_195 = tpu.memref_squeeze %dma_start3A_194 : memref<1x512xi32, #tpu.memory_space<hbm>> -> memref<512xi32, #tpu.memory_space<hbm>>
    %dma_start3A_196 = arith.constant 10752 : i32
    %dma_start3A_197 = tpu.memref_slice %arg5[%dma_start3A_196] : memref<13312xi32, #tpu.memory_space<vmem>> -> memref<512xi32, #tpu.memory_space<vmem>>
    %dma_start3A_198 = tpu.memref_slice %arg3[%dma_start3A_191, %mul3A_2] : memref<26x16384xi32, #tpu.memory_space<hbm>> -> memref<1x512xi32, #tpu.memory_space<hbm>>
    %dma_start3A_199 = tpu.memref_squeeze %dma_start3A_198 : memref<1x512xi32, #tpu.memory_space<hbm>> -> memref<512xi32, #tpu.memory_space<hbm>>
    tpu.enqueue_dma source(%dma_start3A_199 : memref<512xi32, #tpu.memory_space<hbm>>) target(%dma_start3A_197 : memref<512xi32, #tpu.memory_space<vmem>>) target_semaphore(%arg7 : memref<!tpu.dma_semaphore, #tpu.memory_space<semaphore_mem>>)
    %dma_start3A_200 = arith.constant 22 : i32
    %dma_start3A_201 = arith.constant 11264 : i32
    %dma_start3A_202 = tpu.memref_slice %arg5[%dma_start3A_201] : memref<13312xi32, #tpu.memory_space<vmem>> -> memref<512xi32, #tpu.memory_space<vmem>>
    %dma_start3A_203 = tpu.memref_slice %arg3[%dma_start3A_200, %mul3A_2] : memref<26x16384xi32, #tpu.memory_space<hbm>> -> memref<1x512xi32, #tpu.memory_space<hbm>>
    %dma_start3A_204 = tpu.memref_squeeze %dma_start3A_203 : memref<1x512xi32, #tpu.memory_space<hbm>> -> memref<512xi32, #tpu.memory_space<hbm>>
    %dma_start3A_205 = arith.constant 11264 : i32
    %dma_start3A_206 = tpu.memref_slice %arg5[%dma_start3A_205] : memref<13312xi32, #tpu.memory_space<vmem>> -> memref<512xi32, #tpu.memory_space<vmem>>
    %dma_start3A_207 = tpu.memref_slice %arg3[%dma_start3A_200, %mul3A_2] : memref<26x16384xi32, #tpu.memory_space<hbm>> -> memref<1x512xi32, #tpu.memory_space<hbm>>
    %dma_start3A_208 = tpu.memref_squeeze %dma_start3A_207 : memref<1x512xi32, #tpu.memory_space<hbm>> -> memref<512xi32, #tpu.memory_space<hbm>>
    tpu.enqueue_dma source(%dma_start3A_208 : memref<512xi32, #tpu.memory_space<hbm>>) target(%dma_start3A_206 : memref<512xi32, #tpu.memory_space<vmem>>) target_semaphore(%arg7 : memref<!tpu.dma_semaphore, #tpu.memory_space<semaphore_mem>>)
    %dma_start3A_209 = arith.constant 23 : i32
    %dma_start3A_210 = arith.constant 11776 : i32
    %dma_start3A_211 = tpu.memref_slice %arg5[%dma_start3A_210] : memref<13312xi32, #tpu.memory_space<vmem>> -> memref<512xi32, #tpu.memory_space<vmem>>
    %dma_start3A_212 = tpu.memref_slice %arg3[%dma_start3A_209, %mul3A_2] : memref<26x16384xi32, #tpu.memory_space<hbm>> -> memref<1x512xi32, #tpu.memory_space<hbm>>
    %dma_start3A_213 = tpu.memref_squeeze %dma_start3A_212 : memref<1x512xi32, #tpu.memory_space<hbm>> -> memref<512xi32, #tpu.memory_space<hbm>>
    %dma_start3A_214 = arith.constant 11776 : i32
    %dma_start3A_215 = tpu.memref_slice %arg5[%dma_start3A_214] : memref<13312xi32, #tpu.memory_space<vmem>> -> memref<512xi32, #tpu.memory_space<vmem>>
    %dma_start3A_216 = tpu.memref_slice %arg3[%dma_start3A_209, %mul3A_2] : memref<26x16384xi32, #tpu.memory_space<hbm>> -> memref<1x512xi32, #tpu.memory_space<hbm>>
    %dma_start3A_217 = tpu.memref_squeeze %dma_start3A_216 : memref<1x512xi32, #tpu.memory_space<hbm>> -> memref<512xi32, #tpu.memory_space<hbm>>
    tpu.enqueue_dma source(%dma_start3A_217 : memref<512xi32, #tpu.memory_space<hbm>>) target(%dma_start3A_215 : memref<512xi32, #tpu.memory_space<vmem>>) target_semaphore(%arg7 : memref<!tpu.dma_semaphore, #tpu.memory_space<semaphore_mem>>)
    %dma_start3A_218 = arith.constant 24 : i32
    %dma_start3A_219 = arith.constant 12288 : i32
    %dma_start3A_220 = tpu.memref_slice %arg5[%dma_start3A_219] : memref<13312xi32, #tpu.memory_space<vmem>> -> memref<512xi32, #tpu.memory_space<vmem>>
    %dma_start3A_221 = tpu.memref_slice %arg3[%dma_start3A_218, %mul3A_2] : memref<26x16384xi32, #tpu.memory_space<hbm>> -> memref<1x512xi32, #tpu.memory_space<hbm>>
    %dma_start3A_222 = tpu.memref_squeeze %dma_start3A_221 : memref<1x512xi32, #tpu.memory_space<hbm>> -> memref<512xi32, #tpu.memory_space<hbm>>
    %dma_start3A_223 = arith.constant 12288 : i32
    %dma_start3A_224 = tpu.memref_slice %arg5[%dma_start3A_223] : memref<13312xi32, #tpu.memory_space<vmem>> -> memref<512xi32, #tpu.memory_space<vmem>>
    %dma_start3A_225 = tpu.memref_slice %arg3[%dma_start3A_218, %mul3A_2] : memref<26x16384xi32, #tpu.memory_space<hbm>> -> memref<1x512xi32, #tpu.memory_space<hbm>>
    %dma_start3A_226 = tpu.memref_squeeze %dma_start3A_225 : memref<1x512xi32, #tpu.memory_space<hbm>> -> memref<512xi32, #tpu.memory_space<hbm>>
    tpu.enqueue_dma source(%dma_start3A_226 : memref<512xi32, #tpu.memory_space<hbm>>) target(%dma_start3A_224 : memref<512xi32, #tpu.memory_space<vmem>>) target_semaphore(%arg7 : memref<!tpu.dma_semaphore, #tpu.memory_space<semaphore_mem>>)
    %dma_start3A_227 = arith.constant 25 : i32
    %dma_start3A_228 = arith.constant 12800 : i32
    %dma_start3A_229 = tpu.memref_slice %arg5[%dma_start3A_228] : memref<13312xi32, #tpu.memory_space<vmem>> -> memref<512xi32, #tpu.memory_space<vmem>>
    %dma_start3A_230 = tpu.memref_slice %arg3[%dma_start3A_227, %mul3A_2] : memref<26x16384xi32, #tpu.memory_space<hbm>> -> memref<1x512xi32, #tpu.memory_space<hbm>>
    %dma_start3A_231 = tpu.memref_squeeze %dma_start3A_230 : memref<1x512xi32, #tpu.memory_space<hbm>> -> memref<512xi32, #tpu.memory_space<hbm>>
    %dma_start3A_232 = arith.constant 12800 : i32
    %dma_start3A_233 = tpu.memref_slice %arg5[%dma_start3A_232] : memref<13312xi32, #tpu.memory_space<vmem>> -> memref<512xi32, #tpu.memory_space<vmem>>
    %dma_start3A_234 = tpu.memref_slice %arg3[%dma_start3A_227, %mul3A_2] : memref<26x16384xi32, #tpu.memory_space<hbm>> -> memref<1x512xi32, #tpu.memory_space<hbm>>
    %dma_start3A_235 = tpu.memref_squeeze %dma_start3A_234 : memref<1x512xi32, #tpu.memory_space<hbm>> -> memref<512xi32, #tpu.memory_space<hbm>>
    tpu.enqueue_dma source(%dma_start3A_235 : memref<512xi32, #tpu.memory_space<hbm>>) target(%dma_start3A_233 : memref<512xi32, #tpu.memory_space<vmem>>) target_semaphore(%arg7 : memref<!tpu.dma_semaphore, #tpu.memory_space<semaphore_mem>>)
    %dma_wait3A = arith.constant 0 : i32
    %dma_wait3A_236 = arith.constant 0 : i32
    %dma_wait3A_237 = tpu.memref_slice %arg5[%dma_wait3A_236] : memref<13312xi32, #tpu.memory_space<vmem>> -> memref<512xi32, #tpu.memory_space<vmem>>
    %dma_wait3A_238 = arith.constant 0 : i32
    %dma_wait3A_239 = tpu.memref_slice %arg3[%dma_wait3A, %dma_wait3A_238] : memref<26x16384xi32, #tpu.memory_space<hbm>> -> memref<1x512xi32, #tpu.memory_space<hbm>>
    %dma_wait3A_240 = tpu.memref_squeeze %dma_wait3A_239 : memref<1x512xi32, #tpu.memory_space<hbm>> -> memref<512xi32, #tpu.memory_space<hbm>>
    %dma_wait3A_241 = arith.constant 0 : i32
    %dma_wait3A_242 = tpu.memref_slice %arg5[%dma_wait3A_241] : memref<13312xi32, #tpu.memory_space<vmem>> -> memref<512xi32, #tpu.memory_space<vmem>>
    %dma_wait3A_243 = arith.constant 0 : i32
    %dma_wait3A_244 = tpu.memref_slice %arg3[%dma_wait3A, %dma_wait3A_243] : memref<26x16384xi32, #tpu.memory_space<hbm>> -> memref<1x512xi32, #tpu.memory_space<hbm>>
    %dma_wait3A_245 = tpu.memref_squeeze %dma_wait3A_244 : memref<1x512xi32, #tpu.memory_space<hbm>> -> memref<512xi32, #tpu.memory_space<hbm>>
    tpu.wait_dma2 semaphore(%arg7 : memref<!tpu.dma_semaphore, #tpu.memory_space<semaphore_mem>>) src(%dma_wait3A_245 : memref<512xi32, #tpu.memory_space<hbm>>) dst(%dma_wait3A_242 : memref<512xi32, #tpu.memory_space<vmem>>)
    %dma_wait3A_246 = arith.constant 0 : i32
    %dma_wait3A_247 = arith.constant 0 : i32
    %dma_wait3A_248 = tpu.memref_slice %arg5[%dma_wait3A_247] : memref<13312xi32, #tpu.memory_space<vmem>> -> memref<512xi32, #tpu.memory_space<vmem>>
    %dma_wait3A_249 = arith.constant 0 : i32
    %dma_wait3A_250 = tpu.memref_slice %arg3[%dma_wait3A_246, %dma_wait3A_249] : memref<26x16384xi32, #tpu.memory_space<hbm>> -> memref<1x512xi32, #tpu.memory_space<hbm>>
    %dma_wait3A_251 = tpu.memref_squeeze %dma_wait3A_250 : memref<1x512xi32, #tpu.memory_space<hbm>> -> memref<512xi32, #tpu.memory_space<hbm>>
    %dma_wait3A_252 = arith.constant 0 : i32
    %dma_wait3A_253 = tpu.memref_slice %arg5[%dma_wait3A_252] : memref<13312xi32, #tpu.memory_space<vmem>> -> memref<512xi32, #tpu.memory_space<vmem>>
    %dma_wait3A_254 = arith.constant 0 : i32
    %dma_wait3A_255 = tpu.memref_slice %arg3[%dma_wait3A_246, %dma_wait3A_254] : memref<26x16384xi32, #tpu.memory_space<hbm>> -> memref<1x512xi32, #tpu.memory_space<hbm>>
    %dma_wait3A_256 = tpu.memref_squeeze %dma_wait3A_255 : memref<1x512xi32, #tpu.memory_space<hbm>> -> memref<512xi32, #tpu.memory_space<hbm>>
    tpu.wait_dma2 semaphore(%arg7 : memref<!tpu.dma_semaphore, #tpu.memory_space<semaphore_mem>>) src(%dma_wait3A_256 : memref<512xi32, #tpu.memory_space<hbm>>) dst(%dma_wait3A_253 : memref<512xi32, #tpu.memory_space<vmem>>)
    %dma_wait3A_257 = arith.constant 0 : i32
    %dma_wait3A_258 = arith.constant 0 : i32
    %dma_wait3A_259 = tpu.memref_slice %arg5[%dma_wait3A_258] : memref<13312xi32, #tpu.memory_space<vmem>> -> memref<512xi32, #tpu.memory_space<vmem>>
    %dma_wait3A_260 = arith.constant 0 : i32
    %dma_wait3A_261 = tpu.memref_slice %arg3[%dma_wait3A_257, %dma_wait3A_260] : memref<26x16384xi32, #tpu.memory_space<hbm>> -> memref<1x512xi32, #tpu.memory_space<hbm>>
    %dma_wait3A_262 = tpu.memref_squeeze %dma_wait3A_261 : memref<1x512xi32, #tpu.memory_space<hbm>> -> memref<512xi32, #tpu.memory_space<hbm>>
    %dma_wait3A_263 = arith.constant 0 : i32
    %dma_wait3A_264 = tpu.memref_slice %arg5[%dma_wait3A_263] : memref<13312xi32, #tpu.memory_space<vmem>> -> memref<512xi32, #tpu.memory_space<vmem>>
    %dma_wait3A_265 = arith.constant 0 : i32
    %dma_wait3A_266 = tpu.memref_slice %arg3[%dma_wait3A_257, %dma_wait3A_265] : memref<26x16384xi32, #tpu.memory_space<hbm>> -> memref<1x512xi32, #tpu.memory_space<hbm>>
    %dma_wait3A_267 = tpu.memref_squeeze %dma_wait3A_266 : memref<1x512xi32, #tpu.memory_space<hbm>> -> memref<512xi32, #tpu.memory_space<hbm>>
    tpu.wait_dma2 semaphore(%arg7 : memref<!tpu.dma_semaphore, #tpu.memory_space<semaphore_mem>>) src(%dma_wait3A_267 : memref<512xi32, #tpu.memory_space<hbm>>) dst(%dma_wait3A_264 : memref<512xi32, #tpu.memory_space<vmem>>)
    %dma_wait3A_268 = arith.constant 0 : i32
    %dma_wait3A_269 = arith.constant 0 : i32
    %dma_wait3A_270 = tpu.memref_slice %arg5[%dma_wait3A_269] : memref<13312xi32, #tpu.memory_space<vmem>> -> memref<512xi32, #tpu.memory_space<vmem>>
    %dma_wait3A_271 = arith.constant 0 : i32
    %dma_wait3A_272 = tpu.memref_slice %arg3[%dma_wait3A_268, %dma_wait3A_271] : memref<26x16384xi32, #tpu.memory_space<hbm>> -> memref<1x512xi32, #tpu.memory_space<hbm>>
    %dma_wait3A_273 = tpu.memref_squeeze %dma_wait3A_272 : memref<1x512xi32, #tpu.memory_space<hbm>> -> memref<512xi32, #tpu.memory_space<hbm>>
    %dma_wait3A_274 = arith.constant 0 : i32
    %dma_wait3A_275 = tpu.memref_slice %arg5[%dma_wait3A_274] : memref<13312xi32, #tpu.memory_space<vmem>> -> memref<512xi32, #tpu.memory_space<vmem>>
    %dma_wait3A_276 = arith.constant 0 : i32
    %dma_wait3A_277 = tpu.memref_slice %arg3[%dma_wait3A_268, %dma_wait3A_276] : memref<26x16384xi32, #tpu.memory_space<hbm>> -> memref<1x512xi32, #tpu.memory_space<hbm>>
    %dma_wait3A_278 = tpu.memref_squeeze %dma_wait3A_277 : memref<1x512xi32, #tpu.memory_space<hbm>> -> memref<512xi32, #tpu.memory_space<hbm>>
    tpu.wait_dma2 semaphore(%arg7 : memref<!tpu.dma_semaphore, #tpu.memory_space<semaphore_mem>>) src(%dma_wait3A_278 : memref<512xi32, #tpu.memory_space<hbm>>) dst(%dma_wait3A_275 : memref<512xi32, #tpu.memory_space<vmem>>)
    %dma_wait3A_279 = arith.constant 0 : i32
    %dma_wait3A_280 = arith.constant 0 : i32
    %dma_wait3A_281 = tpu.memref_slice %arg5[%dma_wait3A_280] : memref<13312xi32, #tpu.memory_space<vmem>> -> memref<512xi32, #tpu.memory_space<vmem>>
    %dma_wait3A_282 = arith.constant 0 : i32
    %dma_wait3A_283 = tpu.memref_slice %arg3[%dma_wait3A_279, %dma_wait3A_282] : memref<26x16384xi32, #tpu.memory_space<hbm>> -> memref<1x512xi32, #tpu.memory_space<hbm>>
    %dma_wait3A_284 = tpu.memref_squeeze %dma_wait3A_283 : memref<1x512xi32, #tpu.memory_space<hbm>> -> memref<512xi32, #tpu.memory_space<hbm>>
    %dma_wait3A_285 = arith.constant 0 : i32
    %dma_wait3A_286 = tpu.memref_slice %arg5[%dma_wait3A_285] : memref<13312xi32, #tpu.memory_space<vmem>> -> memref<512xi32, #tpu.memory_space<vmem>>
    %dma_wait3A_287 = arith.constant 0 : i32
    %dma_wait3A_288 = tpu.memref_slice %arg3[%dma_wait3A_279, %dma_wait3A_287] : memref<26x16384xi32, #tpu.memory_space<hbm>> -> memref<1x512xi32, #tpu.memory_space<hbm>>
    %dma_wait3A_289 = tpu.memref_squeeze %dma_wait3A_288 : memref<1x512xi32, #tpu.memory_space<hbm>> -> memref<512xi32, #tpu.memory_space<hbm>>
    tpu.wait_dma2 semaphore(%arg7 : memref<!tpu.dma_semaphore, #tpu.memory_space<semaphore_mem>>) src(%dma_wait3A_289 : memref<512xi32, #tpu.memory_space<hbm>>) dst(%dma_wait3A_286 : memref<512xi32, #tpu.memory_space<vmem>>)
    %dma_wait3A_290 = arith.constant 0 : i32
    %dma_wait3A_291 = arith.constant 0 : i32
    %dma_wait3A_292 = tpu.memref_slice %arg5[%dma_wait3A_291] : memref<13312xi32, #tpu.memory_space<vmem>> -> memref<512xi32, #tpu.memory_space<vmem>>
    %dma_wait3A_293 = arith.constant 0 : i32
    %dma_wait3A_294 = tpu.memref_slice %arg3[%dma_wait3A_290, %dma_wait3A_293] : memref<26x16384xi32, #tpu.memory_space<hbm>> -> memref<1x512xi32, #tpu.memory_space<hbm>>
    %dma_wait3A_295 = tpu.memref_squeeze %dma_wait3A_294 : memref<1x512xi32, #tpu.memory_space<hbm>> -> memref<512xi32, #tpu.memory_space<hbm>>
    %dma_wait3A_296 = arith.constant 0 : i32
    %dma_wait3A_297 = tpu.memref_slice %arg5[%dma_wait3A_296] : memref<13312xi32, #tpu.memory_space<vmem>> -> memref<512xi32, #tpu.memory_space<vmem>>
    %dma_wait3A_298 = arith.constant 0 : i32
    %dma_wait3A_299 = tpu.memref_slice %arg3[%dma_wait3A_290, %dma_wait3A_298] : memref<26x16384xi32, #tpu.memory_space<hbm>> -> memref<1x512xi32, #tpu.memory_space<hbm>>
    %dma_wait3A_300 = tpu.memref_squeeze %dma_wait3A_299 : memref<1x512xi32, #tpu.memory_space<hbm>> -> memref<512xi32, #tpu.memory_space<hbm>>
    tpu.wait_dma2 semaphore(%arg7 : memref<!tpu.dma_semaphore, #tpu.memory_space<semaphore_mem>>) src(%dma_wait3A_300 : memref<512xi32, #tpu.memory_space<hbm>>) dst(%dma_wait3A_297 : memref<512xi32, #tpu.memory_space<vmem>>)
    %dma_wait3A_301 = arith.constant 0 : i32
    %dma_wait3A_302 = arith.constant 0 : i32
    %dma_wait3A_303 = tpu.memref_slice %arg5[%dma_wait3A_302] : memref<13312xi32, #tpu.memory_space<vmem>> -> memref<512xi32, #tpu.memory_space<vmem>>
    %dma_wait3A_304 = arith.constant 0 : i32
    %dma_wait3A_305 = tpu.memref_slice %arg3[%dma_wait3A_301, %dma_wait3A_304] : memref<26x16384xi32, #tpu.memory_space<hbm>> -> memref<1x512xi32, #tpu.memory_space<hbm>>
    %dma_wait3A_306 = tpu.memref_squeeze %dma_wait3A_305 : memref<1x512xi32, #tpu.memory_space<hbm>> -> memref<512xi32, #tpu.memory_space<hbm>>
    %dma_wait3A_307 = arith.constant 0 : i32
    %dma_wait3A_308 = tpu.memref_slice %arg5[%dma_wait3A_307] : memref<13312xi32, #tpu.memory_space<vmem>> -> memref<512xi32, #tpu.memory_space<vmem>>
    %dma_wait3A_309 = arith.constant 0 : i32
    %dma_wait3A_310 = tpu.memref_slice %arg3[%dma_wait3A_301, %dma_wait3A_309] : memref<26x16384xi32, #tpu.memory_space<hbm>> -> memref<1x512xi32, #tpu.memory_space<hbm>>
    %dma_wait3A_311 = tpu.memref_squeeze %dma_wait3A_310 : memref<1x512xi32, #tpu.memory_space<hbm>> -> memref<512xi32, #tpu.memory_space<hbm>>
    tpu.wait_dma2 semaphore(%arg7 : memref<!tpu.dma_semaphore, #tpu.memory_space<semaphore_mem>>) src(%dma_wait3A_311 : memref<512xi32, #tpu.memory_space<hbm>>) dst(%dma_wait3A_308 : memref<512xi32, #tpu.memory_space<vmem>>)
    %dma_wait3A_312 = arith.constant 0 : i32
    %dma_wait3A_313 = arith.constant 0 : i32
    %dma_wait3A_314 = tpu.memref_slice %arg5[%dma_wait3A_313] : memref<13312xi32, #tpu.memory_space<vmem>> -> memref<512xi32, #tpu.memory_space<vmem>>
    %dma_wait3A_315 = arith.constant 0 : i32
    %dma_wait3A_316 = tpu.memref_slice %arg3[%dma_wait3A_312, %dma_wait3A_315] : memref<26x16384xi32, #tpu.memory_space<hbm>> -> memref<1x512xi32, #tpu.memory_space<hbm>>
    %dma_wait3A_317 = tpu.memref_squeeze %dma_wait3A_316 : memref<1x512xi32, #tpu.memory_space<hbm>> -> memref<512xi32, #tpu.memory_space<hbm>>
    %dma_wait3A_318 = arith.constant 0 : i32
    %dma_wait3A_319 = tpu.memref_slice %arg5[%dma_wait3A_318] : memref<13312xi32, #tpu.memory_space<vmem>> -> memref<512xi32, #tpu.memory_space<vmem>>
    %dma_wait3A_320 = arith.constant 0 : i32
    %dma_wait3A_321 = tpu.memref_slice %arg3[%dma_wait3A_312, %dma_wait3A_320] : memref<26x16384xi32, #tpu.memory_space<hbm>> -> memref<1x512xi32, #tpu.memory_space<hbm>>
    %dma_wait3A_322 = tpu.memref_squeeze %dma_wait3A_321 : memref<1x512xi32, #tpu.memory_space<hbm>> -> memref<512xi32, #tpu.memory_space<hbm>>
    tpu.wait_dma2 semaphore(%arg7 : memref<!tpu.dma_semaphore, #tpu.memory_space<semaphore_mem>>) src(%dma_wait3A_322 : memref<512xi32, #tpu.memory_space<hbm>>) dst(%dma_wait3A_319 : memref<512xi32, #tpu.memory_space<vmem>>)
    %dma_wait3A_323 = arith.constant 0 : i32
    %dma_wait3A_324 = arith.constant 0 : i32
    %dma_wait3A_325 = tpu.memref_slice %arg5[%dma_wait3A_324] : memref<13312xi32, #tpu.memory_space<vmem>> -> memref<512xi32, #tpu.memory_space<vmem>>
    %dma_wait3A_326 = arith.constant 0 : i32
    %dma_wait3A_327 = tpu.memref_slice %arg3[%dma_wait3A_323, %dma_wait3A_326] : memref<26x16384xi32, #tpu.memory_space<hbm>> -> memref<1x512xi32, #tpu.memory_space<hbm>>
    %dma_wait3A_328 = tpu.memref_squeeze %dma_wait3A_327 : memref<1x512xi32, #tpu.memory_space<hbm>> -> memref<512xi32, #tpu.memory_space<hbm>>
    %dma_wait3A_329 = arith.constant 0 : i32
    %dma_wait3A_330 = tpu.memref_slice %arg5[%dma_wait3A_329] : memref<13312xi32, #tpu.memory_space<vmem>> -> memref<512xi32, #tpu.memory_space<vmem>>
    %dma_wait3A_331 = arith.constant 0 : i32
    %dma_wait3A_332 = tpu.memref_slice %arg3[%dma_wait3A_323, %dma_wait3A_331] : memref<26x16384xi32, #tpu.memory_space<hbm>> -> memref<1x512xi32, #tpu.memory_space<hbm>>
    %dma_wait3A_333 = tpu.memref_squeeze %dma_wait3A_332 : memref<1x512xi32, #tpu.memory_space<hbm>> -> memref<512xi32, #tpu.memory_space<hbm>>
    tpu.wait_dma2 semaphore(%arg7 : memref<!tpu.dma_semaphore, #tpu.memory_space<semaphore_mem>>) src(%dma_wait3A_333 : memref<512xi32, #tpu.memory_space<hbm>>) dst(%dma_wait3A_330 : memref<512xi32, #tpu.memory_space<vmem>>)
    %dma_wait3A_334 = arith.constant 0 : i32
    %dma_wait3A_335 = arith.constant 0 : i32
    %dma_wait3A_336 = tpu.memref_slice %arg5[%dma_wait3A_335] : memref<13312xi32, #tpu.memory_space<vmem>> -> memref<512xi32, #tpu.memory_space<vmem>>
    %dma_wait3A_337 = arith.constant 0 : i32
    %dma_wait3A_338 = tpu.memref_slice %arg3[%dma_wait3A_334, %dma_wait3A_337] : memref<26x16384xi32, #tpu.memory_space<hbm>> -> memref<1x512xi32, #tpu.memory_space<hbm>>
    %dma_wait3A_339 = tpu.memref_squeeze %dma_wait3A_338 : memref<1x512xi32, #tpu.memory_space<hbm>> -> memref<512xi32, #tpu.memory_space<hbm>>
    %dma_wait3A_340 = arith.constant 0 : i32
    %dma_wait3A_341 = tpu.memref_slice %arg5[%dma_wait3A_340] : memref<13312xi32, #tpu.memory_space<vmem>> -> memref<512xi32, #tpu.memory_space<vmem>>
    %dma_wait3A_342 = arith.constant 0 : i32
    %dma_wait3A_343 = tpu.memref_slice %arg3[%dma_wait3A_334, %dma_wait3A_342] : memref<26x16384xi32, #tpu.memory_space<hbm>> -> memref<1x512xi32, #tpu.memory_space<hbm>>
    %dma_wait3A_344 = tpu.memref_squeeze %dma_wait3A_343 : memref<1x512xi32, #tpu.memory_space<hbm>> -> memref<512xi32, #tpu.memory_space<hbm>>
    tpu.wait_dma2 semaphore(%arg7 : memref<!tpu.dma_semaphore, #tpu.memory_space<semaphore_mem>>) src(%dma_wait3A_344 : memref<512xi32, #tpu.memory_space<hbm>>) dst(%dma_wait3A_341 : memref<512xi32, #tpu.memory_space<vmem>>)
    %dma_wait3A_345 = arith.constant 0 : i32
    %dma_wait3A_346 = arith.constant 0 : i32
    %dma_wait3A_347 = tpu.memref_slice %arg5[%dma_wait3A_346] : memref<13312xi32, #tpu.memory_space<vmem>> -> memref<512xi32, #tpu.memory_space<vmem>>
    %dma_wait3A_348 = arith.constant 0 : i32
    %dma_wait3A_349 = tpu.memref_slice %arg3[%dma_wait3A_345, %dma_wait3A_348] : memref<26x16384xi32, #tpu.memory_space<hbm>> -> memref<1x512xi32, #tpu.memory_space<hbm>>
    %dma_wait3A_350 = tpu.memref_squeeze %dma_wait3A_349 : memref<1x512xi32, #tpu.memory_space<hbm>> -> memref<512xi32, #tpu.memory_space<hbm>>
    %dma_wait3A_351 = arith.constant 0 : i32
    %dma_wait3A_352 = tpu.memref_slice %arg5[%dma_wait3A_351] : memref<13312xi32, #tpu.memory_space<vmem>> -> memref<512xi32, #tpu.memory_space<vmem>>
    %dma_wait3A_353 = arith.constant 0 : i32
    %dma_wait3A_354 = tpu.memref_slice %arg3[%dma_wait3A_345, %dma_wait3A_353] : memref<26x16384xi32, #tpu.memory_space<hbm>> -> memref<1x512xi32, #tpu.memory_space<hbm>>
    %dma_wait3A_355 = tpu.memref_squeeze %dma_wait3A_354 : memref<1x512xi32, #tpu.memory_space<hbm>> -> memref<512xi32, #tpu.memory_space<hbm>>
    tpu.wait_dma2 semaphore(%arg7 : memref<!tpu.dma_semaphore, #tpu.memory_space<semaphore_mem>>) src(%dma_wait3A_355 : memref<512xi32, #tpu.memory_space<hbm>>) dst(%dma_wait3A_352 : memref<512xi32, #tpu.memory_space<vmem>>)
    %dma_wait3A_356 = arith.constant 0 : i32
    %dma_wait3A_357 = arith.constant 0 : i32
    %dma_wait3A_358 = tpu.memref_slice %arg5[%dma_wait3A_357] : memref<13312xi32, #tpu.memory_space<vmem>> -> memref<512xi32, #tpu.memory_space<vmem>>
    %dma_wait3A_359 = arith.constant 0 : i32
    %dma_wait3A_360 = tpu.memref_slice %arg3[%dma_wait3A_356, %dma_wait3A_359] : memref<26x16384xi32, #tpu.memory_space<hbm>> -> memref<1x512xi32, #tpu.memory_space<hbm>>
    %dma_wait3A_361 = tpu.memref_squeeze %dma_wait3A_360 : memref<1x512xi32, #tpu.memory_space<hbm>> -> memref<512xi32, #tpu.memory_space<hbm>>
    %dma_wait3A_362 = arith.constant 0 : i32
    %dma_wait3A_363 = tpu.memref_slice %arg5[%dma_wait3A_362] : memref<13312xi32, #tpu.memory_space<vmem>> -> memref<512xi32, #tpu.memory_space<vmem>>
    %dma_wait3A_364 = arith.constant 0 : i32
    %dma_wait3A_365 = tpu.memref_slice %arg3[%dma_wait3A_356, %dma_wait3A_364] : memref<26x16384xi32, #tpu.memory_space<hbm>> -> memref<1x512xi32, #tpu.memory_space<hbm>>
    %dma_wait3A_366 = tpu.memref_squeeze %dma_wait3A_365 : memref<1x512xi32, #tpu.memory_space<hbm>> -> memref<512xi32, #tpu.memory_space<hbm>>
    tpu.wait_dma2 semaphore(%arg7 : memref<!tpu.dma_semaphore, #tpu.memory_space<semaphore_mem>>) src(%dma_wait3A_366 : memref<512xi32, #tpu.memory_space<hbm>>) dst(%dma_wait3A_363 : memref<512xi32, #tpu.memory_space<vmem>>)
    %dma_wait3A_367 = arith.constant 0 : i32
    %dma_wait3A_368 = arith.constant 0 : i32
    %dma_wait3A_369 = tpu.memref_slice %arg5[%dma_wait3A_368] : memref<13312xi32, #tpu.memory_space<vmem>> -> memref<512xi32, #tpu.memory_space<vmem>>
    %dma_wait3A_370 = arith.constant 0 : i32
    %dma_wait3A_371 = tpu.memref_slice %arg3[%dma_wait3A_367, %dma_wait3A_370] : memref<26x16384xi32, #tpu.memory_space<hbm>> -> memref<1x512xi32, #tpu.memory_space<hbm>>
    %dma_wait3A_372 = tpu.memref_squeeze %dma_wait3A_371 : memref<1x512xi32, #tpu.memory_space<hbm>> -> memref<512xi32, #tpu.memory_space<hbm>>
    %dma_wait3A_373 = arith.constant 0 : i32
    %dma_wait3A_374 = tpu.memref_slice %arg5[%dma_wait3A_373] : memref<13312xi32, #tpu.memory_space<vmem>> -> memref<512xi32, #tpu.memory_space<vmem>>
    %dma_wait3A_375 = arith.constant 0 : i32
    %dma_wait3A_376 = tpu.memref_slice %arg3[%dma_wait3A_367, %dma_wait3A_375] : memref<26x16384xi32, #tpu.memory_space<hbm>> -> memref<1x512xi32, #tpu.memory_space<hbm>>
    %dma_wait3A_377 = tpu.memref_squeeze %dma_wait3A_376 : memref<1x512xi32, #tpu.memory_space<hbm>> -> memref<512xi32, #tpu.memory_space<hbm>>
    tpu.wait_dma2 semaphore(%arg7 : memref<!tpu.dma_semaphore, #tpu.memory_space<semaphore_mem>>) src(%dma_wait3A_377 : memref<512xi32, #tpu.memory_space<hbm>>) dst(%dma_wait3A_374 : memref<512xi32, #tpu.memory_space<vmem>>)
    %dma_wait3A_378 = arith.constant 0 : i32
    %dma_wait3A_379 = arith.constant 0 : i32
    %dma_wait3A_380 = tpu.memref_slice %arg5[%dma_wait3A_379] : memref<13312xi32, #tpu.memory_space<vmem>> -> memref<512xi32, #tpu.memory_space<vmem>>
    %dma_wait3A_381 = arith.constant 0 : i32
    %dma_wait3A_382 = tpu.memref_slice %arg3[%dma_wait3A_378, %dma_wait3A_381] : memref<26x16384xi32, #tpu.memory_space<hbm>> -> memref<1x512xi32, #tpu.memory_space<hbm>>
    %dma_wait3A_383 = tpu.memref_squeeze %dma_wait3A_382 : memref<1x512xi32, #tpu.memory_space<hbm>> -> memref<512xi32, #tpu.memory_space<hbm>>
    %dma_wait3A_384 = arith.constant 0 : i32
    %dma_wait3A_385 = tpu.memref_slice %arg5[%dma_wait3A_384] : memref<13312xi32, #tpu.memory_space<vmem>> -> memref<512xi32, #tpu.memory_space<vmem>>
    %dma_wait3A_386 = arith.constant 0 : i32
    %dma_wait3A_387 = tpu.memref_slice %arg3[%dma_wait3A_378, %dma_wait3A_386] : memref<26x16384xi32, #tpu.memory_space<hbm>> -> memref<1x512xi32, #tpu.memory_space<hbm>>
    %dma_wait3A_388 = tpu.memref_squeeze %dma_wait3A_387 : memref<1x512xi32, #tpu.memory_space<hbm>> -> memref<512xi32, #tpu.memory_space<hbm>>
    tpu.wait_dma2 semaphore(%arg7 : memref<!tpu.dma_semaphore, #tpu.memory_space<semaphore_mem>>) src(%dma_wait3A_388 : memref<512xi32, #tpu.memory_space<hbm>>) dst(%dma_wait3A_385 : memref<512xi32, #tpu.memory_space<vmem>>)
    %dma_wait3A_389 = arith.constant 0 : i32
    %dma_wait3A_390 = arith.constant 0 : i32
    %dma_wait3A_391 = tpu.memref_slice %arg5[%dma_wait3A_390] : memref<13312xi32, #tpu.memory_space<vmem>> -> memref<512xi32, #tpu.memory_space<vmem>>
    %dma_wait3A_392 = arith.constant 0 : i32
    %dma_wait3A_393 = tpu.memref_slice %arg3[%dma_wait3A_389, %dma_wait3A_392] : memref<26x16384xi32, #tpu.memory_space<hbm>> -> memref<1x512xi32, #tpu.memory_space<hbm>>
    %dma_wait3A_394 = tpu.memref_squeeze %dma_wait3A_393 : memref<1x512xi32, #tpu.memory_space<hbm>> -> memref<512xi32, #tpu.memory_space<hbm>>
    %dma_wait3A_395 = arith.constant 0 : i32
    %dma_wait3A_396 = tpu.memref_slice %arg5[%dma_wait3A_395] : memref<13312xi32, #tpu.memory_space<vmem>> -> memref<512xi32, #tpu.memory_space<vmem>>
    %dma_wait3A_397 = arith.constant 0 : i32
    %dma_wait3A_398 = tpu.memref_slice %arg3[%dma_wait3A_389, %dma_wait3A_397] : memref<26x16384xi32, #tpu.memory_space<hbm>> -> memref<1x512xi32, #tpu.memory_space<hbm>>
    %dma_wait3A_399 = tpu.memref_squeeze %dma_wait3A_398 : memref<1x512xi32, #tpu.memory_space<hbm>> -> memref<512xi32, #tpu.memory_space<hbm>>
    tpu.wait_dma2 semaphore(%arg7 : memref<!tpu.dma_semaphore, #tpu.memory_space<semaphore_mem>>) src(%dma_wait3A_399 : memref<512xi32, #tpu.memory_space<hbm>>) dst(%dma_wait3A_396 : memref<512xi32, #tpu.memory_space<vmem>>)
    %dma_wait3A_400 = arith.constant 0 : i32
    %dma_wait3A_401 = arith.constant 0 : i32
    %dma_wait3A_402 = tpu.memref_slice %arg5[%dma_wait3A_401] : memref<13312xi32, #tpu.memory_space<vmem>> -> memref<512xi32, #tpu.memory_space<vmem>>
    %dma_wait3A_403 = arith.constant 0 : i32
    %dma_wait3A_404 = tpu.memref_slice %arg3[%dma_wait3A_400, %dma_wait3A_403] : memref<26x16384xi32, #tpu.memory_space<hbm>> -> memref<1x512xi32, #tpu.memory_space<hbm>>
    %dma_wait3A_405 = tpu.memref_squeeze %dma_wait3A_404 : memref<1x512xi32, #tpu.memory_space<hbm>> -> memref<512xi32, #tpu.memory_space<hbm>>
    %dma_wait3A_406 = arith.constant 0 : i32
    %dma_wait3A_407 = tpu.memref_slice %arg5[%dma_wait3A_406] : memref<13312xi32, #tpu.memory_space<vmem>> -> memref<512xi32, #tpu.memory_space<vmem>>
    %dma_wait3A_408 = arith.constant 0 : i32
    %dma_wait3A_409 = tpu.memref_slice %arg3[%dma_wait3A_400, %dma_wait3A_408] : memref<26x16384xi32, #tpu.memory_space<hbm>> -> memref<1x512xi32, #tpu.memory_space<hbm>>
    %dma_wait3A_410 = tpu.memref_squeeze %dma_wait3A_409 : memref<1x512xi32, #tpu.memory_space<hbm>> -> memref<512xi32, #tpu.memory_space<hbm>>
    tpu.wait_dma2 semaphore(%arg7 : memref<!tpu.dma_semaphore, #tpu.memory_space<semaphore_mem>>) src(%dma_wait3A_410 : memref<512xi32, #tpu.memory_space<hbm>>) dst(%dma_wait3A_407 : memref<512xi32, #tpu.memory_space<vmem>>)
    %dma_wait3A_411 = arith.constant 0 : i32
    %dma_wait3A_412 = arith.constant 0 : i32
    %dma_wait3A_413 = tpu.memref_slice %arg5[%dma_wait3A_412] : memref<13312xi32, #tpu.memory_space<vmem>> -> memref<512xi32, #tpu.memory_space<vmem>>
    %dma_wait3A_414 = arith.constant 0 : i32
    %dma_wait3A_415 = tpu.memref_slice %arg3[%dma_wait3A_411, %dma_wait3A_414] : memref<26x16384xi32, #tpu.memory_space<hbm>> -> memref<1x512xi32, #tpu.memory_space<hbm>>
    %dma_wait3A_416 = tpu.memref_squeeze %dma_wait3A_415 : memref<1x512xi32, #tpu.memory_space<hbm>> -> memref<512xi32, #tpu.memory_space<hbm>>
    %dma_wait3A_417 = arith.constant 0 : i32
    %dma_wait3A_418 = tpu.memref_slice %arg5[%dma_wait3A_417] : memref<13312xi32, #tpu.memory_space<vmem>> -> memref<512xi32, #tpu.memory_space<vmem>>
    %dma_wait3A_419 = arith.constant 0 : i32
    %dma_wait3A_420 = tpu.memref_slice %arg3[%dma_wait3A_411, %dma_wait3A_419] : memref<26x16384xi32, #tpu.memory_space<hbm>> -> memref<1x512xi32, #tpu.memory_space<hbm>>
    %dma_wait3A_421 = tpu.memref_squeeze %dma_wait3A_420 : memref<1x512xi32, #tpu.memory_space<hbm>> -> memref<512xi32, #tpu.memory_space<hbm>>
    tpu.wait_dma2 semaphore(%arg7 : memref<!tpu.dma_semaphore, #tpu.memory_space<semaphore_mem>>) src(%dma_wait3A_421 : memref<512xi32, #tpu.memory_space<hbm>>) dst(%dma_wait3A_418 : memref<512xi32, #tpu.memory_space<vmem>>)
    %dma_wait3A_422 = arith.constant 0 : i32
    %dma_wait3A_423 = arith.constant 0 : i32
    %dma_wait3A_424 = tpu.memref_slice %arg5[%dma_wait3A_423] : memref<13312xi32, #tpu.memory_space<vmem>> -> memref<512xi32, #tpu.memory_space<vmem>>
    %dma_wait3A_425 = arith.constant 0 : i32
    %dma_wait3A_426 = tpu.memref_slice %arg3[%dma_wait3A_422, %dma_wait3A_425] : memref<26x16384xi32, #tpu.memory_space<hbm>> -> memref<1x512xi32, #tpu.memory_space<hbm>>
    %dma_wait3A_427 = tpu.memref_squeeze %dma_wait3A_426 : memref<1x512xi32, #tpu.memory_space<hbm>> -> memref<512xi32, #tpu.memory_space<hbm>>
    %dma_wait3A_428 = arith.constant 0 : i32
    %dma_wait3A_429 = tpu.memref_slice %arg5[%dma_wait3A_428] : memref<13312xi32, #tpu.memory_space<vmem>> -> memref<512xi32, #tpu.memory_space<vmem>>
    %dma_wait3A_430 = arith.constant 0 : i32
    %dma_wait3A_431 = tpu.memref_slice %arg3[%dma_wait3A_422, %dma_wait3A_430] : memref<26x16384xi32, #tpu.memory_space<hbm>> -> memref<1x512xi32, #tpu.memory_space<hbm>>
    %dma_wait3A_432 = tpu.memref_squeeze %dma_wait3A_431 : memref<1x512xi32, #tpu.memory_space<hbm>> -> memref<512xi32, #tpu.memory_space<hbm>>
    tpu.wait_dma2 semaphore(%arg7 : memref<!tpu.dma_semaphore, #tpu.memory_space<semaphore_mem>>) src(%dma_wait3A_432 : memref<512xi32, #tpu.memory_space<hbm>>) dst(%dma_wait3A_429 : memref<512xi32, #tpu.memory_space<vmem>>)
    %dma_wait3A_433 = arith.constant 0 : i32
    %dma_wait3A_434 = arith.constant 0 : i32
    %dma_wait3A_435 = tpu.memref_slice %arg5[%dma_wait3A_434] : memref<13312xi32, #tpu.memory_space<vmem>> -> memref<512xi32, #tpu.memory_space<vmem>>
    %dma_wait3A_436 = arith.constant 0 : i32
    %dma_wait3A_437 = tpu.memref_slice %arg3[%dma_wait3A_433, %dma_wait3A_436] : memref<26x16384xi32, #tpu.memory_space<hbm>> -> memref<1x512xi32, #tpu.memory_space<hbm>>
    %dma_wait3A_438 = tpu.memref_squeeze %dma_wait3A_437 : memref<1x512xi32, #tpu.memory_space<hbm>> -> memref<512xi32, #tpu.memory_space<hbm>>
    %dma_wait3A_439 = arith.constant 0 : i32
    %dma_wait3A_440 = tpu.memref_slice %arg5[%dma_wait3A_439] : memref<13312xi32, #tpu.memory_space<vmem>> -> memref<512xi32, #tpu.memory_space<vmem>>
    %dma_wait3A_441 = arith.constant 0 : i32
    %dma_wait3A_442 = tpu.memref_slice %arg3[%dma_wait3A_433, %dma_wait3A_441] : memref<26x16384xi32, #tpu.memory_space<hbm>> -> memref<1x512xi32, #tpu.memory_space<hbm>>
    %dma_wait3A_443 = tpu.memref_squeeze %dma_wait3A_442 : memref<1x512xi32, #tpu.memory_space<hbm>> -> memref<512xi32, #tpu.memory_space<hbm>>
    tpu.wait_dma2 semaphore(%arg7 : memref<!tpu.dma_semaphore, #tpu.memory_space<semaphore_mem>>) src(%dma_wait3A_443 : memref<512xi32, #tpu.memory_space<hbm>>) dst(%dma_wait3A_440 : memref<512xi32, #tpu.memory_space<vmem>>)
    %dma_wait3A_444 = arith.constant 0 : i32
    %dma_wait3A_445 = arith.constant 0 : i32
    %dma_wait3A_446 = tpu.memref_slice %arg5[%dma_wait3A_445] : memref<13312xi32, #tpu.memory_space<vmem>> -> memref<512xi32, #tpu.memory_space<vmem>>
    %dma_wait3A_447 = arith.constant 0 : i32
    %dma_wait3A_448 = tpu.memref_slice %arg3[%dma_wait3A_444, %dma_wait3A_447] : memref<26x16384xi32, #tpu.memory_space<hbm>> -> memref<1x512xi32, #tpu.memory_space<hbm>>
    %dma_wait3A_449 = tpu.memref_squeeze %dma_wait3A_448 : memref<1x512xi32, #tpu.memory_space<hbm>> -> memref<512xi32, #tpu.memory_space<hbm>>
    %dma_wait3A_450 = arith.constant 0 : i32
    %dma_wait3A_451 = tpu.memref_slice %arg5[%dma_wait3A_450] : memref<13312xi32, #tpu.memory_space<vmem>> -> memref<512xi32, #tpu.memory_space<vmem>>
    %dma_wait3A_452 = arith.constant 0 : i32
    %dma_wait3A_453 = tpu.memref_slice %arg3[%dma_wait3A_444, %dma_wait3A_452] : memref<26x16384xi32, #tpu.memory_space<hbm>> -> memref<1x512xi32, #tpu.memory_space<hbm>>
    %dma_wait3A_454 = tpu.memref_squeeze %dma_wait3A_453 : memref<1x512xi32, #tpu.memory_space<hbm>> -> memref<512xi32, #tpu.memory_space<hbm>>
    tpu.wait_dma2 semaphore(%arg7 : memref<!tpu.dma_semaphore, #tpu.memory_space<semaphore_mem>>) src(%dma_wait3A_454 : memref<512xi32, #tpu.memory_space<hbm>>) dst(%dma_wait3A_451 : memref<512xi32, #tpu.memory_space<vmem>>)
    %dma_wait3A_455 = arith.constant 0 : i32
    %dma_wait3A_456 = arith.constant 0 : i32
    %dma_wait3A_457 = tpu.memref_slice %arg5[%dma_wait3A_456] : memref<13312xi32, #tpu.memory_space<vmem>> -> memref<512xi32, #tpu.memory_space<vmem>>
    %dma_wait3A_458 = arith.constant 0 : i32
    %dma_wait3A_459 = tpu.memref_slice %arg3[%dma_wait3A_455, %dma_wait3A_458] : memref<26x16384xi32, #tpu.memory_space<hbm>> -> memref<1x512xi32, #tpu.memory_space<hbm>>
    %dma_wait3A_460 = tpu.memref_squeeze %dma_wait3A_459 : memref<1x512xi32, #tpu.memory_space<hbm>> -> memref<512xi32, #tpu.memory_space<hbm>>
    %dma_wait3A_461 = arith.constant 0 : i32
    %dma_wait3A_462 = tpu.memref_slice %arg5[%dma_wait3A_461] : memref<13312xi32, #tpu.memory_space<vmem>> -> memref<512xi32, #tpu.memory_space<vmem>>
    %dma_wait3A_463 = arith.constant 0 : i32
    %dma_wait3A_464 = tpu.memref_slice %arg3[%dma_wait3A_455, %dma_wait3A_463] : memref<26x16384xi32, #tpu.memory_space<hbm>> -> memref<1x512xi32, #tpu.memory_space<hbm>>
    %dma_wait3A_465 = tpu.memref_squeeze %dma_wait3A_464 : memref<1x512xi32, #tpu.memory_space<hbm>> -> memref<512xi32, #tpu.memory_space<hbm>>
    tpu.wait_dma2 semaphore(%arg7 : memref<!tpu.dma_semaphore, #tpu.memory_space<semaphore_mem>>) src(%dma_wait3A_465 : memref<512xi32, #tpu.memory_space<hbm>>) dst(%dma_wait3A_462 : memref<512xi32, #tpu.memory_space<vmem>>)
    %dma_wait3A_466 = arith.constant 0 : i32
    %dma_wait3A_467 = arith.constant 0 : i32
    %dma_wait3A_468 = tpu.memref_slice %arg5[%dma_wait3A_467] : memref<13312xi32, #tpu.memory_space<vmem>> -> memref<512xi32, #tpu.memory_space<vmem>>
    %dma_wait3A_469 = arith.constant 0 : i32
    %dma_wait3A_470 = tpu.memref_slice %arg3[%dma_wait3A_466, %dma_wait3A_469] : memref<26x16384xi32, #tpu.memory_space<hbm>> -> memref<1x512xi32, #tpu.memory_space<hbm>>
    %dma_wait3A_471 = tpu.memref_squeeze %dma_wait3A_470 : memref<1x512xi32, #tpu.memory_space<hbm>> -> memref<512xi32, #tpu.memory_space<hbm>>
    %dma_wait3A_472 = arith.constant 0 : i32
    %dma_wait3A_473 = tpu.memref_slice %arg5[%dma_wait3A_472] : memref<13312xi32, #tpu.memory_space<vmem>> -> memref<512xi32, #tpu.memory_space<vmem>>
    %dma_wait3A_474 = arith.constant 0 : i32
    %dma_wait3A_475 = tpu.memref_slice %arg3[%dma_wait3A_466, %dma_wait3A_474] : memref<26x16384xi32, #tpu.memory_space<hbm>> -> memref<1x512xi32, #tpu.memory_space<hbm>>
    %dma_wait3A_476 = tpu.memref_squeeze %dma_wait3A_475 : memref<1x512xi32, #tpu.memory_space<hbm>> -> memref<512xi32, #tpu.memory_space<hbm>>
    tpu.wait_dma2 semaphore(%arg7 : memref<!tpu.dma_semaphore, #tpu.memory_space<semaphore_mem>>) src(%dma_wait3A_476 : memref<512xi32, #tpu.memory_space<hbm>>) dst(%dma_wait3A_473 : memref<512xi32, #tpu.memory_space<vmem>>)
    %dma_wait3A_477 = arith.constant 0 : i32
    %dma_wait3A_478 = arith.constant 0 : i32
    %dma_wait3A_479 = tpu.memref_slice %arg5[%dma_wait3A_478] : memref<13312xi32, #tpu.memory_space<vmem>> -> memref<512xi32, #tpu.memory_space<vmem>>
    %dma_wait3A_480 = arith.constant 0 : i32
    %dma_wait3A_481 = tpu.memref_slice %arg3[%dma_wait3A_477, %dma_wait3A_480] : memref<26x16384xi32, #tpu.memory_space<hbm>> -> memref<1x512xi32, #tpu.memory_space<hbm>>
    %dma_wait3A_482 = tpu.memref_squeeze %dma_wait3A_481 : memref<1x512xi32, #tpu.memory_space<hbm>> -> memref<512xi32, #tpu.memory_space<hbm>>
    %dma_wait3A_483 = arith.constant 0 : i32
    %dma_wait3A_484 = tpu.memref_slice %arg5[%dma_wait3A_483] : memref<13312xi32, #tpu.memory_space<vmem>> -> memref<512xi32, #tpu.memory_space<vmem>>
    %dma_wait3A_485 = arith.constant 0 : i32
    %dma_wait3A_486 = tpu.memref_slice %arg3[%dma_wait3A_477, %dma_wait3A_485] : memref<26x16384xi32, #tpu.memory_space<hbm>> -> memref<1x512xi32, #tpu.memory_space<hbm>>
    %dma_wait3A_487 = tpu.memref_squeeze %dma_wait3A_486 : memref<1x512xi32, #tpu.memory_space<hbm>> -> memref<512xi32, #tpu.memory_space<hbm>>
    tpu.wait_dma2 semaphore(%arg7 : memref<!tpu.dma_semaphore, #tpu.memory_space<semaphore_mem>>) src(%dma_wait3A_487 : memref<512xi32, #tpu.memory_space<hbm>>) dst(%dma_wait3A_484 : memref<512xi32, #tpu.memory_space<vmem>>)
    %dma_wait3A_488 = arith.constant 0 : i32
    %dma_wait3A_489 = arith.constant 0 : i32
    %dma_wait3A_490 = tpu.memref_slice %arg5[%dma_wait3A_489] : memref<13312xi32, #tpu.memory_space<vmem>> -> memref<512xi32, #tpu.memory_space<vmem>>
    %dma_wait3A_491 = arith.constant 0 : i32
    %dma_wait3A_492 = tpu.memref_slice %arg3[%dma_wait3A_488, %dma_wait3A_491] : memref<26x16384xi32, #tpu.memory_space<hbm>> -> memref<1x512xi32, #tpu.memory_space<hbm>>
    %dma_wait3A_493 = tpu.memref_squeeze %dma_wait3A_492 : memref<1x512xi32, #tpu.memory_space<hbm>> -> memref<512xi32, #tpu.memory_space<hbm>>
    %dma_wait3A_494 = arith.constant 0 : i32
    %dma_wait3A_495 = tpu.memref_slice %arg5[%dma_wait3A_494] : memref<13312xi32, #tpu.memory_space<vmem>> -> memref<512xi32, #tpu.memory_space<vmem>>
    %dma_wait3A_496 = arith.constant 0 : i32
    %dma_wait3A_497 = tpu.memref_slice %arg3[%dma_wait3A_488, %dma_wait3A_496] : memref<26x16384xi32, #tpu.memory_space<hbm>> -> memref<1x512xi32, #tpu.memory_space<hbm>>
    %dma_wait3A_498 = tpu.memref_squeeze %dma_wait3A_497 : memref<1x512xi32, #tpu.memory_space<hbm>> -> memref<512xi32, #tpu.memory_space<hbm>>
    tpu.wait_dma2 semaphore(%arg7 : memref<!tpu.dma_semaphore, #tpu.memory_space<semaphore_mem>>) src(%dma_wait3A_498 : memref<512xi32, #tpu.memory_space<hbm>>) dst(%dma_wait3A_495 : memref<512xi32, #tpu.memory_space<vmem>>)
    %dma_wait3A_499 = arith.constant 0 : i32
    %dma_wait3A_500 = arith.constant 0 : i32
    %dma_wait3A_501 = tpu.memref_slice %arg5[%dma_wait3A_500] : memref<13312xi32, #tpu.memory_space<vmem>> -> memref<512xi32, #tpu.memory_space<vmem>>
    %dma_wait3A_502 = arith.constant 0 : i32
    %dma_wait3A_503 = tpu.memref_slice %arg3[%dma_wait3A_499, %dma_wait3A_502] : memref<26x16384xi32, #tpu.memory_space<hbm>> -> memref<1x512xi32, #tpu.memory_space<hbm>>
    %dma_wait3A_504 = tpu.memref_squeeze %dma_wait3A_503 : memref<1x512xi32, #tpu.memory_space<hbm>> -> memref<512xi32, #tpu.memory_space<hbm>>
    %dma_wait3A_505 = arith.constant 0 : i32
    %dma_wait3A_506 = tpu.memref_slice %arg5[%dma_wait3A_505] : memref<13312xi32, #tpu.memory_space<vmem>> -> memref<512xi32, #tpu.memory_space<vmem>>
    %dma_wait3A_507 = arith.constant 0 : i32
    %dma_wait3A_508 = tpu.memref_slice %arg3[%dma_wait3A_499, %dma_wait3A_507] : memref<26x16384xi32, #tpu.memory_space<hbm>> -> memref<1x512xi32, #tpu.memory_space<hbm>>
    %dma_wait3A_509 = tpu.memref_squeeze %dma_wait3A_508 : memref<1x512xi32, #tpu.memory_space<hbm>> -> memref<512xi32, #tpu.memory_space<hbm>>
    tpu.wait_dma2 semaphore(%arg7 : memref<!tpu.dma_semaphore, #tpu.memory_space<semaphore_mem>>) src(%dma_wait3A_509 : memref<512xi32, #tpu.memory_space<hbm>>) dst(%dma_wait3A_506 : memref<512xi32, #tpu.memory_space<vmem>>)
    %dma_wait3A_510 = arith.constant 0 : i32
    %dma_wait3A_511 = arith.constant 0 : i32
    %dma_wait3A_512 = tpu.memref_slice %arg5[%dma_wait3A_511] : memref<13312xi32, #tpu.memory_space<vmem>> -> memref<512xi32, #tpu.memory_space<vmem>>
    %dma_wait3A_513 = arith.constant 0 : i32
    %dma_wait3A_514 = tpu.memref_slice %arg3[%dma_wait3A_510, %dma_wait3A_513] : memref<26x16384xi32, #tpu.memory_space<hbm>> -> memref<1x512xi32, #tpu.memory_space<hbm>>
    %dma_wait3A_515 = tpu.memref_squeeze %dma_wait3A_514 : memref<1x512xi32, #tpu.memory_space<hbm>> -> memref<512xi32, #tpu.memory_space<hbm>>
    %dma_wait3A_516 = arith.constant 0 : i32
    %dma_wait3A_517 = tpu.memref_slice %arg5[%dma_wait3A_516] : memref<13312xi32, #tpu.memory_space<vmem>> -> memref<512xi32, #tpu.memory_space<vmem>>
    %dma_wait3A_518 = arith.constant 0 : i32
    %dma_wait3A_519 = tpu.memref_slice %arg3[%dma_wait3A_510, %dma_wait3A_518] : memref<26x16384xi32, #tpu.memory_space<hbm>> -> memref<1x512xi32, #tpu.memory_space<hbm>>
    %dma_wait3A_520 = tpu.memref_squeeze %dma_wait3A_519 : memref<1x512xi32, #tpu.memory_space<hbm>> -> memref<512xi32, #tpu.memory_space<hbm>>
    tpu.wait_dma2 semaphore(%arg7 : memref<!tpu.dma_semaphore, #tpu.memory_space<semaphore_mem>>) src(%dma_wait3A_520 : memref<512xi32, #tpu.memory_space<hbm>>) dst(%dma_wait3A_517 : memref<512xi32, #tpu.memory_space<vmem>>)
    %dma_start3A_521 = arith.constant 0 : i32
    %dma_start3A_522 = arith.constant 0 : i32
    %dma_start3A_523 = arith.constant 0 : i32
    %dma_start3A_524 = tpu.memref_slice %arg6[%dma_start3A_521, %dma_start3A_522, %dma_start3A_523] : memref<2x512x32xf32, #tpu.memory_space<vmem>> -> memref<1x512x32xf32, #tpu.memory_space<vmem>>
    %dma_start3A_525 = tpu.memref_squeeze %dma_start3A_524 : memref<1x512x32xf32, #tpu.memory_space<vmem>> -> memref<512x32xf32, #tpu.memory_space<vmem>>
    %dma_start3A_526 = arith.constant 0 : i32
    %dma_start3A_527 = tpu.memref_slice %arg5[%dma_start3A_526] : memref<13312xi32, #tpu.memory_space<vmem>> -> memref<512xi32, #tpu.memory_space<vmem>>
    %dma_start3A_528 = arith.constant 0 : i32
    %dma_start3A_529 = arith.constant 0 : i32
    %dma_start3A_530 = tpu.memref_slice %arg2[%dma_start3A_528, %dma_start3A_529] : memref<1000000x32xf32, #tpu.memory_space<hbm>> -> memref<1000000x32xf32, #tpu.memory_space<hbm>>
    tpu.enqueue_indirect_dma source(%dma_start3A_530 : memref<1000000x32xf32, #tpu.memory_space<hbm>>) target(%dma_start3A_525 : memref<512x32xf32, #tpu.memory_space<vmem>>) offsets(%dma_start3A_527 : memref<512xi32, #tpu.memory_space<vmem>>) semaphore(%arg8 : memref<!tpu.dma_semaphore, #tpu.memory_space<semaphore_mem>>)
    %dma_start3A_531 = arith.constant 1 : i32
    %dma_start3A_532 = arith.constant 0 : i32
    %dma_start3A_533 = arith.constant 0 : i32
    %dma_start3A_534 = tpu.memref_slice %arg6[%dma_start3A_531, %dma_start3A_532, %dma_start3A_533] : memref<2x512x32xf32, #tpu.memory_space<vmem>> -> memref<1x512x32xf32, #tpu.memory_space<vmem>>
    %dma_start3A_535 = tpu.memref_squeeze %dma_start3A_534 : memref<1x512x32xf32, #tpu.memory_space<vmem>> -> memref<512x32xf32, #tpu.memory_space<vmem>>
    %dma_start3A_536 = arith.constant 512 : i32
    %dma_start3A_537 = tpu.memref_slice %arg5[%dma_start3A_536] : memref<13312xi32, #tpu.memory_space<vmem>> -> memref<512xi32, #tpu.memory_space<vmem>>
    %dma_start3A_538 = arith.constant 0 : i32
    %dma_start3A_539 = arith.constant 0 : i32
    %dma_start3A_540 = tpu.memref_slice %arg2[%dma_start3A_538, %dma_start3A_539] : memref<1000000x32xf32, #tpu.memory_space<hbm>> -> memref<1000000x32xf32, #tpu.memory_space<hbm>>
    tpu.enqueue_indirect_dma source(%dma_start3A_540 : memref<1000000x32xf32, #tpu.memory_space<hbm>>) target(%dma_start3A_535 : memref<512x32xf32, #tpu.memory_space<vmem>>) offsets(%dma_start3A_537 : memref<512xi32, #tpu.memory_space<vmem>>) semaphore(%arg9 : memref<!tpu.dma_semaphore, #tpu.memory_space<semaphore_mem>>)
    %dma_wait3A_541 = arith.constant 0 : i32
    %dma_wait3A_542 = arith.constant 0 : i32
    %dma_wait3A_543 = arith.constant 0 : i32
    %dma_wait3A_544 = tpu.memref_slice %arg6[%dma_wait3A_541, %dma_wait3A_542, %dma_wait3A_543] : memref<2x512x32xf32, #tpu.memory_space<vmem>> -> memref<1x512x32xf32, #tpu.memory_space<vmem>>
    %dma_wait3A_545 = tpu.memref_squeeze %dma_wait3A_544 : memref<1x512x32xf32, #tpu.memory_space<vmem>> -> memref<512x32xf32, #tpu.memory_space<vmem>>
    %dma_wait3A_546 = arith.constant 0 : i32
    %dma_wait3A_547 = tpu.memref_slice %arg5[%dma_wait3A_546] : memref<13312xi32, #tpu.memory_space<vmem>> -> memref<512xi32, #tpu.memory_space<vmem>>
    %dma_wait3A_548 = arith.constant 0 : i32
    %dma_wait3A_549 = arith.constant 0 : i32
    %dma_wait3A_550 = tpu.memref_slice %arg2[%dma_wait3A_548, %dma_wait3A_549] : memref<1000000x32xf32, #tpu.memory_space<hbm>> -> memref<1000000x32xf32, #tpu.memory_space<hbm>>
    tpu.wait_indirect_dma semaphore(%arg8 : memref<!tpu.dma_semaphore, #tpu.memory_space<semaphore_mem>>) src(%dma_wait3A_550 : memref<1000000x32xf32, #tpu.memory_space<hbm>>) dst(%dma_wait3A_545 : memref<512x32xf32, #tpu.memory_space<vmem>>)
    %dma_start3A_551 = arith.constant 0 : i32
    %dma_start3A_552 = arith.constant 0 : i32
    %dma_start3A_553 = arith.constant 0 : i32
    %dma_start3A_554 = arith.constant 0 : i32
    %dma_start3A_555 = tpu.memref_slice %arg6[%dma_start3A_551, %dma_start3A_553, %dma_start3A_554] : memref<2x512x32xf32, #tpu.memory_space<vmem>> -> memref<1x512x32xf32, #tpu.memory_space<vmem>>
    %dma_start3A_556 = tpu.memref_squeeze %dma_start3A_555 : memref<1x512x32xf32, #tpu.memory_space<vmem>> -> memref<512x32xf32, #tpu.memory_space<vmem>>
    %dma_start3A_557 = arith.constant 0 : i32
    %dma_start3A_558 = tpu.memref_slice %arg4[%dma_start3A_552, %mul3A_2, %dma_start3A_557] : memref<26x16384x32xf32, #tpu.memory_space<hbm>> -> memref<1x512x32xf32, #tpu.memory_space<hbm>>
    %dma_start3A_559 = tpu.memref_squeeze %dma_start3A_558 : memref<1x512x32xf32, #tpu.memory_space<hbm>> -> memref<512x32xf32, #tpu.memory_space<hbm>>
    %dma_start3A_560 = arith.constant 0 : i32
    %dma_start3A_561 = tpu.memref_slice %arg4[%dma_start3A_552, %mul3A_2, %dma_start3A_560] : memref<26x16384x32xf32, #tpu.memory_space<hbm>> -> memref<1x512x32xf32, #tpu.memory_space<hbm>>
    %dma_start3A_562 = tpu.memref_squeeze %dma_start3A_561 : memref<1x512x32xf32, #tpu.memory_space<hbm>> -> memref<512x32xf32, #tpu.memory_space<hbm>>
    %dma_start3A_563 = arith.constant 0 : i32
    %dma_start3A_564 = arith.constant 0 : i32
    %dma_start3A_565 = tpu.memref_slice %arg6[%dma_start3A_551, %dma_start3A_563, %dma_start3A_564] : memref<2x512x32xf32, #tpu.memory_space<vmem>> -> memref<1x512x32xf32, #tpu.memory_space<vmem>>
    %dma_start3A_566 = tpu.memref_squeeze %dma_start3A_565 : memref<1x512x32xf32, #tpu.memory_space<vmem>> -> memref<512x32xf32, #tpu.memory_space<vmem>>
    tpu.enqueue_dma source(%dma_start3A_566 : memref<512x32xf32, #tpu.memory_space<vmem>>) target(%dma_start3A_562 : memref<512x32xf32, #tpu.memory_space<hbm>>) target_semaphore(%arg10 : memref<!tpu.dma_semaphore, #tpu.memory_space<semaphore_mem>>)
    %dma_wait3A_567 = arith.constant 0 : i32
    %dma_wait3A_568 = arith.constant 0 : i32
    %dma_wait3A_569 = arith.constant 0 : i32
    %dma_wait3A_570 = arith.constant 0 : i32
    %dma_wait3A_571 = tpu.memref_slice %arg6[%dma_wait3A_567, %dma_wait3A_569, %dma_wait3A_570] : memref<2x512x32xf32, #tpu.memory_space<vmem>> -> memref<1x512x32xf32, #tpu.memory_space<vmem>>
    %dma_wait3A_572 = tpu.memref_squeeze %dma_wait3A_571 : memref<1x512x32xf32, #tpu.memory_space<vmem>> -> memref<512x32xf32, #tpu.memory_space<vmem>>
    %dma_wait3A_573 = arith.constant 0 : i32
    %dma_wait3A_574 = tpu.memref_slice %arg4[%dma_wait3A_568, %mul3A_2, %dma_wait3A_573] : memref<26x16384x32xf32, #tpu.memory_space<hbm>> -> memref<1x512x32xf32, #tpu.memory_space<hbm>>
    %dma_wait3A_575 = tpu.memref_squeeze %dma_wait3A_574 : memref<1x512x32xf32, #tpu.memory_space<hbm>> -> memref<512x32xf32, #tpu.memory_space<hbm>>
    %dma_wait3A_576 = arith.constant 0 : i32
    %dma_wait3A_577 = tpu.memref_slice %arg4[%dma_wait3A_568, %mul3A_2, %dma_wait3A_576] : memref<26x16384x32xf32, #tpu.memory_space<hbm>> -> memref<1x512x32xf32, #tpu.memory_space<hbm>>
    %dma_wait3A_578 = tpu.memref_squeeze %dma_wait3A_577 : memref<1x512x32xf32, #tpu.memory_space<hbm>> -> memref<512x32xf32, #tpu.memory_space<hbm>>
    %dma_wait3A_579 = arith.constant 0 : i32
    %dma_wait3A_580 = arith.constant 0 : i32
    %dma_wait3A_581 = tpu.memref_slice %arg6[%dma_wait3A_567, %dma_wait3A_579, %dma_wait3A_580] : memref<2x512x32xf32, #tpu.memory_space<vmem>> -> memref<1x512x32xf32, #tpu.memory_space<vmem>>
    %dma_wait3A_582 = tpu.memref_squeeze %dma_wait3A_581 : memref<1x512x32xf32, #tpu.memory_space<vmem>> -> memref<512x32xf32, #tpu.memory_space<vmem>>
    tpu.wait_dma2 semaphore(%arg10 : memref<!tpu.dma_semaphore, #tpu.memory_space<semaphore_mem>>) src(%dma_wait3A_582 : memref<512x32xf32, #tpu.memory_space<vmem>>) dst(%dma_wait3A_578 : memref<512x32xf32, #tpu.memory_space<hbm>>)
    %dma_start3A_583 = arith.constant 0 : i32
    %dma_start3A_584 = arith.constant 0 : i32
    %dma_start3A_585 = arith.constant 0 : i32
    %dma_start3A_586 = tpu.memref_slice %arg6[%dma_start3A_583, %dma_start3A_584, %dma_start3A_585] : memref<2x512x32xf32, #tpu.memory_space<vmem>> -> memref<1x512x32xf32, #tpu.memory_space<vmem>>
    %dma_start3A_587 = tpu.memref_squeeze %dma_start3A_586 : memref<1x512x32xf32, #tpu.memory_space<vmem>> -> memref<512x32xf32, #tpu.memory_space<vmem>>
    %dma_start3A_588 = arith.constant 1024 : i32
    %dma_start3A_589 = tpu.memref_slice %arg5[%dma_start3A_588] : memref<13312xi32, #tpu.memory_space<vmem>> -> memref<512xi32, #tpu.memory_space<vmem>>
    %dma_start3A_590 = arith.constant 0 : i32
    %dma_start3A_591 = arith.constant 0 : i32
    %dma_start3A_592 = tpu.memref_slice %arg2[%dma_start3A_590, %dma_start3A_591] : memref<1000000x32xf32, #tpu.memory_space<hbm>> -> memref<1000000x32xf32, #tpu.memory_space<hbm>>
    tpu.enqueue_indirect_dma source(%dma_start3A_592 : memref<1000000x32xf32, #tpu.memory_space<hbm>>) target(%dma_start3A_587 : memref<512x32xf32, #tpu.memory_space<vmem>>) offsets(%dma_start3A_589 : memref<512xi32, #tpu.memory_space<vmem>>) semaphore(%arg8 : memref<!tpu.dma_semaphore, #tpu.memory_space<semaphore_mem>>)
    %dma_wait3A_593 = arith.constant 1 : i32
    %dma_wait3A_594 = arith.constant 0 : i32
    %dma_wait3A_595 = arith.constant 0 : i32
    %dma_wait3A_596 = tpu.memref_slice %arg6[%dma_wait3A_593, %dma_wait3A_594, %dma_wait3A_595] : memref<2x512x32xf32, #tpu.memory_space<vmem>> -> memref<1x512x32xf32, #tpu.memory_space<vmem>>
    %dma_wait3A_597 = tpu.memref_squeeze %dma_wait3A_596 : memref<1x512x32xf32, #tpu.memory_space<vmem>> -> memref<512x32xf32, #tpu.memory_space<vmem>>
    %dma_wait3A_598 = arith.constant 512 : i32
    %dma_wait3A_599 = tpu.memref_slice %arg5[%dma_wait3A_598] : memref<13312xi32, #tpu.memory_space<vmem>> -> memref<512xi32, #tpu.memory_space<vmem>>
    %dma_wait3A_600 = arith.constant 0 : i32
    %dma_wait3A_601 = arith.constant 0 : i32
    %dma_wait3A_602 = tpu.memref_slice %arg2[%dma_wait3A_600, %dma_wait3A_601] : memref<1000000x32xf32, #tpu.memory_space<hbm>> -> memref<1000000x32xf32, #tpu.memory_space<hbm>>
    tpu.wait_indirect_dma semaphore(%arg9 : memref<!tpu.dma_semaphore, #tpu.memory_space<semaphore_mem>>) src(%dma_wait3A_602 : memref<1000000x32xf32, #tpu.memory_space<hbm>>) dst(%dma_wait3A_597 : memref<512x32xf32, #tpu.memory_space<vmem>>)
    %dma_start3A_603 = arith.constant 1 : i32
    %dma_start3A_604 = arith.constant 1 : i32
    %dma_start3A_605 = arith.constant 0 : i32
    %dma_start3A_606 = arith.constant 0 : i32
    %dma_start3A_607 = tpu.memref_slice %arg6[%dma_start3A_603, %dma_start3A_605, %dma_start3A_606] : memref<2x512x32xf32, #tpu.memory_space<vmem>> -> memref<1x512x32xf32, #tpu.memory_space<vmem>>
    %dma_start3A_608 = tpu.memref_squeeze %dma_start3A_607 : memref<1x512x32xf32, #tpu.memory_space<vmem>> -> memref<512x32xf32, #tpu.memory_space<vmem>>
    %dma_start3A_609 = arith.constant 0 : i32
    %dma_start3A_610 = tpu.memref_slice %arg4[%dma_start3A_604, %mul3A_2, %dma_start3A_609] : memref<26x16384x32xf32, #tpu.memory_space<hbm>> -> memref<1x512x32xf32, #tpu.memory_space<hbm>>
    %dma_start3A_611 = tpu.memref_squeeze %dma_start3A_610 : memref<1x512x32xf32, #tpu.memory_space<hbm>> -> memref<512x32xf32, #tpu.memory_space<hbm>>
    %dma_start3A_612 = arith.constant 0 : i32
    %dma_start3A_613 = tpu.memref_slice %arg4[%dma_start3A_604, %mul3A_2, %dma_start3A_612] : memref<26x16384x32xf32, #tpu.memory_space<hbm>> -> memref<1x512x32xf32, #tpu.memory_space<hbm>>
    %dma_start3A_614 = tpu.memref_squeeze %dma_start3A_613 : memref<1x512x32xf32, #tpu.memory_space<hbm>> -> memref<512x32xf32, #tpu.memory_space<hbm>>
    %dma_start3A_615 = arith.constant 0 : i32
    %dma_start3A_616 = arith.constant 0 : i32
    %dma_start3A_617 = tpu.memref_slice %arg6[%dma_start3A_603, %dma_start3A_615, %dma_start3A_616] : memref<2x512x32xf32, #tpu.memory_space<vmem>> -> memref<1x512x32xf32, #tpu.memory_space<vmem>>
    %dma_start3A_618 = tpu.memref_squeeze %dma_start3A_617 : memref<1x512x32xf32, #tpu.memory_space<vmem>> -> memref<512x32xf32, #tpu.memory_space<vmem>>
    tpu.enqueue_dma source(%dma_start3A_618 : memref<512x32xf32, #tpu.memory_space<vmem>>) target(%dma_start3A_614 : memref<512x32xf32, #tpu.memory_space<hbm>>) target_semaphore(%arg11 : memref<!tpu.dma_semaphore, #tpu.memory_space<semaphore_mem>>)
    %dma_wait3A_619 = arith.constant 1 : i32
    %dma_wait3A_620 = arith.constant 1 : i32
    %dma_wait3A_621 = arith.constant 0 : i32
    %dma_wait3A_622 = arith.constant 0 : i32
    %dma_wait3A_623 = tpu.memref_slice %arg6[%dma_wait3A_619, %dma_wait3A_621, %dma_wait3A_622] : memref<2x512x32xf32, #tpu.memory_space<vmem>> -> memref<1x512x32xf32, #tpu.memory_space<vmem>>
    %dma_wait3A_624 = tpu.memref_squeeze %dma_wait3A_623 : memref<1x512x32xf32, #tpu.memory_space<vmem>> -> memref<512x32xf32, #tpu.memory_space<vmem>>
    %dma_wait3A_625 = arith.constant 0 : i32
    %dma_wait3A_626 = tpu.memref_slice %arg4[%dma_wait3A_620, %mul3A_2, %dma_wait3A_625] : memref<26x16384x32xf32, #tpu.memory_space<hbm>> -> memref<1x512x32xf32, #tpu.memory_space<hbm>>
    %dma_wait3A_627 = tpu.memref_squeeze %dma_wait3A_626 : memref<1x512x32xf32, #tpu.memory_space<hbm>> -> memref<512x32xf32, #tpu.memory_space<hbm>>
    %dma_wait3A_628 = arith.constant 0 : i32
    %dma_wait3A_629 = tpu.memref_slice %arg4[%dma_wait3A_620, %mul3A_2, %dma_wait3A_628] : memref<26x16384x32xf32, #tpu.memory_space<hbm>> -> memref<1x512x32xf32, #tpu.memory_space<hbm>>
    %dma_wait3A_630 = tpu.memref_squeeze %dma_wait3A_629 : memref<1x512x32xf32, #tpu.memory_space<hbm>> -> memref<512x32xf32, #tpu.memory_space<hbm>>
    %dma_wait3A_631 = arith.constant 0 : i32
    %dma_wait3A_632 = arith.constant 0 : i32
    %dma_wait3A_633 = tpu.memref_slice %arg6[%dma_wait3A_619, %dma_wait3A_631, %dma_wait3A_632] : memref<2x512x32xf32, #tpu.memory_space<vmem>> -> memref<1x512x32xf32, #tpu.memory_space<vmem>>
    %dma_wait3A_634 = tpu.memref_squeeze %dma_wait3A_633 : memref<1x512x32xf32, #tpu.memory_space<vmem>> -> memref<512x32xf32, #tpu.memory_space<vmem>>
    tpu.wait_dma2 semaphore(%arg11 : memref<!tpu.dma_semaphore, #tpu.memory_space<semaphore_mem>>) src(%dma_wait3A_634 : memref<512x32xf32, #tpu.memory_space<vmem>>) dst(%dma_wait3A_630 : memref<512x32xf32, #tpu.memory_space<hbm>>)
    %dma_start3A_635 = arith.constant 1 : i32
    %dma_start3A_636 = arith.constant 0 : i32
    %dma_start3A_637 = arith.constant 0 : i32
    %dma_start3A_638 = tpu.memref_slice %arg6[%dma_start3A_635, %dma_start3A_636, %dma_start3A_637] : memref<2x512x32xf32, #tpu.memory_space<vmem>> -> memref<1x512x32xf32, #tpu.memory_space<vmem>>
    %dma_start3A_639 = tpu.memref_squeeze %dma_start3A_638 : memref<1x512x32xf32, #tpu.memory_space<vmem>> -> memref<512x32xf32, #tpu.memory_space<vmem>>
    %dma_start3A_640 = arith.constant 1536 : i32
    %dma_start3A_641 = tpu.memref_slice %arg5[%dma_start3A_640] : memref<13312xi32, #tpu.memory_space<vmem>> -> memref<512xi32, #tpu.memory_space<vmem>>
    %dma_start3A_642 = arith.constant 0 : i32
    %dma_start3A_643 = arith.constant 0 : i32
    %dma_start3A_644 = tpu.memref_slice %arg2[%dma_start3A_642, %dma_start3A_643] : memref<1000000x32xf32, #tpu.memory_space<hbm>> -> memref<1000000x32xf32, #tpu.memory_space<hbm>>
    tpu.enqueue_indirect_dma source(%dma_start3A_644 : memref<1000000x32xf32, #tpu.memory_space<hbm>>) target(%dma_start3A_639 : memref<512x32xf32, #tpu.memory_space<vmem>>) offsets(%dma_start3A_641 : memref<512xi32, #tpu.memory_space<vmem>>) semaphore(%arg9 : memref<!tpu.dma_semaphore, #tpu.memory_space<semaphore_mem>>)
    %dma_wait3A_645 = arith.constant 0 : i32
    %dma_wait3A_646 = arith.constant 0 : i32
    %dma_wait3A_647 = arith.constant 0 : i32
    %dma_wait3A_648 = tpu.memref_slice %arg6[%dma_wait3A_645, %dma_wait3A_646, %dma_wait3A_647] : memref<2x512x32xf32, #tpu.memory_space<vmem>> -> memref<1x512x32xf32, #tpu.memory_space<vmem>>
    %dma_wait3A_649 = tpu.memref_squeeze %dma_wait3A_648 : memref<1x512x32xf32, #tpu.memory_space<vmem>> -> memref<512x32xf32, #tpu.memory_space<vmem>>
    %dma_wait3A_650 = arith.constant 1024 : i32
    %dma_wait3A_651 = tpu.memref_slice %arg5[%dma_wait3A_650] : memref<13312xi32, #tpu.memory_space<vmem>> -> memref<512xi32, #tpu.memory_space<vmem>>
    %dma_wait3A_652 = arith.constant 0 : i32
    %dma_wait3A_653 = arith.constant 0 : i32
    %dma_wait3A_654 = tpu.memref_slice %arg2[%dma_wait3A_652, %dma_wait3A_653] : memref<1000000x32xf32, #tpu.memory_space<hbm>> -> memref<1000000x32xf32, #tpu.memory_space<hbm>>
    tpu.wait_indirect_dma semaphore(%arg8 : memref<!tpu.dma_semaphore, #tpu.memory_space<semaphore_mem>>) src(%dma_wait3A_654 : memref<1000000x32xf32, #tpu.memory_space<hbm>>) dst(%dma_wait3A_649 : memref<512x32xf32, #tpu.memory_space<vmem>>)
    %dma_start3A_655 = arith.constant 0 : i32
    %dma_start3A_656 = arith.constant 2 : i32
    %dma_start3A_657 = arith.constant 0 : i32
    %dma_start3A_658 = arith.constant 0 : i32
    %dma_start3A_659 = tpu.memref_slice %arg6[%dma_start3A_655, %dma_start3A_657, %dma_start3A_658] : memref<2x512x32xf32, #tpu.memory_space<vmem>> -> memref<1x512x32xf32, #tpu.memory_space<vmem>>
    %dma_start3A_660 = tpu.memref_squeeze %dma_start3A_659 : memref<1x512x32xf32, #tpu.memory_space<vmem>> -> memref<512x32xf32, #tpu.memory_space<vmem>>
    %dma_start3A_661 = arith.constant 0 : i32
    %dma_start3A_662 = tpu.memref_slice %arg4[%dma_start3A_656, %mul3A_2, %dma_start3A_661] : memref<26x16384x32xf32, #tpu.memory_space<hbm>> -> memref<1x512x32xf32, #tpu.memory_space<hbm>>
    %dma_start3A_663 = tpu.memref_squeeze %dma_start3A_662 : memref<1x512x32xf32, #tpu.memory_space<hbm>> -> memref<512x32xf32, #tpu.memory_space<hbm>>
    %dma_start3A_664 = arith.constant 0 : i32
    %dma_start3A_665 = tpu.memref_slice %arg4[%dma_start3A_656, %mul3A_2, %dma_start3A_664] : memref<26x16384x32xf32, #tpu.memory_space<hbm>> -> memref<1x512x32xf32, #tpu.memory_space<hbm>>
    %dma_start3A_666 = tpu.memref_squeeze %dma_start3A_665 : memref<1x512x32xf32, #tpu.memory_space<hbm>> -> memref<512x32xf32, #tpu.memory_space<hbm>>
    %dma_start3A_667 = arith.constant 0 : i32
    %dma_start3A_668 = arith.constant 0 : i32
    %dma_start3A_669 = tpu.memref_slice %arg6[%dma_start3A_655, %dma_start3A_667, %dma_start3A_668] : memref<2x512x32xf32, #tpu.memory_space<vmem>> -> memref<1x512x32xf32, #tpu.memory_space<vmem>>
    %dma_start3A_670 = tpu.memref_squeeze %dma_start3A_669 : memref<1x512x32xf32, #tpu.memory_space<vmem>> -> memref<512x32xf32, #tpu.memory_space<vmem>>
    tpu.enqueue_dma source(%dma_start3A_670 : memref<512x32xf32, #tpu.memory_space<vmem>>) target(%dma_start3A_666 : memref<512x32xf32, #tpu.memory_space<hbm>>) target_semaphore(%arg10 : memref<!tpu.dma_semaphore, #tpu.memory_space<semaphore_mem>>)
    %dma_wait3A_671 = arith.constant 0 : i32
    %dma_wait3A_672 = arith.constant 2 : i32
    %dma_wait3A_673 = arith.constant 0 : i32
    %dma_wait3A_674 = arith.constant 0 : i32
    %dma_wait3A_675 = tpu.memref_slice %arg6[%dma_wait3A_671, %dma_wait3A_673, %dma_wait3A_674] : memref<2x512x32xf32, #tpu.memory_space<vmem>> -> memref<1x512x32xf32, #tpu.memory_space<vmem>>
    %dma_wait3A_676 = tpu.memref_squeeze %dma_wait3A_675 : memref<1x512x32xf32, #tpu.memory_space<vmem>> -> memref<512x32xf32, #tpu.memory_space<vmem>>
    %dma_wait3A_677 = arith.constant 0 : i32
    %dma_wait3A_678 = tpu.memref_slice %arg4[%dma_wait3A_672, %mul3A_2, %dma_wait3A_677] : memref<26x16384x32xf32, #tpu.memory_space<hbm>> -> memref<1x512x32xf32, #tpu.memory_space<hbm>>
    %dma_wait3A_679 = tpu.memref_squeeze %dma_wait3A_678 : memref<1x512x32xf32, #tpu.memory_space<hbm>> -> memref<512x32xf32, #tpu.memory_space<hbm>>
    %dma_wait3A_680 = arith.constant 0 : i32
    %dma_wait3A_681 = tpu.memref_slice %arg4[%dma_wait3A_672, %mul3A_2, %dma_wait3A_680] : memref<26x16384x32xf32, #tpu.memory_space<hbm>> -> memref<1x512x32xf32, #tpu.memory_space<hbm>>
    %dma_wait3A_682 = tpu.memref_squeeze %dma_wait3A_681 : memref<1x512x32xf32, #tpu.memory_space<hbm>> -> memref<512x32xf32, #tpu.memory_space<hbm>>
    %dma_wait3A_683 = arith.constant 0 : i32
    %dma_wait3A_684 = arith.constant 0 : i32
    %dma_wait3A_685 = tpu.memref_slice %arg6[%dma_wait3A_671, %dma_wait3A_683, %dma_wait3A_684] : memref<2x512x32xf32, #tpu.memory_space<vmem>> -> memref<1x512x32xf32, #tpu.memory_space<vmem>>
    %dma_wait3A_686 = tpu.memref_squeeze %dma_wait3A_685 : memref<1x512x32xf32, #tpu.memory_space<vmem>> -> memref<512x32xf32, #tpu.memory_space<vmem>>
    tpu.wait_dma2 semaphore(%arg10 : memref<!tpu.dma_semaphore, #tpu.memory_space<semaphore_mem>>) src(%dma_wait3A_686 : memref<512x32xf32, #tpu.memory_space<vmem>>) dst(%dma_wait3A_682 : memref<512x32xf32, #tpu.memory_space<hbm>>)
    %dma_start3A_687 = arith.constant 0 : i32
    %dma_start3A_688 = arith.constant 0 : i32
    %dma_start3A_689 = arith.constant 0 : i32
    %dma_start3A_690 = tpu.memref_slice %arg6[%dma_start3A_687, %dma_start3A_688, %dma_start3A_689] : memref<2x512x32xf32, #tpu.memory_space<vmem>> -> memref<1x512x32xf32, #tpu.memory_space<vmem>>
    %dma_start3A_691 = tpu.memref_squeeze %dma_start3A_690 : memref<1x512x32xf32, #tpu.memory_space<vmem>> -> memref<512x32xf32, #tpu.memory_space<vmem>>
    %dma_start3A_692 = arith.constant 2048 : i32
    %dma_start3A_693 = tpu.memref_slice %arg5[%dma_start3A_692] : memref<13312xi32, #tpu.memory_space<vmem>> -> memref<512xi32, #tpu.memory_space<vmem>>
    %dma_start3A_694 = arith.constant 0 : i32
    %dma_start3A_695 = arith.constant 0 : i32
    %dma_start3A_696 = tpu.memref_slice %arg2[%dma_start3A_694, %dma_start3A_695] : memref<1000000x32xf32, #tpu.memory_space<hbm>> -> memref<1000000x32xf32, #tpu.memory_space<hbm>>
    tpu.enqueue_indirect_dma source(%dma_start3A_696 : memref<1000000x32xf32, #tpu.memory_space<hbm>>) target(%dma_start3A_691 : memref<512x32xf32, #tpu.memory_space<vmem>>) offsets(%dma_start3A_693 : memref<512xi32, #tpu.memory_space<vmem>>) semaphore(%arg8 : memref<!tpu.dma_semaphore, #tpu.memory_space<semaphore_mem>>)
    %dma_wait3A_697 = arith.constant 1 : i32
    %dma_wait3A_698 = arith.constant 0 : i32
    %dma_wait3A_699 = arith.constant 0 : i32
    %dma_wait3A_700 = tpu.memref_slice %arg6[%dma_wait3A_697, %dma_wait3A_698, %dma_wait3A_699] : memref<2x512x32xf32, #tpu.memory_space<vmem>> -> memref<1x512x32xf32, #tpu.memory_space<vmem>>
    %dma_wait3A_701 = tpu.memref_squeeze %dma_wait3A_700 : memref<1x512x32xf32, #tpu.memory_space<vmem>> -> memref<512x32xf32, #tpu.memory_space<vmem>>
    %dma_wait3A_702 = arith.constant 1536 : i32
    %dma_wait3A_703 = tpu.memref_slice %arg5[%dma_wait3A_702] : memref<13312xi32, #tpu.memory_space<vmem>> -> memref<512xi32, #tpu.memory_space<vmem>>
    %dma_wait3A_704 = arith.constant 0 : i32
    %dma_wait3A_705 = arith.constant 0 : i32
    %dma_wait3A_706 = tpu.memref_slice %arg2[%dma_wait3A_704, %dma_wait3A_705] : memref<1000000x32xf32, #tpu.memory_space<hbm>> -> memref<1000000x32xf32, #tpu.memory_space<hbm>>
    tpu.wait_indirect_dma semaphore(%arg9 : memref<!tpu.dma_semaphore, #tpu.memory_space<semaphore_mem>>) src(%dma_wait3A_706 : memref<1000000x32xf32, #tpu.memory_space<hbm>>) dst(%dma_wait3A_701 : memref<512x32xf32, #tpu.memory_space<vmem>>)
    %dma_start3A_707 = arith.constant 1 : i32
    %dma_start3A_708 = arith.constant 3 : i32
    %dma_start3A_709 = arith.constant 0 : i32
    %dma_start3A_710 = arith.constant 0 : i32
    %dma_start3A_711 = tpu.memref_slice %arg6[%dma_start3A_707, %dma_start3A_709, %dma_start3A_710] : memref<2x512x32xf32, #tpu.memory_space<vmem>> -> memref<1x512x32xf32, #tpu.memory_space<vmem>>
    %dma_start3A_712 = tpu.memref_squeeze %dma_start3A_711 : memref<1x512x32xf32, #tpu.memory_space<vmem>> -> memref<512x32xf32, #tpu.memory_space<vmem>>
    %dma_start3A_713 = arith.constant 0 : i32
    %dma_start3A_714 = tpu.memref_slice %arg4[%dma_start3A_708, %mul3A_2, %dma_start3A_713] : memref<26x16384x32xf32, #tpu.memory_space<hbm>> -> memref<1x512x32xf32, #tpu.memory_space<hbm>>
    %dma_start3A_715 = tpu.memref_squeeze %dma_start3A_714 : memref<1x512x32xf32, #tpu.memory_space<hbm>> -> memref<512x32xf32, #tpu.memory_space<hbm>>
    %dma_start3A_716 = arith.constant 0 : i32
    %dma_start3A_717 = tpu.memref_slice %arg4[%dma_start3A_708, %mul3A_2, %dma_start3A_716] : memref<26x16384x32xf32, #tpu.memory_space<hbm>> -> memref<1x512x32xf32, #tpu.memory_space<hbm>>
    %dma_start3A_718 = tpu.memref_squeeze %dma_start3A_717 : memref<1x512x32xf32, #tpu.memory_space<hbm>> -> memref<512x32xf32, #tpu.memory_space<hbm>>
    %dma_start3A_719 = arith.constant 0 : i32
    %dma_start3A_720 = arith.constant 0 : i32
    %dma_start3A_721 = tpu.memref_slice %arg6[%dma_start3A_707, %dma_start3A_719, %dma_start3A_720] : memref<2x512x32xf32, #tpu.memory_space<vmem>> -> memref<1x512x32xf32, #tpu.memory_space<vmem>>
    %dma_start3A_722 = tpu.memref_squeeze %dma_start3A_721 : memref<1x512x32xf32, #tpu.memory_space<vmem>> -> memref<512x32xf32, #tpu.memory_space<vmem>>
    tpu.enqueue_dma source(%dma_start3A_722 : memref<512x32xf32, #tpu.memory_space<vmem>>) target(%dma_start3A_718 : memref<512x32xf32, #tpu.memory_space<hbm>>) target_semaphore(%arg11 : memref<!tpu.dma_semaphore, #tpu.memory_space<semaphore_mem>>)
    %dma_wait3A_723 = arith.constant 1 : i32
    %dma_wait3A_724 = arith.constant 3 : i32
    %dma_wait3A_725 = arith.constant 0 : i32
    %dma_wait3A_726 = arith.constant 0 : i32
    %dma_wait3A_727 = tpu.memref_slice %arg6[%dma_wait3A_723, %dma_wait3A_725, %dma_wait3A_726] : memref<2x512x32xf32, #tpu.memory_space<vmem>> -> memref<1x512x32xf32, #tpu.memory_space<vmem>>
    %dma_wait3A_728 = tpu.memref_squeeze %dma_wait3A_727 : memref<1x512x32xf32, #tpu.memory_space<vmem>> -> memref<512x32xf32, #tpu.memory_space<vmem>>
    %dma_wait3A_729 = arith.constant 0 : i32
    %dma_wait3A_730 = tpu.memref_slice %arg4[%dma_wait3A_724, %mul3A_2, %dma_wait3A_729] : memref<26x16384x32xf32, #tpu.memory_space<hbm>> -> memref<1x512x32xf32, #tpu.memory_space<hbm>>
    %dma_wait3A_731 = tpu.memref_squeeze %dma_wait3A_730 : memref<1x512x32xf32, #tpu.memory_space<hbm>> -> memref<512x32xf32, #tpu.memory_space<hbm>>
    %dma_wait3A_732 = arith.constant 0 : i32
    %dma_wait3A_733 = tpu.memref_slice %arg4[%dma_wait3A_724, %mul3A_2, %dma_wait3A_732] : memref<26x16384x32xf32, #tpu.memory_space<hbm>> -> memref<1x512x32xf32, #tpu.memory_space<hbm>>
    %dma_wait3A_734 = tpu.memref_squeeze %dma_wait3A_733 : memref<1x512x32xf32, #tpu.memory_space<hbm>> -> memref<512x32xf32, #tpu.memory_space<hbm>>
    %dma_wait3A_735 = arith.constant 0 : i32
    %dma_wait3A_736 = arith.constant 0 : i32
    %dma_wait3A_737 = tpu.memref_slice %arg6[%dma_wait3A_723, %dma_wait3A_735, %dma_wait3A_736] : memref<2x512x32xf32, #tpu.memory_space<vmem>> -> memref<1x512x32xf32, #tpu.memory_space<vmem>>
    %dma_wait3A_738 = tpu.memref_squeeze %dma_wait3A_737 : memref<1x512x32xf32, #tpu.memory_space<vmem>> -> memref<512x32xf32, #tpu.memory_space<vmem>>
    tpu.wait_dma2 semaphore(%arg11 : memref<!tpu.dma_semaphore, #tpu.memory_space<semaphore_mem>>) src(%dma_wait3A_738 : memref<512x32xf32, #tpu.memory_space<vmem>>) dst(%dma_wait3A_734 : memref<512x32xf32, #tpu.memory_space<hbm>>)
    %dma_start3A_739 = arith.constant 1 : i32
    %dma_start3A_740 = arith.constant 0 : i32
    %dma_start3A_741 = arith.constant 0 : i32
    %dma_start3A_742 = tpu.memref_slice %arg6[%dma_start3A_739, %dma_start3A_740, %dma_start3A_741] : memref<2x512x32xf32, #tpu.memory_space<vmem>> -> memref<1x512x32xf32, #tpu.memory_space<vmem>>
    %dma_start3A_743 = tpu.memref_squeeze %dma_start3A_742 : memref<1x512x32xf32, #tpu.memory_space<vmem>> -> memref<512x32xf32, #tpu.memory_space<vmem>>
    %dma_start3A_744 = arith.constant 2560 : i32
    %dma_start3A_745 = tpu.memref_slice %arg5[%dma_start3A_744] : memref<13312xi32, #tpu.memory_space<vmem>> -> memref<512xi32, #tpu.memory_space<vmem>>
    %dma_start3A_746 = arith.constant 0 : i32
    %dma_start3A_747 = arith.constant 0 : i32
    %dma_start3A_748 = tpu.memref_slice %arg2[%dma_start3A_746, %dma_start3A_747] : memref<1000000x32xf32, #tpu.memory_space<hbm>> -> memref<1000000x32xf32, #tpu.memory_space<hbm>>
    tpu.enqueue_indirect_dma source(%dma_start3A_748 : memref<1000000x32xf32, #tpu.memory_space<hbm>>) target(%dma_start3A_743 : memref<512x32xf32, #tpu.memory_space<vmem>>) offsets(%dma_start3A_745 : memref<512xi32, #tpu.memory_space<vmem>>) semaphore(%arg9 : memref<!tpu.dma_semaphore, #tpu.memory_space<semaphore_mem>>)
    %dma_wait3A_749 = arith.constant 0 : i32
    %dma_wait3A_750 = arith.constant 0 : i32
    %dma_wait3A_751 = arith.constant 0 : i32
    %dma_wait3A_752 = tpu.memref_slice %arg6[%dma_wait3A_749, %dma_wait3A_750, %dma_wait3A_751] : memref<2x512x32xf32, #tpu.memory_space<vmem>> -> memref<1x512x32xf32, #tpu.memory_space<vmem>>
    %dma_wait3A_753 = tpu.memref_squeeze %dma_wait3A_752 : memref<1x512x32xf32, #tpu.memory_space<vmem>> -> memref<512x32xf32, #tpu.memory_space<vmem>>
    %dma_wait3A_754 = arith.constant 2048 : i32
    %dma_wait3A_755 = tpu.memref_slice %arg5[%dma_wait3A_754] : memref<13312xi32, #tpu.memory_space<vmem>> -> memref<512xi32, #tpu.memory_space<vmem>>
    %dma_wait3A_756 = arith.constant 0 : i32
    %dma_wait3A_757 = arith.constant 0 : i32
    %dma_wait3A_758 = tpu.memref_slice %arg2[%dma_wait3A_756, %dma_wait3A_757] : memref<1000000x32xf32, #tpu.memory_space<hbm>> -> memref<1000000x32xf32, #tpu.memory_space<hbm>>
    tpu.wait_indirect_dma semaphore(%arg8 : memref<!tpu.dma_semaphore, #tpu.memory_space<semaphore_mem>>) src(%dma_wait3A_758 : memref<1000000x32xf32, #tpu.memory_space<hbm>>) dst(%dma_wait3A_753 : memref<512x32xf32, #tpu.memory_space<vmem>>)
    %dma_start3A_759 = arith.constant 0 : i32
    %dma_start3A_760 = arith.constant 4 : i32
    %dma_start3A_761 = arith.constant 0 : i32
    %dma_start3A_762 = arith.constant 0 : i32
    %dma_start3A_763 = tpu.memref_slice %arg6[%dma_start3A_759, %dma_start3A_761, %dma_start3A_762] : memref<2x512x32xf32, #tpu.memory_space<vmem>> -> memref<1x512x32xf32, #tpu.memory_space<vmem>>
    %dma_start3A_764 = tpu.memref_squeeze %dma_start3A_763 : memref<1x512x32xf32, #tpu.memory_space<vmem>> -> memref<512x32xf32, #tpu.memory_space<vmem>>
    %dma_start3A_765 = arith.constant 0 : i32
    %dma_start3A_766 = tpu.memref_slice %arg4[%dma_start3A_760, %mul3A_2, %dma_start3A_765] : memref<26x16384x32xf32, #tpu.memory_space<hbm>> -> memref<1x512x32xf32, #tpu.memory_space<hbm>>
    %dma_start3A_767 = tpu.memref_squeeze %dma_start3A_766 : memref<1x512x32xf32, #tpu.memory_space<hbm>> -> memref<512x32xf32, #tpu.memory_space<hbm>>
    %dma_start3A_768 = arith.constant 0 : i32
    %dma_start3A_769 = tpu.memref_slice %arg4[%dma_start3A_760, %mul3A_2, %dma_start3A_768] : memref<26x16384x32xf32, #tpu.memory_space<hbm>> -> memref<1x512x32xf32, #tpu.memory_space<hbm>>
    %dma_start3A_770 = tpu.memref_squeeze %dma_start3A_769 : memref<1x512x32xf32, #tpu.memory_space<hbm>> -> memref<512x32xf32, #tpu.memory_space<hbm>>
    %dma_start3A_771 = arith.constant 0 : i32
    %dma_start3A_772 = arith.constant 0 : i32
    %dma_start3A_773 = tpu.memref_slice %arg6[%dma_start3A_759, %dma_start3A_771, %dma_start3A_772] : memref<2x512x32xf32, #tpu.memory_space<vmem>> -> memref<1x512x32xf32, #tpu.memory_space<vmem>>
    %dma_start3A_774 = tpu.memref_squeeze %dma_start3A_773 : memref<1x512x32xf32, #tpu.memory_space<vmem>> -> memref<512x32xf32, #tpu.memory_space<vmem>>
    tpu.enqueue_dma source(%dma_start3A_774 : memref<512x32xf32, #tpu.memory_space<vmem>>) target(%dma_start3A_770 : memref<512x32xf32, #tpu.memory_space<hbm>>) target_semaphore(%arg10 : memref<!tpu.dma_semaphore, #tpu.memory_space<semaphore_mem>>)
    %dma_wait3A_775 = arith.constant 0 : i32
    %dma_wait3A_776 = arith.constant 4 : i32
    %dma_wait3A_777 = arith.constant 0 : i32
    %dma_wait3A_778 = arith.constant 0 : i32
    %dma_wait3A_779 = tpu.memref_slice %arg6[%dma_wait3A_775, %dma_wait3A_777, %dma_wait3A_778] : memref<2x512x32xf32, #tpu.memory_space<vmem>> -> memref<1x512x32xf32, #tpu.memory_space<vmem>>
    %dma_wait3A_780 = tpu.memref_squeeze %dma_wait3A_779 : memref<1x512x32xf32, #tpu.memory_space<vmem>> -> memref<512x32xf32, #tpu.memory_space<vmem>>
    %dma_wait3A_781 = arith.constant 0 : i32
    %dma_wait3A_782 = tpu.memref_slice %arg4[%dma_wait3A_776, %mul3A_2, %dma_wait3A_781] : memref<26x16384x32xf32, #tpu.memory_space<hbm>> -> memref<1x512x32xf32, #tpu.memory_space<hbm>>
    %dma_wait3A_783 = tpu.memref_squeeze %dma_wait3A_782 : memref<1x512x32xf32, #tpu.memory_space<hbm>> -> memref<512x32xf32, #tpu.memory_space<hbm>>
    %dma_wait3A_784 = arith.constant 0 : i32
    %dma_wait3A_785 = tpu.memref_slice %arg4[%dma_wait3A_776, %mul3A_2, %dma_wait3A_784] : memref<26x16384x32xf32, #tpu.memory_space<hbm>> -> memref<1x512x32xf32, #tpu.memory_space<hbm>>
    %dma_wait3A_786 = tpu.memref_squeeze %dma_wait3A_785 : memref<1x512x32xf32, #tpu.memory_space<hbm>> -> memref<512x32xf32, #tpu.memory_space<hbm>>
    %dma_wait3A_787 = arith.constant 0 : i32
    %dma_wait3A_788 = arith.constant 0 : i32
    %dma_wait3A_789 = tpu.memref_slice %arg6[%dma_wait3A_775, %dma_wait3A_787, %dma_wait3A_788] : memref<2x512x32xf32, #tpu.memory_space<vmem>> -> memref<1x512x32xf32, #tpu.memory_space<vmem>>
    %dma_wait3A_790 = tpu.memref_squeeze %dma_wait3A_789 : memref<1x512x32xf32, #tpu.memory_space<vmem>> -> memref<512x32xf32, #tpu.memory_space<vmem>>
    tpu.wait_dma2 semaphore(%arg10 : memref<!tpu.dma_semaphore, #tpu.memory_space<semaphore_mem>>) src(%dma_wait3A_790 : memref<512x32xf32, #tpu.memory_space<vmem>>) dst(%dma_wait3A_786 : memref<512x32xf32, #tpu.memory_space<hbm>>)
    %dma_start3A_791 = arith.constant 0 : i32
    %dma_start3A_792 = arith.constant 0 : i32
    %dma_start3A_793 = arith.constant 0 : i32
    %dma_start3A_794 = tpu.memref_slice %arg6[%dma_start3A_791, %dma_start3A_792, %dma_start3A_793] : memref<2x512x32xf32, #tpu.memory_space<vmem>> -> memref<1x512x32xf32, #tpu.memory_space<vmem>>
    %dma_start3A_795 = tpu.memref_squeeze %dma_start3A_794 : memref<1x512x32xf32, #tpu.memory_space<vmem>> -> memref<512x32xf32, #tpu.memory_space<vmem>>
    %dma_start3A_796 = arith.constant 3072 : i32
    %dma_start3A_797 = tpu.memref_slice %arg5[%dma_start3A_796] : memref<13312xi32, #tpu.memory_space<vmem>> -> memref<512xi32, #tpu.memory_space<vmem>>
    %dma_start3A_798 = arith.constant 0 : i32
    %dma_start3A_799 = arith.constant 0 : i32
    %dma_start3A_800 = tpu.memref_slice %arg2[%dma_start3A_798, %dma_start3A_799] : memref<1000000x32xf32, #tpu.memory_space<hbm>> -> memref<1000000x32xf32, #tpu.memory_space<hbm>>
    tpu.enqueue_indirect_dma source(%dma_start3A_800 : memref<1000000x32xf32, #tpu.memory_space<hbm>>) target(%dma_start3A_795 : memref<512x32xf32, #tpu.memory_space<vmem>>) offsets(%dma_start3A_797 : memref<512xi32, #tpu.memory_space<vmem>>) semaphore(%arg8 : memref<!tpu.dma_semaphore, #tpu.memory_space<semaphore_mem>>)
    %dma_wait3A_801 = arith.constant 1 : i32
    %dma_wait3A_802 = arith.constant 0 : i32
    %dma_wait3A_803 = arith.constant 0 : i32
    %dma_wait3A_804 = tpu.memref_slice %arg6[%dma_wait3A_801, %dma_wait3A_802, %dma_wait3A_803] : memref<2x512x32xf32, #tpu.memory_space<vmem>> -> memref<1x512x32xf32, #tpu.memory_space<vmem>>
    %dma_wait3A_805 = tpu.memref_squeeze %dma_wait3A_804 : memref<1x512x32xf32, #tpu.memory_space<vmem>> -> memref<512x32xf32, #tpu.memory_space<vmem>>
    %dma_wait3A_806 = arith.constant 2560 : i32
    %dma_wait3A_807 = tpu.memref_slice %arg5[%dma_wait3A_806] : memref<13312xi32, #tpu.memory_space<vmem>> -> memref<512xi32, #tpu.memory_space<vmem>>
    %dma_wait3A_808 = arith.constant 0 : i32
    %dma_wait3A_809 = arith.constant 0 : i32
    %dma_wait3A_810 = tpu.memref_slice %arg2[%dma_wait3A_808, %dma_wait3A_809] : memref<1000000x32xf32, #tpu.memory_space<hbm>> -> memref<1000000x32xf32, #tpu.memory_space<hbm>>
    tpu.wait_indirect_dma semaphore(%arg9 : memref<!tpu.dma_semaphore, #tpu.memory_space<semaphore_mem>>) src(%dma_wait3A_810 : memref<1000000x32xf32, #tpu.memory_space<hbm>>) dst(%dma_wait3A_805 : memref<512x32xf32, #tpu.memory_space<vmem>>)
    %dma_start3A_811 = arith.constant 1 : i32
    %dma_start3A_812 = arith.constant 5 : i32
    %dma_start3A_813 = arith.constant 0 : i32
    %dma_start3A_814 = arith.constant 0 : i32
    %dma_start3A_815 = tpu.memref_slice %arg6[%dma_start3A_811, %dma_start3A_813, %dma_start3A_814] : memref<2x512x32xf32, #tpu.memory_space<vmem>> -> memref<1x512x32xf32, #tpu.memory_space<vmem>>
    %dma_start3A_816 = tpu.memref_squeeze %dma_start3A_815 : memref<1x512x32xf32, #tpu.memory_space<vmem>> -> memref<512x32xf32, #tpu.memory_space<vmem>>
    %dma_start3A_817 = arith.constant 0 : i32
    %dma_start3A_818 = tpu.memref_slice %arg4[%dma_start3A_812, %mul3A_2, %dma_start3A_817] : memref<26x16384x32xf32, #tpu.memory_space<hbm>> -> memref<1x512x32xf32, #tpu.memory_space<hbm>>
    %dma_start3A_819 = tpu.memref_squeeze %dma_start3A_818 : memref<1x512x32xf32, #tpu.memory_space<hbm>> -> memref<512x32xf32, #tpu.memory_space<hbm>>
    %dma_start3A_820 = arith.constant 0 : i32
    %dma_start3A_821 = tpu.memref_slice %arg4[%dma_start3A_812, %mul3A_2, %dma_start3A_820] : memref<26x16384x32xf32, #tpu.memory_space<hbm>> -> memref<1x512x32xf32, #tpu.memory_space<hbm>>
    %dma_start3A_822 = tpu.memref_squeeze %dma_start3A_821 : memref<1x512x32xf32, #tpu.memory_space<hbm>> -> memref<512x32xf32, #tpu.memory_space<hbm>>
    %dma_start3A_823 = arith.constant 0 : i32
    %dma_start3A_824 = arith.constant 0 : i32
    %dma_start3A_825 = tpu.memref_slice %arg6[%dma_start3A_811, %dma_start3A_823, %dma_start3A_824] : memref<2x512x32xf32, #tpu.memory_space<vmem>> -> memref<1x512x32xf32, #tpu.memory_space<vmem>>
    %dma_start3A_826 = tpu.memref_squeeze %dma_start3A_825 : memref<1x512x32xf32, #tpu.memory_space<vmem>> -> memref<512x32xf32, #tpu.memory_space<vmem>>
    tpu.enqueue_dma source(%dma_start3A_826 : memref<512x32xf32, #tpu.memory_space<vmem>>) target(%dma_start3A_822 : memref<512x32xf32, #tpu.memory_space<hbm>>) target_semaphore(%arg11 : memref<!tpu.dma_semaphore, #tpu.memory_space<semaphore_mem>>)
    %dma_wait3A_827 = arith.constant 1 : i32
    %dma_wait3A_828 = arith.constant 5 : i32
    %dma_wait3A_829 = arith.constant 0 : i32
    %dma_wait3A_830 = arith.constant 0 : i32
    %dma_wait3A_831 = tpu.memref_slice %arg6[%dma_wait3A_827, %dma_wait3A_829, %dma_wait3A_830] : memref<2x512x32xf32, #tpu.memory_space<vmem>> -> memref<1x512x32xf32, #tpu.memory_space<vmem>>
    %dma_wait3A_832 = tpu.memref_squeeze %dma_wait3A_831 : memref<1x512x32xf32, #tpu.memory_space<vmem>> -> memref<512x32xf32, #tpu.memory_space<vmem>>
    %dma_wait3A_833 = arith.constant 0 : i32
    %dma_wait3A_834 = tpu.memref_slice %arg4[%dma_wait3A_828, %mul3A_2, %dma_wait3A_833] : memref<26x16384x32xf32, #tpu.memory_space<hbm>> -> memref<1x512x32xf32, #tpu.memory_space<hbm>>
    %dma_wait3A_835 = tpu.memref_squeeze %dma_wait3A_834 : memref<1x512x32xf32, #tpu.memory_space<hbm>> -> memref<512x32xf32, #tpu.memory_space<hbm>>
    %dma_wait3A_836 = arith.constant 0 : i32
    %dma_wait3A_837 = tpu.memref_slice %arg4[%dma_wait3A_828, %mul3A_2, %dma_wait3A_836] : memref<26x16384x32xf32, #tpu.memory_space<hbm>> -> memref<1x512x32xf32, #tpu.memory_space<hbm>>
    %dma_wait3A_838 = tpu.memref_squeeze %dma_wait3A_837 : memref<1x512x32xf32, #tpu.memory_space<hbm>> -> memref<512x32xf32, #tpu.memory_space<hbm>>
    %dma_wait3A_839 = arith.constant 0 : i32
    %dma_wait3A_840 = arith.constant 0 : i32
    %dma_wait3A_841 = tpu.memref_slice %arg6[%dma_wait3A_827, %dma_wait3A_839, %dma_wait3A_840] : memref<2x512x32xf32, #tpu.memory_space<vmem>> -> memref<1x512x32xf32, #tpu.memory_space<vmem>>
    %dma_wait3A_842 = tpu.memref_squeeze %dma_wait3A_841 : memref<1x512x32xf32, #tpu.memory_space<vmem>> -> memref<512x32xf32, #tpu.memory_space<vmem>>
    tpu.wait_dma2 semaphore(%arg11 : memref<!tpu.dma_semaphore, #tpu.memory_space<semaphore_mem>>) src(%dma_wait3A_842 : memref<512x32xf32, #tpu.memory_space<vmem>>) dst(%dma_wait3A_838 : memref<512x32xf32, #tpu.memory_space<hbm>>)
    %dma_start3A_843 = arith.constant 1 : i32
    %dma_start3A_844 = arith.constant 0 : i32
    %dma_start3A_845 = arith.constant 0 : i32
    %dma_start3A_846 = tpu.memref_slice %arg6[%dma_start3A_843, %dma_start3A_844, %dma_start3A_845] : memref<2x512x32xf32, #tpu.memory_space<vmem>> -> memref<1x512x32xf32, #tpu.memory_space<vmem>>
    %dma_start3A_847 = tpu.memref_squeeze %dma_start3A_846 : memref<1x512x32xf32, #tpu.memory_space<vmem>> -> memref<512x32xf32, #tpu.memory_space<vmem>>
    %dma_start3A_848 = arith.constant 3584 : i32
    %dma_start3A_849 = tpu.memref_slice %arg5[%dma_start3A_848] : memref<13312xi32, #tpu.memory_space<vmem>> -> memref<512xi32, #tpu.memory_space<vmem>>
    %dma_start3A_850 = arith.constant 0 : i32
    %dma_start3A_851 = arith.constant 0 : i32
    %dma_start3A_852 = tpu.memref_slice %arg2[%dma_start3A_850, %dma_start3A_851] : memref<1000000x32xf32, #tpu.memory_space<hbm>> -> memref<1000000x32xf32, #tpu.memory_space<hbm>>
    tpu.enqueue_indirect_dma source(%dma_start3A_852 : memref<1000000x32xf32, #tpu.memory_space<hbm>>) target(%dma_start3A_847 : memref<512x32xf32, #tpu.memory_space<vmem>>) offsets(%dma_start3A_849 : memref<512xi32, #tpu.memory_space<vmem>>) semaphore(%arg9 : memref<!tpu.dma_semaphore, #tpu.memory_space<semaphore_mem>>)
    %dma_wait3A_853 = arith.constant 0 : i32
    %dma_wait3A_854 = arith.constant 0 : i32
    %dma_wait3A_855 = arith.constant 0 : i32
    %dma_wait3A_856 = tpu.memref_slice %arg6[%dma_wait3A_853, %dma_wait3A_854, %dma_wait3A_855] : memref<2x512x32xf32, #tpu.memory_space<vmem>> -> memref<1x512x32xf32, #tpu.memory_space<vmem>>
    %dma_wait3A_857 = tpu.memref_squeeze %dma_wait3A_856 : memref<1x512x32xf32, #tpu.memory_space<vmem>> -> memref<512x32xf32, #tpu.memory_space<vmem>>
    %dma_wait3A_858 = arith.constant 3072 : i32
    %dma_wait3A_859 = tpu.memref_slice %arg5[%dma_wait3A_858] : memref<13312xi32, #tpu.memory_space<vmem>> -> memref<512xi32, #tpu.memory_space<vmem>>
    %dma_wait3A_860 = arith.constant 0 : i32
    %dma_wait3A_861 = arith.constant 0 : i32
    %dma_wait3A_862 = tpu.memref_slice %arg2[%dma_wait3A_860, %dma_wait3A_861] : memref<1000000x32xf32, #tpu.memory_space<hbm>> -> memref<1000000x32xf32, #tpu.memory_space<hbm>>
    tpu.wait_indirect_dma semaphore(%arg8 : memref<!tpu.dma_semaphore, #tpu.memory_space<semaphore_mem>>) src(%dma_wait3A_862 : memref<1000000x32xf32, #tpu.memory_space<hbm>>) dst(%dma_wait3A_857 : memref<512x32xf32, #tpu.memory_space<vmem>>)
    %dma_start3A_863 = arith.constant 0 : i32
    %dma_start3A_864 = arith.constant 6 : i32
    %dma_start3A_865 = arith.constant 0 : i32
    %dma_start3A_866 = arith.constant 0 : i32
    %dma_start3A_867 = tpu.memref_slice %arg6[%dma_start3A_863, %dma_start3A_865, %dma_start3A_866] : memref<2x512x32xf32, #tpu.memory_space<vmem>> -> memref<1x512x32xf32, #tpu.memory_space<vmem>>
    %dma_start3A_868 = tpu.memref_squeeze %dma_start3A_867 : memref<1x512x32xf32, #tpu.memory_space<vmem>> -> memref<512x32xf32, #tpu.memory_space<vmem>>
    %dma_start3A_869 = arith.constant 0 : i32
    %dma_start3A_870 = tpu.memref_slice %arg4[%dma_start3A_864, %mul3A_2, %dma_start3A_869] : memref<26x16384x32xf32, #tpu.memory_space<hbm>> -> memref<1x512x32xf32, #tpu.memory_space<hbm>>
    %dma_start3A_871 = tpu.memref_squeeze %dma_start3A_870 : memref<1x512x32xf32, #tpu.memory_space<hbm>> -> memref<512x32xf32, #tpu.memory_space<hbm>>
    %dma_start3A_872 = arith.constant 0 : i32
    %dma_start3A_873 = tpu.memref_slice %arg4[%dma_start3A_864, %mul3A_2, %dma_start3A_872] : memref<26x16384x32xf32, #tpu.memory_space<hbm>> -> memref<1x512x32xf32, #tpu.memory_space<hbm>>
    %dma_start3A_874 = tpu.memref_squeeze %dma_start3A_873 : memref<1x512x32xf32, #tpu.memory_space<hbm>> -> memref<512x32xf32, #tpu.memory_space<hbm>>
    %dma_start3A_875 = arith.constant 0 : i32
    %dma_start3A_876 = arith.constant 0 : i32
    %dma_start3A_877 = tpu.memref_slice %arg6[%dma_start3A_863, %dma_start3A_875, %dma_start3A_876] : memref<2x512x32xf32, #tpu.memory_space<vmem>> -> memref<1x512x32xf32, #tpu.memory_space<vmem>>
    %dma_start3A_878 = tpu.memref_squeeze %dma_start3A_877 : memref<1x512x32xf32, #tpu.memory_space<vmem>> -> memref<512x32xf32, #tpu.memory_space<vmem>>
    tpu.enqueue_dma source(%dma_start3A_878 : memref<512x32xf32, #tpu.memory_space<vmem>>) target(%dma_start3A_874 : memref<512x32xf32, #tpu.memory_space<hbm>>) target_semaphore(%arg10 : memref<!tpu.dma_semaphore, #tpu.memory_space<semaphore_mem>>)
    %dma_wait3A_879 = arith.constant 0 : i32
    %dma_wait3A_880 = arith.constant 6 : i32
    %dma_wait3A_881 = arith.constant 0 : i32
    %dma_wait3A_882 = arith.constant 0 : i32
    %dma_wait3A_883 = tpu.memref_slice %arg6[%dma_wait3A_879, %dma_wait3A_881, %dma_wait3A_882] : memref<2x512x32xf32, #tpu.memory_space<vmem>> -> memref<1x512x32xf32, #tpu.memory_space<vmem>>
    %dma_wait3A_884 = tpu.memref_squeeze %dma_wait3A_883 : memref<1x512x32xf32, #tpu.memory_space<vmem>> -> memref<512x32xf32, #tpu.memory_space<vmem>>
    %dma_wait3A_885 = arith.constant 0 : i32
    %dma_wait3A_886 = tpu.memref_slice %arg4[%dma_wait3A_880, %mul3A_2, %dma_wait3A_885] : memref<26x16384x32xf32, #tpu.memory_space<hbm>> -> memref<1x512x32xf32, #tpu.memory_space<hbm>>
    %dma_wait3A_887 = tpu.memref_squeeze %dma_wait3A_886 : memref<1x512x32xf32, #tpu.memory_space<hbm>> -> memref<512x32xf32, #tpu.memory_space<hbm>>
    %dma_wait3A_888 = arith.constant 0 : i32
    %dma_wait3A_889 = tpu.memref_slice %arg4[%dma_wait3A_880, %mul3A_2, %dma_wait3A_888] : memref<26x16384x32xf32, #tpu.memory_space<hbm>> -> memref<1x512x32xf32, #tpu.memory_space<hbm>>
    %dma_wait3A_890 = tpu.memref_squeeze %dma_wait3A_889 : memref<1x512x32xf32, #tpu.memory_space<hbm>> -> memref<512x32xf32, #tpu.memory_space<hbm>>
    %dma_wait3A_891 = arith.constant 0 : i32
    %dma_wait3A_892 = arith.constant 0 : i32
    %dma_wait3A_893 = tpu.memref_slice %arg6[%dma_wait3A_879, %dma_wait3A_891, %dma_wait3A_892] : memref<2x512x32xf32, #tpu.memory_space<vmem>> -> memref<1x512x32xf32, #tpu.memory_space<vmem>>
    %dma_wait3A_894 = tpu.memref_squeeze %dma_wait3A_893 : memref<1x512x32xf32, #tpu.memory_space<vmem>> -> memref<512x32xf32, #tpu.memory_space<vmem>>
    tpu.wait_dma2 semaphore(%arg10 : memref<!tpu.dma_semaphore, #tpu.memory_space<semaphore_mem>>) src(%dma_wait3A_894 : memref<512x32xf32, #tpu.memory_space<vmem>>) dst(%dma_wait3A_890 : memref<512x32xf32, #tpu.memory_space<hbm>>)
    %dma_start3A_895 = arith.constant 0 : i32
    %dma_start3A_896 = arith.constant 0 : i32
    %dma_start3A_897 = arith.constant 0 : i32
    %dma_start3A_898 = tpu.memref_slice %arg6[%dma_start3A_895, %dma_start3A_896, %dma_start3A_897] : memref<2x512x32xf32, #tpu.memory_space<vmem>> -> memref<1x512x32xf32, #tpu.memory_space<vmem>>
    %dma_start3A_899 = tpu.memref_squeeze %dma_start3A_898 : memref<1x512x32xf32, #tpu.memory_space<vmem>> -> memref<512x32xf32, #tpu.memory_space<vmem>>
    %dma_start3A_900 = arith.constant 4096 : i32
    %dma_start3A_901 = tpu.memref_slice %arg5[%dma_start3A_900] : memref<13312xi32, #tpu.memory_space<vmem>> -> memref<512xi32, #tpu.memory_space<vmem>>
    %dma_start3A_902 = arith.constant 0 : i32
    %dma_start3A_903 = arith.constant 0 : i32
    %dma_start3A_904 = tpu.memref_slice %arg2[%dma_start3A_902, %dma_start3A_903] : memref<1000000x32xf32, #tpu.memory_space<hbm>> -> memref<1000000x32xf32, #tpu.memory_space<hbm>>
    tpu.enqueue_indirect_dma source(%dma_start3A_904 : memref<1000000x32xf32, #tpu.memory_space<hbm>>) target(%dma_start3A_899 : memref<512x32xf32, #tpu.memory_space<vmem>>) offsets(%dma_start3A_901 : memref<512xi32, #tpu.memory_space<vmem>>) semaphore(%arg8 : memref<!tpu.dma_semaphore, #tpu.memory_space<semaphore_mem>>)
    %dma_wait3A_905 = arith.constant 1 : i32
    %dma_wait3A_906 = arith.constant 0 : i32
    %dma_wait3A_907 = arith.constant 0 : i32
    %dma_wait3A_908 = tpu.memref_slice %arg6[%dma_wait3A_905, %dma_wait3A_906, %dma_wait3A_907] : memref<2x512x32xf32, #tpu.memory_space<vmem>> -> memref<1x512x32xf32, #tpu.memory_space<vmem>>
    %dma_wait3A_909 = tpu.memref_squeeze %dma_wait3A_908 : memref<1x512x32xf32, #tpu.memory_space<vmem>> -> memref<512x32xf32, #tpu.memory_space<vmem>>
    %dma_wait3A_910 = arith.constant 3584 : i32
    %dma_wait3A_911 = tpu.memref_slice %arg5[%dma_wait3A_910] : memref<13312xi32, #tpu.memory_space<vmem>> -> memref<512xi32, #tpu.memory_space<vmem>>
    %dma_wait3A_912 = arith.constant 0 : i32
    %dma_wait3A_913 = arith.constant 0 : i32
    %dma_wait3A_914 = tpu.memref_slice %arg2[%dma_wait3A_912, %dma_wait3A_913] : memref<1000000x32xf32, #tpu.memory_space<hbm>> -> memref<1000000x32xf32, #tpu.memory_space<hbm>>
    tpu.wait_indirect_dma semaphore(%arg9 : memref<!tpu.dma_semaphore, #tpu.memory_space<semaphore_mem>>) src(%dma_wait3A_914 : memref<1000000x32xf32, #tpu.memory_space<hbm>>) dst(%dma_wait3A_909 : memref<512x32xf32, #tpu.memory_space<vmem>>)
    %dma_start3A_915 = arith.constant 1 : i32
    %dma_start3A_916 = arith.constant 7 : i32
    %dma_start3A_917 = arith.constant 0 : i32
    %dma_start3A_918 = arith.constant 0 : i32
    %dma_start3A_919 = tpu.memref_slice %arg6[%dma_start3A_915, %dma_start3A_917, %dma_start3A_918] : memref<2x512x32xf32, #tpu.memory_space<vmem>> -> memref<1x512x32xf32, #tpu.memory_space<vmem>>
    %dma_start3A_920 = tpu.memref_squeeze %dma_start3A_919 : memref<1x512x32xf32, #tpu.memory_space<vmem>> -> memref<512x32xf32, #tpu.memory_space<vmem>>
    %dma_start3A_921 = arith.constant 0 : i32
    %dma_start3A_922 = tpu.memref_slice %arg4[%dma_start3A_916, %mul3A_2, %dma_start3A_921] : memref<26x16384x32xf32, #tpu.memory_space<hbm>> -> memref<1x512x32xf32, #tpu.memory_space<hbm>>
    %dma_start3A_923 = tpu.memref_squeeze %dma_start3A_922 : memref<1x512x32xf32, #tpu.memory_space<hbm>> -> memref<512x32xf32, #tpu.memory_space<hbm>>
    %dma_start3A_924 = arith.constant 0 : i32
    %dma_start3A_925 = tpu.memref_slice %arg4[%dma_start3A_916, %mul3A_2, %dma_start3A_924] : memref<26x16384x32xf32, #tpu.memory_space<hbm>> -> memref<1x512x32xf32, #tpu.memory_space<hbm>>
    %dma_start3A_926 = tpu.memref_squeeze %dma_start3A_925 : memref<1x512x32xf32, #tpu.memory_space<hbm>> -> memref<512x32xf32, #tpu.memory_space<hbm>>
    %dma_start3A_927 = arith.constant 0 : i32
    %dma_start3A_928 = arith.constant 0 : i32
    %dma_start3A_929 = tpu.memref_slice %arg6[%dma_start3A_915, %dma_start3A_927, %dma_start3A_928] : memref<2x512x32xf32, #tpu.memory_space<vmem>> -> memref<1x512x32xf32, #tpu.memory_space<vmem>>
    %dma_start3A_930 = tpu.memref_squeeze %dma_start3A_929 : memref<1x512x32xf32, #tpu.memory_space<vmem>> -> memref<512x32xf32, #tpu.memory_space<vmem>>
    tpu.enqueue_dma source(%dma_start3A_930 : memref<512x32xf32, #tpu.memory_space<vmem>>) target(%dma_start3A_926 : memref<512x32xf32, #tpu.memory_space<hbm>>) target_semaphore(%arg11 : memref<!tpu.dma_semaphore, #tpu.memory_space<semaphore_mem>>)
    %dma_wait3A_931 = arith.constant 1 : i32
    %dma_wait3A_932 = arith.constant 7 : i32
    %dma_wait3A_933 = arith.constant 0 : i32
    %dma_wait3A_934 = arith.constant 0 : i32
    %dma_wait3A_935 = tpu.memref_slice %arg6[%dma_wait3A_931, %dma_wait3A_933, %dma_wait3A_934] : memref<2x512x32xf32, #tpu.memory_space<vmem>> -> memref<1x512x32xf32, #tpu.memory_space<vmem>>
    %dma_wait3A_936 = tpu.memref_squeeze %dma_wait3A_935 : memref<1x512x32xf32, #tpu.memory_space<vmem>> -> memref<512x32xf32, #tpu.memory_space<vmem>>
    %dma_wait3A_937 = arith.constant 0 : i32
    %dma_wait3A_938 = tpu.memref_slice %arg4[%dma_wait3A_932, %mul3A_2, %dma_wait3A_937] : memref<26x16384x32xf32, #tpu.memory_space<hbm>> -> memref<1x512x32xf32, #tpu.memory_space<hbm>>
    %dma_wait3A_939 = tpu.memref_squeeze %dma_wait3A_938 : memref<1x512x32xf32, #tpu.memory_space<hbm>> -> memref<512x32xf32, #tpu.memory_space<hbm>>
    %dma_wait3A_940 = arith.constant 0 : i32
    %dma_wait3A_941 = tpu.memref_slice %arg4[%dma_wait3A_932, %mul3A_2, %dma_wait3A_940] : memref<26x16384x32xf32, #tpu.memory_space<hbm>> -> memref<1x512x32xf32, #tpu.memory_space<hbm>>
    %dma_wait3A_942 = tpu.memref_squeeze %dma_wait3A_941 : memref<1x512x32xf32, #tpu.memory_space<hbm>> -> memref<512x32xf32, #tpu.memory_space<hbm>>
    %dma_wait3A_943 = arith.constant 0 : i32
    %dma_wait3A_944 = arith.constant 0 : i32
    %dma_wait3A_945 = tpu.memref_slice %arg6[%dma_wait3A_931, %dma_wait3A_943, %dma_wait3A_944] : memref<2x512x32xf32, #tpu.memory_space<vmem>> -> memref<1x512x32xf32, #tpu.memory_space<vmem>>
    %dma_wait3A_946 = tpu.memref_squeeze %dma_wait3A_945 : memref<1x512x32xf32, #tpu.memory_space<vmem>> -> memref<512x32xf32, #tpu.memory_space<vmem>>
    tpu.wait_dma2 semaphore(%arg11 : memref<!tpu.dma_semaphore, #tpu.memory_space<semaphore_mem>>) src(%dma_wait3A_946 : memref<512x32xf32, #tpu.memory_space<vmem>>) dst(%dma_wait3A_942 : memref<512x32xf32, #tpu.memory_space<hbm>>)
    %dma_start3A_947 = arith.constant 1 : i32
    %dma_start3A_948 = arith.constant 0 : i32
    %dma_start3A_949 = arith.constant 0 : i32
    %dma_start3A_950 = tpu.memref_slice %arg6[%dma_start3A_947, %dma_start3A_948, %dma_start3A_949] : memref<2x512x32xf32, #tpu.memory_space<vmem>> -> memref<1x512x32xf32, #tpu.memory_space<vmem>>
    %dma_start3A_951 = tpu.memref_squeeze %dma_start3A_950 : memref<1x512x32xf32, #tpu.memory_space<vmem>> -> memref<512x32xf32, #tpu.memory_space<vmem>>
    %dma_start3A_952 = arith.constant 4608 : i32
    %dma_start3A_953 = tpu.memref_slice %arg5[%dma_start3A_952] : memref<13312xi32, #tpu.memory_space<vmem>> -> memref<512xi32, #tpu.memory_space<vmem>>
    %dma_start3A_954 = arith.constant 0 : i32
    %dma_start3A_955 = arith.constant 0 : i32
    %dma_start3A_956 = tpu.memref_slice %arg2[%dma_start3A_954, %dma_start3A_955] : memref<1000000x32xf32, #tpu.memory_space<hbm>> -> memref<1000000x32xf32, #tpu.memory_space<hbm>>
    tpu.enqueue_indirect_dma source(%dma_start3A_956 : memref<1000000x32xf32, #tpu.memory_space<hbm>>) target(%dma_start3A_951 : memref<512x32xf32, #tpu.memory_space<vmem>>) offsets(%dma_start3A_953 : memref<512xi32, #tpu.memory_space<vmem>>) semaphore(%arg9 : memref<!tpu.dma_semaphore, #tpu.memory_space<semaphore_mem>>)
    %dma_wait3A_957 = arith.constant 0 : i32
    %dma_wait3A_958 = arith.constant 0 : i32
    %dma_wait3A_959 = arith.constant 0 : i32
    %dma_wait3A_960 = tpu.memref_slice %arg6[%dma_wait3A_957, %dma_wait3A_958, %dma_wait3A_959] : memref<2x512x32xf32, #tpu.memory_space<vmem>> -> memref<1x512x32xf32, #tpu.memory_space<vmem>>
    %dma_wait3A_961 = tpu.memref_squeeze %dma_wait3A_960 : memref<1x512x32xf32, #tpu.memory_space<vmem>> -> memref<512x32xf32, #tpu.memory_space<vmem>>
    %dma_wait3A_962 = arith.constant 4096 : i32
    %dma_wait3A_963 = tpu.memref_slice %arg5[%dma_wait3A_962] : memref<13312xi32, #tpu.memory_space<vmem>> -> memref<512xi32, #tpu.memory_space<vmem>>
    %dma_wait3A_964 = arith.constant 0 : i32
    %dma_wait3A_965 = arith.constant 0 : i32
    %dma_wait3A_966 = tpu.memref_slice %arg2[%dma_wait3A_964, %dma_wait3A_965] : memref<1000000x32xf32, #tpu.memory_space<hbm>> -> memref<1000000x32xf32, #tpu.memory_space<hbm>>
    tpu.wait_indirect_dma semaphore(%arg8 : memref<!tpu.dma_semaphore, #tpu.memory_space<semaphore_mem>>) src(%dma_wait3A_966 : memref<1000000x32xf32, #tpu.memory_space<hbm>>) dst(%dma_wait3A_961 : memref<512x32xf32, #tpu.memory_space<vmem>>)
    %dma_start3A_967 = arith.constant 0 : i32
    %dma_start3A_968 = arith.constant 8 : i32
    %dma_start3A_969 = arith.constant 0 : i32
    %dma_start3A_970 = arith.constant 0 : i32
    %dma_start3A_971 = tpu.memref_slice %arg6[%dma_start3A_967, %dma_start3A_969, %dma_start3A_970] : memref<2x512x32xf32, #tpu.memory_space<vmem>> -> memref<1x512x32xf32, #tpu.memory_space<vmem>>
    %dma_start3A_972 = tpu.memref_squeeze %dma_start3A_971 : memref<1x512x32xf32, #tpu.memory_space<vmem>> -> memref<512x32xf32, #tpu.memory_space<vmem>>
    %dma_start3A_973 = arith.constant 0 : i32
    %dma_start3A_974 = tpu.memref_slice %arg4[%dma_start3A_968, %mul3A_2, %dma_start3A_973] : memref<26x16384x32xf32, #tpu.memory_space<hbm>> -> memref<1x512x32xf32, #tpu.memory_space<hbm>>
    %dma_start3A_975 = tpu.memref_squeeze %dma_start3A_974 : memref<1x512x32xf32, #tpu.memory_space<hbm>> -> memref<512x32xf32, #tpu.memory_space<hbm>>
    %dma_start3A_976 = arith.constant 0 : i32
    %dma_start3A_977 = tpu.memref_slice %arg4[%dma_start3A_968, %mul3A_2, %dma_start3A_976] : memref<26x16384x32xf32, #tpu.memory_space<hbm>> -> memref<1x512x32xf32, #tpu.memory_space<hbm>>
    %dma_start3A_978 = tpu.memref_squeeze %dma_start3A_977 : memref<1x512x32xf32, #tpu.memory_space<hbm>> -> memref<512x32xf32, #tpu.memory_space<hbm>>
    %dma_start3A_979 = arith.constant 0 : i32
    %dma_start3A_980 = arith.constant 0 : i32
    %dma_start3A_981 = tpu.memref_slice %arg6[%dma_start3A_967, %dma_start3A_979, %dma_start3A_980] : memref<2x512x32xf32, #tpu.memory_space<vmem>> -> memref<1x512x32xf32, #tpu.memory_space<vmem>>
    %dma_start3A_982 = tpu.memref_squeeze %dma_start3A_981 : memref<1x512x32xf32, #tpu.memory_space<vmem>> -> memref<512x32xf32, #tpu.memory_space<vmem>>
    tpu.enqueue_dma source(%dma_start3A_982 : memref<512x32xf32, #tpu.memory_space<vmem>>) target(%dma_start3A_978 : memref<512x32xf32, #tpu.memory_space<hbm>>) target_semaphore(%arg10 : memref<!tpu.dma_semaphore, #tpu.memory_space<semaphore_mem>>)
    %dma_wait3A_983 = arith.constant 0 : i32
    %dma_wait3A_984 = arith.constant 8 : i32
    %dma_wait3A_985 = arith.constant 0 : i32
    %dma_wait3A_986 = arith.constant 0 : i32
    %dma_wait3A_987 = tpu.memref_slice %arg6[%dma_wait3A_983, %dma_wait3A_985, %dma_wait3A_986] : memref<2x512x32xf32, #tpu.memory_space<vmem>> -> memref<1x512x32xf32, #tpu.memory_space<vmem>>
    %dma_wait3A_988 = tpu.memref_squeeze %dma_wait3A_987 : memref<1x512x32xf32, #tpu.memory_space<vmem>> -> memref<512x32xf32, #tpu.memory_space<vmem>>
    %dma_wait3A_989 = arith.constant 0 : i32
    %dma_wait3A_990 = tpu.memref_slice %arg4[%dma_wait3A_984, %mul3A_2, %dma_wait3A_989] : memref<26x16384x32xf32, #tpu.memory_space<hbm>> -> memref<1x512x32xf32, #tpu.memory_space<hbm>>
    %dma_wait3A_991 = tpu.memref_squeeze %dma_wait3A_990 : memref<1x512x32xf32, #tpu.memory_space<hbm>> -> memref<512x32xf32, #tpu.memory_space<hbm>>
    %dma_wait3A_992 = arith.constant 0 : i32
    %dma_wait3A_993 = tpu.memref_slice %arg4[%dma_wait3A_984, %mul3A_2, %dma_wait3A_992] : memref<26x16384x32xf32, #tpu.memory_space<hbm>> -> memref<1x512x32xf32, #tpu.memory_space<hbm>>
    %dma_wait3A_994 = tpu.memref_squeeze %dma_wait3A_993 : memref<1x512x32xf32, #tpu.memory_space<hbm>> -> memref<512x32xf32, #tpu.memory_space<hbm>>
    %dma_wait3A_995 = arith.constant 0 : i32
    %dma_wait3A_996 = arith.constant 0 : i32
    %dma_wait3A_997 = tpu.memref_slice %arg6[%dma_wait3A_983, %dma_wait3A_995, %dma_wait3A_996] : memref<2x512x32xf32, #tpu.memory_space<vmem>> -> memref<1x512x32xf32, #tpu.memory_space<vmem>>
    %dma_wait3A_998 = tpu.memref_squeeze %dma_wait3A_997 : memref<1x512x32xf32, #tpu.memory_space<vmem>> -> memref<512x32xf32, #tpu.memory_space<vmem>>
    tpu.wait_dma2 semaphore(%arg10 : memref<!tpu.dma_semaphore, #tpu.memory_space<semaphore_mem>>) src(%dma_wait3A_998 : memref<512x32xf32, #tpu.memory_space<vmem>>) dst(%dma_wait3A_994 : memref<512x32xf32, #tpu.memory_space<hbm>>)
    %dma_start3A_999 = arith.constant 0 : i32
    %dma_start3A_1000 = arith.constant 0 : i32
    %dma_start3A_1001 = arith.constant 0 : i32
    %dma_start3A_1002 = tpu.memref_slice %arg6[%dma_start3A_999, %dma_start3A_1000, %dma_start3A_1001] : memref<2x512x32xf32, #tpu.memory_space<vmem>> -> memref<1x512x32xf32, #tpu.memory_space<vmem>>
    %dma_start3A_1003 = tpu.memref_squeeze %dma_start3A_1002 : memref<1x512x32xf32, #tpu.memory_space<vmem>> -> memref<512x32xf32, #tpu.memory_space<vmem>>
    %dma_start3A_1004 = arith.constant 5120 : i32
    %dma_start3A_1005 = tpu.memref_slice %arg5[%dma_start3A_1004] : memref<13312xi32, #tpu.memory_space<vmem>> -> memref<512xi32, #tpu.memory_space<vmem>>
    %dma_start3A_1006 = arith.constant 0 : i32
    %dma_start3A_1007 = arith.constant 0 : i32
    %dma_start3A_1008 = tpu.memref_slice %arg2[%dma_start3A_1006, %dma_start3A_1007] : memref<1000000x32xf32, #tpu.memory_space<hbm>> -> memref<1000000x32xf32, #tpu.memory_space<hbm>>
    tpu.enqueue_indirect_dma source(%dma_start3A_1008 : memref<1000000x32xf32, #tpu.memory_space<hbm>>) target(%dma_start3A_1003 : memref<512x32xf32, #tpu.memory_space<vmem>>) offsets(%dma_start3A_1005 : memref<512xi32, #tpu.memory_space<vmem>>) semaphore(%arg8 : memref<!tpu.dma_semaphore, #tpu.memory_space<semaphore_mem>>)
    %dma_wait3A_1009 = arith.constant 1 : i32
    %dma_wait3A_1010 = arith.constant 0 : i32
    %dma_wait3A_1011 = arith.constant 0 : i32
    %dma_wait3A_1012 = tpu.memref_slice %arg6[%dma_wait3A_1009, %dma_wait3A_1010, %dma_wait3A_1011] : memref<2x512x32xf32, #tpu.memory_space<vmem>> -> memref<1x512x32xf32, #tpu.memory_space<vmem>>
    %dma_wait3A_1013 = tpu.memref_squeeze %dma_wait3A_1012 : memref<1x512x32xf32, #tpu.memory_space<vmem>> -> memref<512x32xf32, #tpu.memory_space<vmem>>
    %dma_wait3A_1014 = arith.constant 4608 : i32
    %dma_wait3A_1015 = tpu.memref_slice %arg5[%dma_wait3A_1014] : memref<13312xi32, #tpu.memory_space<vmem>> -> memref<512xi32, #tpu.memory_space<vmem>>
    %dma_wait3A_1016 = arith.constant 0 : i32
    %dma_wait3A_1017 = arith.constant 0 : i32
    %dma_wait3A_1018 = tpu.memref_slice %arg2[%dma_wait3A_1016, %dma_wait3A_1017] : memref<1000000x32xf32, #tpu.memory_space<hbm>> -> memref<1000000x32xf32, #tpu.memory_space<hbm>>
    tpu.wait_indirect_dma semaphore(%arg9 : memref<!tpu.dma_semaphore, #tpu.memory_space<semaphore_mem>>) src(%dma_wait3A_1018 : memref<1000000x32xf32, #tpu.memory_space<hbm>>) dst(%dma_wait3A_1013 : memref<512x32xf32, #tpu.memory_space<vmem>>)
    %dma_start3A_1019 = arith.constant 1 : i32
    %dma_start3A_1020 = arith.constant 9 : i32
    %dma_start3A_1021 = arith.constant 0 : i32
    %dma_start3A_1022 = arith.constant 0 : i32
    %dma_start3A_1023 = tpu.memref_slice %arg6[%dma_start3A_1019, %dma_start3A_1021, %dma_start3A_1022] : memref<2x512x32xf32, #tpu.memory_space<vmem>> -> memref<1x512x32xf32, #tpu.memory_space<vmem>>
    %dma_start3A_1024 = tpu.memref_squeeze %dma_start3A_1023 : memref<1x512x32xf32, #tpu.memory_space<vmem>> -> memref<512x32xf32, #tpu.memory_space<vmem>>
    %dma_start3A_1025 = arith.constant 0 : i32
    %dma_start3A_1026 = tpu.memref_slice %arg4[%dma_start3A_1020, %mul3A_2, %dma_start3A_1025] : memref<26x16384x32xf32, #tpu.memory_space<hbm>> -> memref<1x512x32xf32, #tpu.memory_space<hbm>>
    %dma_start3A_1027 = tpu.memref_squeeze %dma_start3A_1026 : memref<1x512x32xf32, #tpu.memory_space<hbm>> -> memref<512x32xf32, #tpu.memory_space<hbm>>
    %dma_start3A_1028 = arith.constant 0 : i32
    %dma_start3A_1029 = tpu.memref_slice %arg4[%dma_start3A_1020, %mul3A_2, %dma_start3A_1028] : memref<26x16384x32xf32, #tpu.memory_space<hbm>> -> memref<1x512x32xf32, #tpu.memory_space<hbm>>
    %dma_start3A_1030 = tpu.memref_squeeze %dma_start3A_1029 : memref<1x512x32xf32, #tpu.memory_space<hbm>> -> memref<512x32xf32, #tpu.memory_space<hbm>>
    %dma_start3A_1031 = arith.constant 0 : i32
    %dma_start3A_1032 = arith.constant 0 : i32
    %dma_start3A_1033 = tpu.memref_slice %arg6[%dma_start3A_1019, %dma_start3A_1031, %dma_start3A_1032] : memref<2x512x32xf32, #tpu.memory_space<vmem>> -> memref<1x512x32xf32, #tpu.memory_space<vmem>>
    %dma_start3A_1034 = tpu.memref_squeeze %dma_start3A_1033 : memref<1x512x32xf32, #tpu.memory_space<vmem>> -> memref<512x32xf32, #tpu.memory_space<vmem>>
    tpu.enqueue_dma source(%dma_start3A_1034 : memref<512x32xf32, #tpu.memory_space<vmem>>) target(%dma_start3A_1030 : memref<512x32xf32, #tpu.memory_space<hbm>>) target_semaphore(%arg11 : memref<!tpu.dma_semaphore, #tpu.memory_space<semaphore_mem>>)
    %dma_wait3A_1035 = arith.constant 1 : i32
    %dma_wait3A_1036 = arith.constant 9 : i32
    %dma_wait3A_1037 = arith.constant 0 : i32
    %dma_wait3A_1038 = arith.constant 0 : i32
    %dma_wait3A_1039 = tpu.memref_slice %arg6[%dma_wait3A_1035, %dma_wait3A_1037, %dma_wait3A_1038] : memref<2x512x32xf32, #tpu.memory_space<vmem>> -> memref<1x512x32xf32, #tpu.memory_space<vmem>>
    %dma_wait3A_1040 = tpu.memref_squeeze %dma_wait3A_1039 : memref<1x512x32xf32, #tpu.memory_space<vmem>> -> memref<512x32xf32, #tpu.memory_space<vmem>>
    %dma_wait3A_1041 = arith.constant 0 : i32
    %dma_wait3A_1042 = tpu.memref_slice %arg4[%dma_wait3A_1036, %mul3A_2, %dma_wait3A_1041] : memref<26x16384x32xf32, #tpu.memory_space<hbm>> -> memref<1x512x32xf32, #tpu.memory_space<hbm>>
    %dma_wait3A_1043 = tpu.memref_squeeze %dma_wait3A_1042 : memref<1x512x32xf32, #tpu.memory_space<hbm>> -> memref<512x32xf32, #tpu.memory_space<hbm>>
    %dma_wait3A_1044 = arith.constant 0 : i32
    %dma_wait3A_1045 = tpu.memref_slice %arg4[%dma_wait3A_1036, %mul3A_2, %dma_wait3A_1044] : memref<26x16384x32xf32, #tpu.memory_space<hbm>> -> memref<1x512x32xf32, #tpu.memory_space<hbm>>
    %dma_wait3A_1046 = tpu.memref_squeeze %dma_wait3A_1045 : memref<1x512x32xf32, #tpu.memory_space<hbm>> -> memref<512x32xf32, #tpu.memory_space<hbm>>
    %dma_wait3A_1047 = arith.constant 0 : i32
    %dma_wait3A_1048 = arith.constant 0 : i32
    %dma_wait3A_1049 = tpu.memref_slice %arg6[%dma_wait3A_1035, %dma_wait3A_1047, %dma_wait3A_1048] : memref<2x512x32xf32, #tpu.memory_space<vmem>> -> memref<1x512x32xf32, #tpu.memory_space<vmem>>
    %dma_wait3A_1050 = tpu.memref_squeeze %dma_wait3A_1049 : memref<1x512x32xf32, #tpu.memory_space<vmem>> -> memref<512x32xf32, #tpu.memory_space<vmem>>
    tpu.wait_dma2 semaphore(%arg11 : memref<!tpu.dma_semaphore, #tpu.memory_space<semaphore_mem>>) src(%dma_wait3A_1050 : memref<512x32xf32, #tpu.memory_space<vmem>>) dst(%dma_wait3A_1046 : memref<512x32xf32, #tpu.memory_space<hbm>>)
    %dma_start3A_1051 = arith.constant 1 : i32
    %dma_start3A_1052 = arith.constant 0 : i32
    %dma_start3A_1053 = arith.constant 0 : i32
    %dma_start3A_1054 = tpu.memref_slice %arg6[%dma_start3A_1051, %dma_start3A_1052, %dma_start3A_1053] : memref<2x512x32xf32, #tpu.memory_space<vmem>> -> memref<1x512x32xf32, #tpu.memory_space<vmem>>
    %dma_start3A_1055 = tpu.memref_squeeze %dma_start3A_1054 : memref<1x512x32xf32, #tpu.memory_space<vmem>> -> memref<512x32xf32, #tpu.memory_space<vmem>>
    %dma_start3A_1056 = arith.constant 5632 : i32
    %dma_start3A_1057 = tpu.memref_slice %arg5[%dma_start3A_1056] : memref<13312xi32, #tpu.memory_space<vmem>> -> memref<512xi32, #tpu.memory_space<vmem>>
    %dma_start3A_1058 = arith.constant 0 : i32
    %dma_start3A_1059 = arith.constant 0 : i32
    %dma_start3A_1060 = tpu.memref_slice %arg2[%dma_start3A_1058, %dma_start3A_1059] : memref<1000000x32xf32, #tpu.memory_space<hbm>> -> memref<1000000x32xf32, #tpu.memory_space<hbm>>
    tpu.enqueue_indirect_dma source(%dma_start3A_1060 : memref<1000000x32xf32, #tpu.memory_space<hbm>>) target(%dma_start3A_1055 : memref<512x32xf32, #tpu.memory_space<vmem>>) offsets(%dma_start3A_1057 : memref<512xi32, #tpu.memory_space<vmem>>) semaphore(%arg9 : memref<!tpu.dma_semaphore, #tpu.memory_space<semaphore_mem>>)
    %dma_wait3A_1061 = arith.constant 0 : i32
    %dma_wait3A_1062 = arith.constant 0 : i32
    %dma_wait3A_1063 = arith.constant 0 : i32
    %dma_wait3A_1064 = tpu.memref_slice %arg6[%dma_wait3A_1061, %dma_wait3A_1062, %dma_wait3A_1063] : memref<2x512x32xf32, #tpu.memory_space<vmem>> -> memref<1x512x32xf32, #tpu.memory_space<vmem>>
    %dma_wait3A_1065 = tpu.memref_squeeze %dma_wait3A_1064 : memref<1x512x32xf32, #tpu.memory_space<vmem>> -> memref<512x32xf32, #tpu.memory_space<vmem>>
    %dma_wait3A_1066 = arith.constant 5120 : i32
    %dma_wait3A_1067 = tpu.memref_slice %arg5[%dma_wait3A_1066] : memref<13312xi32, #tpu.memory_space<vmem>> -> memref<512xi32, #tpu.memory_space<vmem>>
    %dma_wait3A_1068 = arith.constant 0 : i32
    %dma_wait3A_1069 = arith.constant 0 : i32
    %dma_wait3A_1070 = tpu.memref_slice %arg2[%dma_wait3A_1068, %dma_wait3A_1069] : memref<1000000x32xf32, #tpu.memory_space<hbm>> -> memref<1000000x32xf32, #tpu.memory_space<hbm>>
    tpu.wait_indirect_dma semaphore(%arg8 : memref<!tpu.dma_semaphore, #tpu.memory_space<semaphore_mem>>) src(%dma_wait3A_1070 : memref<1000000x32xf32, #tpu.memory_space<hbm>>) dst(%dma_wait3A_1065 : memref<512x32xf32, #tpu.memory_space<vmem>>)
    %dma_start3A_1071 = arith.constant 0 : i32
    %dma_start3A_1072 = arith.constant 10 : i32
    %dma_start3A_1073 = arith.constant 0 : i32
    %dma_start3A_1074 = arith.constant 0 : i32
    %dma_start3A_1075 = tpu.memref_slice %arg6[%dma_start3A_1071, %dma_start3A_1073, %dma_start3A_1074] : memref<2x512x32xf32, #tpu.memory_space<vmem>> -> memref<1x512x32xf32, #tpu.memory_space<vmem>>
    %dma_start3A_1076 = tpu.memref_squeeze %dma_start3A_1075 : memref<1x512x32xf32, #tpu.memory_space<vmem>> -> memref<512x32xf32, #tpu.memory_space<vmem>>
    %dma_start3A_1077 = arith.constant 0 : i32
    %dma_start3A_1078 = tpu.memref_slice %arg4[%dma_start3A_1072, %mul3A_2, %dma_start3A_1077] : memref<26x16384x32xf32, #tpu.memory_space<hbm>> -> memref<1x512x32xf32, #tpu.memory_space<hbm>>
    %dma_start3A_1079 = tpu.memref_squeeze %dma_start3A_1078 : memref<1x512x32xf32, #tpu.memory_space<hbm>> -> memref<512x32xf32, #tpu.memory_space<hbm>>
    %dma_start3A_1080 = arith.constant 0 : i32
    %dma_start3A_1081 = tpu.memref_slice %arg4[%dma_start3A_1072, %mul3A_2, %dma_start3A_1080] : memref<26x16384x32xf32, #tpu.memory_space<hbm>> -> memref<1x512x32xf32, #tpu.memory_space<hbm>>
    %dma_start3A_1082 = tpu.memref_squeeze %dma_start3A_1081 : memref<1x512x32xf32, #tpu.memory_space<hbm>> -> memref<512x32xf32, #tpu.memory_space<hbm>>
    %dma_start3A_1083 = arith.constant 0 : i32
    %dma_start3A_1084 = arith.constant 0 : i32
    %dma_start3A_1085 = tpu.memref_slice %arg6[%dma_start3A_1071, %dma_start3A_1083, %dma_start3A_1084] : memref<2x512x32xf32, #tpu.memory_space<vmem>> -> memref<1x512x32xf32, #tpu.memory_space<vmem>>
    %dma_start3A_1086 = tpu.memref_squeeze %dma_start3A_1085 : memref<1x512x32xf32, #tpu.memory_space<vmem>> -> memref<512x32xf32, #tpu.memory_space<vmem>>
    tpu.enqueue_dma source(%dma_start3A_1086 : memref<512x32xf32, #tpu.memory_space<vmem>>) target(%dma_start3A_1082 : memref<512x32xf32, #tpu.memory_space<hbm>>) target_semaphore(%arg10 : memref<!tpu.dma_semaphore, #tpu.memory_space<semaphore_mem>>)
    %dma_wait3A_1087 = arith.constant 0 : i32
    %dma_wait3A_1088 = arith.constant 10 : i32
    %dma_wait3A_1089 = arith.constant 0 : i32
    %dma_wait3A_1090 = arith.constant 0 : i32
    %dma_wait3A_1091 = tpu.memref_slice %arg6[%dma_wait3A_1087, %dma_wait3A_1089, %dma_wait3A_1090] : memref<2x512x32xf32, #tpu.memory_space<vmem>> -> memref<1x512x32xf32, #tpu.memory_space<vmem>>
    %dma_wait3A_1092 = tpu.memref_squeeze %dma_wait3A_1091 : memref<1x512x32xf32, #tpu.memory_space<vmem>> -> memref<512x32xf32, #tpu.memory_space<vmem>>
    %dma_wait3A_1093 = arith.constant 0 : i32
    %dma_wait3A_1094 = tpu.memref_slice %arg4[%dma_wait3A_1088, %mul3A_2, %dma_wait3A_1093] : memref<26x16384x32xf32, #tpu.memory_space<hbm>> -> memref<1x512x32xf32, #tpu.memory_space<hbm>>
    %dma_wait3A_1095 = tpu.memref_squeeze %dma_wait3A_1094 : memref<1x512x32xf32, #tpu.memory_space<hbm>> -> memref<512x32xf32, #tpu.memory_space<hbm>>
    %dma_wait3A_1096 = arith.constant 0 : i32
    %dma_wait3A_1097 = tpu.memref_slice %arg4[%dma_wait3A_1088, %mul3A_2, %dma_wait3A_1096] : memref<26x16384x32xf32, #tpu.memory_space<hbm>> -> memref<1x512x32xf32, #tpu.memory_space<hbm>>
    %dma_wait3A_1098 = tpu.memref_squeeze %dma_wait3A_1097 : memref<1x512x32xf32, #tpu.memory_space<hbm>> -> memref<512x32xf32, #tpu.memory_space<hbm>>
    %dma_wait3A_1099 = arith.constant 0 : i32
    %dma_wait3A_1100 = arith.constant 0 : i32
    %dma_wait3A_1101 = tpu.memref_slice %arg6[%dma_wait3A_1087, %dma_wait3A_1099, %dma_wait3A_1100] : memref<2x512x32xf32, #tpu.memory_space<vmem>> -> memref<1x512x32xf32, #tpu.memory_space<vmem>>
    %dma_wait3A_1102 = tpu.memref_squeeze %dma_wait3A_1101 : memref<1x512x32xf32, #tpu.memory_space<vmem>> -> memref<512x32xf32, #tpu.memory_space<vmem>>
    tpu.wait_dma2 semaphore(%arg10 : memref<!tpu.dma_semaphore, #tpu.memory_space<semaphore_mem>>) src(%dma_wait3A_1102 : memref<512x32xf32, #tpu.memory_space<vmem>>) dst(%dma_wait3A_1098 : memref<512x32xf32, #tpu.memory_space<hbm>>)
    %dma_start3A_1103 = arith.constant 0 : i32
    %dma_start3A_1104 = arith.constant 0 : i32
    %dma_start3A_1105 = arith.constant 0 : i32
    %dma_start3A_1106 = tpu.memref_slice %arg6[%dma_start3A_1103, %dma_start3A_1104, %dma_start3A_1105] : memref<2x512x32xf32, #tpu.memory_space<vmem>> -> memref<1x512x32xf32, #tpu.memory_space<vmem>>
    %dma_start3A_1107 = tpu.memref_squeeze %dma_start3A_1106 : memref<1x512x32xf32, #tpu.memory_space<vmem>> -> memref<512x32xf32, #tpu.memory_space<vmem>>
    %dma_start3A_1108 = arith.constant 6144 : i32
    %dma_start3A_1109 = tpu.memref_slice %arg5[%dma_start3A_1108] : memref<13312xi32, #tpu.memory_space<vmem>> -> memref<512xi32, #tpu.memory_space<vmem>>
    %dma_start3A_1110 = arith.constant 0 : i32
    %dma_start3A_1111 = arith.constant 0 : i32
    %dma_start3A_1112 = tpu.memref_slice %arg2[%dma_start3A_1110, %dma_start3A_1111] : memref<1000000x32xf32, #tpu.memory_space<hbm>> -> memref<1000000x32xf32, #tpu.memory_space<hbm>>
    tpu.enqueue_indirect_dma source(%dma_start3A_1112 : memref<1000000x32xf32, #tpu.memory_space<hbm>>) target(%dma_start3A_1107 : memref<512x32xf32, #tpu.memory_space<vmem>>) offsets(%dma_start3A_1109 : memref<512xi32, #tpu.memory_space<vmem>>) semaphore(%arg8 : memref<!tpu.dma_semaphore, #tpu.memory_space<semaphore_mem>>)
    %dma_wait3A_1113 = arith.constant 1 : i32
    %dma_wait3A_1114 = arith.constant 0 : i32
    %dma_wait3A_1115 = arith.constant 0 : i32
    %dma_wait3A_1116 = tpu.memref_slice %arg6[%dma_wait3A_1113, %dma_wait3A_1114, %dma_wait3A_1115] : memref<2x512x32xf32, #tpu.memory_space<vmem>> -> memref<1x512x32xf32, #tpu.memory_space<vmem>>
    %dma_wait3A_1117 = tpu.memref_squeeze %dma_wait3A_1116 : memref<1x512x32xf32, #tpu.memory_space<vmem>> -> memref<512x32xf32, #tpu.memory_space<vmem>>
    %dma_wait3A_1118 = arith.constant 5632 : i32
    %dma_wait3A_1119 = tpu.memref_slice %arg5[%dma_wait3A_1118] : memref<13312xi32, #tpu.memory_space<vmem>> -> memref<512xi32, #tpu.memory_space<vmem>>
    %dma_wait3A_1120 = arith.constant 0 : i32
    %dma_wait3A_1121 = arith.constant 0 : i32
    %dma_wait3A_1122 = tpu.memref_slice %arg2[%dma_wait3A_1120, %dma_wait3A_1121] : memref<1000000x32xf32, #tpu.memory_space<hbm>> -> memref<1000000x32xf32, #tpu.memory_space<hbm>>
    tpu.wait_indirect_dma semaphore(%arg9 : memref<!tpu.dma_semaphore, #tpu.memory_space<semaphore_mem>>) src(%dma_wait3A_1122 : memref<1000000x32xf32, #tpu.memory_space<hbm>>) dst(%dma_wait3A_1117 : memref<512x32xf32, #tpu.memory_space<vmem>>)
    %dma_start3A_1123 = arith.constant 1 : i32
    %dma_start3A_1124 = arith.constant 11 : i32
    %dma_start3A_1125 = arith.constant 0 : i32
    %dma_start3A_1126 = arith.constant 0 : i32
    %dma_start3A_1127 = tpu.memref_slice %arg6[%dma_start3A_1123, %dma_start3A_1125, %dma_start3A_1126] : memref<2x512x32xf32, #tpu.memory_space<vmem>> -> memref<1x512x32xf32, #tpu.memory_space<vmem>>
    %dma_start3A_1128 = tpu.memref_squeeze %dma_start3A_1127 : memref<1x512x32xf32, #tpu.memory_space<vmem>> -> memref<512x32xf32, #tpu.memory_space<vmem>>
    %dma_start3A_1129 = arith.constant 0 : i32
    %dma_start3A_1130 = tpu.memref_slice %arg4[%dma_start3A_1124, %mul3A_2, %dma_start3A_1129] : memref<26x16384x32xf32, #tpu.memory_space<hbm>> -> memref<1x512x32xf32, #tpu.memory_space<hbm>>
    %dma_start3A_1131 = tpu.memref_squeeze %dma_start3A_1130 : memref<1x512x32xf32, #tpu.memory_space<hbm>> -> memref<512x32xf32, #tpu.memory_space<hbm>>
    %dma_start3A_1132 = arith.constant 0 : i32
    %dma_start3A_1133 = tpu.memref_slice %arg4[%dma_start3A_1124, %mul3A_2, %dma_start3A_1132] : memref<26x16384x32xf32, #tpu.memory_space<hbm>> -> memref<1x512x32xf32, #tpu.memory_space<hbm>>
    %dma_start3A_1134 = tpu.memref_squeeze %dma_start3A_1133 : memref<1x512x32xf32, #tpu.memory_space<hbm>> -> memref<512x32xf32, #tpu.memory_space<hbm>>
    %dma_start3A_1135 = arith.constant 0 : i32
    %dma_start3A_1136 = arith.constant 0 : i32
    %dma_start3A_1137 = tpu.memref_slice %arg6[%dma_start3A_1123, %dma_start3A_1135, %dma_start3A_1136] : memref<2x512x32xf32, #tpu.memory_space<vmem>> -> memref<1x512x32xf32, #tpu.memory_space<vmem>>
    %dma_start3A_1138 = tpu.memref_squeeze %dma_start3A_1137 : memref<1x512x32xf32, #tpu.memory_space<vmem>> -> memref<512x32xf32, #tpu.memory_space<vmem>>
    tpu.enqueue_dma source(%dma_start3A_1138 : memref<512x32xf32, #tpu.memory_space<vmem>>) target(%dma_start3A_1134 : memref<512x32xf32, #tpu.memory_space<hbm>>) target_semaphore(%arg11 : memref<!tpu.dma_semaphore, #tpu.memory_space<semaphore_mem>>)
    %dma_wait3A_1139 = arith.constant 1 : i32
    %dma_wait3A_1140 = arith.constant 11 : i32
    %dma_wait3A_1141 = arith.constant 0 : i32
    %dma_wait3A_1142 = arith.constant 0 : i32
    %dma_wait3A_1143 = tpu.memref_slice %arg6[%dma_wait3A_1139, %dma_wait3A_1141, %dma_wait3A_1142] : memref<2x512x32xf32, #tpu.memory_space<vmem>> -> memref<1x512x32xf32, #tpu.memory_space<vmem>>
    %dma_wait3A_1144 = tpu.memref_squeeze %dma_wait3A_1143 : memref<1x512x32xf32, #tpu.memory_space<vmem>> -> memref<512x32xf32, #tpu.memory_space<vmem>>
    %dma_wait3A_1145 = arith.constant 0 : i32
    %dma_wait3A_1146 = tpu.memref_slice %arg4[%dma_wait3A_1140, %mul3A_2, %dma_wait3A_1145] : memref<26x16384x32xf32, #tpu.memory_space<hbm>> -> memref<1x512x32xf32, #tpu.memory_space<hbm>>
    %dma_wait3A_1147 = tpu.memref_squeeze %dma_wait3A_1146 : memref<1x512x32xf32, #tpu.memory_space<hbm>> -> memref<512x32xf32, #tpu.memory_space<hbm>>
    %dma_wait3A_1148 = arith.constant 0 : i32
    %dma_wait3A_1149 = tpu.memref_slice %arg4[%dma_wait3A_1140, %mul3A_2, %dma_wait3A_1148] : memref<26x16384x32xf32, #tpu.memory_space<hbm>> -> memref<1x512x32xf32, #tpu.memory_space<hbm>>
    %dma_wait3A_1150 = tpu.memref_squeeze %dma_wait3A_1149 : memref<1x512x32xf32, #tpu.memory_space<hbm>> -> memref<512x32xf32, #tpu.memory_space<hbm>>
    %dma_wait3A_1151 = arith.constant 0 : i32
    %dma_wait3A_1152 = arith.constant 0 : i32
    %dma_wait3A_1153 = tpu.memref_slice %arg6[%dma_wait3A_1139, %dma_wait3A_1151, %dma_wait3A_1152] : memref<2x512x32xf32, #tpu.memory_space<vmem>> -> memref<1x512x32xf32, #tpu.memory_space<vmem>>
    %dma_wait3A_1154 = tpu.memref_squeeze %dma_wait3A_1153 : memref<1x512x32xf32, #tpu.memory_space<vmem>> -> memref<512x32xf32, #tpu.memory_space<vmem>>
    tpu.wait_dma2 semaphore(%arg11 : memref<!tpu.dma_semaphore, #tpu.memory_space<semaphore_mem>>) src(%dma_wait3A_1154 : memref<512x32xf32, #tpu.memory_space<vmem>>) dst(%dma_wait3A_1150 : memref<512x32xf32, #tpu.memory_space<hbm>>)
    %dma_start3A_1155 = arith.constant 1 : i32
    %dma_start3A_1156 = arith.constant 0 : i32
    %dma_start3A_1157 = arith.constant 0 : i32
    %dma_start3A_1158 = tpu.memref_slice %arg6[%dma_start3A_1155, %dma_start3A_1156, %dma_start3A_1157] : memref<2x512x32xf32, #tpu.memory_space<vmem>> -> memref<1x512x32xf32, #tpu.memory_space<vmem>>
    %dma_start3A_1159 = tpu.memref_squeeze %dma_start3A_1158 : memref<1x512x32xf32, #tpu.memory_space<vmem>> -> memref<512x32xf32, #tpu.memory_space<vmem>>
    %dma_start3A_1160 = arith.constant 6656 : i32
    %dma_start3A_1161 = tpu.memref_slice %arg5[%dma_start3A_1160] : memref<13312xi32, #tpu.memory_space<vmem>> -> memref<512xi32, #tpu.memory_space<vmem>>
    %dma_start3A_1162 = arith.constant 0 : i32
    %dma_start3A_1163 = arith.constant 0 : i32
    %dma_start3A_1164 = tpu.memref_slice %arg2[%dma_start3A_1162, %dma_start3A_1163] : memref<1000000x32xf32, #tpu.memory_space<hbm>> -> memref<1000000x32xf32, #tpu.memory_space<hbm>>
    tpu.enqueue_indirect_dma source(%dma_start3A_1164 : memref<1000000x32xf32, #tpu.memory_space<hbm>>) target(%dma_start3A_1159 : memref<512x32xf32, #tpu.memory_space<vmem>>) offsets(%dma_start3A_1161 : memref<512xi32, #tpu.memory_space<vmem>>) semaphore(%arg9 : memref<!tpu.dma_semaphore, #tpu.memory_space<semaphore_mem>>)
    %dma_wait3A_1165 = arith.constant 0 : i32
    %dma_wait3A_1166 = arith.constant 0 : i32
    %dma_wait3A_1167 = arith.constant 0 : i32
    %dma_wait3A_1168 = tpu.memref_slice %arg6[%dma_wait3A_1165, %dma_wait3A_1166, %dma_wait3A_1167] : memref<2x512x32xf32, #tpu.memory_space<vmem>> -> memref<1x512x32xf32, #tpu.memory_space<vmem>>
    %dma_wait3A_1169 = tpu.memref_squeeze %dma_wait3A_1168 : memref<1x512x32xf32, #tpu.memory_space<vmem>> -> memref<512x32xf32, #tpu.memory_space<vmem>>
    %dma_wait3A_1170 = arith.constant 6144 : i32
    %dma_wait3A_1171 = tpu.memref_slice %arg5[%dma_wait3A_1170] : memref<13312xi32, #tpu.memory_space<vmem>> -> memref<512xi32, #tpu.memory_space<vmem>>
    %dma_wait3A_1172 = arith.constant 0 : i32
    %dma_wait3A_1173 = arith.constant 0 : i32
    %dma_wait3A_1174 = tpu.memref_slice %arg2[%dma_wait3A_1172, %dma_wait3A_1173] : memref<1000000x32xf32, #tpu.memory_space<hbm>> -> memref<1000000x32xf32, #tpu.memory_space<hbm>>
    tpu.wait_indirect_dma semaphore(%arg8 : memref<!tpu.dma_semaphore, #tpu.memory_space<semaphore_mem>>) src(%dma_wait3A_1174 : memref<1000000x32xf32, #tpu.memory_space<hbm>>) dst(%dma_wait3A_1169 : memref<512x32xf32, #tpu.memory_space<vmem>>)
    %dma_start3A_1175 = arith.constant 0 : i32
    %dma_start3A_1176 = arith.constant 12 : i32
    %dma_start3A_1177 = arith.constant 0 : i32
    %dma_start3A_1178 = arith.constant 0 : i32
    %dma_start3A_1179 = tpu.memref_slice %arg6[%dma_start3A_1175, %dma_start3A_1177, %dma_start3A_1178] : memref<2x512x32xf32, #tpu.memory_space<vmem>> -> memref<1x512x32xf32, #tpu.memory_space<vmem>>
    %dma_start3A_1180 = tpu.memref_squeeze %dma_start3A_1179 : memref<1x512x32xf32, #tpu.memory_space<vmem>> -> memref<512x32xf32, #tpu.memory_space<vmem>>
    %dma_start3A_1181 = arith.constant 0 : i32
    %dma_start3A_1182 = tpu.memref_slice %arg4[%dma_start3A_1176, %mul3A_2, %dma_start3A_1181] : memref<26x16384x32xf32, #tpu.memory_space<hbm>> -> memref<1x512x32xf32, #tpu.memory_space<hbm>>
    %dma_start3A_1183 = tpu.memref_squeeze %dma_start3A_1182 : memref<1x512x32xf32, #tpu.memory_space<hbm>> -> memref<512x32xf32, #tpu.memory_space<hbm>>
    %dma_start3A_1184 = arith.constant 0 : i32
    %dma_start3A_1185 = tpu.memref_slice %arg4[%dma_start3A_1176, %mul3A_2, %dma_start3A_1184] : memref<26x16384x32xf32, #tpu.memory_space<hbm>> -> memref<1x512x32xf32, #tpu.memory_space<hbm>>
    %dma_start3A_1186 = tpu.memref_squeeze %dma_start3A_1185 : memref<1x512x32xf32, #tpu.memory_space<hbm>> -> memref<512x32xf32, #tpu.memory_space<hbm>>
    %dma_start3A_1187 = arith.constant 0 : i32
    %dma_start3A_1188 = arith.constant 0 : i32
    %dma_start3A_1189 = tpu.memref_slice %arg6[%dma_start3A_1175, %dma_start3A_1187, %dma_start3A_1188] : memref<2x512x32xf32, #tpu.memory_space<vmem>> -> memref<1x512x32xf32, #tpu.memory_space<vmem>>
    %dma_start3A_1190 = tpu.memref_squeeze %dma_start3A_1189 : memref<1x512x32xf32, #tpu.memory_space<vmem>> -> memref<512x32xf32, #tpu.memory_space<vmem>>
    tpu.enqueue_dma source(%dma_start3A_1190 : memref<512x32xf32, #tpu.memory_space<vmem>>) target(%dma_start3A_1186 : memref<512x32xf32, #tpu.memory_space<hbm>>) target_semaphore(%arg10 : memref<!tpu.dma_semaphore, #tpu.memory_space<semaphore_mem>>)
    %dma_wait3A_1191 = arith.constant 0 : i32
    %dma_wait3A_1192 = arith.constant 12 : i32
    %dma_wait3A_1193 = arith.constant 0 : i32
    %dma_wait3A_1194 = arith.constant 0 : i32
    %dma_wait3A_1195 = tpu.memref_slice %arg6[%dma_wait3A_1191, %dma_wait3A_1193, %dma_wait3A_1194] : memref<2x512x32xf32, #tpu.memory_space<vmem>> -> memref<1x512x32xf32, #tpu.memory_space<vmem>>
    %dma_wait3A_1196 = tpu.memref_squeeze %dma_wait3A_1195 : memref<1x512x32xf32, #tpu.memory_space<vmem>> -> memref<512x32xf32, #tpu.memory_space<vmem>>
    %dma_wait3A_1197 = arith.constant 0 : i32
    %dma_wait3A_1198 = tpu.memref_slice %arg4[%dma_wait3A_1192, %mul3A_2, %dma_wait3A_1197] : memref<26x16384x32xf32, #tpu.memory_space<hbm>> -> memref<1x512x32xf32, #tpu.memory_space<hbm>>
    %dma_wait3A_1199 = tpu.memref_squeeze %dma_wait3A_1198 : memref<1x512x32xf32, #tpu.memory_space<hbm>> -> memref<512x32xf32, #tpu.memory_space<hbm>>
    %dma_wait3A_1200 = arith.constant 0 : i32
    %dma_wait3A_1201 = tpu.memref_slice %arg4[%dma_wait3A_1192, %mul3A_2, %dma_wait3A_1200] : memref<26x16384x32xf32, #tpu.memory_space<hbm>> -> memref<1x512x32xf32, #tpu.memory_space<hbm>>
    %dma_wait3A_1202 = tpu.memref_squeeze %dma_wait3A_1201 : memref<1x512x32xf32, #tpu.memory_space<hbm>> -> memref<512x32xf32, #tpu.memory_space<hbm>>
    %dma_wait3A_1203 = arith.constant 0 : i32
    %dma_wait3A_1204 = arith.constant 0 : i32
    %dma_wait3A_1205 = tpu.memref_slice %arg6[%dma_wait3A_1191, %dma_wait3A_1203, %dma_wait3A_1204] : memref<2x512x32xf32, #tpu.memory_space<vmem>> -> memref<1x512x32xf32, #tpu.memory_space<vmem>>
    %dma_wait3A_1206 = tpu.memref_squeeze %dma_wait3A_1205 : memref<1x512x32xf32, #tpu.memory_space<vmem>> -> memref<512x32xf32, #tpu.memory_space<vmem>>
    tpu.wait_dma2 semaphore(%arg10 : memref<!tpu.dma_semaphore, #tpu.memory_space<semaphore_mem>>) src(%dma_wait3A_1206 : memref<512x32xf32, #tpu.memory_space<vmem>>) dst(%dma_wait3A_1202 : memref<512x32xf32, #tpu.memory_space<hbm>>)
    %dma_start3A_1207 = arith.constant 0 : i32
    %dma_start3A_1208 = arith.constant 0 : i32
    %dma_start3A_1209 = arith.constant 0 : i32
    %dma_start3A_1210 = tpu.memref_slice %arg6[%dma_start3A_1207, %dma_start3A_1208, %dma_start3A_1209] : memref<2x512x32xf32, #tpu.memory_space<vmem>> -> memref<1x512x32xf32, #tpu.memory_space<vmem>>
    %dma_start3A_1211 = tpu.memref_squeeze %dma_start3A_1210 : memref<1x512x32xf32, #tpu.memory_space<vmem>> -> memref<512x32xf32, #tpu.memory_space<vmem>>
    %dma_start3A_1212 = arith.constant 7168 : i32
    %dma_start3A_1213 = tpu.memref_slice %arg5[%dma_start3A_1212] : memref<13312xi32, #tpu.memory_space<vmem>> -> memref<512xi32, #tpu.memory_space<vmem>>
    %dma_start3A_1214 = arith.constant 0 : i32
    %dma_start3A_1215 = arith.constant 0 : i32
    %dma_start3A_1216 = tpu.memref_slice %arg2[%dma_start3A_1214, %dma_start3A_1215] : memref<1000000x32xf32, #tpu.memory_space<hbm>> -> memref<1000000x32xf32, #tpu.memory_space<hbm>>
    tpu.enqueue_indirect_dma source(%dma_start3A_1216 : memref<1000000x32xf32, #tpu.memory_space<hbm>>) target(%dma_start3A_1211 : memref<512x32xf32, #tpu.memory_space<vmem>>) offsets(%dma_start3A_1213 : memref<512xi32, #tpu.memory_space<vmem>>) semaphore(%arg8 : memref<!tpu.dma_semaphore, #tpu.memory_space<semaphore_mem>>)
    %dma_wait3A_1217 = arith.constant 1 : i32
    %dma_wait3A_1218 = arith.constant 0 : i32
    %dma_wait3A_1219 = arith.constant 0 : i32
    %dma_wait3A_1220 = tpu.memref_slice %arg6[%dma_wait3A_1217, %dma_wait3A_1218, %dma_wait3A_1219] : memref<2x512x32xf32, #tpu.memory_space<vmem>> -> memref<1x512x32xf32, #tpu.memory_space<vmem>>
    %dma_wait3A_1221 = tpu.memref_squeeze %dma_wait3A_1220 : memref<1x512x32xf32, #tpu.memory_space<vmem>> -> memref<512x32xf32, #tpu.memory_space<vmem>>
    %dma_wait3A_1222 = arith.constant 6656 : i32
    %dma_wait3A_1223 = tpu.memref_slice %arg5[%dma_wait3A_1222] : memref<13312xi32, #tpu.memory_space<vmem>> -> memref<512xi32, #tpu.memory_space<vmem>>
    %dma_wait3A_1224 = arith.constant 0 : i32
    %dma_wait3A_1225 = arith.constant 0 : i32
    %dma_wait3A_1226 = tpu.memref_slice %arg2[%dma_wait3A_1224, %dma_wait3A_1225] : memref<1000000x32xf32, #tpu.memory_space<hbm>> -> memref<1000000x32xf32, #tpu.memory_space<hbm>>
    tpu.wait_indirect_dma semaphore(%arg9 : memref<!tpu.dma_semaphore, #tpu.memory_space<semaphore_mem>>) src(%dma_wait3A_1226 : memref<1000000x32xf32, #tpu.memory_space<hbm>>) dst(%dma_wait3A_1221 : memref<512x32xf32, #tpu.memory_space<vmem>>)
    %dma_start3A_1227 = arith.constant 1 : i32
    %dma_start3A_1228 = arith.constant 13 : i32
    %dma_start3A_1229 = arith.constant 0 : i32
    %dma_start3A_1230 = arith.constant 0 : i32
    %dma_start3A_1231 = tpu.memref_slice %arg6[%dma_start3A_1227, %dma_start3A_1229, %dma_start3A_1230] : memref<2x512x32xf32, #tpu.memory_space<vmem>> -> memref<1x512x32xf32, #tpu.memory_space<vmem>>
    %dma_start3A_1232 = tpu.memref_squeeze %dma_start3A_1231 : memref<1x512x32xf32, #tpu.memory_space<vmem>> -> memref<512x32xf32, #tpu.memory_space<vmem>>
    %dma_start3A_1233 = arith.constant 0 : i32
    %dma_start3A_1234 = tpu.memref_slice %arg4[%dma_start3A_1228, %mul3A_2, %dma_start3A_1233] : memref<26x16384x32xf32, #tpu.memory_space<hbm>> -> memref<1x512x32xf32, #tpu.memory_space<hbm>>
    %dma_start3A_1235 = tpu.memref_squeeze %dma_start3A_1234 : memref<1x512x32xf32, #tpu.memory_space<hbm>> -> memref<512x32xf32, #tpu.memory_space<hbm>>
    %dma_start3A_1236 = arith.constant 0 : i32
    %dma_start3A_1237 = tpu.memref_slice %arg4[%dma_start3A_1228, %mul3A_2, %dma_start3A_1236] : memref<26x16384x32xf32, #tpu.memory_space<hbm>> -> memref<1x512x32xf32, #tpu.memory_space<hbm>>
    %dma_start3A_1238 = tpu.memref_squeeze %dma_start3A_1237 : memref<1x512x32xf32, #tpu.memory_space<hbm>> -> memref<512x32xf32, #tpu.memory_space<hbm>>
    %dma_start3A_1239 = arith.constant 0 : i32
    %dma_start3A_1240 = arith.constant 0 : i32
    %dma_start3A_1241 = tpu.memref_slice %arg6[%dma_start3A_1227, %dma_start3A_1239, %dma_start3A_1240] : memref<2x512x32xf32, #tpu.memory_space<vmem>> -> memref<1x512x32xf32, #tpu.memory_space<vmem>>
    %dma_start3A_1242 = tpu.memref_squeeze %dma_start3A_1241 : memref<1x512x32xf32, #tpu.memory_space<vmem>> -> memref<512x32xf32, #tpu.memory_space<vmem>>
    tpu.enqueue_dma source(%dma_start3A_1242 : memref<512x32xf32, #tpu.memory_space<vmem>>) target(%dma_start3A_1238 : memref<512x32xf32, #tpu.memory_space<hbm>>) target_semaphore(%arg11 : memref<!tpu.dma_semaphore, #tpu.memory_space<semaphore_mem>>)
    %dma_wait3A_1243 = arith.constant 1 : i32
    %dma_wait3A_1244 = arith.constant 13 : i32
    %dma_wait3A_1245 = arith.constant 0 : i32
    %dma_wait3A_1246 = arith.constant 0 : i32
    %dma_wait3A_1247 = tpu.memref_slice %arg6[%dma_wait3A_1243, %dma_wait3A_1245, %dma_wait3A_1246] : memref<2x512x32xf32, #tpu.memory_space<vmem>> -> memref<1x512x32xf32, #tpu.memory_space<vmem>>
    %dma_wait3A_1248 = tpu.memref_squeeze %dma_wait3A_1247 : memref<1x512x32xf32, #tpu.memory_space<vmem>> -> memref<512x32xf32, #tpu.memory_space<vmem>>
    %dma_wait3A_1249 = arith.constant 0 : i32
    %dma_wait3A_1250 = tpu.memref_slice %arg4[%dma_wait3A_1244, %mul3A_2, %dma_wait3A_1249] : memref<26x16384x32xf32, #tpu.memory_space<hbm>> -> memref<1x512x32xf32, #tpu.memory_space<hbm>>
    %dma_wait3A_1251 = tpu.memref_squeeze %dma_wait3A_1250 : memref<1x512x32xf32, #tpu.memory_space<hbm>> -> memref<512x32xf32, #tpu.memory_space<hbm>>
    %dma_wait3A_1252 = arith.constant 0 : i32
    %dma_wait3A_1253 = tpu.memref_slice %arg4[%dma_wait3A_1244, %mul3A_2, %dma_wait3A_1252] : memref<26x16384x32xf32, #tpu.memory_space<hbm>> -> memref<1x512x32xf32, #tpu.memory_space<hbm>>
    %dma_wait3A_1254 = tpu.memref_squeeze %dma_wait3A_1253 : memref<1x512x32xf32, #tpu.memory_space<hbm>> -> memref<512x32xf32, #tpu.memory_space<hbm>>
    %dma_wait3A_1255 = arith.constant 0 : i32
    %dma_wait3A_1256 = arith.constant 0 : i32
    %dma_wait3A_1257 = tpu.memref_slice %arg6[%dma_wait3A_1243, %dma_wait3A_1255, %dma_wait3A_1256] : memref<2x512x32xf32, #tpu.memory_space<vmem>> -> memref<1x512x32xf32, #tpu.memory_space<vmem>>
    %dma_wait3A_1258 = tpu.memref_squeeze %dma_wait3A_1257 : memref<1x512x32xf32, #tpu.memory_space<vmem>> -> memref<512x32xf32, #tpu.memory_space<vmem>>
    tpu.wait_dma2 semaphore(%arg11 : memref<!tpu.dma_semaphore, #tpu.memory_space<semaphore_mem>>) src(%dma_wait3A_1258 : memref<512x32xf32, #tpu.memory_space<vmem>>) dst(%dma_wait3A_1254 : memref<512x32xf32, #tpu.memory_space<hbm>>)
    %dma_start3A_1259 = arith.constant 1 : i32
    %dma_start3A_1260 = arith.constant 0 : i32
    %dma_start3A_1261 = arith.constant 0 : i32
    %dma_start3A_1262 = tpu.memref_slice %arg6[%dma_start3A_1259, %dma_start3A_1260, %dma_start3A_1261] : memref<2x512x32xf32, #tpu.memory_space<vmem>> -> memref<1x512x32xf32, #tpu.memory_space<vmem>>
    %dma_start3A_1263 = tpu.memref_squeeze %dma_start3A_1262 : memref<1x512x32xf32, #tpu.memory_space<vmem>> -> memref<512x32xf32, #tpu.memory_space<vmem>>
    %dma_start3A_1264 = arith.constant 7680 : i32
    %dma_start3A_1265 = tpu.memref_slice %arg5[%dma_start3A_1264] : memref<13312xi32, #tpu.memory_space<vmem>> -> memref<512xi32, #tpu.memory_space<vmem>>
    %dma_start3A_1266 = arith.constant 0 : i32
    %dma_start3A_1267 = arith.constant 0 : i32
    %dma_start3A_1268 = tpu.memref_slice %arg2[%dma_start3A_1266, %dma_start3A_1267] : memref<1000000x32xf32, #tpu.memory_space<hbm>> -> memref<1000000x32xf32, #tpu.memory_space<hbm>>
    tpu.enqueue_indirect_dma source(%dma_start3A_1268 : memref<1000000x32xf32, #tpu.memory_space<hbm>>) target(%dma_start3A_1263 : memref<512x32xf32, #tpu.memory_space<vmem>>) offsets(%dma_start3A_1265 : memref<512xi32, #tpu.memory_space<vmem>>) semaphore(%arg9 : memref<!tpu.dma_semaphore, #tpu.memory_space<semaphore_mem>>)
    %dma_wait3A_1269 = arith.constant 0 : i32
    %dma_wait3A_1270 = arith.constant 0 : i32
    %dma_wait3A_1271 = arith.constant 0 : i32
    %dma_wait3A_1272 = tpu.memref_slice %arg6[%dma_wait3A_1269, %dma_wait3A_1270, %dma_wait3A_1271] : memref<2x512x32xf32, #tpu.memory_space<vmem>> -> memref<1x512x32xf32, #tpu.memory_space<vmem>>
    %dma_wait3A_1273 = tpu.memref_squeeze %dma_wait3A_1272 : memref<1x512x32xf32, #tpu.memory_space<vmem>> -> memref<512x32xf32, #tpu.memory_space<vmem>>
    %dma_wait3A_1274 = arith.constant 7168 : i32
    %dma_wait3A_1275 = tpu.memref_slice %arg5[%dma_wait3A_1274] : memref<13312xi32, #tpu.memory_space<vmem>> -> memref<512xi32, #tpu.memory_space<vmem>>
    %dma_wait3A_1276 = arith.constant 0 : i32
    %dma_wait3A_1277 = arith.constant 0 : i32
    %dma_wait3A_1278 = tpu.memref_slice %arg2[%dma_wait3A_1276, %dma_wait3A_1277] : memref<1000000x32xf32, #tpu.memory_space<hbm>> -> memref<1000000x32xf32, #tpu.memory_space<hbm>>
    tpu.wait_indirect_dma semaphore(%arg8 : memref<!tpu.dma_semaphore, #tpu.memory_space<semaphore_mem>>) src(%dma_wait3A_1278 : memref<1000000x32xf32, #tpu.memory_space<hbm>>) dst(%dma_wait3A_1273 : memref<512x32xf32, #tpu.memory_space<vmem>>)
    %dma_start3A_1279 = arith.constant 0 : i32
    %dma_start3A_1280 = arith.constant 14 : i32
    %dma_start3A_1281 = arith.constant 0 : i32
    %dma_start3A_1282 = arith.constant 0 : i32
    %dma_start3A_1283 = tpu.memref_slice %arg6[%dma_start3A_1279, %dma_start3A_1281, %dma_start3A_1282] : memref<2x512x32xf32, #tpu.memory_space<vmem>> -> memref<1x512x32xf32, #tpu.memory_space<vmem>>
    %dma_start3A_1284 = tpu.memref_squeeze %dma_start3A_1283 : memref<1x512x32xf32, #tpu.memory_space<vmem>> -> memref<512x32xf32, #tpu.memory_space<vmem>>
    %dma_start3A_1285 = arith.constant 0 : i32
    %dma_start3A_1286 = tpu.memref_slice %arg4[%dma_start3A_1280, %mul3A_2, %dma_start3A_1285] : memref<26x16384x32xf32, #tpu.memory_space<hbm>> -> memref<1x512x32xf32, #tpu.memory_space<hbm>>
    %dma_start3A_1287 = tpu.memref_squeeze %dma_start3A_1286 : memref<1x512x32xf32, #tpu.memory_space<hbm>> -> memref<512x32xf32, #tpu.memory_space<hbm>>
    %dma_start3A_1288 = arith.constant 0 : i32
    %dma_start3A_1289 = tpu.memref_slice %arg4[%dma_start3A_1280, %mul3A_2, %dma_start3A_1288] : memref<26x16384x32xf32, #tpu.memory_space<hbm>> -> memref<1x512x32xf32, #tpu.memory_space<hbm>>
    %dma_start3A_1290 = tpu.memref_squeeze %dma_start3A_1289 : memref<1x512x32xf32, #tpu.memory_space<hbm>> -> memref<512x32xf32, #tpu.memory_space<hbm>>
    %dma_start3A_1291 = arith.constant 0 : i32
    %dma_start3A_1292 = arith.constant 0 : i32
    %dma_start3A_1293 = tpu.memref_slice %arg6[%dma_start3A_1279, %dma_start3A_1291, %dma_start3A_1292] : memref<2x512x32xf32, #tpu.memory_space<vmem>> -> memref<1x512x32xf32, #tpu.memory_space<vmem>>
    %dma_start3A_1294 = tpu.memref_squeeze %dma_start3A_1293 : memref<1x512x32xf32, #tpu.memory_space<vmem>> -> memref<512x32xf32, #tpu.memory_space<vmem>>
    tpu.enqueue_dma source(%dma_start3A_1294 : memref<512x32xf32, #tpu.memory_space<vmem>>) target(%dma_start3A_1290 : memref<512x32xf32, #tpu.memory_space<hbm>>) target_semaphore(%arg10 : memref<!tpu.dma_semaphore, #tpu.memory_space<semaphore_mem>>)
    %dma_wait3A_1295 = arith.constant 0 : i32
    %dma_wait3A_1296 = arith.constant 14 : i32
    %dma_wait3A_1297 = arith.constant 0 : i32
    %dma_wait3A_1298 = arith.constant 0 : i32
    %dma_wait3A_1299 = tpu.memref_slice %arg6[%dma_wait3A_1295, %dma_wait3A_1297, %dma_wait3A_1298] : memref<2x512x32xf32, #tpu.memory_space<vmem>> -> memref<1x512x32xf32, #tpu.memory_space<vmem>>
    %dma_wait3A_1300 = tpu.memref_squeeze %dma_wait3A_1299 : memref<1x512x32xf32, #tpu.memory_space<vmem>> -> memref<512x32xf32, #tpu.memory_space<vmem>>
    %dma_wait3A_1301 = arith.constant 0 : i32
    %dma_wait3A_1302 = tpu.memref_slice %arg4[%dma_wait3A_1296, %mul3A_2, %dma_wait3A_1301] : memref<26x16384x32xf32, #tpu.memory_space<hbm>> -> memref<1x512x32xf32, #tpu.memory_space<hbm>>
    %dma_wait3A_1303 = tpu.memref_squeeze %dma_wait3A_1302 : memref<1x512x32xf32, #tpu.memory_space<hbm>> -> memref<512x32xf32, #tpu.memory_space<hbm>>
    %dma_wait3A_1304 = arith.constant 0 : i32
    %dma_wait3A_1305 = tpu.memref_slice %arg4[%dma_wait3A_1296, %mul3A_2, %dma_wait3A_1304] : memref<26x16384x32xf32, #tpu.memory_space<hbm>> -> memref<1x512x32xf32, #tpu.memory_space<hbm>>
    %dma_wait3A_1306 = tpu.memref_squeeze %dma_wait3A_1305 : memref<1x512x32xf32, #tpu.memory_space<hbm>> -> memref<512x32xf32, #tpu.memory_space<hbm>>
    %dma_wait3A_1307 = arith.constant 0 : i32
    %dma_wait3A_1308 = arith.constant 0 : i32
    %dma_wait3A_1309 = tpu.memref_slice %arg6[%dma_wait3A_1295, %dma_wait3A_1307, %dma_wait3A_1308] : memref<2x512x32xf32, #tpu.memory_space<vmem>> -> memref<1x512x32xf32, #tpu.memory_space<vmem>>
    %dma_wait3A_1310 = tpu.memref_squeeze %dma_wait3A_1309 : memref<1x512x32xf32, #tpu.memory_space<vmem>> -> memref<512x32xf32, #tpu.memory_space<vmem>>
    tpu.wait_dma2 semaphore(%arg10 : memref<!tpu.dma_semaphore, #tpu.memory_space<semaphore_mem>>) src(%dma_wait3A_1310 : memref<512x32xf32, #tpu.memory_space<vmem>>) dst(%dma_wait3A_1306 : memref<512x32xf32, #tpu.memory_space<hbm>>)
    %dma_start3A_1311 = arith.constant 0 : i32
    %dma_start3A_1312 = arith.constant 0 : i32
    %dma_start3A_1313 = arith.constant 0 : i32
    %dma_start3A_1314 = tpu.memref_slice %arg6[%dma_start3A_1311, %dma_start3A_1312, %dma_start3A_1313] : memref<2x512x32xf32, #tpu.memory_space<vmem>> -> memref<1x512x32xf32, #tpu.memory_space<vmem>>
    %dma_start3A_1315 = tpu.memref_squeeze %dma_start3A_1314 : memref<1x512x32xf32, #tpu.memory_space<vmem>> -> memref<512x32xf32, #tpu.memory_space<vmem>>
    %dma_start3A_1316 = arith.constant 8192 : i32
    %dma_start3A_1317 = tpu.memref_slice %arg5[%dma_start3A_1316] : memref<13312xi32, #tpu.memory_space<vmem>> -> memref<512xi32, #tpu.memory_space<vmem>>
    %dma_start3A_1318 = arith.constant 0 : i32
    %dma_start3A_1319 = arith.constant 0 : i32
    %dma_start3A_1320 = tpu.memref_slice %arg2[%dma_start3A_1318, %dma_start3A_1319] : memref<1000000x32xf32, #tpu.memory_space<hbm>> -> memref<1000000x32xf32, #tpu.memory_space<hbm>>
    tpu.enqueue_indirect_dma source(%dma_start3A_1320 : memref<1000000x32xf32, #tpu.memory_space<hbm>>) target(%dma_start3A_1315 : memref<512x32xf32, #tpu.memory_space<vmem>>) offsets(%dma_start3A_1317 : memref<512xi32, #tpu.memory_space<vmem>>) semaphore(%arg8 : memref<!tpu.dma_semaphore, #tpu.memory_space<semaphore_mem>>)
    %dma_wait3A_1321 = arith.constant 1 : i32
    %dma_wait3A_1322 = arith.constant 0 : i32
    %dma_wait3A_1323 = arith.constant 0 : i32
    %dma_wait3A_1324 = tpu.memref_slice %arg6[%dma_wait3A_1321, %dma_wait3A_1322, %dma_wait3A_1323] : memref<2x512x32xf32, #tpu.memory_space<vmem>> -> memref<1x512x32xf32, #tpu.memory_space<vmem>>
    %dma_wait3A_1325 = tpu.memref_squeeze %dma_wait3A_1324 : memref<1x512x32xf32, #tpu.memory_space<vmem>> -> memref<512x32xf32, #tpu.memory_space<vmem>>
    %dma_wait3A_1326 = arith.constant 7680 : i32
    %dma_wait3A_1327 = tpu.memref_slice %arg5[%dma_wait3A_1326] : memref<13312xi32, #tpu.memory_space<vmem>> -> memref<512xi32, #tpu.memory_space<vmem>>
    %dma_wait3A_1328 = arith.constant 0 : i32
    %dma_wait3A_1329 = arith.constant 0 : i32
    %dma_wait3A_1330 = tpu.memref_slice %arg2[%dma_wait3A_1328, %dma_wait3A_1329] : memref<1000000x32xf32, #tpu.memory_space<hbm>> -> memref<1000000x32xf32, #tpu.memory_space<hbm>>
    tpu.wait_indirect_dma semaphore(%arg9 : memref<!tpu.dma_semaphore, #tpu.memory_space<semaphore_mem>>) src(%dma_wait3A_1330 : memref<1000000x32xf32, #tpu.memory_space<hbm>>) dst(%dma_wait3A_1325 : memref<512x32xf32, #tpu.memory_space<vmem>>)
    %dma_start3A_1331 = arith.constant 1 : i32
    %dma_start3A_1332 = arith.constant 15 : i32
    %dma_start3A_1333 = arith.constant 0 : i32
    %dma_start3A_1334 = arith.constant 0 : i32
    %dma_start3A_1335 = tpu.memref_slice %arg6[%dma_start3A_1331, %dma_start3A_1333, %dma_start3A_1334] : memref<2x512x32xf32, #tpu.memory_space<vmem>> -> memref<1x512x32xf32, #tpu.memory_space<vmem>>
    %dma_start3A_1336 = tpu.memref_squeeze %dma_start3A_1335 : memref<1x512x32xf32, #tpu.memory_space<vmem>> -> memref<512x32xf32, #tpu.memory_space<vmem>>
    %dma_start3A_1337 = arith.constant 0 : i32
    %dma_start3A_1338 = tpu.memref_slice %arg4[%dma_start3A_1332, %mul3A_2, %dma_start3A_1337] : memref<26x16384x32xf32, #tpu.memory_space<hbm>> -> memref<1x512x32xf32, #tpu.memory_space<hbm>>
    %dma_start3A_1339 = tpu.memref_squeeze %dma_start3A_1338 : memref<1x512x32xf32, #tpu.memory_space<hbm>> -> memref<512x32xf32, #tpu.memory_space<hbm>>
    %dma_start3A_1340 = arith.constant 0 : i32
    %dma_start3A_1341 = tpu.memref_slice %arg4[%dma_start3A_1332, %mul3A_2, %dma_start3A_1340] : memref<26x16384x32xf32, #tpu.memory_space<hbm>> -> memref<1x512x32xf32, #tpu.memory_space<hbm>>
    %dma_start3A_1342 = tpu.memref_squeeze %dma_start3A_1341 : memref<1x512x32xf32, #tpu.memory_space<hbm>> -> memref<512x32xf32, #tpu.memory_space<hbm>>
    %dma_start3A_1343 = arith.constant 0 : i32
    %dma_start3A_1344 = arith.constant 0 : i32
    %dma_start3A_1345 = tpu.memref_slice %arg6[%dma_start3A_1331, %dma_start3A_1343, %dma_start3A_1344] : memref<2x512x32xf32, #tpu.memory_space<vmem>> -> memref<1x512x32xf32, #tpu.memory_space<vmem>>
    %dma_start3A_1346 = tpu.memref_squeeze %dma_start3A_1345 : memref<1x512x32xf32, #tpu.memory_space<vmem>> -> memref<512x32xf32, #tpu.memory_space<vmem>>
    tpu.enqueue_dma source(%dma_start3A_1346 : memref<512x32xf32, #tpu.memory_space<vmem>>) target(%dma_start3A_1342 : memref<512x32xf32, #tpu.memory_space<hbm>>) target_semaphore(%arg11 : memref<!tpu.dma_semaphore, #tpu.memory_space<semaphore_mem>>)
    %dma_wait3A_1347 = arith.constant 1 : i32
    %dma_wait3A_1348 = arith.constant 15 : i32
    %dma_wait3A_1349 = arith.constant 0 : i32
    %dma_wait3A_1350 = arith.constant 0 : i32
    %dma_wait3A_1351 = tpu.memref_slice %arg6[%dma_wait3A_1347, %dma_wait3A_1349, %dma_wait3A_1350] : memref<2x512x32xf32, #tpu.memory_space<vmem>> -> memref<1x512x32xf32, #tpu.memory_space<vmem>>
    %dma_wait3A_1352 = tpu.memref_squeeze %dma_wait3A_1351 : memref<1x512x32xf32, #tpu.memory_space<vmem>> -> memref<512x32xf32, #tpu.memory_space<vmem>>
    %dma_wait3A_1353 = arith.constant 0 : i32
    %dma_wait3A_1354 = tpu.memref_slice %arg4[%dma_wait3A_1348, %mul3A_2, %dma_wait3A_1353] : memref<26x16384x32xf32, #tpu.memory_space<hbm>> -> memref<1x512x32xf32, #tpu.memory_space<hbm>>
    %dma_wait3A_1355 = tpu.memref_squeeze %dma_wait3A_1354 : memref<1x512x32xf32, #tpu.memory_space<hbm>> -> memref<512x32xf32, #tpu.memory_space<hbm>>
    %dma_wait3A_1356 = arith.constant 0 : i32
    %dma_wait3A_1357 = tpu.memref_slice %arg4[%dma_wait3A_1348, %mul3A_2, %dma_wait3A_1356] : memref<26x16384x32xf32, #tpu.memory_space<hbm>> -> memref<1x512x32xf32, #tpu.memory_space<hbm>>
    %dma_wait3A_1358 = tpu.memref_squeeze %dma_wait3A_1357 : memref<1x512x32xf32, #tpu.memory_space<hbm>> -> memref<512x32xf32, #tpu.memory_space<hbm>>
    %dma_wait3A_1359 = arith.constant 0 : i32
    %dma_wait3A_1360 = arith.constant 0 : i32
    %dma_wait3A_1361 = tpu.memref_slice %arg6[%dma_wait3A_1347, %dma_wait3A_1359, %dma_wait3A_1360] : memref<2x512x32xf32, #tpu.memory_space<vmem>> -> memref<1x512x32xf32, #tpu.memory_space<vmem>>
    %dma_wait3A_1362 = tpu.memref_squeeze %dma_wait3A_1361 : memref<1x512x32xf32, #tpu.memory_space<vmem>> -> memref<512x32xf32, #tpu.memory_space<vmem>>
    tpu.wait_dma2 semaphore(%arg11 : memref<!tpu.dma_semaphore, #tpu.memory_space<semaphore_mem>>) src(%dma_wait3A_1362 : memref<512x32xf32, #tpu.memory_space<vmem>>) dst(%dma_wait3A_1358 : memref<512x32xf32, #tpu.memory_space<hbm>>)
    %dma_start3A_1363 = arith.constant 1 : i32
    %dma_start3A_1364 = arith.constant 0 : i32
    %dma_start3A_1365 = arith.constant 0 : i32
    %dma_start3A_1366 = tpu.memref_slice %arg6[%dma_start3A_1363, %dma_start3A_1364, %dma_start3A_1365] : memref<2x512x32xf32, #tpu.memory_space<vmem>> -> memref<1x512x32xf32, #tpu.memory_space<vmem>>
    %dma_start3A_1367 = tpu.memref_squeeze %dma_start3A_1366 : memref<1x512x32xf32, #tpu.memory_space<vmem>> -> memref<512x32xf32, #tpu.memory_space<vmem>>
    %dma_start3A_1368 = arith.constant 8704 : i32
    %dma_start3A_1369 = tpu.memref_slice %arg5[%dma_start3A_1368] : memref<13312xi32, #tpu.memory_space<vmem>> -> memref<512xi32, #tpu.memory_space<vmem>>
    %dma_start3A_1370 = arith.constant 0 : i32
    %dma_start3A_1371 = arith.constant 0 : i32
    %dma_start3A_1372 = tpu.memref_slice %arg2[%dma_start3A_1370, %dma_start3A_1371] : memref<1000000x32xf32, #tpu.memory_space<hbm>> -> memref<1000000x32xf32, #tpu.memory_space<hbm>>
    tpu.enqueue_indirect_dma source(%dma_start3A_1372 : memref<1000000x32xf32, #tpu.memory_space<hbm>>) target(%dma_start3A_1367 : memref<512x32xf32, #tpu.memory_space<vmem>>) offsets(%dma_start3A_1369 : memref<512xi32, #tpu.memory_space<vmem>>) semaphore(%arg9 : memref<!tpu.dma_semaphore, #tpu.memory_space<semaphore_mem>>)
    %dma_wait3A_1373 = arith.constant 0 : i32
    %dma_wait3A_1374 = arith.constant 0 : i32
    %dma_wait3A_1375 = arith.constant 0 : i32
    %dma_wait3A_1376 = tpu.memref_slice %arg6[%dma_wait3A_1373, %dma_wait3A_1374, %dma_wait3A_1375] : memref<2x512x32xf32, #tpu.memory_space<vmem>> -> memref<1x512x32xf32, #tpu.memory_space<vmem>>
    %dma_wait3A_1377 = tpu.memref_squeeze %dma_wait3A_1376 : memref<1x512x32xf32, #tpu.memory_space<vmem>> -> memref<512x32xf32, #tpu.memory_space<vmem>>
    %dma_wait3A_1378 = arith.constant 8192 : i32
    %dma_wait3A_1379 = tpu.memref_slice %arg5[%dma_wait3A_1378] : memref<13312xi32, #tpu.memory_space<vmem>> -> memref<512xi32, #tpu.memory_space<vmem>>
    %dma_wait3A_1380 = arith.constant 0 : i32
    %dma_wait3A_1381 = arith.constant 0 : i32
    %dma_wait3A_1382 = tpu.memref_slice %arg2[%dma_wait3A_1380, %dma_wait3A_1381] : memref<1000000x32xf32, #tpu.memory_space<hbm>> -> memref<1000000x32xf32, #tpu.memory_space<hbm>>
    tpu.wait_indirect_dma semaphore(%arg8 : memref<!tpu.dma_semaphore, #tpu.memory_space<semaphore_mem>>) src(%dma_wait3A_1382 : memref<1000000x32xf32, #tpu.memory_space<hbm>>) dst(%dma_wait3A_1377 : memref<512x32xf32, #tpu.memory_space<vmem>>)
    %dma_start3A_1383 = arith.constant 0 : i32
    %dma_start3A_1384 = arith.constant 16 : i32
    %dma_start3A_1385 = arith.constant 0 : i32
    %dma_start3A_1386 = arith.constant 0 : i32
    %dma_start3A_1387 = tpu.memref_slice %arg6[%dma_start3A_1383, %dma_start3A_1385, %dma_start3A_1386] : memref<2x512x32xf32, #tpu.memory_space<vmem>> -> memref<1x512x32xf32, #tpu.memory_space<vmem>>
    %dma_start3A_1388 = tpu.memref_squeeze %dma_start3A_1387 : memref<1x512x32xf32, #tpu.memory_space<vmem>> -> memref<512x32xf32, #tpu.memory_space<vmem>>
    %dma_start3A_1389 = arith.constant 0 : i32
    %dma_start3A_1390 = tpu.memref_slice %arg4[%dma_start3A_1384, %mul3A_2, %dma_start3A_1389] : memref<26x16384x32xf32, #tpu.memory_space<hbm>> -> memref<1x512x32xf32, #tpu.memory_space<hbm>>
    %dma_start3A_1391 = tpu.memref_squeeze %dma_start3A_1390 : memref<1x512x32xf32, #tpu.memory_space<hbm>> -> memref<512x32xf32, #tpu.memory_space<hbm>>
    %dma_start3A_1392 = arith.constant 0 : i32
    %dma_start3A_1393 = tpu.memref_slice %arg4[%dma_start3A_1384, %mul3A_2, %dma_start3A_1392] : memref<26x16384x32xf32, #tpu.memory_space<hbm>> -> memref<1x512x32xf32, #tpu.memory_space<hbm>>
    %dma_start3A_1394 = tpu.memref_squeeze %dma_start3A_1393 : memref<1x512x32xf32, #tpu.memory_space<hbm>> -> memref<512x32xf32, #tpu.memory_space<hbm>>
    %dma_start3A_1395 = arith.constant 0 : i32
    %dma_start3A_1396 = arith.constant 0 : i32
    %dma_start3A_1397 = tpu.memref_slice %arg6[%dma_start3A_1383, %dma_start3A_1395, %dma_start3A_1396] : memref<2x512x32xf32, #tpu.memory_space<vmem>> -> memref<1x512x32xf32, #tpu.memory_space<vmem>>
    %dma_start3A_1398 = tpu.memref_squeeze %dma_start3A_1397 : memref<1x512x32xf32, #tpu.memory_space<vmem>> -> memref<512x32xf32, #tpu.memory_space<vmem>>
    tpu.enqueue_dma source(%dma_start3A_1398 : memref<512x32xf32, #tpu.memory_space<vmem>>) target(%dma_start3A_1394 : memref<512x32xf32, #tpu.memory_space<hbm>>) target_semaphore(%arg10 : memref<!tpu.dma_semaphore, #tpu.memory_space<semaphore_mem>>)
    %dma_wait3A_1399 = arith.constant 0 : i32
    %dma_wait3A_1400 = arith.constant 16 : i32
    %dma_wait3A_1401 = arith.constant 0 : i32
    %dma_wait3A_1402 = arith.constant 0 : i32
    %dma_wait3A_1403 = tpu.memref_slice %arg6[%dma_wait3A_1399, %dma_wait3A_1401, %dma_wait3A_1402] : memref<2x512x32xf32, #tpu.memory_space<vmem>> -> memref<1x512x32xf32, #tpu.memory_space<vmem>>
    %dma_wait3A_1404 = tpu.memref_squeeze %dma_wait3A_1403 : memref<1x512x32xf32, #tpu.memory_space<vmem>> -> memref<512x32xf32, #tpu.memory_space<vmem>>
    %dma_wait3A_1405 = arith.constant 0 : i32
    %dma_wait3A_1406 = tpu.memref_slice %arg4[%dma_wait3A_1400, %mul3A_2, %dma_wait3A_1405] : memref<26x16384x32xf32, #tpu.memory_space<hbm>> -> memref<1x512x32xf32, #tpu.memory_space<hbm>>
    %dma_wait3A_1407 = tpu.memref_squeeze %dma_wait3A_1406 : memref<1x512x32xf32, #tpu.memory_space<hbm>> -> memref<512x32xf32, #tpu.memory_space<hbm>>
    %dma_wait3A_1408 = arith.constant 0 : i32
    %dma_wait3A_1409 = tpu.memref_slice %arg4[%dma_wait3A_1400, %mul3A_2, %dma_wait3A_1408] : memref<26x16384x32xf32, #tpu.memory_space<hbm>> -> memref<1x512x32xf32, #tpu.memory_space<hbm>>
    %dma_wait3A_1410 = tpu.memref_squeeze %dma_wait3A_1409 : memref<1x512x32xf32, #tpu.memory_space<hbm>> -> memref<512x32xf32, #tpu.memory_space<hbm>>
    %dma_wait3A_1411 = arith.constant 0 : i32
    %dma_wait3A_1412 = arith.constant 0 : i32
    %dma_wait3A_1413 = tpu.memref_slice %arg6[%dma_wait3A_1399, %dma_wait3A_1411, %dma_wait3A_1412] : memref<2x512x32xf32, #tpu.memory_space<vmem>> -> memref<1x512x32xf32, #tpu.memory_space<vmem>>
    %dma_wait3A_1414 = tpu.memref_squeeze %dma_wait3A_1413 : memref<1x512x32xf32, #tpu.memory_space<vmem>> -> memref<512x32xf32, #tpu.memory_space<vmem>>
    tpu.wait_dma2 semaphore(%arg10 : memref<!tpu.dma_semaphore, #tpu.memory_space<semaphore_mem>>) src(%dma_wait3A_1414 : memref<512x32xf32, #tpu.memory_space<vmem>>) dst(%dma_wait3A_1410 : memref<512x32xf32, #tpu.memory_space<hbm>>)
    %dma_start3A_1415 = arith.constant 0 : i32
    %dma_start3A_1416 = arith.constant 0 : i32
    %dma_start3A_1417 = arith.constant 0 : i32
    %dma_start3A_1418 = tpu.memref_slice %arg6[%dma_start3A_1415, %dma_start3A_1416, %dma_start3A_1417] : memref<2x512x32xf32, #tpu.memory_space<vmem>> -> memref<1x512x32xf32, #tpu.memory_space<vmem>>
    %dma_start3A_1419 = tpu.memref_squeeze %dma_start3A_1418 : memref<1x512x32xf32, #tpu.memory_space<vmem>> -> memref<512x32xf32, #tpu.memory_space<vmem>>
    %dma_start3A_1420 = arith.constant 9216 : i32
    %dma_start3A_1421 = tpu.memref_slice %arg5[%dma_start3A_1420] : memref<13312xi32, #tpu.memory_space<vmem>> -> memref<512xi32, #tpu.memory_space<vmem>>
    %dma_start3A_1422 = arith.constant 0 : i32
    %dma_start3A_1423 = arith.constant 0 : i32
    %dma_start3A_1424 = tpu.memref_slice %arg2[%dma_start3A_1422, %dma_start3A_1423] : memref<1000000x32xf32, #tpu.memory_space<hbm>> -> memref<1000000x32xf32, #tpu.memory_space<hbm>>
    tpu.enqueue_indirect_dma source(%dma_start3A_1424 : memref<1000000x32xf32, #tpu.memory_space<hbm>>) target(%dma_start3A_1419 : memref<512x32xf32, #tpu.memory_space<vmem>>) offsets(%dma_start3A_1421 : memref<512xi32, #tpu.memory_space<vmem>>) semaphore(%arg8 : memref<!tpu.dma_semaphore, #tpu.memory_space<semaphore_mem>>)
    %dma_wait3A_1425 = arith.constant 1 : i32
    %dma_wait3A_1426 = arith.constant 0 : i32
    %dma_wait3A_1427 = arith.constant 0 : i32
    %dma_wait3A_1428 = tpu.memref_slice %arg6[%dma_wait3A_1425, %dma_wait3A_1426, %dma_wait3A_1427] : memref<2x512x32xf32, #tpu.memory_space<vmem>> -> memref<1x512x32xf32, #tpu.memory_space<vmem>>
    %dma_wait3A_1429 = tpu.memref_squeeze %dma_wait3A_1428 : memref<1x512x32xf32, #tpu.memory_space<vmem>> -> memref<512x32xf32, #tpu.memory_space<vmem>>
    %dma_wait3A_1430 = arith.constant 8704 : i32
    %dma_wait3A_1431 = tpu.memref_slice %arg5[%dma_wait3A_1430] : memref<13312xi32, #tpu.memory_space<vmem>> -> memref<512xi32, #tpu.memory_space<vmem>>
    %dma_wait3A_1432 = arith.constant 0 : i32
    %dma_wait3A_1433 = arith.constant 0 : i32
    %dma_wait3A_1434 = tpu.memref_slice %arg2[%dma_wait3A_1432, %dma_wait3A_1433] : memref<1000000x32xf32, #tpu.memory_space<hbm>> -> memref<1000000x32xf32, #tpu.memory_space<hbm>>
    tpu.wait_indirect_dma semaphore(%arg9 : memref<!tpu.dma_semaphore, #tpu.memory_space<semaphore_mem>>) src(%dma_wait3A_1434 : memref<1000000x32xf32, #tpu.memory_space<hbm>>) dst(%dma_wait3A_1429 : memref<512x32xf32, #tpu.memory_space<vmem>>)
    %dma_start3A_1435 = arith.constant 1 : i32
    %dma_start3A_1436 = arith.constant 17 : i32
    %dma_start3A_1437 = arith.constant 0 : i32
    %dma_start3A_1438 = arith.constant 0 : i32
    %dma_start3A_1439 = tpu.memref_slice %arg6[%dma_start3A_1435, %dma_start3A_1437, %dma_start3A_1438] : memref<2x512x32xf32, #tpu.memory_space<vmem>> -> memref<1x512x32xf32, #tpu.memory_space<vmem>>
    %dma_start3A_1440 = tpu.memref_squeeze %dma_start3A_1439 : memref<1x512x32xf32, #tpu.memory_space<vmem>> -> memref<512x32xf32, #tpu.memory_space<vmem>>
    %dma_start3A_1441 = arith.constant 0 : i32
    %dma_start3A_1442 = tpu.memref_slice %arg4[%dma_start3A_1436, %mul3A_2, %dma_start3A_1441] : memref<26x16384x32xf32, #tpu.memory_space<hbm>> -> memref<1x512x32xf32, #tpu.memory_space<hbm>>
    %dma_start3A_1443 = tpu.memref_squeeze %dma_start3A_1442 : memref<1x512x32xf32, #tpu.memory_space<hbm>> -> memref<512x32xf32, #tpu.memory_space<hbm>>
    %dma_start3A_1444 = arith.constant 0 : i32
    %dma_start3A_1445 = tpu.memref_slice %arg4[%dma_start3A_1436, %mul3A_2, %dma_start3A_1444] : memref<26x16384x32xf32, #tpu.memory_space<hbm>> -> memref<1x512x32xf32, #tpu.memory_space<hbm>>
    %dma_start3A_1446 = tpu.memref_squeeze %dma_start3A_1445 : memref<1x512x32xf32, #tpu.memory_space<hbm>> -> memref<512x32xf32, #tpu.memory_space<hbm>>
    %dma_start3A_1447 = arith.constant 0 : i32
    %dma_start3A_1448 = arith.constant 0 : i32
    %dma_start3A_1449 = tpu.memref_slice %arg6[%dma_start3A_1435, %dma_start3A_1447, %dma_start3A_1448] : memref<2x512x32xf32, #tpu.memory_space<vmem>> -> memref<1x512x32xf32, #tpu.memory_space<vmem>>
    %dma_start3A_1450 = tpu.memref_squeeze %dma_start3A_1449 : memref<1x512x32xf32, #tpu.memory_space<vmem>> -> memref<512x32xf32, #tpu.memory_space<vmem>>
    tpu.enqueue_dma source(%dma_start3A_1450 : memref<512x32xf32, #tpu.memory_space<vmem>>) target(%dma_start3A_1446 : memref<512x32xf32, #tpu.memory_space<hbm>>) target_semaphore(%arg11 : memref<!tpu.dma_semaphore, #tpu.memory_space<semaphore_mem>>)
    %dma_wait3A_1451 = arith.constant 1 : i32
    %dma_wait3A_1452 = arith.constant 17 : i32
    %dma_wait3A_1453 = arith.constant 0 : i32
    %dma_wait3A_1454 = arith.constant 0 : i32
    %dma_wait3A_1455 = tpu.memref_slice %arg6[%dma_wait3A_1451, %dma_wait3A_1453, %dma_wait3A_1454] : memref<2x512x32xf32, #tpu.memory_space<vmem>> -> memref<1x512x32xf32, #tpu.memory_space<vmem>>
    %dma_wait3A_1456 = tpu.memref_squeeze %dma_wait3A_1455 : memref<1x512x32xf32, #tpu.memory_space<vmem>> -> memref<512x32xf32, #tpu.memory_space<vmem>>
    %dma_wait3A_1457 = arith.constant 0 : i32
    %dma_wait3A_1458 = tpu.memref_slice %arg4[%dma_wait3A_1452, %mul3A_2, %dma_wait3A_1457] : memref<26x16384x32xf32, #tpu.memory_space<hbm>> -> memref<1x512x32xf32, #tpu.memory_space<hbm>>
    %dma_wait3A_1459 = tpu.memref_squeeze %dma_wait3A_1458 : memref<1x512x32xf32, #tpu.memory_space<hbm>> -> memref<512x32xf32, #tpu.memory_space<hbm>>
    %dma_wait3A_1460 = arith.constant 0 : i32
    %dma_wait3A_1461 = tpu.memref_slice %arg4[%dma_wait3A_1452, %mul3A_2, %dma_wait3A_1460] : memref<26x16384x32xf32, #tpu.memory_space<hbm>> -> memref<1x512x32xf32, #tpu.memory_space<hbm>>
    %dma_wait3A_1462 = tpu.memref_squeeze %dma_wait3A_1461 : memref<1x512x32xf32, #tpu.memory_space<hbm>> -> memref<512x32xf32, #tpu.memory_space<hbm>>
    %dma_wait3A_1463 = arith.constant 0 : i32
    %dma_wait3A_1464 = arith.constant 0 : i32
    %dma_wait3A_1465 = tpu.memref_slice %arg6[%dma_wait3A_1451, %dma_wait3A_1463, %dma_wait3A_1464] : memref<2x512x32xf32, #tpu.memory_space<vmem>> -> memref<1x512x32xf32, #tpu.memory_space<vmem>>
    %dma_wait3A_1466 = tpu.memref_squeeze %dma_wait3A_1465 : memref<1x512x32xf32, #tpu.memory_space<vmem>> -> memref<512x32xf32, #tpu.memory_space<vmem>>
    tpu.wait_dma2 semaphore(%arg11 : memref<!tpu.dma_semaphore, #tpu.memory_space<semaphore_mem>>) src(%dma_wait3A_1466 : memref<512x32xf32, #tpu.memory_space<vmem>>) dst(%dma_wait3A_1462 : memref<512x32xf32, #tpu.memory_space<hbm>>)
    %dma_start3A_1467 = arith.constant 1 : i32
    %dma_start3A_1468 = arith.constant 0 : i32
    %dma_start3A_1469 = arith.constant 0 : i32
    %dma_start3A_1470 = tpu.memref_slice %arg6[%dma_start3A_1467, %dma_start3A_1468, %dma_start3A_1469] : memref<2x512x32xf32, #tpu.memory_space<vmem>> -> memref<1x512x32xf32, #tpu.memory_space<vmem>>
    %dma_start3A_1471 = tpu.memref_squeeze %dma_start3A_1470 : memref<1x512x32xf32, #tpu.memory_space<vmem>> -> memref<512x32xf32, #tpu.memory_space<vmem>>
    %dma_start3A_1472 = arith.constant 9728 : i32
    %dma_start3A_1473 = tpu.memref_slice %arg5[%dma_start3A_1472] : memref<13312xi32, #tpu.memory_space<vmem>> -> memref<512xi32, #tpu.memory_space<vmem>>
    %dma_start3A_1474 = arith.constant 0 : i32
    %dma_start3A_1475 = arith.constant 0 : i32
    %dma_start3A_1476 = tpu.memref_slice %arg2[%dma_start3A_1474, %dma_start3A_1475] : memref<1000000x32xf32, #tpu.memory_space<hbm>> -> memref<1000000x32xf32, #tpu.memory_space<hbm>>
    tpu.enqueue_indirect_dma source(%dma_start3A_1476 : memref<1000000x32xf32, #tpu.memory_space<hbm>>) target(%dma_start3A_1471 : memref<512x32xf32, #tpu.memory_space<vmem>>) offsets(%dma_start3A_1473 : memref<512xi32, #tpu.memory_space<vmem>>) semaphore(%arg9 : memref<!tpu.dma_semaphore, #tpu.memory_space<semaphore_mem>>)
    %dma_wait3A_1477 = arith.constant 0 : i32
    %dma_wait3A_1478 = arith.constant 0 : i32
    %dma_wait3A_1479 = arith.constant 0 : i32
    %dma_wait3A_1480 = tpu.memref_slice %arg6[%dma_wait3A_1477, %dma_wait3A_1478, %dma_wait3A_1479] : memref<2x512x32xf32, #tpu.memory_space<vmem>> -> memref<1x512x32xf32, #tpu.memory_space<vmem>>
    %dma_wait3A_1481 = tpu.memref_squeeze %dma_wait3A_1480 : memref<1x512x32xf32, #tpu.memory_space<vmem>> -> memref<512x32xf32, #tpu.memory_space<vmem>>
    %dma_wait3A_1482 = arith.constant 9216 : i32
    %dma_wait3A_1483 = tpu.memref_slice %arg5[%dma_wait3A_1482] : memref<13312xi32, #tpu.memory_space<vmem>> -> memref<512xi32, #tpu.memory_space<vmem>>
    %dma_wait3A_1484 = arith.constant 0 : i32
    %dma_wait3A_1485 = arith.constant 0 : i32
    %dma_wait3A_1486 = tpu.memref_slice %arg2[%dma_wait3A_1484, %dma_wait3A_1485] : memref<1000000x32xf32, #tpu.memory_space<hbm>> -> memref<1000000x32xf32, #tpu.memory_space<hbm>>
    tpu.wait_indirect_dma semaphore(%arg8 : memref<!tpu.dma_semaphore, #tpu.memory_space<semaphore_mem>>) src(%dma_wait3A_1486 : memref<1000000x32xf32, #tpu.memory_space<hbm>>) dst(%dma_wait3A_1481 : memref<512x32xf32, #tpu.memory_space<vmem>>)
    %dma_start3A_1487 = arith.constant 0 : i32
    %dma_start3A_1488 = arith.constant 18 : i32
    %dma_start3A_1489 = arith.constant 0 : i32
    %dma_start3A_1490 = arith.constant 0 : i32
    %dma_start3A_1491 = tpu.memref_slice %arg6[%dma_start3A_1487, %dma_start3A_1489, %dma_start3A_1490] : memref<2x512x32xf32, #tpu.memory_space<vmem>> -> memref<1x512x32xf32, #tpu.memory_space<vmem>>
    %dma_start3A_1492 = tpu.memref_squeeze %dma_start3A_1491 : memref<1x512x32xf32, #tpu.memory_space<vmem>> -> memref<512x32xf32, #tpu.memory_space<vmem>>
    %dma_start3A_1493 = arith.constant 0 : i32
    %dma_start3A_1494 = tpu.memref_slice %arg4[%dma_start3A_1488, %mul3A_2, %dma_start3A_1493] : memref<26x16384x32xf32, #tpu.memory_space<hbm>> -> memref<1x512x32xf32, #tpu.memory_space<hbm>>
    %dma_start3A_1495 = tpu.memref_squeeze %dma_start3A_1494 : memref<1x512x32xf32, #tpu.memory_space<hbm>> -> memref<512x32xf32, #tpu.memory_space<hbm>>
    %dma_start3A_1496 = arith.constant 0 : i32
    %dma_start3A_1497 = tpu.memref_slice %arg4[%dma_start3A_1488, %mul3A_2, %dma_start3A_1496] : memref<26x16384x32xf32, #tpu.memory_space<hbm>> -> memref<1x512x32xf32, #tpu.memory_space<hbm>>
    %dma_start3A_1498 = tpu.memref_squeeze %dma_start3A_1497 : memref<1x512x32xf32, #tpu.memory_space<hbm>> -> memref<512x32xf32, #tpu.memory_space<hbm>>
    %dma_start3A_1499 = arith.constant 0 : i32
    %dma_start3A_1500 = arith.constant 0 : i32
    %dma_start3A_1501 = tpu.memref_slice %arg6[%dma_start3A_1487, %dma_start3A_1499, %dma_start3A_1500] : memref<2x512x32xf32, #tpu.memory_space<vmem>> -> memref<1x512x32xf32, #tpu.memory_space<vmem>>
    %dma_start3A_1502 = tpu.memref_squeeze %dma_start3A_1501 : memref<1x512x32xf32, #tpu.memory_space<vmem>> -> memref<512x32xf32, #tpu.memory_space<vmem>>
    tpu.enqueue_dma source(%dma_start3A_1502 : memref<512x32xf32, #tpu.memory_space<vmem>>) target(%dma_start3A_1498 : memref<512x32xf32, #tpu.memory_space<hbm>>) target_semaphore(%arg10 : memref<!tpu.dma_semaphore, #tpu.memory_space<semaphore_mem>>)
    %dma_wait3A_1503 = arith.constant 0 : i32
    %dma_wait3A_1504 = arith.constant 18 : i32
    %dma_wait3A_1505 = arith.constant 0 : i32
    %dma_wait3A_1506 = arith.constant 0 : i32
    %dma_wait3A_1507 = tpu.memref_slice %arg6[%dma_wait3A_1503, %dma_wait3A_1505, %dma_wait3A_1506] : memref<2x512x32xf32, #tpu.memory_space<vmem>> -> memref<1x512x32xf32, #tpu.memory_space<vmem>>
    %dma_wait3A_1508 = tpu.memref_squeeze %dma_wait3A_1507 : memref<1x512x32xf32, #tpu.memory_space<vmem>> -> memref<512x32xf32, #tpu.memory_space<vmem>>
    %dma_wait3A_1509 = arith.constant 0 : i32
    %dma_wait3A_1510 = tpu.memref_slice %arg4[%dma_wait3A_1504, %mul3A_2, %dma_wait3A_1509] : memref<26x16384x32xf32, #tpu.memory_space<hbm>> -> memref<1x512x32xf32, #tpu.memory_space<hbm>>
    %dma_wait3A_1511 = tpu.memref_squeeze %dma_wait3A_1510 : memref<1x512x32xf32, #tpu.memory_space<hbm>> -> memref<512x32xf32, #tpu.memory_space<hbm>>
    %dma_wait3A_1512 = arith.constant 0 : i32
    %dma_wait3A_1513 = tpu.memref_slice %arg4[%dma_wait3A_1504, %mul3A_2, %dma_wait3A_1512] : memref<26x16384x32xf32, #tpu.memory_space<hbm>> -> memref<1x512x32xf32, #tpu.memory_space<hbm>>
    %dma_wait3A_1514 = tpu.memref_squeeze %dma_wait3A_1513 : memref<1x512x32xf32, #tpu.memory_space<hbm>> -> memref<512x32xf32, #tpu.memory_space<hbm>>
    %dma_wait3A_1515 = arith.constant 0 : i32
    %dma_wait3A_1516 = arith.constant 0 : i32
    %dma_wait3A_1517 = tpu.memref_slice %arg6[%dma_wait3A_1503, %dma_wait3A_1515, %dma_wait3A_1516] : memref<2x512x32xf32, #tpu.memory_space<vmem>> -> memref<1x512x32xf32, #tpu.memory_space<vmem>>
    %dma_wait3A_1518 = tpu.memref_squeeze %dma_wait3A_1517 : memref<1x512x32xf32, #tpu.memory_space<vmem>> -> memref<512x32xf32, #tpu.memory_space<vmem>>
    tpu.wait_dma2 semaphore(%arg10 : memref<!tpu.dma_semaphore, #tpu.memory_space<semaphore_mem>>) src(%dma_wait3A_1518 : memref<512x32xf32, #tpu.memory_space<vmem>>) dst(%dma_wait3A_1514 : memref<512x32xf32, #tpu.memory_space<hbm>>)
    %dma_start3A_1519 = arith.constant 0 : i32
    %dma_start3A_1520 = arith.constant 0 : i32
    %dma_start3A_1521 = arith.constant 0 : i32
    %dma_start3A_1522 = tpu.memref_slice %arg6[%dma_start3A_1519, %dma_start3A_1520, %dma_start3A_1521] : memref<2x512x32xf32, #tpu.memory_space<vmem>> -> memref<1x512x32xf32, #tpu.memory_space<vmem>>
    %dma_start3A_1523 = tpu.memref_squeeze %dma_start3A_1522 : memref<1x512x32xf32, #tpu.memory_space<vmem>> -> memref<512x32xf32, #tpu.memory_space<vmem>>
    %dma_start3A_1524 = arith.constant 10240 : i32
    %dma_start3A_1525 = tpu.memref_slice %arg5[%dma_start3A_1524] : memref<13312xi32, #tpu.memory_space<vmem>> -> memref<512xi32, #tpu.memory_space<vmem>>
    %dma_start3A_1526 = arith.constant 0 : i32
    %dma_start3A_1527 = arith.constant 0 : i32
    %dma_start3A_1528 = tpu.memref_slice %arg2[%dma_start3A_1526, %dma_start3A_1527] : memref<1000000x32xf32, #tpu.memory_space<hbm>> -> memref<1000000x32xf32, #tpu.memory_space<hbm>>
    tpu.enqueue_indirect_dma source(%dma_start3A_1528 : memref<1000000x32xf32, #tpu.memory_space<hbm>>) target(%dma_start3A_1523 : memref<512x32xf32, #tpu.memory_space<vmem>>) offsets(%dma_start3A_1525 : memref<512xi32, #tpu.memory_space<vmem>>) semaphore(%arg8 : memref<!tpu.dma_semaphore, #tpu.memory_space<semaphore_mem>>)
    %dma_wait3A_1529 = arith.constant 1 : i32
    %dma_wait3A_1530 = arith.constant 0 : i32
    %dma_wait3A_1531 = arith.constant 0 : i32
    %dma_wait3A_1532 = tpu.memref_slice %arg6[%dma_wait3A_1529, %dma_wait3A_1530, %dma_wait3A_1531] : memref<2x512x32xf32, #tpu.memory_space<vmem>> -> memref<1x512x32xf32, #tpu.memory_space<vmem>>
    %dma_wait3A_1533 = tpu.memref_squeeze %dma_wait3A_1532 : memref<1x512x32xf32, #tpu.memory_space<vmem>> -> memref<512x32xf32, #tpu.memory_space<vmem>>
    %dma_wait3A_1534 = arith.constant 9728 : i32
    %dma_wait3A_1535 = tpu.memref_slice %arg5[%dma_wait3A_1534] : memref<13312xi32, #tpu.memory_space<vmem>> -> memref<512xi32, #tpu.memory_space<vmem>>
    %dma_wait3A_1536 = arith.constant 0 : i32
    %dma_wait3A_1537 = arith.constant 0 : i32
    %dma_wait3A_1538 = tpu.memref_slice %arg2[%dma_wait3A_1536, %dma_wait3A_1537] : memref<1000000x32xf32, #tpu.memory_space<hbm>> -> memref<1000000x32xf32, #tpu.memory_space<hbm>>
    tpu.wait_indirect_dma semaphore(%arg9 : memref<!tpu.dma_semaphore, #tpu.memory_space<semaphore_mem>>) src(%dma_wait3A_1538 : memref<1000000x32xf32, #tpu.memory_space<hbm>>) dst(%dma_wait3A_1533 : memref<512x32xf32, #tpu.memory_space<vmem>>)
    %dma_start3A_1539 = arith.constant 1 : i32
    %dma_start3A_1540 = arith.constant 19 : i32
    %dma_start3A_1541 = arith.constant 0 : i32
    %dma_start3A_1542 = arith.constant 0 : i32
    %dma_start3A_1543 = tpu.memref_slice %arg6[%dma_start3A_1539, %dma_start3A_1541, %dma_start3A_1542] : memref<2x512x32xf32, #tpu.memory_space<vmem>> -> memref<1x512x32xf32, #tpu.memory_space<vmem>>
    %dma_start3A_1544 = tpu.memref_squeeze %dma_start3A_1543 : memref<1x512x32xf32, #tpu.memory_space<vmem>> -> memref<512x32xf32, #tpu.memory_space<vmem>>
    %dma_start3A_1545 = arith.constant 0 : i32
    %dma_start3A_1546 = tpu.memref_slice %arg4[%dma_start3A_1540, %mul3A_2, %dma_start3A_1545] : memref<26x16384x32xf32, #tpu.memory_space<hbm>> -> memref<1x512x32xf32, #tpu.memory_space<hbm>>
    %dma_start3A_1547 = tpu.memref_squeeze %dma_start3A_1546 : memref<1x512x32xf32, #tpu.memory_space<hbm>> -> memref<512x32xf32, #tpu.memory_space<hbm>>
    %dma_start3A_1548 = arith.constant 0 : i32
    %dma_start3A_1549 = tpu.memref_slice %arg4[%dma_start3A_1540, %mul3A_2, %dma_start3A_1548] : memref<26x16384x32xf32, #tpu.memory_space<hbm>> -> memref<1x512x32xf32, #tpu.memory_space<hbm>>
    %dma_start3A_1550 = tpu.memref_squeeze %dma_start3A_1549 : memref<1x512x32xf32, #tpu.memory_space<hbm>> -> memref<512x32xf32, #tpu.memory_space<hbm>>
    %dma_start3A_1551 = arith.constant 0 : i32
    %dma_start3A_1552 = arith.constant 0 : i32
    %dma_start3A_1553 = tpu.memref_slice %arg6[%dma_start3A_1539, %dma_start3A_1551, %dma_start3A_1552] : memref<2x512x32xf32, #tpu.memory_space<vmem>> -> memref<1x512x32xf32, #tpu.memory_space<vmem>>
    %dma_start3A_1554 = tpu.memref_squeeze %dma_start3A_1553 : memref<1x512x32xf32, #tpu.memory_space<vmem>> -> memref<512x32xf32, #tpu.memory_space<vmem>>
    tpu.enqueue_dma source(%dma_start3A_1554 : memref<512x32xf32, #tpu.memory_space<vmem>>) target(%dma_start3A_1550 : memref<512x32xf32, #tpu.memory_space<hbm>>) target_semaphore(%arg11 : memref<!tpu.dma_semaphore, #tpu.memory_space<semaphore_mem>>)
    %dma_wait3A_1555 = arith.constant 1 : i32
    %dma_wait3A_1556 = arith.constant 19 : i32
    %dma_wait3A_1557 = arith.constant 0 : i32
    %dma_wait3A_1558 = arith.constant 0 : i32
    %dma_wait3A_1559 = tpu.memref_slice %arg6[%dma_wait3A_1555, %dma_wait3A_1557, %dma_wait3A_1558] : memref<2x512x32xf32, #tpu.memory_space<vmem>> -> memref<1x512x32xf32, #tpu.memory_space<vmem>>
    %dma_wait3A_1560 = tpu.memref_squeeze %dma_wait3A_1559 : memref<1x512x32xf32, #tpu.memory_space<vmem>> -> memref<512x32xf32, #tpu.memory_space<vmem>>
    %dma_wait3A_1561 = arith.constant 0 : i32
    %dma_wait3A_1562 = tpu.memref_slice %arg4[%dma_wait3A_1556, %mul3A_2, %dma_wait3A_1561] : memref<26x16384x32xf32, #tpu.memory_space<hbm>> -> memref<1x512x32xf32, #tpu.memory_space<hbm>>
    %dma_wait3A_1563 = tpu.memref_squeeze %dma_wait3A_1562 : memref<1x512x32xf32, #tpu.memory_space<hbm>> -> memref<512x32xf32, #tpu.memory_space<hbm>>
    %dma_wait3A_1564 = arith.constant 0 : i32
    %dma_wait3A_1565 = tpu.memref_slice %arg4[%dma_wait3A_1556, %mul3A_2, %dma_wait3A_1564] : memref<26x16384x32xf32, #tpu.memory_space<hbm>> -> memref<1x512x32xf32, #tpu.memory_space<hbm>>
    %dma_wait3A_1566 = tpu.memref_squeeze %dma_wait3A_1565 : memref<1x512x32xf32, #tpu.memory_space<hbm>> -> memref<512x32xf32, #tpu.memory_space<hbm>>
    %dma_wait3A_1567 = arith.constant 0 : i32
    %dma_wait3A_1568 = arith.constant 0 : i32
    %dma_wait3A_1569 = tpu.memref_slice %arg6[%dma_wait3A_1555, %dma_wait3A_1567, %dma_wait3A_1568] : memref<2x512x32xf32, #tpu.memory_space<vmem>> -> memref<1x512x32xf32, #tpu.memory_space<vmem>>
    %dma_wait3A_1570 = tpu.memref_squeeze %dma_wait3A_1569 : memref<1x512x32xf32, #tpu.memory_space<vmem>> -> memref<512x32xf32, #tpu.memory_space<vmem>>
    tpu.wait_dma2 semaphore(%arg11 : memref<!tpu.dma_semaphore, #tpu.memory_space<semaphore_mem>>) src(%dma_wait3A_1570 : memref<512x32xf32, #tpu.memory_space<vmem>>) dst(%dma_wait3A_1566 : memref<512x32xf32, #tpu.memory_space<hbm>>)
    %dma_start3A_1571 = arith.constant 1 : i32
    %dma_start3A_1572 = arith.constant 0 : i32
    %dma_start3A_1573 = arith.constant 0 : i32
    %dma_start3A_1574 = tpu.memref_slice %arg6[%dma_start3A_1571, %dma_start3A_1572, %dma_start3A_1573] : memref<2x512x32xf32, #tpu.memory_space<vmem>> -> memref<1x512x32xf32, #tpu.memory_space<vmem>>
    %dma_start3A_1575 = tpu.memref_squeeze %dma_start3A_1574 : memref<1x512x32xf32, #tpu.memory_space<vmem>> -> memref<512x32xf32, #tpu.memory_space<vmem>>
    %dma_start3A_1576 = arith.constant 10752 : i32
    %dma_start3A_1577 = tpu.memref_slice %arg5[%dma_start3A_1576] : memref<13312xi32, #tpu.memory_space<vmem>> -> memref<512xi32, #tpu.memory_space<vmem>>
    %dma_start3A_1578 = arith.constant 0 : i32
    %dma_start3A_1579 = arith.constant 0 : i32
    %dma_start3A_1580 = tpu.memref_slice %arg2[%dma_start3A_1578, %dma_start3A_1579] : memref<1000000x32xf32, #tpu.memory_space<hbm>> -> memref<1000000x32xf32, #tpu.memory_space<hbm>>
    tpu.enqueue_indirect_dma source(%dma_start3A_1580 : memref<1000000x32xf32, #tpu.memory_space<hbm>>) target(%dma_start3A_1575 : memref<512x32xf32, #tpu.memory_space<vmem>>) offsets(%dma_start3A_1577 : memref<512xi32, #tpu.memory_space<vmem>>) semaphore(%arg9 : memref<!tpu.dma_semaphore, #tpu.memory_space<semaphore_mem>>)
    %dma_wait3A_1581 = arith.constant 0 : i32
    %dma_wait3A_1582 = arith.constant 0 : i32
    %dma_wait3A_1583 = arith.constant 0 : i32
    %dma_wait3A_1584 = tpu.memref_slice %arg6[%dma_wait3A_1581, %dma_wait3A_1582, %dma_wait3A_1583] : memref<2x512x32xf32, #tpu.memory_space<vmem>> -> memref<1x512x32xf32, #tpu.memory_space<vmem>>
    %dma_wait3A_1585 = tpu.memref_squeeze %dma_wait3A_1584 : memref<1x512x32xf32, #tpu.memory_space<vmem>> -> memref<512x32xf32, #tpu.memory_space<vmem>>
    %dma_wait3A_1586 = arith.constant 10240 : i32
    %dma_wait3A_1587 = tpu.memref_slice %arg5[%dma_wait3A_1586] : memref<13312xi32, #tpu.memory_space<vmem>> -> memref<512xi32, #tpu.memory_space<vmem>>
    %dma_wait3A_1588 = arith.constant 0 : i32
    %dma_wait3A_1589 = arith.constant 0 : i32
    %dma_wait3A_1590 = tpu.memref_slice %arg2[%dma_wait3A_1588, %dma_wait3A_1589] : memref<1000000x32xf32, #tpu.memory_space<hbm>> -> memref<1000000x32xf32, #tpu.memory_space<hbm>>
    tpu.wait_indirect_dma semaphore(%arg8 : memref<!tpu.dma_semaphore, #tpu.memory_space<semaphore_mem>>) src(%dma_wait3A_1590 : memref<1000000x32xf32, #tpu.memory_space<hbm>>) dst(%dma_wait3A_1585 : memref<512x32xf32, #tpu.memory_space<vmem>>)
    %dma_start3A_1591 = arith.constant 0 : i32
    %dma_start3A_1592 = arith.constant 20 : i32
    %dma_start3A_1593 = arith.constant 0 : i32
    %dma_start3A_1594 = arith.constant 0 : i32
    %dma_start3A_1595 = tpu.memref_slice %arg6[%dma_start3A_1591, %dma_start3A_1593, %dma_start3A_1594] : memref<2x512x32xf32, #tpu.memory_space<vmem>> -> memref<1x512x32xf32, #tpu.memory_space<vmem>>
    %dma_start3A_1596 = tpu.memref_squeeze %dma_start3A_1595 : memref<1x512x32xf32, #tpu.memory_space<vmem>> -> memref<512x32xf32, #tpu.memory_space<vmem>>
    %dma_start3A_1597 = arith.constant 0 : i32
    %dma_start3A_1598 = tpu.memref_slice %arg4[%dma_start3A_1592, %mul3A_2, %dma_start3A_1597] : memref<26x16384x32xf32, #tpu.memory_space<hbm>> -> memref<1x512x32xf32, #tpu.memory_space<hbm>>
    %dma_start3A_1599 = tpu.memref_squeeze %dma_start3A_1598 : memref<1x512x32xf32, #tpu.memory_space<hbm>> -> memref<512x32xf32, #tpu.memory_space<hbm>>
    %dma_start3A_1600 = arith.constant 0 : i32
    %dma_start3A_1601 = tpu.memref_slice %arg4[%dma_start3A_1592, %mul3A_2, %dma_start3A_1600] : memref<26x16384x32xf32, #tpu.memory_space<hbm>> -> memref<1x512x32xf32, #tpu.memory_space<hbm>>
    %dma_start3A_1602 = tpu.memref_squeeze %dma_start3A_1601 : memref<1x512x32xf32, #tpu.memory_space<hbm>> -> memref<512x32xf32, #tpu.memory_space<hbm>>
    %dma_start3A_1603 = arith.constant 0 : i32
    %dma_start3A_1604 = arith.constant 0 : i32
    %dma_start3A_1605 = tpu.memref_slice %arg6[%dma_start3A_1591, %dma_start3A_1603, %dma_start3A_1604] : memref<2x512x32xf32, #tpu.memory_space<vmem>> -> memref<1x512x32xf32, #tpu.memory_space<vmem>>
    %dma_start3A_1606 = tpu.memref_squeeze %dma_start3A_1605 : memref<1x512x32xf32, #tpu.memory_space<vmem>> -> memref<512x32xf32, #tpu.memory_space<vmem>>
    tpu.enqueue_dma source(%dma_start3A_1606 : memref<512x32xf32, #tpu.memory_space<vmem>>) target(%dma_start3A_1602 : memref<512x32xf32, #tpu.memory_space<hbm>>) target_semaphore(%arg10 : memref<!tpu.dma_semaphore, #tpu.memory_space<semaphore_mem>>)
    %dma_wait3A_1607 = arith.constant 0 : i32
    %dma_wait3A_1608 = arith.constant 20 : i32
    %dma_wait3A_1609 = arith.constant 0 : i32
    %dma_wait3A_1610 = arith.constant 0 : i32
    %dma_wait3A_1611 = tpu.memref_slice %arg6[%dma_wait3A_1607, %dma_wait3A_1609, %dma_wait3A_1610] : memref<2x512x32xf32, #tpu.memory_space<vmem>> -> memref<1x512x32xf32, #tpu.memory_space<vmem>>
    %dma_wait3A_1612 = tpu.memref_squeeze %dma_wait3A_1611 : memref<1x512x32xf32, #tpu.memory_space<vmem>> -> memref<512x32xf32, #tpu.memory_space<vmem>>
    %dma_wait3A_1613 = arith.constant 0 : i32
    %dma_wait3A_1614 = tpu.memref_slice %arg4[%dma_wait3A_1608, %mul3A_2, %dma_wait3A_1613] : memref<26x16384x32xf32, #tpu.memory_space<hbm>> -> memref<1x512x32xf32, #tpu.memory_space<hbm>>
    %dma_wait3A_1615 = tpu.memref_squeeze %dma_wait3A_1614 : memref<1x512x32xf32, #tpu.memory_space<hbm>> -> memref<512x32xf32, #tpu.memory_space<hbm>>
    %dma_wait3A_1616 = arith.constant 0 : i32
    %dma_wait3A_1617 = tpu.memref_slice %arg4[%dma_wait3A_1608, %mul3A_2, %dma_wait3A_1616] : memref<26x16384x32xf32, #tpu.memory_space<hbm>> -> memref<1x512x32xf32, #tpu.memory_space<hbm>>
    %dma_wait3A_1618 = tpu.memref_squeeze %dma_wait3A_1617 : memref<1x512x32xf32, #tpu.memory_space<hbm>> -> memref<512x32xf32, #tpu.memory_space<hbm>>
    %dma_wait3A_1619 = arith.constant 0 : i32
    %dma_wait3A_1620 = arith.constant 0 : i32
    %dma_wait3A_1621 = tpu.memref_slice %arg6[%dma_wait3A_1607, %dma_wait3A_1619, %dma_wait3A_1620] : memref<2x512x32xf32, #tpu.memory_space<vmem>> -> memref<1x512x32xf32, #tpu.memory_space<vmem>>
    %dma_wait3A_1622 = tpu.memref_squeeze %dma_wait3A_1621 : memref<1x512x32xf32, #tpu.memory_space<vmem>> -> memref<512x32xf32, #tpu.memory_space<vmem>>
    tpu.wait_dma2 semaphore(%arg10 : memref<!tpu.dma_semaphore, #tpu.memory_space<semaphore_mem>>) src(%dma_wait3A_1622 : memref<512x32xf32, #tpu.memory_space<vmem>>) dst(%dma_wait3A_1618 : memref<512x32xf32, #tpu.memory_space<hbm>>)
    %dma_start3A_1623 = arith.constant 0 : i32
    %dma_start3A_1624 = arith.constant 0 : i32
    %dma_start3A_1625 = arith.constant 0 : i32
    %dma_start3A_1626 = tpu.memref_slice %arg6[%dma_start3A_1623, %dma_start3A_1624, %dma_start3A_1625] : memref<2x512x32xf32, #tpu.memory_space<vmem>> -> memref<1x512x32xf32, #tpu.memory_space<vmem>>
    %dma_start3A_1627 = tpu.memref_squeeze %dma_start3A_1626 : memref<1x512x32xf32, #tpu.memory_space<vmem>> -> memref<512x32xf32, #tpu.memory_space<vmem>>
    %dma_start3A_1628 = arith.constant 11264 : i32
    %dma_start3A_1629 = tpu.memref_slice %arg5[%dma_start3A_1628] : memref<13312xi32, #tpu.memory_space<vmem>> -> memref<512xi32, #tpu.memory_space<vmem>>
    %dma_start3A_1630 = arith.constant 0 : i32
    %dma_start3A_1631 = arith.constant 0 : i32
    %dma_start3A_1632 = tpu.memref_slice %arg2[%dma_start3A_1630, %dma_start3A_1631] : memref<1000000x32xf32, #tpu.memory_space<hbm>> -> memref<1000000x32xf32, #tpu.memory_space<hbm>>
    tpu.enqueue_indirect_dma source(%dma_start3A_1632 : memref<1000000x32xf32, #tpu.memory_space<hbm>>) target(%dma_start3A_1627 : memref<512x32xf32, #tpu.memory_space<vmem>>) offsets(%dma_start3A_1629 : memref<512xi32, #tpu.memory_space<vmem>>) semaphore(%arg8 : memref<!tpu.dma_semaphore, #tpu.memory_space<semaphore_mem>>)
    %dma_wait3A_1633 = arith.constant 1 : i32
    %dma_wait3A_1634 = arith.constant 0 : i32
    %dma_wait3A_1635 = arith.constant 0 : i32
    %dma_wait3A_1636 = tpu.memref_slice %arg6[%dma_wait3A_1633, %dma_wait3A_1634, %dma_wait3A_1635] : memref<2x512x32xf32, #tpu.memory_space<vmem>> -> memref<1x512x32xf32, #tpu.memory_space<vmem>>
    %dma_wait3A_1637 = tpu.memref_squeeze %dma_wait3A_1636 : memref<1x512x32xf32, #tpu.memory_space<vmem>> -> memref<512x32xf32, #tpu.memory_space<vmem>>
    %dma_wait3A_1638 = arith.constant 10752 : i32
    %dma_wait3A_1639 = tpu.memref_slice %arg5[%dma_wait3A_1638] : memref<13312xi32, #tpu.memory_space<vmem>> -> memref<512xi32, #tpu.memory_space<vmem>>
    %dma_wait3A_1640 = arith.constant 0 : i32
    %dma_wait3A_1641 = arith.constant 0 : i32
    %dma_wait3A_1642 = tpu.memref_slice %arg2[%dma_wait3A_1640, %dma_wait3A_1641] : memref<1000000x32xf32, #tpu.memory_space<hbm>> -> memref<1000000x32xf32, #tpu.memory_space<hbm>>
    tpu.wait_indirect_dma semaphore(%arg9 : memref<!tpu.dma_semaphore, #tpu.memory_space<semaphore_mem>>) src(%dma_wait3A_1642 : memref<1000000x32xf32, #tpu.memory_space<hbm>>) dst(%dma_wait3A_1637 : memref<512x32xf32, #tpu.memory_space<vmem>>)
    %dma_start3A_1643 = arith.constant 1 : i32
    %dma_start3A_1644 = arith.constant 21 : i32
    %dma_start3A_1645 = arith.constant 0 : i32
    %dma_start3A_1646 = arith.constant 0 : i32
    %dma_start3A_1647 = tpu.memref_slice %arg6[%dma_start3A_1643, %dma_start3A_1645, %dma_start3A_1646] : memref<2x512x32xf32, #tpu.memory_space<vmem>> -> memref<1x512x32xf32, #tpu.memory_space<vmem>>
    %dma_start3A_1648 = tpu.memref_squeeze %dma_start3A_1647 : memref<1x512x32xf32, #tpu.memory_space<vmem>> -> memref<512x32xf32, #tpu.memory_space<vmem>>
    %dma_start3A_1649 = arith.constant 0 : i32
    %dma_start3A_1650 = tpu.memref_slice %arg4[%dma_start3A_1644, %mul3A_2, %dma_start3A_1649] : memref<26x16384x32xf32, #tpu.memory_space<hbm>> -> memref<1x512x32xf32, #tpu.memory_space<hbm>>
    %dma_start3A_1651 = tpu.memref_squeeze %dma_start3A_1650 : memref<1x512x32xf32, #tpu.memory_space<hbm>> -> memref<512x32xf32, #tpu.memory_space<hbm>>
    %dma_start3A_1652 = arith.constant 0 : i32
    %dma_start3A_1653 = tpu.memref_slice %arg4[%dma_start3A_1644, %mul3A_2, %dma_start3A_1652] : memref<26x16384x32xf32, #tpu.memory_space<hbm>> -> memref<1x512x32xf32, #tpu.memory_space<hbm>>
    %dma_start3A_1654 = tpu.memref_squeeze %dma_start3A_1653 : memref<1x512x32xf32, #tpu.memory_space<hbm>> -> memref<512x32xf32, #tpu.memory_space<hbm>>
    %dma_start3A_1655 = arith.constant 0 : i32
    %dma_start3A_1656 = arith.constant 0 : i32
    %dma_start3A_1657 = tpu.memref_slice %arg6[%dma_start3A_1643, %dma_start3A_1655, %dma_start3A_1656] : memref<2x512x32xf32, #tpu.memory_space<vmem>> -> memref<1x512x32xf32, #tpu.memory_space<vmem>>
    %dma_start3A_1658 = tpu.memref_squeeze %dma_start3A_1657 : memref<1x512x32xf32, #tpu.memory_space<vmem>> -> memref<512x32xf32, #tpu.memory_space<vmem>>
    tpu.enqueue_dma source(%dma_start3A_1658 : memref<512x32xf32, #tpu.memory_space<vmem>>) target(%dma_start3A_1654 : memref<512x32xf32, #tpu.memory_space<hbm>>) target_semaphore(%arg11 : memref<!tpu.dma_semaphore, #tpu.memory_space<semaphore_mem>>)
    %dma_wait3A_1659 = arith.constant 1 : i32
    %dma_wait3A_1660 = arith.constant 21 : i32
    %dma_wait3A_1661 = arith.constant 0 : i32
    %dma_wait3A_1662 = arith.constant 0 : i32
    %dma_wait3A_1663 = tpu.memref_slice %arg6[%dma_wait3A_1659, %dma_wait3A_1661, %dma_wait3A_1662] : memref<2x512x32xf32, #tpu.memory_space<vmem>> -> memref<1x512x32xf32, #tpu.memory_space<vmem>>
    %dma_wait3A_1664 = tpu.memref_squeeze %dma_wait3A_1663 : memref<1x512x32xf32, #tpu.memory_space<vmem>> -> memref<512x32xf32, #tpu.memory_space<vmem>>
    %dma_wait3A_1665 = arith.constant 0 : i32
    %dma_wait3A_1666 = tpu.memref_slice %arg4[%dma_wait3A_1660, %mul3A_2, %dma_wait3A_1665] : memref<26x16384x32xf32, #tpu.memory_space<hbm>> -> memref<1x512x32xf32, #tpu.memory_space<hbm>>
    %dma_wait3A_1667 = tpu.memref_squeeze %dma_wait3A_1666 : memref<1x512x32xf32, #tpu.memory_space<hbm>> -> memref<512x32xf32, #tpu.memory_space<hbm>>
    %dma_wait3A_1668 = arith.constant 0 : i32
    %dma_wait3A_1669 = tpu.memref_slice %arg4[%dma_wait3A_1660, %mul3A_2, %dma_wait3A_1668] : memref<26x16384x32xf32, #tpu.memory_space<hbm>> -> memref<1x512x32xf32, #tpu.memory_space<hbm>>
    %dma_wait3A_1670 = tpu.memref_squeeze %dma_wait3A_1669 : memref<1x512x32xf32, #tpu.memory_space<hbm>> -> memref<512x32xf32, #tpu.memory_space<hbm>>
    %dma_wait3A_1671 = arith.constant 0 : i32
    %dma_wait3A_1672 = arith.constant 0 : i32
    %dma_wait3A_1673 = tpu.memref_slice %arg6[%dma_wait3A_1659, %dma_wait3A_1671, %dma_wait3A_1672] : memref<2x512x32xf32, #tpu.memory_space<vmem>> -> memref<1x512x32xf32, #tpu.memory_space<vmem>>
    %dma_wait3A_1674 = tpu.memref_squeeze %dma_wait3A_1673 : memref<1x512x32xf32, #tpu.memory_space<vmem>> -> memref<512x32xf32, #tpu.memory_space<vmem>>
    tpu.wait_dma2 semaphore(%arg11 : memref<!tpu.dma_semaphore, #tpu.memory_space<semaphore_mem>>) src(%dma_wait3A_1674 : memref<512x32xf32, #tpu.memory_space<vmem>>) dst(%dma_wait3A_1670 : memref<512x32xf32, #tpu.memory_space<hbm>>)
    %dma_start3A_1675 = arith.constant 1 : i32
    %dma_start3A_1676 = arith.constant 0 : i32
    %dma_start3A_1677 = arith.constant 0 : i32
    %dma_start3A_1678 = tpu.memref_slice %arg6[%dma_start3A_1675, %dma_start3A_1676, %dma_start3A_1677] : memref<2x512x32xf32, #tpu.memory_space<vmem>> -> memref<1x512x32xf32, #tpu.memory_space<vmem>>
    %dma_start3A_1679 = tpu.memref_squeeze %dma_start3A_1678 : memref<1x512x32xf32, #tpu.memory_space<vmem>> -> memref<512x32xf32, #tpu.memory_space<vmem>>
    %dma_start3A_1680 = arith.constant 11776 : i32
    %dma_start3A_1681 = tpu.memref_slice %arg5[%dma_start3A_1680] : memref<13312xi32, #tpu.memory_space<vmem>> -> memref<512xi32, #tpu.memory_space<vmem>>
    %dma_start3A_1682 = arith.constant 0 : i32
    %dma_start3A_1683 = arith.constant 0 : i32
    %dma_start3A_1684 = tpu.memref_slice %arg2[%dma_start3A_1682, %dma_start3A_1683] : memref<1000000x32xf32, #tpu.memory_space<hbm>> -> memref<1000000x32xf32, #tpu.memory_space<hbm>>
    tpu.enqueue_indirect_dma source(%dma_start3A_1684 : memref<1000000x32xf32, #tpu.memory_space<hbm>>) target(%dma_start3A_1679 : memref<512x32xf32, #tpu.memory_space<vmem>>) offsets(%dma_start3A_1681 : memref<512xi32, #tpu.memory_space<vmem>>) semaphore(%arg9 : memref<!tpu.dma_semaphore, #tpu.memory_space<semaphore_mem>>)
    %dma_wait3A_1685 = arith.constant 0 : i32
    %dma_wait3A_1686 = arith.constant 0 : i32
    %dma_wait3A_1687 = arith.constant 0 : i32
    %dma_wait3A_1688 = tpu.memref_slice %arg6[%dma_wait3A_1685, %dma_wait3A_1686, %dma_wait3A_1687] : memref<2x512x32xf32, #tpu.memory_space<vmem>> -> memref<1x512x32xf32, #tpu.memory_space<vmem>>
    %dma_wait3A_1689 = tpu.memref_squeeze %dma_wait3A_1688 : memref<1x512x32xf32, #tpu.memory_space<vmem>> -> memref<512x32xf32, #tpu.memory_space<vmem>>
    %dma_wait3A_1690 = arith.constant 11264 : i32
    %dma_wait3A_1691 = tpu.memref_slice %arg5[%dma_wait3A_1690] : memref<13312xi32, #tpu.memory_space<vmem>> -> memref<512xi32, #tpu.memory_space<vmem>>
    %dma_wait3A_1692 = arith.constant 0 : i32
    %dma_wait3A_1693 = arith.constant 0 : i32
    %dma_wait3A_1694 = tpu.memref_slice %arg2[%dma_wait3A_1692, %dma_wait3A_1693] : memref<1000000x32xf32, #tpu.memory_space<hbm>> -> memref<1000000x32xf32, #tpu.memory_space<hbm>>
    tpu.wait_indirect_dma semaphore(%arg8 : memref<!tpu.dma_semaphore, #tpu.memory_space<semaphore_mem>>) src(%dma_wait3A_1694 : memref<1000000x32xf32, #tpu.memory_space<hbm>>) dst(%dma_wait3A_1689 : memref<512x32xf32, #tpu.memory_space<vmem>>)
    %dma_start3A_1695 = arith.constant 0 : i32
    %dma_start3A_1696 = arith.constant 22 : i32
    %dma_start3A_1697 = arith.constant 0 : i32
    %dma_start3A_1698 = arith.constant 0 : i32
    %dma_start3A_1699 = tpu.memref_slice %arg6[%dma_start3A_1695, %dma_start3A_1697, %dma_start3A_1698] : memref<2x512x32xf32, #tpu.memory_space<vmem>> -> memref<1x512x32xf32, #tpu.memory_space<vmem>>
    %dma_start3A_1700 = tpu.memref_squeeze %dma_start3A_1699 : memref<1x512x32xf32, #tpu.memory_space<vmem>> -> memref<512x32xf32, #tpu.memory_space<vmem>>
    %dma_start3A_1701 = arith.constant 0 : i32
    %dma_start3A_1702 = tpu.memref_slice %arg4[%dma_start3A_1696, %mul3A_2, %dma_start3A_1701] : memref<26x16384x32xf32, #tpu.memory_space<hbm>> -> memref<1x512x32xf32, #tpu.memory_space<hbm>>
    %dma_start3A_1703 = tpu.memref_squeeze %dma_start3A_1702 : memref<1x512x32xf32, #tpu.memory_space<hbm>> -> memref<512x32xf32, #tpu.memory_space<hbm>>
    %dma_start3A_1704 = arith.constant 0 : i32
    %dma_start3A_1705 = tpu.memref_slice %arg4[%dma_start3A_1696, %mul3A_2, %dma_start3A_1704] : memref<26x16384x32xf32, #tpu.memory_space<hbm>> -> memref<1x512x32xf32, #tpu.memory_space<hbm>>
    %dma_start3A_1706 = tpu.memref_squeeze %dma_start3A_1705 : memref<1x512x32xf32, #tpu.memory_space<hbm>> -> memref<512x32xf32, #tpu.memory_space<hbm>>
    %dma_start3A_1707 = arith.constant 0 : i32
    %dma_start3A_1708 = arith.constant 0 : i32
    %dma_start3A_1709 = tpu.memref_slice %arg6[%dma_start3A_1695, %dma_start3A_1707, %dma_start3A_1708] : memref<2x512x32xf32, #tpu.memory_space<vmem>> -> memref<1x512x32xf32, #tpu.memory_space<vmem>>
    %dma_start3A_1710 = tpu.memref_squeeze %dma_start3A_1709 : memref<1x512x32xf32, #tpu.memory_space<vmem>> -> memref<512x32xf32, #tpu.memory_space<vmem>>
    tpu.enqueue_dma source(%dma_start3A_1710 : memref<512x32xf32, #tpu.memory_space<vmem>>) target(%dma_start3A_1706 : memref<512x32xf32, #tpu.memory_space<hbm>>) target_semaphore(%arg10 : memref<!tpu.dma_semaphore, #tpu.memory_space<semaphore_mem>>)
    %dma_wait3A_1711 = arith.constant 0 : i32
    %dma_wait3A_1712 = arith.constant 22 : i32
    %dma_wait3A_1713 = arith.constant 0 : i32
    %dma_wait3A_1714 = arith.constant 0 : i32
    %dma_wait3A_1715 = tpu.memref_slice %arg6[%dma_wait3A_1711, %dma_wait3A_1713, %dma_wait3A_1714] : memref<2x512x32xf32, #tpu.memory_space<vmem>> -> memref<1x512x32xf32, #tpu.memory_space<vmem>>
    %dma_wait3A_1716 = tpu.memref_squeeze %dma_wait3A_1715 : memref<1x512x32xf32, #tpu.memory_space<vmem>> -> memref<512x32xf32, #tpu.memory_space<vmem>>
    %dma_wait3A_1717 = arith.constant 0 : i32
    %dma_wait3A_1718 = tpu.memref_slice %arg4[%dma_wait3A_1712, %mul3A_2, %dma_wait3A_1717] : memref<26x16384x32xf32, #tpu.memory_space<hbm>> -> memref<1x512x32xf32, #tpu.memory_space<hbm>>
    %dma_wait3A_1719 = tpu.memref_squeeze %dma_wait3A_1718 : memref<1x512x32xf32, #tpu.memory_space<hbm>> -> memref<512x32xf32, #tpu.memory_space<hbm>>
    %dma_wait3A_1720 = arith.constant 0 : i32
    %dma_wait3A_1721 = tpu.memref_slice %arg4[%dma_wait3A_1712, %mul3A_2, %dma_wait3A_1720] : memref<26x16384x32xf32, #tpu.memory_space<hbm>> -> memref<1x512x32xf32, #tpu.memory_space<hbm>>
    %dma_wait3A_1722 = tpu.memref_squeeze %dma_wait3A_1721 : memref<1x512x32xf32, #tpu.memory_space<hbm>> -> memref<512x32xf32, #tpu.memory_space<hbm>>
    %dma_wait3A_1723 = arith.constant 0 : i32
    %dma_wait3A_1724 = arith.constant 0 : i32
    %dma_wait3A_1725 = tpu.memref_slice %arg6[%dma_wait3A_1711, %dma_wait3A_1723, %dma_wait3A_1724] : memref<2x512x32xf32, #tpu.memory_space<vmem>> -> memref<1x512x32xf32, #tpu.memory_space<vmem>>
    %dma_wait3A_1726 = tpu.memref_squeeze %dma_wait3A_1725 : memref<1x512x32xf32, #tpu.memory_space<vmem>> -> memref<512x32xf32, #tpu.memory_space<vmem>>
    tpu.wait_dma2 semaphore(%arg10 : memref<!tpu.dma_semaphore, #tpu.memory_space<semaphore_mem>>) src(%dma_wait3A_1726 : memref<512x32xf32, #tpu.memory_space<vmem>>) dst(%dma_wait3A_1722 : memref<512x32xf32, #tpu.memory_space<hbm>>)
    %dma_start3A_1727 = arith.constant 0 : i32
    %dma_start3A_1728 = arith.constant 0 : i32
    %dma_start3A_1729 = arith.constant 0 : i32
    %dma_start3A_1730 = tpu.memref_slice %arg6[%dma_start3A_1727, %dma_start3A_1728, %dma_start3A_1729] : memref<2x512x32xf32, #tpu.memory_space<vmem>> -> memref<1x512x32xf32, #tpu.memory_space<vmem>>
    %dma_start3A_1731 = tpu.memref_squeeze %dma_start3A_1730 : memref<1x512x32xf32, #tpu.memory_space<vmem>> -> memref<512x32xf32, #tpu.memory_space<vmem>>
    %dma_start3A_1732 = arith.constant 12288 : i32
    %dma_start3A_1733 = tpu.memref_slice %arg5[%dma_start3A_1732] : memref<13312xi32, #tpu.memory_space<vmem>> -> memref<512xi32, #tpu.memory_space<vmem>>
    %dma_start3A_1734 = arith.constant 0 : i32
    %dma_start3A_1735 = arith.constant 0 : i32
    %dma_start3A_1736 = tpu.memref_slice %arg2[%dma_start3A_1734, %dma_start3A_1735] : memref<1000000x32xf32, #tpu.memory_space<hbm>> -> memref<1000000x32xf32, #tpu.memory_space<hbm>>
    tpu.enqueue_indirect_dma source(%dma_start3A_1736 : memref<1000000x32xf32, #tpu.memory_space<hbm>>) target(%dma_start3A_1731 : memref<512x32xf32, #tpu.memory_space<vmem>>) offsets(%dma_start3A_1733 : memref<512xi32, #tpu.memory_space<vmem>>) semaphore(%arg8 : memref<!tpu.dma_semaphore, #tpu.memory_space<semaphore_mem>>)
    %dma_wait3A_1737 = arith.constant 1 : i32
    %dma_wait3A_1738 = arith.constant 0 : i32
    %dma_wait3A_1739 = arith.constant 0 : i32
    %dma_wait3A_1740 = tpu.memref_slice %arg6[%dma_wait3A_1737, %dma_wait3A_1738, %dma_wait3A_1739] : memref<2x512x32xf32, #tpu.memory_space<vmem>> -> memref<1x512x32xf32, #tpu.memory_space<vmem>>
    %dma_wait3A_1741 = tpu.memref_squeeze %dma_wait3A_1740 : memref<1x512x32xf32, #tpu.memory_space<vmem>> -> memref<512x32xf32, #tpu.memory_space<vmem>>
    %dma_wait3A_1742 = arith.constant 11776 : i32
    %dma_wait3A_1743 = tpu.memref_slice %arg5[%dma_wait3A_1742] : memref<13312xi32, #tpu.memory_space<vmem>> -> memref<512xi32, #tpu.memory_space<vmem>>
    %dma_wait3A_1744 = arith.constant 0 : i32
    %dma_wait3A_1745 = arith.constant 0 : i32
    %dma_wait3A_1746 = tpu.memref_slice %arg2[%dma_wait3A_1744, %dma_wait3A_1745] : memref<1000000x32xf32, #tpu.memory_space<hbm>> -> memref<1000000x32xf32, #tpu.memory_space<hbm>>
    tpu.wait_indirect_dma semaphore(%arg9 : memref<!tpu.dma_semaphore, #tpu.memory_space<semaphore_mem>>) src(%dma_wait3A_1746 : memref<1000000x32xf32, #tpu.memory_space<hbm>>) dst(%dma_wait3A_1741 : memref<512x32xf32, #tpu.memory_space<vmem>>)
    %dma_start3A_1747 = arith.constant 1 : i32
    %dma_start3A_1748 = arith.constant 23 : i32
    %dma_start3A_1749 = arith.constant 0 : i32
    %dma_start3A_1750 = arith.constant 0 : i32
    %dma_start3A_1751 = tpu.memref_slice %arg6[%dma_start3A_1747, %dma_start3A_1749, %dma_start3A_1750] : memref<2x512x32xf32, #tpu.memory_space<vmem>> -> memref<1x512x32xf32, #tpu.memory_space<vmem>>
    %dma_start3A_1752 = tpu.memref_squeeze %dma_start3A_1751 : memref<1x512x32xf32, #tpu.memory_space<vmem>> -> memref<512x32xf32, #tpu.memory_space<vmem>>
    %dma_start3A_1753 = arith.constant 0 : i32
    %dma_start3A_1754 = tpu.memref_slice %arg4[%dma_start3A_1748, %mul3A_2, %dma_start3A_1753] : memref<26x16384x32xf32, #tpu.memory_space<hbm>> -> memref<1x512x32xf32, #tpu.memory_space<hbm>>
    %dma_start3A_1755 = tpu.memref_squeeze %dma_start3A_1754 : memref<1x512x32xf32, #tpu.memory_space<hbm>> -> memref<512x32xf32, #tpu.memory_space<hbm>>
    %dma_start3A_1756 = arith.constant 0 : i32
    %dma_start3A_1757 = tpu.memref_slice %arg4[%dma_start3A_1748, %mul3A_2, %dma_start3A_1756] : memref<26x16384x32xf32, #tpu.memory_space<hbm>> -> memref<1x512x32xf32, #tpu.memory_space<hbm>>
    %dma_start3A_1758 = tpu.memref_squeeze %dma_start3A_1757 : memref<1x512x32xf32, #tpu.memory_space<hbm>> -> memref<512x32xf32, #tpu.memory_space<hbm>>
    %dma_start3A_1759 = arith.constant 0 : i32
    %dma_start3A_1760 = arith.constant 0 : i32
    %dma_start3A_1761 = tpu.memref_slice %arg6[%dma_start3A_1747, %dma_start3A_1759, %dma_start3A_1760] : memref<2x512x32xf32, #tpu.memory_space<vmem>> -> memref<1x512x32xf32, #tpu.memory_space<vmem>>
    %dma_start3A_1762 = tpu.memref_squeeze %dma_start3A_1761 : memref<1x512x32xf32, #tpu.memory_space<vmem>> -> memref<512x32xf32, #tpu.memory_space<vmem>>
    tpu.enqueue_dma source(%dma_start3A_1762 : memref<512x32xf32, #tpu.memory_space<vmem>>) target(%dma_start3A_1758 : memref<512x32xf32, #tpu.memory_space<hbm>>) target_semaphore(%arg11 : memref<!tpu.dma_semaphore, #tpu.memory_space<semaphore_mem>>)
    %dma_wait3A_1763 = arith.constant 1 : i32
    %dma_wait3A_1764 = arith.constant 23 : i32
    %dma_wait3A_1765 = arith.constant 0 : i32
    %dma_wait3A_1766 = arith.constant 0 : i32
    %dma_wait3A_1767 = tpu.memref_slice %arg6[%dma_wait3A_1763, %dma_wait3A_1765, %dma_wait3A_1766] : memref<2x512x32xf32, #tpu.memory_space<vmem>> -> memref<1x512x32xf32, #tpu.memory_space<vmem>>
    %dma_wait3A_1768 = tpu.memref_squeeze %dma_wait3A_1767 : memref<1x512x32xf32, #tpu.memory_space<vmem>> -> memref<512x32xf32, #tpu.memory_space<vmem>>
    %dma_wait3A_1769 = arith.constant 0 : i32
    %dma_wait3A_1770 = tpu.memref_slice %arg4[%dma_wait3A_1764, %mul3A_2, %dma_wait3A_1769] : memref<26x16384x32xf32, #tpu.memory_space<hbm>> -> memref<1x512x32xf32, #tpu.memory_space<hbm>>
    %dma_wait3A_1771 = tpu.memref_squeeze %dma_wait3A_1770 : memref<1x512x32xf32, #tpu.memory_space<hbm>> -> memref<512x32xf32, #tpu.memory_space<hbm>>
    %dma_wait3A_1772 = arith.constant 0 : i32
    %dma_wait3A_1773 = tpu.memref_slice %arg4[%dma_wait3A_1764, %mul3A_2, %dma_wait3A_1772] : memref<26x16384x32xf32, #tpu.memory_space<hbm>> -> memref<1x512x32xf32, #tpu.memory_space<hbm>>
    %dma_wait3A_1774 = tpu.memref_squeeze %dma_wait3A_1773 : memref<1x512x32xf32, #tpu.memory_space<hbm>> -> memref<512x32xf32, #tpu.memory_space<hbm>>
    %dma_wait3A_1775 = arith.constant 0 : i32
    %dma_wait3A_1776 = arith.constant 0 : i32
    %dma_wait3A_1777 = tpu.memref_slice %arg6[%dma_wait3A_1763, %dma_wait3A_1775, %dma_wait3A_1776] : memref<2x512x32xf32, #tpu.memory_space<vmem>> -> memref<1x512x32xf32, #tpu.memory_space<vmem>>
    %dma_wait3A_1778 = tpu.memref_squeeze %dma_wait3A_1777 : memref<1x512x32xf32, #tpu.memory_space<vmem>> -> memref<512x32xf32, #tpu.memory_space<vmem>>
    tpu.wait_dma2 semaphore(%arg11 : memref<!tpu.dma_semaphore, #tpu.memory_space<semaphore_mem>>) src(%dma_wait3A_1778 : memref<512x32xf32, #tpu.memory_space<vmem>>) dst(%dma_wait3A_1774 : memref<512x32xf32, #tpu.memory_space<hbm>>)
    %dma_start3A_1779 = arith.constant 1 : i32
    %dma_start3A_1780 = arith.constant 0 : i32
    %dma_start3A_1781 = arith.constant 0 : i32
    %dma_start3A_1782 = tpu.memref_slice %arg6[%dma_start3A_1779, %dma_start3A_1780, %dma_start3A_1781] : memref<2x512x32xf32, #tpu.memory_space<vmem>> -> memref<1x512x32xf32, #tpu.memory_space<vmem>>
    %dma_start3A_1783 = tpu.memref_squeeze %dma_start3A_1782 : memref<1x512x32xf32, #tpu.memory_space<vmem>> -> memref<512x32xf32, #tpu.memory_space<vmem>>
    %dma_start3A_1784 = arith.constant 12800 : i32
    %dma_start3A_1785 = tpu.memref_slice %arg5[%dma_start3A_1784] : memref<13312xi32, #tpu.memory_space<vmem>> -> memref<512xi32, #tpu.memory_space<vmem>>
    %dma_start3A_1786 = arith.constant 0 : i32
    %dma_start3A_1787 = arith.constant 0 : i32
    %dma_start3A_1788 = tpu.memref_slice %arg2[%dma_start3A_1786, %dma_start3A_1787] : memref<1000000x32xf32, #tpu.memory_space<hbm>> -> memref<1000000x32xf32, #tpu.memory_space<hbm>>
    tpu.enqueue_indirect_dma source(%dma_start3A_1788 : memref<1000000x32xf32, #tpu.memory_space<hbm>>) target(%dma_start3A_1783 : memref<512x32xf32, #tpu.memory_space<vmem>>) offsets(%dma_start3A_1785 : memref<512xi32, #tpu.memory_space<vmem>>) semaphore(%arg9 : memref<!tpu.dma_semaphore, #tpu.memory_space<semaphore_mem>>)
    %dma_wait3A_1789 = arith.constant 0 : i32
    %dma_wait3A_1790 = arith.constant 0 : i32
    %dma_wait3A_1791 = arith.constant 0 : i32
    %dma_wait3A_1792 = tpu.memref_slice %arg6[%dma_wait3A_1789, %dma_wait3A_1790, %dma_wait3A_1791] : memref<2x512x32xf32, #tpu.memory_space<vmem>> -> memref<1x512x32xf32, #tpu.memory_space<vmem>>
    %dma_wait3A_1793 = tpu.memref_squeeze %dma_wait3A_1792 : memref<1x512x32xf32, #tpu.memory_space<vmem>> -> memref<512x32xf32, #tpu.memory_space<vmem>>
    %dma_wait3A_1794 = arith.constant 12288 : i32
    %dma_wait3A_1795 = tpu.memref_slice %arg5[%dma_wait3A_1794] : memref<13312xi32, #tpu.memory_space<vmem>> -> memref<512xi32, #tpu.memory_space<vmem>>
    %dma_wait3A_1796 = arith.constant 0 : i32
    %dma_wait3A_1797 = arith.constant 0 : i32
    %dma_wait3A_1798 = tpu.memref_slice %arg2[%dma_wait3A_1796, %dma_wait3A_1797] : memref<1000000x32xf32, #tpu.memory_space<hbm>> -> memref<1000000x32xf32, #tpu.memory_space<hbm>>
    tpu.wait_indirect_dma semaphore(%arg8 : memref<!tpu.dma_semaphore, #tpu.memory_space<semaphore_mem>>) src(%dma_wait3A_1798 : memref<1000000x32xf32, #tpu.memory_space<hbm>>) dst(%dma_wait3A_1793 : memref<512x32xf32, #tpu.memory_space<vmem>>)
    %dma_start3A_1799 = arith.constant 0 : i32
    %dma_start3A_1800 = arith.constant 24 : i32
    %dma_start3A_1801 = arith.constant 0 : i32
    %dma_start3A_1802 = arith.constant 0 : i32
    %dma_start3A_1803 = tpu.memref_slice %arg6[%dma_start3A_1799, %dma_start3A_1801, %dma_start3A_1802] : memref<2x512x32xf32, #tpu.memory_space<vmem>> -> memref<1x512x32xf32, #tpu.memory_space<vmem>>
    %dma_start3A_1804 = tpu.memref_squeeze %dma_start3A_1803 : memref<1x512x32xf32, #tpu.memory_space<vmem>> -> memref<512x32xf32, #tpu.memory_space<vmem>>
    %dma_start3A_1805 = arith.constant 0 : i32
    %dma_start3A_1806 = tpu.memref_slice %arg4[%dma_start3A_1800, %mul3A_2, %dma_start3A_1805] : memref<26x16384x32xf32, #tpu.memory_space<hbm>> -> memref<1x512x32xf32, #tpu.memory_space<hbm>>
    %dma_start3A_1807 = tpu.memref_squeeze %dma_start3A_1806 : memref<1x512x32xf32, #tpu.memory_space<hbm>> -> memref<512x32xf32, #tpu.memory_space<hbm>>
    %dma_start3A_1808 = arith.constant 0 : i32
    %dma_start3A_1809 = tpu.memref_slice %arg4[%dma_start3A_1800, %mul3A_2, %dma_start3A_1808] : memref<26x16384x32xf32, #tpu.memory_space<hbm>> -> memref<1x512x32xf32, #tpu.memory_space<hbm>>
    %dma_start3A_1810 = tpu.memref_squeeze %dma_start3A_1809 : memref<1x512x32xf32, #tpu.memory_space<hbm>> -> memref<512x32xf32, #tpu.memory_space<hbm>>
    %dma_start3A_1811 = arith.constant 0 : i32
    %dma_start3A_1812 = arith.constant 0 : i32
    %dma_start3A_1813 = tpu.memref_slice %arg6[%dma_start3A_1799, %dma_start3A_1811, %dma_start3A_1812] : memref<2x512x32xf32, #tpu.memory_space<vmem>> -> memref<1x512x32xf32, #tpu.memory_space<vmem>>
    %dma_start3A_1814 = tpu.memref_squeeze %dma_start3A_1813 : memref<1x512x32xf32, #tpu.memory_space<vmem>> -> memref<512x32xf32, #tpu.memory_space<vmem>>
    tpu.enqueue_dma source(%dma_start3A_1814 : memref<512x32xf32, #tpu.memory_space<vmem>>) target(%dma_start3A_1810 : memref<512x32xf32, #tpu.memory_space<hbm>>) target_semaphore(%arg10 : memref<!tpu.dma_semaphore, #tpu.memory_space<semaphore_mem>>)
    %dma_wait3A_1815 = arith.constant 1 : i32
    %dma_wait3A_1816 = arith.constant 0 : i32
    %dma_wait3A_1817 = arith.constant 0 : i32
    %dma_wait3A_1818 = tpu.memref_slice %arg6[%dma_wait3A_1815, %dma_wait3A_1816, %dma_wait3A_1817] : memref<2x512x32xf32, #tpu.memory_space<vmem>> -> memref<1x512x32xf32, #tpu.memory_space<vmem>>
    %dma_wait3A_1819 = tpu.memref_squeeze %dma_wait3A_1818 : memref<1x512x32xf32, #tpu.memory_space<vmem>> -> memref<512x32xf32, #tpu.memory_space<vmem>>
    %dma_wait3A_1820 = arith.constant 12800 : i32
    %dma_wait3A_1821 = tpu.memref_slice %arg5[%dma_wait3A_1820] : memref<13312xi32, #tpu.memory_space<vmem>> -> memref<512xi32, #tpu.memory_space<vmem>>
    %dma_wait3A_1822 = arith.constant 0 : i32
    %dma_wait3A_1823 = arith.constant 0 : i32
    %dma_wait3A_1824 = tpu.memref_slice %arg2[%dma_wait3A_1822, %dma_wait3A_1823] : memref<1000000x32xf32, #tpu.memory_space<hbm>> -> memref<1000000x32xf32, #tpu.memory_space<hbm>>
    tpu.wait_indirect_dma semaphore(%arg9 : memref<!tpu.dma_semaphore, #tpu.memory_space<semaphore_mem>>) src(%dma_wait3A_1824 : memref<1000000x32xf32, #tpu.memory_space<hbm>>) dst(%dma_wait3A_1819 : memref<512x32xf32, #tpu.memory_space<vmem>>)
    %dma_start3A_1825 = arith.constant 1 : i32
    %dma_start3A_1826 = arith.constant 25 : i32
    %dma_start3A_1827 = arith.constant 0 : i32
    %dma_start3A_1828 = arith.constant 0 : i32
    %dma_start3A_1829 = tpu.memref_slice %arg6[%dma_start3A_1825, %dma_start3A_1827, %dma_start3A_1828] : memref<2x512x32xf32, #tpu.memory_space<vmem>> -> memref<1x512x32xf32, #tpu.memory_space<vmem>>
    %dma_start3A_1830 = tpu.memref_squeeze %dma_start3A_1829 : memref<1x512x32xf32, #tpu.memory_space<vmem>> -> memref<512x32xf32, #tpu.memory_space<vmem>>
    %dma_start3A_1831 = arith.constant 0 : i32
    %dma_start3A_1832 = tpu.memref_slice %arg4[%dma_start3A_1826, %mul3A_2, %dma_start3A_1831] : memref<26x16384x32xf32, #tpu.memory_space<hbm>> -> memref<1x512x32xf32, #tpu.memory_space<hbm>>
    %dma_start3A_1833 = tpu.memref_squeeze %dma_start3A_1832 : memref<1x512x32xf32, #tpu.memory_space<hbm>> -> memref<512x32xf32, #tpu.memory_space<hbm>>
    %dma_start3A_1834 = arith.constant 0 : i32
    %dma_start3A_1835 = tpu.memref_slice %arg4[%dma_start3A_1826, %mul3A_2, %dma_start3A_1834] : memref<26x16384x32xf32, #tpu.memory_space<hbm>> -> memref<1x512x32xf32, #tpu.memory_space<hbm>>
    %dma_start3A_1836 = tpu.memref_squeeze %dma_start3A_1835 : memref<1x512x32xf32, #tpu.memory_space<hbm>> -> memref<512x32xf32, #tpu.memory_space<hbm>>
    %dma_start3A_1837 = arith.constant 0 : i32
    %dma_start3A_1838 = arith.constant 0 : i32
    %dma_start3A_1839 = tpu.memref_slice %arg6[%dma_start3A_1825, %dma_start3A_1837, %dma_start3A_1838] : memref<2x512x32xf32, #tpu.memory_space<vmem>> -> memref<1x512x32xf32, #tpu.memory_space<vmem>>
    %dma_start3A_1840 = tpu.memref_squeeze %dma_start3A_1839 : memref<1x512x32xf32, #tpu.memory_space<vmem>> -> memref<512x32xf32, #tpu.memory_space<vmem>>
    tpu.enqueue_dma source(%dma_start3A_1840 : memref<512x32xf32, #tpu.memory_space<vmem>>) target(%dma_start3A_1836 : memref<512x32xf32, #tpu.memory_space<hbm>>) target_semaphore(%arg11 : memref<!tpu.dma_semaphore, #tpu.memory_space<semaphore_mem>>)
    %dma_wait3A_1841 = arith.constant 0 : i32
    %dma_wait3A_1842 = arith.constant 24 : i32
    %dma_wait3A_1843 = arith.constant 0 : i32
    %dma_wait3A_1844 = arith.constant 0 : i32
    %dma_wait3A_1845 = tpu.memref_slice %arg6[%dma_wait3A_1841, %dma_wait3A_1843, %dma_wait3A_1844] : memref<2x512x32xf32, #tpu.memory_space<vmem>> -> memref<1x512x32xf32, #tpu.memory_space<vmem>>
    %dma_wait3A_1846 = tpu.memref_squeeze %dma_wait3A_1845 : memref<1x512x32xf32, #tpu.memory_space<vmem>> -> memref<512x32xf32, #tpu.memory_space<vmem>>
    %dma_wait3A_1847 = arith.constant 0 : i32
    %dma_wait3A_1848 = tpu.memref_slice %arg4[%dma_wait3A_1842, %mul3A_2, %dma_wait3A_1847] : memref<26x16384x32xf32, #tpu.memory_space<hbm>> -> memref<1x512x32xf32, #tpu.memory_space<hbm>>
    %dma_wait3A_1849 = tpu.memref_squeeze %dma_wait3A_1848 : memref<1x512x32xf32, #tpu.memory_space<hbm>> -> memref<512x32xf32, #tpu.memory_space<hbm>>
    %dma_wait3A_1850 = arith.constant 0 : i32
    %dma_wait3A_1851 = tpu.memref_slice %arg4[%dma_wait3A_1842, %mul3A_2, %dma_wait3A_1850] : memref<26x16384x32xf32, #tpu.memory_space<hbm>> -> memref<1x512x32xf32, #tpu.memory_space<hbm>>
    %dma_wait3A_1852 = tpu.memref_squeeze %dma_wait3A_1851 : memref<1x512x32xf32, #tpu.memory_space<hbm>> -> memref<512x32xf32, #tpu.memory_space<hbm>>
    %dma_wait3A_1853 = arith.constant 0 : i32
    %dma_wait3A_1854 = arith.constant 0 : i32
    %dma_wait3A_1855 = tpu.memref_slice %arg6[%dma_wait3A_1841, %dma_wait3A_1853, %dma_wait3A_1854] : memref<2x512x32xf32, #tpu.memory_space<vmem>> -> memref<1x512x32xf32, #tpu.memory_space<vmem>>
    %dma_wait3A_1856 = tpu.memref_squeeze %dma_wait3A_1855 : memref<1x512x32xf32, #tpu.memory_space<vmem>> -> memref<512x32xf32, #tpu.memory_space<vmem>>
    tpu.wait_dma2 semaphore(%arg10 : memref<!tpu.dma_semaphore, #tpu.memory_space<semaphore_mem>>) src(%dma_wait3A_1856 : memref<512x32xf32, #tpu.memory_space<vmem>>) dst(%dma_wait3A_1852 : memref<512x32xf32, #tpu.memory_space<hbm>>)
    %dma_wait3A_1857 = arith.constant 1 : i32
    %dma_wait3A_1858 = arith.constant 25 : i32
    %dma_wait3A_1859 = arith.constant 0 : i32
    %dma_wait3A_1860 = arith.constant 0 : i32
    %dma_wait3A_1861 = tpu.memref_slice %arg6[%dma_wait3A_1857, %dma_wait3A_1859, %dma_wait3A_1860] : memref<2x512x32xf32, #tpu.memory_space<vmem>> -> memref<1x512x32xf32, #tpu.memory_space<vmem>>
    %dma_wait3A_1862 = tpu.memref_squeeze %dma_wait3A_1861 : memref<1x512x32xf32, #tpu.memory_space<vmem>> -> memref<512x32xf32, #tpu.memory_space<vmem>>
    %dma_wait3A_1863 = arith.constant 0 : i32
    %dma_wait3A_1864 = tpu.memref_slice %arg4[%dma_wait3A_1858, %mul3A_2, %dma_wait3A_1863] : memref<26x16384x32xf32, #tpu.memory_space<hbm>> -> memref<1x512x32xf32, #tpu.memory_space<hbm>>
    %dma_wait3A_1865 = tpu.memref_squeeze %dma_wait3A_1864 : memref<1x512x32xf32, #tpu.memory_space<hbm>> -> memref<512x32xf32, #tpu.memory_space<hbm>>
    %dma_wait3A_1866 = arith.constant 0 : i32
    %dma_wait3A_1867 = tpu.memref_slice %arg4[%dma_wait3A_1858, %mul3A_2, %dma_wait3A_1866] : memref<26x16384x32xf32, #tpu.memory_space<hbm>> -> memref<1x512x32xf32, #tpu.memory_space<hbm>>
    %dma_wait3A_1868 = tpu.memref_squeeze %dma_wait3A_1867 : memref<1x512x32xf32, #tpu.memory_space<hbm>> -> memref<512x32xf32, #tpu.memory_space<hbm>>
    %dma_wait3A_1869 = arith.constant 0 : i32
    %dma_wait3A_1870 = arith.constant 0 : i32
    %dma_wait3A_1871 = tpu.memref_slice %arg6[%dma_wait3A_1857, %dma_wait3A_1869, %dma_wait3A_1870] : memref<2x512x32xf32, #tpu.memory_space<vmem>> -> memref<1x512x32xf32, #tpu.memory_space<vmem>>
    %dma_wait3A_1872 = tpu.memref_squeeze %dma_wait3A_1871 : memref<1x512x32xf32, #tpu.memory_space<vmem>> -> memref<512x32xf32, #tpu.memory_space<vmem>>
    tpu.wait_dma2 semaphore(%arg11 : memref<!tpu.dma_semaphore, #tpu.memory_space<semaphore_mem>>) src(%dma_wait3A_1872 : memref<512x32xf32, #tpu.memory_space<vmem>>) dst(%dma_wait3A_1868 : memref<512x32xf32, #tpu.memory_space<hbm>>)
    return
  }
}

</mosaic_0001>

<sc_bundles>
// kernel: kernel.3.cloned.1.call-start
scs
__scs_entry_jumppad:
0x0: {  	(pc) =	sbr.rel $0x88, $3  }
0x1: {  	(tag) =	ssettag $0x0;
	lr =	simm.s32 $0x1  }
0x2: {  	[smem:$0x3F9F] =	sst lr;
	_ =	strace $0xD0000000  }
0x3: {  	_ = 	snop  }
0x4: {  	_ = 	snop  }
0x5: {  	_ = 	snop  }
0x6: {  	_ = 	snop  }
0x7: {  	_ = 	snop  }
__scs_overlays_trampoline_lowered:
0x8: {  	[smem:$0x3FAE] =	sst s0  }
0x9: {  	[smem:$0x3FAF] =	sst s1  }
0xa: {  	[smem:$0x3FB0] =	sst s2  }
0xb: {  	[smem:$0x3FB1] =	sst s3  }
0xc: {  	[smem:$0x3FB2] =	sst s4  }
0xd: {  	[smem:$0x3FB3] =	sst s5  }
0xe: {  	[smem:$0x3FB4] =	sst s6  }
0xf: {  	[smem:$0x3FB5] =	sst s7  }
0x10: {  	[smem:$0x3FB6] =	sst s8  }
0x11: {  	[smem:$0x3FB7] =	sst s9;
	s0 =	simm.s32 @!p0 $0x0  }
0x12: {  	s1 =	sld [smem:$0x3F9D];
	s0 =	simm.s32 @p0 $0x1  }
0x13: {  	[smem:$0x3FB8] =	sst s0;
	s0 =	simm.s32 @!p1 $0x0  }
0x14: {  	s2 =	sld [smem:$0x3F9C];
	s0 =	simm.s32 @p1 $0x1  }
0x15: {  	[smem:$0x3FB9] =	sst s0;
	s0 =	simm.s32 @!p2 $0x0  }
0x16: {  	s3 =	sld [smem:$0x3FDB];
	s0 =	simm.s32 @p2 $0x1  }
0x17: {  	s4 =	simm.s32 $0x1BF5;
	[smem:$0x3FBB] =	sst s0  }
0x18: {  	s0 =	sld [smem:$0x3F9E];
	_ =	swait.ge [sflag:s4], $0x0  }
0x19: {  	s7 =	sld [smem:$0x3F9F]  }
0x1a: {  	s8 =	sadd.s32 $0xFFFFE003, lr  }
0x1b: {  	s9 =	sadd.s32 $0xFFFFFEF7, lr;
	s5 =	simm.s32 $0xFFFFFFFF;
	p2 =	slt.u32 s8, $0xFFFFF086  }
0x1c: {  	p1 =	slt.u32 s9, $0xF7A;
	s5 =	simm.s32 @!p2 $0x0  }
0x1d: {  	s5 =	simm.s32 @p1 $0x1;
	p0 =	seq.s32 s7, s2  }
0x1e: {  	s7 =	smul.u32 @!p0 $0xF7A, s2;
	p2 =	seq.s32 @!p0 s5, $0x0  }
0x1f: {  	s9 =	smul.u32 $0xF7A, s1;
	s8 =	simm.s32 @!p0 $0x1BF5;
	p2 =	por !p2, p0  }
0x20: {  	[sflag:s8] =	ssyncset.s32 @!p0 $0xFFFFF086;
	s6 =	sadd.s32 @!p0 s3, s7;
	s7 =	simm.s32 @!p0 $0x108  }
0x21: {  	s3 =	sadd.s32 s3, s9;
	s6 =	sadd.s32 @!p0 $0x88, s6;
	s7 =	simm.s32 @p2 $0x1082  }
0x22: {  	[simem:s7], [sflag:s8] =	dma.local @!p0 [hbm:s6], $0xF7A  }
0x23: {  	s9 =	sor.u32 $0xD0000000, s2;
	s6 =	simm.s32 $0x108;
	_ =	swait.ge @!p0 [sflag:s8], $0x0  }
0x24: {  	s3 =	sadd.s32 $0x88, s3;
	s6 =	simm.s32 @!p1 $0x1082;
	[sflag:s4] =	ssyncset.s32 $0xFFFFF086  }
0x25: {  	[simem:s6], [sflag:s4] =	dma.local [hbm:s3], $0xF7A  }
0x26: {  	[smem:$0x3F9F] =	sst s1;
	(tag) =	ssettag s2;
	_ =	strace s9  }
0x27: {  	s1 =	sld [smem:$0x3FAF]  }
0x28: {  	s2 =	sld [smem:$0x3FB0]  }
0x29: {  	s4 =	sld [smem:$0x3FB2]  }
0x2a: {  	p0 =	seq.s32 s5, $0x0;
	s5 =	sld [smem:$0x3FB3]  }
0x2b: {  	s6 =	sld [smem:$0x3FB4]  }
0x2c: {  	s7 =	sld [smem:$0x3FB5]  }
0x2d: {  	s3 =	simm.s32 $0x108;
	s8 =	sld [smem:$0x3FB6]  }
0x2e: {  	s3 =	simm.s32 @!p0 $0x1082;
	s9 =	sld [smem:$0x3FB7]  }
0x2f: {  	lr =	sadd.s32 s0, s3;
	s0 =	sld [smem:$0x3FAE]  }
0x30: {  	s3 =	sld [smem:$0x3FB1]  }
0x31: {  	[smem:$0x3FBA] =	sst s10  }
0x32: {  	s10 =	sld [smem:$0x3FB8];
	_ =	sdelay $0x3  }
0x33: {  	p0 =	seq.s32 s10, $0x1;
	s10 =	sld [smem:$0x3FBA];
	_ =	sdelay $0x3  }
0x34: {  	[smem:$0x3FBA] =	sst s10  }
0x35: {  	s10 =	sld [smem:$0x3FB9];
	_ =	sdelay $0x3  }
0x36: {  	p1 =	seq.s32 s10, $0x1;
	s10 =	sld [smem:$0x3FBA];
	_ =	sdelay $0x3  }
0x37: {  	[smem:$0x3FBA] =	sst s10  }
0x38: {  	s10 =	sld [smem:$0x3FBB]  }
0x39: {  	_ = 	snop;
	(pc) =	sbr.ind lr, $3  }
0x3a: {  	_ = 	snop  }
0x3b: {  	_ = 	snop  }
0x3c: {  	p2 =	seq.s32 s10, $0x1;
	s10 =	sld [smem:$0x3FBA]  }
0x3d: {  	_ =	shalt  }
0x3e: {  	_ =	shalt  }
0x3f: {  	_ =	shalt  }
0x40: {  	_ =	shalt  }
0x41: {  	_ =	shalt  }
0x42: {  	_ =	shalt  }
0x43: {  	_ =	shalt  }
0x44: {  	_ =	shalt  }
0x45: {  	_ =	shalt  }
0x46: {  	_ =	shalt  }
0x47: {  	_ =	shalt  }
0x48: {  	_ =	shalt  }
0x49: {  	_ =	shalt  }
0x4a: {  	_ =	shalt  }
0x4b: {  	_ =	shalt  }
0x4c: {  	_ =	shalt  }
0x4d: {  	_ =	shalt  }
0x4e: {  	_ =	shalt  }
0x4f: {  	_ =	shalt  }
0x50: {  	_ =	shalt  }
0x51: {  	_ =	shalt  }
0x52: {  	_ =	shalt  }
0x53: {  	_ =	shalt  }
0x54: {  	_ =	shalt  }
0x55: {  	_ =	shalt  }
0x56: {  	_ =	shalt  }
0x57: {  	_ =	shalt  }
0x58: {  	_ =	shalt  }
0x59: {  	_ =	shalt  }
0x5a: {  	_ =	shalt  }
0x5b: {  	_ =	shalt  }
0x5c: {  	_ =	shalt  }
0x5d: {  	_ =	shalt  }
0x5e: {  	_ =	shalt  }
0x5f: {  	_ =	shalt  }
0x60: {  	_ =	shalt  }
0x61: {  	_ =	shalt  }
0x62: {  	_ =	shalt  }
0x63: {  	_ =	shalt  }
0x64: {  	_ =	shalt  }
0x65: {  	_ =	shalt  }
0x66: {  	_ =	shalt  }
0x67: {  	_ =	shalt  }
0x68: {  	_ =	shalt  }
0x69: {  	_ =	shalt  }
0x6a: {  	_ =	shalt  }
0x6b: {  	_ =	shalt  }
0x6c: {  	_ =	shalt  }
0x6d: {  	_ =	shalt  }
0x6e: {  	_ =	shalt  }
0x6f: {  	_ =	shalt  }
0x70: {  	_ =	shalt  }
0x71: {  	_ =	shalt  }
0x72: {  	_ =	shalt  }
0x73: {  	_ =	shalt  }
0x74: {  	_ =	shalt  }
0x75: {  	_ =	shalt  }
0x76: {  	_ =	shalt  }
0x77: {  	_ =	shalt  }
0x78: {  	_ =	shalt  }
0x79: {  	_ =	shalt  }
0x7a: {  	_ =	shalt  }
0x7b: {  	_ =	shalt  }
0x7c: {  	_ =	shalt  }
0x7d: {  	_ =	shalt  }
0x7e: {  	_ =	shalt  }
0x7f: {  	_ =	shalt  }
0x80: {  	_ =	shalt  }
0x81: {  	_ =	shalt  }
0x82: {  	_ =	shalt  }
0x83: {  	_ =	shalt  }
0x84: {  	_ =	shalt  }
0x85: {  	_ =	shalt  }
0x86: {  	_ =	shalt  }
0x87: {  	_ =	shalt  }
.Lfunc_end0:
.L_simem_size_0:
called_computation.1_lowered:
.L_overlay_start_0:
0x88: {  	s2 =	sld [smem:$0x3FD9]  }
0x89: {  	s3 =	sld [smem:$0x3FFE];
	_ =	sdelay $0x1  }
0x8a: {  	s1 =	srdreg.scid  }
0x8b: {  	s0 =	sand.u32 $0x1, s1  }
0x8c: {  	s17 =	sshll.u32 s0, $0xA;
	s2 =	sadd.s32 s3, s2  }
0x8d: {  	s2 =	sadd.s32 s2, s17  }
0x8e: {  	[smem:$0x3FC6] =	sst s2  }
0x8f: {  	_ = 	snop  }
0x90: {  	s2 =	sld [smem:$0x3FD0];
	(tm) =	ssettm $0x1  }
0x91: {  	s18 =	sld [smem:$0x3FFB];
	_ =	sdelay $0x3  }
0x92: {  	_ =	strace s18  }
0x93: {  	s3 =	sld [smem:$0x3FFC];
	_ =	sdelay $0x3  }
0x94: {  	_ =	strace s3  }
0x95: {  	s3 =	sld [smem:$0x3FFD];
	_ =	sdelay $0x3  }
0x96: {  	_ =	strace s3  }
0x97: {  	_ =	strace $0x8FFFFFFF  }
0x98: {  	s19 =	sld [smem:$0x3FDB];
	_ =	sdelay $0x1  }
0x99: {  	s4 =	simm.s32 $_scs_section_size  }
0x9a: {  	s5 =	simm.s32 $_size__tile_overlayer_lowered;
	s6 =	simm.s32 $_tile_overlayer_lowered  }
0x9b: {  	s22 =	simm.s32 $0x1BFF;
	s21 =	sshll.u32 s6, $0x1;
	s3 =	sadd.s32 s4, s19  }
0x9c: {  	s7 =	simm.s32 $0x0;
	s20 =	sshll.u32 s5, $0x1;
	s5 =	sadd.s32 s21, s3  }
0x9d: {  	[timem:s7], [sflag:s22] =	dma.local [hbm:s5], s20  }
0x9e: {  	_ =	swait.ge [sflag:s22], s20  }
0x9f: {  	s4 =	ssub.s32 $0x0, s20;
	[sflag:s22] =	ssyncset.done $0x0  }
0xa0: {  	[sflag:s22] =	ssyncadd.s32 s4;
	_ =	sdelay $0x1  }
0xa1: {  	s23 =	simm.s32 $0x1B8B  }
0xa2: {  	_ =	swait.ge [sflag:s23], $0x1  }
0xa3: {  	[sflag:s23] =	ssyncset.done $0x0  }
0xa4: {  	s25 =	simm.s32 $0x1B8E;
	s24 =	sld [smem:$0x3FFE];
	[sflag:s23] =	ssyncadd.s32 $0xFFFFFFFF  }
0xa5: {  	s26 =	simm.s32 $execute0_lowered;
	[smem:$0x3FD2] =	sst s25  }
0xa6: {  	s5 =	sshll.u32 s26, $0x1;
	_ =	strace $0x80000046;
	[dreg:$0x1] =	wrdreg $0xFFFFFFFF  }
0xa7: {  	s28 =	simm.s32 $_size_execute0_lowered;
	s3 =	sadd.s32 s3, s5;
	[dreg:$0x0] =	wrdreg $0x0  }
0xa8: {  	s5 =	sshll.u32 s28, $0x1;
	[dreg:$0x2] =	wrdreg s3  }
0xa9: {  	[dreg:$0x3] =	wrdreg s5  }
0xaa: {  	[dreg:$0x4] =	wrdreg $0xC0  }
0xab: {  	_ =	task [dreg:s7], $0x5FFFF  }
0xac: {  	[dreg:$0x1] =	wrdreg $0xFFFFFFFF  }
0xad: {  	[dreg:$0x0] =	wrdreg $0x60  }
0xae: {  	[dreg:$0x2] =	wrdreg s24  }
0xaf: {  	[dreg:$0x3] =	wrdreg s2  }
0xb0: {  	[dreg:$0x4] =	wrdreg $0x9  }
0xb1: {  	_ =	task.clear_ibuf [dreg:s7], $0x5FFFF;
	_ =	strace $0x90000046  }
0xb2: {  	s29 =	simm.s32 $0x9;
	_ =	strace $0x80000048  }
0xb3: {  	_ =	swait.ge [sflag:s29], $0x1  }
0xb4: {  	[sflag:s29] =	ssyncadd.s32 $0xFFFFFFFF  }
0xb5: {  	_ =	strace $0x90000048  }
0xb6: {  	_ =	sfence  }
0xb7: {  	s30 =	sld [smem:$0x0];
	_ =	sdelay $0x2  }
0xb8: {  	s31 =	sshll.u32 s1, $0xD;
	s1 =	sshrl.u32 s1, $0x2  }
0xb9: {  	s3 =	sand.u32 $0x4000, s31;
	s1 =	sadd.s32 s1, s30  }
0xba: {  	s0 =	sor.u32 s3, s0;
	s1 =	sshll.u32 s1, $0x11  }
0xbb: {  	s0 =	sor.u32 s1, s0  }
0xbc: {  	s0 =	sadd.s32 $0x8F2B, s0  }
0xbd: {  	[sflag:s0] =	ssyncadd.remote.s32 $0x1  }
0xbe: {  	_ =	sfence.sel $0xFFFF  }
0xbf: {  	[dreg:$0x0] =	wrdreg $0xFFFFFFFF;
	(pc) =	sbr.abs _section_cstart, $3  }
0xc0: {  	[dreg:$0x1] =	wrdreg $0xFFFFFFFF  }
0xc1: {  	_ =	task.clear_ibuf [dreg:s7], $0x2FFFF;
	_ =	strace $0x9FFFFFFF  }
0xc2: {  	(tm) =	ssettm $0x7FFFFFFF  }
0xc3: {  	_ =	shalt  }
tec
execute0_lowered:
.L_overlay_start_1:
0x0: {  	(tag) =	ssettag $0x1  }
0x1: {  	s0 =	srdreg.scid  }
0x2: {  	s2 =	stileid.u32;
	s1 =	sand.u32 $0x1, s0  }
0x3: {  	s2 =	sshll.u32 s2, $0xA;
	s3 =	sshll.u32 s1, $0x9  }
0x4: {  	s3 =	sor.u32 s3, s2  }
0x5: {  	s0 =	rddreg [dreg:$0x0];
	s5 =	sshrl.u32 s3, $0x3  }
0x6: {  	s4 =	rddreg [dreg:$0x1];
	s2 =	simm.s32 $0x0;
	s5 =	sadd.s32 s5, s0  }
0x7: {  	[smem:$0x7FF] =	sst s2;
	s6 =	sadd.s32 $0xA00, s5  }
0x8: {  	_ =	strace $0x80000047;
	s31 =	sadd.s32 $0x1200, s5;
	[dreg:$0x3] =	wrdreg s6  }
0x9: {  	s7 =	sadd.s32 $0x1A00, s5;
	[dreg:$0x4] =	wrdreg s31  }
0xa: {  	s8 =	sadd.s32 $0x2200, s5;
	[dreg:$0x5] =	wrdreg s7  }
0xb: {  	s9 =	sadd.s32 $0x2A00, s5;
	[dreg:$0x6] =	wrdreg s8  }
0xc: {  	s10 =	sadd.s32 $0x3200, s5;
	[dreg:$0x7] =	wrdreg s9  }
0xd: {  	s11 =	sadd.s32 $0x3A00, s5;
	[dreg:$0x8] =	wrdreg s10  }
0xe: {  	s12 =	sadd.s32 $0x4200, s5;
	[dreg:$0x9] =	wrdreg s11  }
0xf: {  	s13 =	sadd.s32 $0x4A00, s5;
	[dreg:$0xa] =	wrdreg s12  }
0x10: {  	s14 =	sadd.s32 $0x5200, s5;
	[dreg:$0xb] =	wrdreg s13  }
0x11: {  	s15 =	sadd.s32 $0x5A00, s5;
	[dreg:$0xc] =	wrdreg s14  }
0x12: {  	s16 =	sadd.s32 $0x6200, s5;
	[dreg:$0xd] =	wrdreg s15  }
0x13: {  	s17 =	sadd.s32 $0x6A00, s5;
	[dreg:$0xe] =	wrdreg s16  }
0x14: {  	s18 =	sadd.s32 $0x7200, s5;
	[dreg:$0xf] =	wrdreg s17  }
0x15: {  	s19 =	sadd.s32 $0x7A00, s5;
	[dreg:$0x10] =	wrdreg s18  }
0x16: {  	s20 =	sadd.s32 $0x8200, s5;
	[dreg:$0x11] =	wrdreg s19  }
0x17: {  	s21 =	sadd.s32 $0x8A00, s5;
	[dreg:$0x12] =	wrdreg s20  }
0x18: {  	s22 =	sadd.s32 $0x9200, s5;
	[dreg:$0x13] =	wrdreg s21  }
0x19: {  	s23 =	sadd.s32 $0x9A00, s5;
	[dreg:$0x14] =	wrdreg s22  }
0x1a: {  	s24 =	sadd.s32 $0xA200, s5;
	[dreg:$0x15] =	wrdreg s23  }
0x1b: {  	s25 =	sadd.s32 $0xAA00, s5;
	[dreg:$0x16] =	wrdreg s24  }
0x1c: {  	s26 =	sadd.s32 $0xB200, s5;
	[dreg:$0x17] =	wrdreg s25  }
0x1d: {  	s28 =	sadd.s32 $0xBA00, s5;
	[dreg:$0x18] =	wrdreg s26  }
0x1e: {  	s29 =	sadd.s32 $0xC200, s5;
	[dreg:$0x19] =	wrdreg s28  }
0x1f: {  	s30 =	sadd.s32 $0xCA00, s5;
	[dreg:$0x1a] =	wrdreg s29  }
0x20: {  	s3 =	sshll.u32 s3, $0x2;
	s5 =	sadd.s32 $0xD200, s5;
	[dreg:$0x1b] =	wrdreg s30  }
0x21: {  	s31 =	sadd.s32 s4, s3;
	[dreg:$0x1c] =	wrdreg s5  }
0x22: {  	s3 =	sadd.s32 $0x10000, s31;
	[smem:$0x7FC] =	sst s31  }
0x23: {  	s4 =	sadd.s32 $0x20000, s31;
	[dreg:$0x1d] =	wrdreg s3  }
0x24: {  	s5 =	sadd.s32 $0x30000, s31;
	[dreg:$0x1e] =	wrdreg s4  }
0x25: {  	s7 =	sadd.s32 $0x40000, s31;
	[dreg:$0x1f] =	wrdreg s5  }
0x26: {  	s8 =	sadd.s32 $0x50000, s31;
	[smem:$0x7E7] =	sst s7  }
0x27: {  	s9 =	sadd.s32 $0x60000, s31;
	[smem:$0x7E8] =	sst s8  }
0x28: {  	s10 =	sadd.s32 $0x70000, s31;
	[smem:$0x7E9] =	sst s9  }
0x29: {  	s11 =	sadd.s32 $0x80000, s31;
	[smem:$0x7EA] =	sst s10  }
0x2a: {  	s12 =	sadd.s32 $0x90000, s31;
	[smem:$0x7EB] =	sst s11  }
0x2b: {  	s13 =	sadd.s32 $0xA0000, s31;
	[smem:$0x7EC] =	sst s12  }
0x2c: {  	s14 =	sadd.s32 $0xB0000, s31;
	[smem:$0x7ED] =	sst s13  }
0x2d: {  	s15 =	sadd.s32 $0xC0000, s31;
	[smem:$0x7EE] =	sst s14  }
0x2e: {  	s16 =	sadd.s32 $0xD0000, s31;
	[smem:$0x7EF] =	sst s15  }
0x2f: {  	s17 =	sadd.s32 $0xE0000, s31;
	[smem:$0x7F0] =	sst s16  }
0x30: {  	s18 =	sadd.s32 $0xF0000, s31;
	[smem:$0x7F1] =	sst s17  }
0x31: {  	s19 =	sadd.s32 $0x100000, s31;
	[smem:$0x7F2] =	sst s18  }
0x32: {  	s20 =	sadd.s32 $0x110000, s31;
	[smem:$0x7F3] =	sst s19  }
0x33: {  	s21 =	sadd.s32 $0x120000, s31;
	[smem:$0x7F4] =	sst s20  }
0x34: {  	p0 =	por $0x0, $0x0;
	s22 =	sadd.s32 $0x130000, s31;
	[smem:$0x7F5] =	sst s21  }
0x35: {  	s1 =	ssub.s32 $0x2, s1;
	s23 =	sadd.s32 $0x140000, s31;
	[smem:$0x7F6] =	sst s22  }
0x36: {  	s28 =	sshrl.u32 s1, $0x1;
	s24 =	sadd.s32 $0x150000, s31;
	[smem:$0x7F7] =	sst s23  }
0x37: {  	s6 =	simm.s32 $0x4;
	s25 =	sadd.s32 $0x160000, s31;
	[smem:$0x7F8] =	sst s24  }
0x38: {  	s26 =	sadd.s32 $0x170000, s31;
	s29 =	sadd.s32 $0x180000, s31;
	[smem:$0x7F9] =	sst s25  }
0x39: {  	s1 =	ssub.s32 s1, s28;
	s30 =	sadd.s32 $0x190000, s31;
	[smem:$0x7FA] =	sst s26  }
0x3a: {  	[smem:$0x7FB] =	sst s29;
	s3 =	sadd.s32 $0xF42E00, s0;
	s31 =	smax.u32 s1, $0x1  }
0x3b: {  	[smem:$0x7FD] =	sst s30;
	s4 =	simm.s32 $0x200;
	p1 =	sne.s32 s31, $0x1  }
.Ltmp0:
0x3c: {  	s23 =	simm.s32 $0x400;
	s13 =	simm.s32 $0x600;
	(pc) =	sbr.rel @!p1 .LBB2_1-.Ltmp0, $4  }
0x3d: {  	s12 =	simm.s32 $0x800;
	s10 =	simm.s32 $0xA00;
	s1 =	simm.s32 $0xC00  }
0x3e: {  	s17 =	simm.s32 $0xE00;
	s14 =	simm.s32 $0x1;
	s8 =	simm.s32 $0x3400  }
0x3f: {  	s7 =	simm.s32 $0x7400;
	s11 =	simm.s32 $0x2;
	s9 =	simm.s32 $0x3  }
0x40: {  	s5 =	simm.s32 $0x5;
	s16 =	rddreg [dreg:$0x3];
	s0 =	sadd.s32 $0xFFFFFFFF, s31  }
0x41: {  	[tilespmem:s2], [sflag:$0x1] =	stream.linear.gather [hbm4b:s16+s2], $0x200, $0x38;
	[tilespmem:$0xB400] =	vst v63  }
0x42: {  	s15 =	rddreg [dreg:$0x4]  }
0x43: {  	[tilespmem:s4], [sflag:$0x1] =	stream.linear.gather [hbm4b:s15+s2], $0x200, $0x38;
	[tilespmem:$0xB400] =	vst v63  }
0x44: {  	s20 =	rddreg [dreg:$0x5]  }
0x45: {  	[tilespmem:s23], [sflag:$0x1] =	stream.linear.gather [hbm4b:s20+s2], $0x200, $0x38;
	[tilespmem:$0xB400] =	vst v63  }
0x46: {  	s21 =	rddreg [dreg:$0x6]  }
0x47: {  	[tilespmem:s13], [sflag:$0x1] =	stream.linear.gather [hbm4b:s21+s2], $0x200, $0x38;
	[tilespmem:$0xB400] =	vst v63  }
0x48: {  	s22 =	rddreg [dreg:$0x7]  }
0x49: {  	[tilespmem:s12], [sflag:$0x1] =	stream.linear.gather [hbm4b:s22+s2], $0x200, $0x38;
	[tilespmem:$0xB400] =	vst v63  }
0x4a: {  	s24 =	rddreg [dreg:$0x8]  }
0x4b: {  	[tilespmem:s10], [sflag:$0x1] =	stream.linear.gather [hbm4b:s24+s2], $0x200, $0x38;
	[tilespmem:$0xB400] =	vst v63  }
0x4c: {  	s25 =	rddreg [dreg:$0x9]  }
0x4d: {  	[tilespmem:s1], [sflag:$0x1] =	stream.linear.gather [hbm4b:s25+s2], $0x200, $0x38;
	[tilespmem:$0xB400] =	vst v63  }
0x4e: {  	s26 =	rddreg [dreg:$0xa]  }
0x4f: {  	[tilespmem:s17], [sflag:$0x1] =	stream.linear.gather [hbm4b:s26+s2], $0x200, $0x38;
	[tilespmem:$0xB400] =	vst v63  }
0x50: {  	s28 =	rddreg [dreg:$0xb];
	s20 =	simm.s32 $0x1000  }
0x51: {  	[tilespmem:s20], [sflag:$0x1] =	stream.linear.gather [hbm4b:s28+s2], $0x200, $0x38;
	[tilespmem:$0xB400] =	vst v63  }
0x52: {  	s29 =	rddreg [dreg:$0xc];
	s24 =	simm.s32 $0x1200  }
0x53: {  	[tilespmem:s24], [sflag:$0x1] =	stream.linear.gather [hbm4b:s29+s2], $0x200, $0x38;
	[tilespmem:$0xB400] =	vst v63  }
0x54: {  	s30 =	rddreg [dreg:$0xd];
	s25 =	simm.s32 $0x1400  }
0x55: {  	[tilespmem:s25], [sflag:$0x1] =	stream.linear.gather [hbm4b:s30+s2], $0x200, $0x38;
	[tilespmem:$0xB400] =	vst v63  }
0x56: {  	s31 =	rddreg [dreg:$0xe];
	s29 =	simm.s32 $0x1600  }
0x57: {  	[tilespmem:s29], [sflag:$0x1] =	stream.linear.gather [hbm4b:s31+s2], $0x200, $0x38;
	[tilespmem:$0xB400] =	vst v63  }
0x58: {  	s18 =	rddreg [dreg:$0xf];
	s26 =	simm.s32 $0x1800  }
0x59: {  	[tilespmem:s26], [sflag:$0x1] =	stream.linear.gather [hbm4b:s18+s2], $0x200, $0x38;
	[tilespmem:$0xB400] =	vst v63  }
0x5a: {  	s19 =	rddreg [dreg:$0x10];
	s28 =	simm.s32 $0x1A00  }
0x5b: {  	[tilespmem:s28], [sflag:$0x1] =	stream.linear.gather [hbm4b:s19+s2], $0x200, $0x38;
	[tilespmem:$0xB400] =	vst v63  }
0x5c: {  	s21 =	rddreg [dreg:$0x11];
	s18 =	simm.s32 $0x1C00  }
0x5d: {  	[tilespmem:s18], [sflag:$0x1] =	stream.linear.gather [hbm4b:s21+s2], $0x200, $0x38;
	[tilespmem:$0xB400] =	vst v63  }
0x5e: {  	s22 =	rddreg [dreg:$0x12];
	s30 =	simm.s32 $0x1E00  }
0x5f: {  	[tilespmem:s30], [sflag:$0x1] =	stream.linear.gather [hbm4b:s22+s2], $0x200, $0x38;
	[tilespmem:$0xB400] =	vst v63  }
0x60: {  	s31 =	rddreg [dreg:$0x13];
	s21 =	simm.s32 $0x2000  }
0x61: {  	[tilespmem:s21], [sflag:$0x1] =	stream.linear.gather [hbm4b:s31+s2], $0x200, $0x38;
	[tilespmem:$0xB400] =	vst v63  }
0x62: {  	s19 =	rddreg [dreg:$0x14];
	s22 =	simm.s32 $0x2200  }
0x63: {  	[tilespmem:s22], [sflag:$0x1] =	stream.linear.gather [hbm4b:s19+s2], $0x200, $0x38;
	[tilespmem:$0xB400] =	vst v63  }
0x64: {  	s31 =	rddreg [dreg:$0x15];
	s19 =	simm.s32 $0x2400  }
0x65: {  	[tilespmem:s19], [sflag:$0x1] =	stream.linear.gather [hbm4b:s31+s2], $0x200, $0x38;
	[tilespmem:$0xB400] =	vst v63  }
0x66: {  	s15 =	rddreg [dreg:$0x16];
	s31 =	simm.s32 $0x2600  }
0x67: {  	[tilespmem:s31], [sflag:$0x1] =	stream.linear.gather [hbm4b:s15+s2], $0x200, $0x38;
	[tilespmem:$0xB400] =	vst v63  }
0x68: {  	s16 =	rddreg [dreg:$0x17];
	s31 =	simm.s32 $0x2800  }
0x69: {  	[tilespmem:s31], [sflag:$0x1] =	stream.linear.gather [hbm4b:s16+s2], $0x200, $0x38;
	[tilespmem:$0xB400] =	vst v63  }
0x6a: {  	s15 =	rddreg [dreg:$0x18];
	s31 =	simm.s32 $0x2A00  }
0x6b: {  	[tilespmem:s31], [sflag:$0x1] =	stream.linear.gather [hbm4b:s15+s2], $0x200, $0x38;
	[tilespmem:$0xB400] =	vst v63  }
0x6c: {  	s16 =	rddreg [dreg:$0x19];
	s31 =	simm.s32 $0x2C00  }
0x6d: {  	[tilespmem:s31], [sflag:$0x1] =	stream.linear.gather [hbm4b:s16+s2], $0x200, $0x38;
	[tilespmem:$0xB400] =	vst v63  }
0x6e: {  	s15 =	rddreg [dreg:$0x1a];
	s31 =	simm.s32 $0x2E00  }
0x6f: {  	[tilespmem:s31], [sflag:$0x1] =	stream.linear.gather [hbm4b:s15+s2], $0x200, $0x38;
	[tilespmem:$0xB400] =	vst v63  }
0x70: {  	s16 =	rddreg [dreg:$0x1b];
	s31 =	simm.s32 $0x3000  }
0x71: {  	[tilespmem:s31], [sflag:$0x1] =	stream.linear.gather [hbm4b:s16+s2], $0x200, $0x38;
	[tilespmem:$0xB400] =	vst v63  }
0x72: {  	s15 =	rddreg [dreg:$0x1c];
	s16 =	simm.s32 $0x3200  }
0x73: {  	[tilespmem:s16], [sflag:$0x1] =	stream.linear.gather [hbm4b:s15+s2], $0x200, $0x38;
	[tilespmem:$0xB400] =	vst v63  }
0x74: {  	_ =	swait.ge [sflag:s14], $0x200  }
0x75: {  	[sflag:s14] =	ssyncset.done $0x0  }
0x76: {  	[sflag:s14] =	ssyncadd.s32 $0xFFFFFE00  }
0x77: {  	_ =	swait.ge [sflag:s14], $0x200  }
0x78: {  	[sflag:s14] =	ssyncset.done $0x0  }
0x79: {  	[sflag:s14] =	ssyncadd.s32 $0xFFFFFE00  }
0x7a: {  	_ =	swait.ge [sflag:s14], $0x200  }
0x7b: {  	[sflag:s14] =	ssyncset.done $0x0  }
0x7c: {  	[sflag:s14] =	ssyncadd.s32 $0xFFFFFE00  }
0x7d: {  	_ =	swait.ge [sflag:s14], $0x200  }
0x7e: {  	[sflag:s14] =	ssyncset.done $0x0  }
0x7f: {  	[sflag:s14] =	ssyncadd.s32 $0xFFFFFE00  }
0x80: {  	_ =	swait.ge [sflag:s14], $0x200  }
0x81: {  	[sflag:s14] =	ssyncset.done $0x0  }
0x82: {  	[sflag:s14] =	ssyncadd.s32 $0xFFFFFE00  }
0x83: {  	_ =	swait.ge [sflag:s14], $0x200  }
0x84: {  	[sflag:s14] =	ssyncset.done $0x0  }
0x85: {  	[sflag:s14] =	ssyncadd.s32 $0xFFFFFE00  }
0x86: {  	_ =	swait.ge [sflag:s14], $0x200  }
0x87: {  	[sflag:s14] =	ssyncset.done $0x0  }
0x88: {  	[sflag:s14] =	ssyncadd.s32 $0xFFFFFE00  }
0x89: {  	_ =	swait.ge [sflag:s14], $0x200  }
0x8a: {  	[sflag:s14] =	ssyncset.done $0x0  }
0x8b: {  	[sflag:s14] =	ssyncadd.s32 $0xFFFFFE00  }
0x8c: {  	_ =	swait.ge [sflag:s14], $0x200  }
0x8d: {  	[sflag:s14] =	ssyncset.done $0x0  }
0x8e: {  	[sflag:s14] =	ssyncadd.s32 $0xFFFFFE00  }
0x8f: {  	_ =	swait.ge [sflag:s14], $0x200  }
0x90: {  	[sflag:s14] =	ssyncset.done $0x0  }
0x91: {  	[sflag:s14] =	ssyncadd.s32 $0xFFFFFE00  }
0x92: {  	_ =	swait.ge [sflag:s14], $0x200  }
0x93: {  	[sflag:s14] =	ssyncset.done $0x0  }
0x94: {  	[sflag:s14] =	ssyncadd.s32 $0xFFFFFE00  }
0x95: {  	_ =	swait.ge [sflag:s14], $0x200  }
0x96: {  	[sflag:s14] =	ssyncset.done $0x0  }
0x97: {  	[sflag:s14] =	ssyncadd.s32 $0xFFFFFE00  }
0x98: {  	_ =	swait.ge [sflag:s14], $0x200  }
0x99: {  	[sflag:s14] =	ssyncset.done $0x0  }
0x9a: {  	[sflag:s14] =	ssyncadd.s32 $0xFFFFFE00  }
0x9b: {  	_ =	swait.ge [sflag:s14], $0x200  }
0x9c: {  	[sflag:s14] =	ssyncset.done $0x0  }
0x9d: {  	[sflag:s14] =	ssyncadd.s32 $0xFFFFFE00  }
0x9e: {  	_ =	swait.ge [sflag:s14], $0x200  }
0x9f: {  	[sflag:s14] =	ssyncset.done $0x0  }
0xa0: {  	[sflag:s14] =	ssyncadd.s32 $0xFFFFFE00  }
0xa1: {  	_ =	swait.ge [sflag:s14], $0x200  }
0xa2: {  	[sflag:s14] =	ssyncset.done $0x0  }
0xa3: {  	[sflag:s14] =	ssyncadd.s32 $0xFFFFFE00  }
0xa4: {  	_ =	swait.ge [sflag:s14], $0x200  }
0xa5: {  	[sflag:s14] =	ssyncset.done $0x0  }
0xa6: {  	[sflag:s14] =	ssyncadd.s32 $0xFFFFFE00  }
0xa7: {  	_ =	swait.ge [sflag:s14], $0x200  }
0xa8: {  	[sflag:s14] =	ssyncset.done $0x0  }
0xa9: {  	[sflag:s14] =	ssyncadd.s32 $0xFFFFFE00  }
0xaa: {  	_ =	swait.ge [sflag:s14], $0x200  }
0xab: {  	[sflag:s14] =	ssyncset.done $0x0  }
0xac: {  	[sflag:s14] =	ssyncadd.s32 $0xFFFFFE00  }
0xad: {  	_ =	swait.ge [sflag:s14], $0x200  }
0xae: {  	[sflag:s14] =	ssyncset.done $0x0  }
0xaf: {  	[sflag:s14] =	ssyncadd.s32 $0xFFFFFE00  }
0xb0: {  	_ =	swait.ge [sflag:s14], $0x200  }
0xb1: {  	[sflag:s14] =	ssyncset.done $0x0  }
0xb2: {  	[sflag:s14] =	ssyncadd.s32 $0xFFFFFE00  }
0xb3: {  	_ =	swait.ge [sflag:s14], $0x200  }
0xb4: {  	[sflag:s14] =	ssyncset.done $0x0  }
0xb5: {  	[sflag:s14] =	ssyncadd.s32 $0xFFFFFE00  }
0xb6: {  	_ =	swait.ge [sflag:s14], $0x200  }
0xb7: {  	[sflag:s14] =	ssyncset.done $0x0  }
0xb8: {  	[sflag:s14] =	ssyncadd.s32 $0xFFFFFE00  }
0xb9: {  	_ =	swait.ge [sflag:s14], $0x200  }
0xba: {  	[sflag:s14] =	ssyncset.done $0x0  }
0xbb: {  	[sflag:s14] =	ssyncadd.s32 $0xFFFFFE00  }
0xbc: {  	_ =	swait.ge [sflag:s14], $0x200  }
0xbd: {  	[sflag:s14] =	ssyncset.done $0x0  }
0xbe: {  	[sflag:s14] =	ssyncadd.s32 $0xFFFFFE00  }
0xbf: {  	_ =	swait.ge [sflag:s14], $0x200  }
0xc0: {  	[sflag:s14] =	ssyncset.done $0x0  }
0xc1: {  	[sflag:s14] =	ssyncadd.s32 $0xFFFFFE00  }
0xc2: {  	[tilespmem:s8], [sflag:$0x2] =	stream.indirect.gather [hbm4b:s3+s4], $0x20, s2, s4, $0xb8;
	[tilespmem:$0xB400] =	vst v63  }
0xc3: {  	_ = 	snop  }
0xc4: {  	[tilespmem:s7], [sflag:$0x3] =	stream.indirect.gather [hbm4b:s3+s4], $0x20, s4, s4, $0xb8;
	[tilespmem:$0xB400] =	vst v63  }
0xc5: {  	_ =	swait.ge [sflag:s11], $0x4000  }
0xc6: {  	s15 =	sld [smem:$0x7FC]  }
0xc7: {  	[sflag:s11] =	ssyncset.done $0x0  }
0xc8: {  	[sflag:s11] =	ssyncadd.s32 $0xFFFFC000  }
0xc9: {  	[hbm4b:s15+s2] =	stream.linear.scatter [tilespmem:s8], [sflag:$0x4], $0x4000, $0x38;
	[tilespmem:$0xB400] =	vst v63  }
0xca: {  	_ =	swait.ge [sflag:s6], $0x4000  }
0xcb: {  	[sflag:s6] =	ssyncset.done $0x0  }
0xcc: {  	[sflag:s6] =	ssyncadd.s32 $0xFFFFC000  }
0xcd: {  	[tilespmem:s8], [sflag:$0x2] =	stream.indirect.gather [hbm4b:s3+s4], $0x20, s23, s4, $0xb8;
	[tilespmem:$0xB400] =	vst v63  }
0xce: {  	_ =	swait.ge [sflag:s9], $0x4000  }
0xcf: {  	[sflag:s9] =	ssyncset.done $0x0  }
0xd0: {  	s23 =	rddreg [dreg:$0x1d];
	[sflag:s9] =	ssyncadd.s32 $0xFFFFC000  }
0xd1: {  	[hbm4b:s23+s2] =	stream.linear.scatter [tilespmem:s7], [sflag:$0x5], $0x4000, $0x38;
	[tilespmem:$0xB400] =	vst v63  }
0xd2: {  	_ =	swait.ge [sflag:s5], $0x4000  }
0xd3: {  	[sflag:s5] =	ssyncset.done $0x0  }
0xd4: {  	[sflag:s5] =	ssyncadd.s32 $0xFFFFC000  }
0xd5: {  	[tilespmem:s7], [sflag:$0x3] =	stream.indirect.gather [hbm4b:s3+s4], $0x20, s13, s4, $0xb8;
	[tilespmem:$0xB400] =	vst v63  }
0xd6: {  	_ =	swait.ge [sflag:s11], $0x4000  }
0xd7: {  	[sflag:s11] =	ssyncset.done $0x0  }
0xd8: {  	s13 =	rddreg [dreg:$0x1e];
	[sflag:s11] =	ssyncadd.s32 $0xFFFFC000  }
0xd9: {  	[hbm4b:s13+s2] =	stream.linear.scatter [tilespmem:s8], [sflag:$0x4], $0x4000, $0x38;
	[tilespmem:$0xB400] =	vst v63  }
0xda: {  	_ =	swait.ge [sflag:s6], $0x4000  }
0xdb: {  	[sflag:s6] =	ssyncset.done $0x0  }
0xdc: {  	[sflag:s6] =	ssyncadd.s32 $0xFFFFC000  }
0xdd: {  	[tilespmem:s8], [sflag:$0x2] =	stream.indirect.gather [hbm4b:s3+s4], $0x20, s12, s4, $0xb8;
	[tilespmem:$0xB400] =	vst v63  }
0xde: {  	_ =	swait.ge [sflag:s9], $0x4000  }
0xdf: {  	[sflag:s9] =	ssyncset.done $0x0  }
0xe0: {  	s23 =	rddreg [dreg:$0x1f];
	[sflag:s9] =	ssyncadd.s32 $0xFFFFC000  }
0xe1: {  	[hbm4b:s23+s2] =	stream.linear.scatter [tilespmem:s7], [sflag:$0x5], $0x4000, $0x38;
	[tilespmem:$0xB400] =	vst v63  }
0xe2: {  	_ =	swait.ge [sflag:s5], $0x4000  }
0xe3: {  	[sflag:s5] =	ssyncset.done $0x0  }
0xe4: {  	[sflag:s5] =	ssyncadd.s32 $0xFFFFC000  }
0xe5: {  	[tilespmem:s7], [sflag:$0x3] =	stream.indirect.gather [hbm4b:s3+s4], $0x20, s10, s4, $0xb8;
	[tilespmem:$0xB400] =	vst v63  }
0xe6: {  	_ =	swait.ge [sflag:s11], $0x4000  }
0xe7: {  	s13 =	sld [smem:$0x7E7]  }
0xe8: {  	[sflag:s11] =	ssyncset.done $0x0  }
0xe9: {  	[sflag:s11] =	ssyncadd.s32 $0xFFFFC000  }
0xea: {  	[hbm4b:s13+s2] =	stream.linear.scatter [tilespmem:s8], [sflag:$0x4], $0x4000, $0x38;
	[tilespmem:$0xB400] =	vst v63  }
0xeb: {  	_ =	swait.ge [sflag:s6], $0x4000  }
0xec: {  	[sflag:s6] =	ssyncset.done $0x0  }
0xed: {  	[sflag:s6] =	ssyncadd.s32 $0xFFFFC000  }
0xee: {  	[tilespmem:s8], [sflag:$0x2] =	stream.indirect.gather [hbm4b:s3+s4], $0x20, s1, s4, $0xb8;
	[tilespmem:$0xB400] =	vst v63  }
0xef: {  	_ =	swait.ge [sflag:s9], $0x4000  }
0xf0: {  	s23 =	sld [smem:$0x7E8]  }
0xf1: {  	[sflag:s9] =	ssyncset.done $0x0  }
0xf2: {  	[sflag:s9] =	ssyncadd.s32 $0xFFFFC000  }
0xf3: {  	[hbm4b:s23+s2] =	stream.linear.scatter [tilespmem:s7], [sflag:$0x5], $0x4000, $0x38;
	[tilespmem:$0xB400] =	vst v63  }
0xf4: {  	_ =	swait.ge [sflag:s5], $0x4000  }
0xf5: {  	[sflag:s5] =	ssyncset.done $0x0  }
0xf6: {  	[sflag:s5] =	ssyncadd.s32 $0xFFFFC000  }
0xf7: {  	[tilespmem:s7], [sflag:$0x3] =	stream.indirect.gather [hbm4b:s3+s4], $0x20, s17, s4, $0xb8;
	[tilespmem:$0xB400] =	vst v63  }
0xf8: {  	_ =	swait.ge [sflag:s11], $0x4000  }
0xf9: {  	s13 =	sld [smem:$0x7E9]  }
0xfa: {  	[sflag:s11] =	ssyncset.done $0x0  }
0xfb: {  	[sflag:s11] =	ssyncadd.s32 $0xFFFFC000  }
0xfc: {  	[hbm4b:s13+s2] =	stream.linear.scatter [tilespmem:s8], [sflag:$0x4], $0x4000, $0x38;
	[tilespmem:$0xB400] =	vst v63  }
0xfd: {  	_ =	swait.ge [sflag:s6], $0x4000  }
0xfe: {  	[sflag:s6] =	ssyncset.done $0x0  }
0xff: {  	[sflag:s6] =	ssyncadd.s32 $0xFFFFC000  }
0x100: {  	[tilespmem:s8], [sflag:$0x2] =	stream.indirect.gather [hbm4b:s3+s4], $0x20, s20, s4, $0xb8;
	[tilespmem:$0xB400] =	vst v63  }
0x101: {  	_ =	swait.ge [sflag:s9], $0x4000  }
0x102: {  	s23 =	sld [smem:$0x7EA]  }
0x103: {  	[sflag:s9] =	ssyncset.done $0x0  }
0x104: {  	[sflag:s9] =	ssyncadd.s32 $0xFFFFC000  }
0x105: {  	[hbm4b:s23+s2] =	stream.linear.scatter [tilespmem:s7], [sflag:$0x5], $0x4000, $0x38;
	[tilespmem:$0xB400] =	vst v63  }
0x106: {  	_ =	swait.ge [sflag:s5], $0x4000  }
0x107: {  	[sflag:s5] =	ssyncset.done $0x0  }
0x108: {  	[sflag:s5] =	ssyncadd.s32 $0xFFFFC000  }
0x109: {  	[tilespmem:s7], [sflag:$0x3] =	stream.indirect.gather [hbm4b:s3+s4], $0x20, s24, s4, $0xb8;
	[tilespmem:$0xB400] =	vst v63  }
0x10a: {  	_ =	swait.ge [sflag:s11], $0x4000  }
0x10b: {  	s13 =	sld [smem:$0x7EB]  }
0x10c: {  	[sflag:s11] =	ssyncset.done $0x0  }
0x10d: {  	[sflag:s11] =	ssyncadd.s32 $0xFFFFC000  }
0x10e: {  	[hbm4b:s13+s2] =	stream.linear.scatter [tilespmem:s8], [sflag:$0x4], $0x4000, $0x38;
	[tilespmem:$0xB400] =	vst v63  }
0x10f: {  	_ =	swait.ge [sflag:s6], $0x4000  }
0x110: {  	[sflag:s6] =	ssyncset.done $0x0  }
0x111: {  	[sflag:s6] =	ssyncadd.s32 $0xFFFFC000  }
0x112: {  	[tilespmem:s8], [sflag:$0x2] =	stream.indirect.gather [hbm4b:s3+s4], $0x20, s25, s4, $0xb8;
	[tilespmem:$0xB400] =	vst v63  }
0x113: {  	_ =	swait.ge [sflag:s9], $0x4000  }
0x114: {  	s20 =	sld [smem:$0x7EC]  }
0x115: {  	[sflag:s9] =	ssyncset.done $0x0  }
0x116: {  	[sflag:s9] =	ssyncadd.s32 $0xFFFFC000  }
0x117: {  	[hbm4b:s20+s2] =	stream.linear.scatter [tilespmem:s7], [sflag:$0x5], $0x4000, $0x38;
	[tilespmem:$0xB400] =	vst v63  }
0x118: {  	_ =	swait.ge [sflag:s5], $0x4000  }
0x119: {  	[sflag:s5] =	ssyncset.done $0x0  }
0x11a: {  	[sflag:s5] =	ssyncadd.s32 $0xFFFFC000  }
0x11b: {  	[tilespmem:s7], [sflag:$0x3] =	stream.indirect.gather [hbm4b:s3+s4], $0x20, s29, s4, $0xb8;
	[tilespmem:$0xB400] =	vst v63  }
0x11c: {  	_ =	swait.ge [sflag:s11], $0x4000  }
0x11d: {  	s23 =	sld [smem:$0x7ED]  }
0x11e: {  	[sflag:s11] =	ssyncset.done $0x0  }
0x11f: {  	[sflag:s11] =	ssyncadd.s32 $0xFFFFC000  }
0x120: {  	[hbm4b:s23+s2] =	stream.linear.scatter [tilespmem:s8], [sflag:$0x4], $0x4000, $0x38;
	[tilespmem:$0xB400] =	vst v63  }
0x121: {  	_ =	swait.ge [sflag:s6], $0x4000  }
0x122: {  	[sflag:s6] =	ssyncset.done $0x0  }
0x123: {  	[sflag:s6] =	ssyncadd.s32 $0xFFFFC000  }
0x124: {  	[tilespmem:s8], [sflag:$0x2] =	stream.indirect.gather [hbm4b:s3+s4], $0x20, s26, s4, $0xb8;
	[tilespmem:$0xB400] =	vst v63  }
0x125: {  	_ =	swait.ge [sflag:s9], $0x4000  }
0x126: {  	s24 =	sld [smem:$0x7EE]  }
0x127: {  	[sflag:s9] =	ssyncset.done $0x0  }
0x128: {  	[sflag:s9] =	ssyncadd.s32 $0xFFFFC000  }
0x129: {  	[hbm4b:s24+s2] =	stream.linear.scatter [tilespmem:s7], [sflag:$0x5], $0x4000, $0x38;
	[tilespmem:$0xB400] =	vst v63  }
0x12a: {  	_ =	swait.ge [sflag:s5], $0x4000  }
0x12b: {  	[sflag:s5] =	ssyncset.done $0x0  }
0x12c: {  	[sflag:s5] =	ssyncadd.s32 $0xFFFFC000  }
0x12d: {  	[tilespmem:s7], [sflag:$0x3] =	stream.indirect.gather [hbm4b:s3+s4], $0x20, s28, s4, $0xb8;
	[tilespmem:$0xB400] =	vst v63  }
0x12e: {  	_ =	swait.ge [sflag:s11], $0x4000  }
0x12f: {  	s25 =	sld [smem:$0x7EF]  }
0x130: {  	[sflag:s11] =	ssyncset.done $0x0  }
0x131: {  	[sflag:s11] =	ssyncadd.s32 $0xFFFFC000  }
0x132: {  	[hbm4b:s25+s2] =	stream.linear.scatter [tilespmem:s8], [sflag:$0x4], $0x4000, $0x38;
	[tilespmem:$0xB400] =	vst v63  }
0x133: {  	_ =	swait.ge [sflag:s6], $0x4000  }
0x134: {  	[sflag:s6] =	ssyncset.done $0x0  }
0x135: {  	[sflag:s6] =	ssyncadd.s32 $0xFFFFC000  }
0x136: {  	[tilespmem:s8], [sflag:$0x2] =	stream.indirect.gather [hbm4b:s3+s4], $0x20, s18, s4, $0xb8;
	[tilespmem:$0xB400] =	vst v63  }
0x137: {  	_ =	swait.ge [sflag:s9], $0x4000  }
0x138: {  	s26 =	sld [smem:$0x7F0]  }
0x139: {  	[sflag:s9] =	ssyncset.done $0x0  }
0x13a: {  	[sflag:s9] =	ssyncadd.s32 $0xFFFFC000  }
0x13b: {  	[hbm4b:s26+s2] =	stream.linear.scatter [tilespmem:s7], [sflag:$0x5], $0x4000, $0x38;
	[tilespmem:$0xB400] =	vst v63  }
0x13c: {  	_ =	swait.ge [sflag:s5], $0x4000  }
0x13d: {  	[sflag:s5] =	ssyncset.done $0x0  }
0x13e: {  	[sflag:s5] =	ssyncadd.s32 $0xFFFFC000  }
0x13f: {  	[tilespmem:s7], [sflag:$0x3] =	stream.indirect.gather [hbm4b:s3+s4], $0x20, s30, s4, $0xb8;
	[tilespmem:$0xB400] =	vst v63  }
0x140: {  	_ =	swait.ge [sflag:s11], $0x4000  }
0x141: {  	s28 =	sld [smem:$0x7F1]  }
0x142: {  	[sflag:s11] =	ssyncset.done $0x0  }
0x143: {  	[sflag:s11] =	ssyncadd.s32 $0xFFFFC000  }
0x144: {  	[hbm4b:s28+s2] =	stream.linear.scatter [tilespmem:s8], [sflag:$0x4], $0x4000, $0x38;
	[tilespmem:$0xB400] =	vst v63  }
0x145: {  	_ =	swait.ge [sflag:s6], $0x4000  }
0x146: {  	[sflag:s6] =	ssyncset.done $0x0  }
0x147: {  	[sflag:s6] =	ssyncadd.s32 $0xFFFFC000  }
0x148: {  	[tilespmem:s8], [sflag:$0x2] =	stream.indirect.gather [hbm4b:s3+s4], $0x20, s21, s4, $0xb8;
	[tilespmem:$0xB400] =	vst v63  }
0x149: {  	_ =	swait.ge [sflag:s9], $0x4000  }
0x14a: {  	s29 =	sld [smem:$0x7F2]  }
0x14b: {  	[sflag:s9] =	ssyncset.done $0x0  }
0x14c: {  	[sflag:s9] =	ssyncadd.s32 $0xFFFFC000  }
0x14d: {  	[hbm4b:s29+s2] =	stream.linear.scatter [tilespmem:s7], [sflag:$0x5], $0x4000, $0x38;
	[tilespmem:$0xB400] =	vst v63  }
0x14e: {  	_ =	swait.ge [sflag:s5], $0x4000  }
0x14f: {  	[sflag:s5] =	ssyncset.done $0x0  }
0x150: {  	[sflag:s5] =	ssyncadd.s32 $0xFFFFC000  }
0x151: {  	[tilespmem:s7], [sflag:$0x3] =	stream.indirect.gather [hbm4b:s3+s4], $0x20, s22, s4, $0xb8;
	[tilespmem:$0xB400] =	vst v63  }
0x152: {  	_ =	swait.ge [sflag:s11], $0x4000  }
0x153: {  	s30 =	sld [smem:$0x7F3]  }
0x154: {  	[sflag:s11] =	ssyncset.done $0x0  }
0x155: {  	[sflag:s11] =	ssyncadd.s32 $0xFFFFC000  }
0x156: {  	[hbm4b:s30+s2] =	stream.linear.scatter [tilespmem:s8], [sflag:$0x4], $0x4000, $0x38;
	[tilespmem:$0xB400] =	vst v63  }
0x157: {  	_ =	swait.ge [sflag:s6], $0x4000  }
0x158: {  	[sflag:s6] =	ssyncset.done $0x0  }
0x159: {  	[sflag:s6] =	ssyncadd.s32 $0xFFFFC000  }
0x15a: {  	[tilespmem:s8], [sflag:$0x2] =	stream.indirect.gather [hbm4b:s3+s4], $0x20, s19, s4, $0xb8;
	[tilespmem:$0xB400] =	vst v63  }
0x15b: {  	_ =	swait.ge [sflag:s9], $0x4000  }
0x15c: {  	s13 =	sld [smem:$0x7F4]  }
0x15d: {  	[sflag:s9] =	ssyncset.done $0x0  }
0x15e: {  	[sflag:s9] =	ssyncadd.s32 $0xFFFFC000  }
0x15f: {  	[hbm4b:s13+s2] =	stream.linear.scatter [tilespmem:s7], [sflag:$0x5], $0x4000, $0x38;
	[tilespmem:$0xB400] =	vst v63  }
0x160: {  	_ =	swait.ge [sflag:s5], $0x4000  }
0x161: {  	[sflag:s5] =	ssyncset.done $0x0  }
0x162: {  	s18 =	simm.s32 $0x2600;
	[sflag:s5] =	ssyncadd.s32 $0xFFFFC000  }
0x163: {  	[tilespmem:s7], [sflag:$0x3] =	stream.indirect.gather [hbm4b:s3+s4], $0x20, s18, s4, $0xb8;
	[tilespmem:$0xB400] =	vst v63  }
0x164: {  	_ =	swait.ge [sflag:s11], $0x4000  }
0x165: {  	s19 =	sld [smem:$0x7F5]  }
0x166: {  	[sflag:s11] =	ssyncset.done $0x0  }
0x167: {  	[sflag:s11] =	ssyncadd.s32 $0xFFFFC000  }
0x168: {  	[hbm4b:s19+s2] =	stream.linear.scatter [tilespmem:s8], [sflag:$0x4], $0x4000, $0x38;
	[tilespmem:$0xB400] =	vst v63  }
0x169: {  	_ =	swait.ge [sflag:s6], $0x4000  }
0x16a: {  	[sflag:s6] =	ssyncset.done $0x0  }
0x16b: {  	s20 =	simm.s32 $0x2800;
	[sflag:s6] =	ssyncadd.s32 $0xFFFFC000  }
0x16c: {  	[tilespmem:s8], [sflag:$0x2] =	stream.indirect.gather [hbm4b:s3+s4], $0x20, s20, s4, $0xb8;
	[tilespmem:$0xB400] =	vst v63  }
0x16d: {  	_ =	swait.ge [sflag:s9], $0x4000  }
0x16e: {  	s21 =	sld [smem:$0x7F6]  }
0x16f: {  	[sflag:s9] =	ssyncset.done $0x0  }
0x170: {  	[sflag:s9] =	ssyncadd.s32 $0xFFFFC000  }
0x171: {  	[hbm4b:s21+s2] =	stream.linear.scatter [tilespmem:s7], [sflag:$0x5], $0x4000, $0x38;
	[tilespmem:$0xB400] =	vst v63  }
0x172: {  	_ =	swait.ge [sflag:s5], $0x4000  }
0x173: {  	[sflag:s5] =	ssyncset.done $0x0  }
0x174: {  	s22 =	simm.s32 $0x2A00;
	[sflag:s5] =	ssyncadd.s32 $0xFFFFC000  }
0x175: {  	[tilespmem:s7], [sflag:$0x3] =	stream.indirect.gather [hbm4b:s3+s4], $0x20, s22, s4, $0xb8;
	[tilespmem:$0xB400] =	vst v63  }
0x176: {  	_ =	swait.ge [sflag:s11], $0x4000  }
0x177: {  	s23 =	sld [smem:$0x7F7]  }
0x178: {  	[sflag:s11] =	ssyncset.done $0x0  }
0x179: {  	[sflag:s11] =	ssyncadd.s32 $0xFFFFC000  }
0x17a: {  	[hbm4b:s23+s2] =	stream.linear.scatter [tilespmem:s8], [sflag:$0x4], $0x4000, $0x38;
	[tilespmem:$0xB400] =	vst v63  }
0x17b: {  	_ =	swait.ge [sflag:s6], $0x4000  }
0x17c: {  	[sflag:s6] =	ssyncset.done $0x0  }
0x17d: {  	s24 =	simm.s32 $0x2C00;
	[sflag:s6] =	ssyncadd.s32 $0xFFFFC000  }
0x17e: {  	[tilespmem:s8], [sflag:$0x2] =	stream.indirect.gather [hbm4b:s3+s4], $0x20, s24, s4, $0xb8;
	[tilespmem:$0xB400] =	vst v63  }
0x17f: {  	_ =	swait.ge [sflag:s9], $0x4000  }
0x180: {  	s25 =	sld [smem:$0x7F8]  }
0x181: {  	[sflag:s9] =	ssyncset.done $0x0  }
0x182: {  	[sflag:s9] =	ssyncadd.s32 $0xFFFFC000  }
0x183: {  	[hbm4b:s25+s2] =	stream.linear.scatter [tilespmem:s7], [sflag:$0x5], $0x4000, $0x38;
	[tilespmem:$0xB400] =	vst v63  }
0x184: {  	_ =	swait.ge [sflag:s5], $0x4000  }
0x185: {  	[sflag:s5] =	ssyncset.done $0x0  }
0x186: {  	s26 =	simm.s32 $0x2E00;
	[sflag:s5] =	ssyncadd.s32 $0xFFFFC000  }
0x187: {  	[tilespmem:s7], [sflag:$0x3] =	stream.indirect.gather [hbm4b:s3+s4], $0x20, s26, s4, $0xb8;
	[tilespmem:$0xB400] =	vst v63  }
0x188: {  	_ =	swait.ge [sflag:s11], $0x4000  }
0x189: {  	s28 =	sld [smem:$0x7F9]  }
0x18a: {  	[sflag:s11] =	ssyncset.done $0x0  }
0x18b: {  	[sflag:s11] =	ssyncadd.s32 $0xFFFFC000  }
0x18c: {  	[hbm4b:s28+s2] =	stream.linear.scatter [tilespmem:s8], [sflag:$0x4], $0x4000, $0x38;
	[tilespmem:$0xB400] =	vst v63  }
0x18d: {  	_ =	swait.ge [sflag:s6], $0x4000  }
0x18e: {  	[sflag:s6] =	ssyncset.done $0x0  }
0x18f: {  	s31 =	simm.s32 $0x3000;
	[sflag:s6] =	ssyncadd.s32 $0xFFFFC000  }
0x190: {  	[tilespmem:s8], [sflag:$0x2] =	stream.indirect.gather [hbm4b:s3+s4], $0x20, s31, s4, $0xb8;
	[tilespmem:$0xB400] =	vst v63  }
0x191: {  	_ =	swait.ge [sflag:s9], $0x4000  }
0x192: {  	s29 =	sld [smem:$0x7FA]  }
0x193: {  	[sflag:s9] =	ssyncset.done $0x0  }
0x194: {  	[sflag:s9] =	ssyncadd.s32 $0xFFFFC000  }
0x195: {  	[hbm4b:s29+s2] =	stream.linear.scatter [tilespmem:s7], [sflag:$0x5], $0x4000, $0x38;
	[tilespmem:$0xB400] =	vst v63  }
0x196: {  	_ =	swait.ge [sflag:s5], $0x4000  }
0x197: {  	[sflag:s5] =	ssyncset.done $0x0  }
0x198: {  	[sflag:s5] =	ssyncadd.s32 $0xFFFFC000  }
0x199: {  	[tilespmem:s7], [sflag:$0x3] =	stream.indirect.gather [hbm4b:s3+s4], $0x20, s16, s4, $0xb8;
	[tilespmem:$0xB400] =	vst v63  }
0x19a: {  	_ =	swait.ge [sflag:s11], $0x4000  }
0x19b: {  	s30 =	sld [smem:$0x7FB]  }
0x19c: {  	[sflag:s11] =	ssyncset.done $0x0  }
0x19d: {  	[sflag:s11] =	ssyncadd.s32 $0xFFFFC000  }
0x19e: {  	[hbm4b:s30+s2] =	stream.linear.scatter [tilespmem:s8], [sflag:$0x4], $0x4000, $0x38;
	[tilespmem:$0xB400] =	vst v63  }
0x19f: {  	_ =	swait.ge [sflag:s9], $0x4000  }
0x1a0: {  	s31 =	sld [smem:$0x7FD]  }
0x1a1: {  	[sflag:s9] =	ssyncset.done $0x0  }
0x1a2: {  	p1 =	sne.s32 s0, $0x1;
	[sflag:s9] =	ssyncadd.s32 $0xFFFFC000  }
0x1a3: {  	[hbm4b:s31+s2] =	stream.linear.scatter [tilespmem:s7], [sflag:$0x5], $0x4000, $0x38;
	[tilespmem:$0xB400] =	vst v63  }
.Ltmp1:
0x1a4: {  	_ =	swait.ge [sflag:s6], $0x4000;
	(pc) =	sbr.rel @!p1 .LBB2_7-.Ltmp1, $4  }
0x1a5: {  	[sflag:s6] =	ssyncset.done $0x0  }
0x1a6: {  	[sflag:s6] =	ssyncadd.s32 $0xFFFFC000  }
0x1a7: {  	p0 =	por $0x1, $0x1;
	_ =	swait.ge [sflag:s5], $0x4000  }
0x1a8: {  	s15 =	sadd.s32 $0xFFFFFFFF, s0;
	s16 =	rddreg [dreg:$0x3];
	[sflag:s5] =	ssyncset.done $0x0  }
0x1a9: {  	s18 =	simm.s32 $0x600  }
0x1aa: {  	s20 =	simm.s32 $0x1000;
	s25 =	simm.s32 $0x1200;
	s26 =	simm.s32 $0x1400  }
0x1ab: {  	s30 =	simm.s32 $0x1600;
	s28 =	simm.s32 $0x1800;
	s29 =	simm.s32 $0x1A00  }
0x1ac: {  	s19 =	simm.s32 $0x1C00;
	s31 =	simm.s32 $0x1E00;
	s21 =	simm.s32 $0x2000  }
0x1ad: {  	s22 =	simm.s32 $0x2200;
	s23 =	simm.s32 $0x2400;
	s24 =	simm.s32 $0x2600  }
.LBB2_4:
0x1ae: {  	[sflag:s5] =	ssyncadd.s32 $0xFFFFC000  }
0x1af: {  	[tilespmem:s2], [sflag:$0x1] =	stream.linear.gather [hbm4b:s16+s2], $0x200, $0x38;
	[tilespmem:$0xB400] =	vst v63  }
0x1b0: {  	s17 =	rddreg [dreg:$0x4]  }
0x1b1: {  	[tilespmem:s4], [sflag:$0x1] =	stream.linear.gather [hbm4b:s17+s2], $0x200, $0x38;
	[tilespmem:$0xB400] =	vst v63  }
0x1b2: {  	s0 =	simm.s32 $0x400;
	s16 =	rddreg [dreg:$0x5]  }
0x1b3: {  	[tilespmem:s0], [sflag:$0x1] =	stream.linear.gather [hbm4b:s16+s2], $0x200, $0x38;
	[tilespmem:$0xB400] =	vst v63  }
0x1b4: {  	s17 =	rddreg [dreg:$0x6]  }
0x1b5: {  	[tilespmem:s18], [sflag:$0x1] =	stream.linear.gather [hbm4b:s17+s2], $0x200, $0x38;
	[tilespmem:$0xB400] =	vst v63  }
0x1b6: {  	s13 =	simm.s32 $0x800;
	s16 =	rddreg [dreg:$0x7]  }
0x1b7: {  	[tilespmem:s13], [sflag:$0x1] =	stream.linear.gather [hbm4b:s16+s2], $0x200, $0x38;
	[tilespmem:$0xB400] =	vst v63  }
0x1b8: {  	s12 =	simm.s32 $0xA00;
	s17 =	rddreg [dreg:$0x8]  }
0x1b9: {  	[tilespmem:s12], [sflag:$0x1] =	stream.linear.gather [hbm4b:s17+s2], $0x200, $0x38;
	[tilespmem:$0xB400] =	vst v63  }
0x1ba: {  	s10 =	simm.s32 $0xC00;
	s16 =	rddreg [dreg:$0x9]  }
0x1bb: {  	[tilespmem:s10], [sflag:$0x1] =	stream.linear.gather [hbm4b:s16+s2], $0x200, $0x38;
	[tilespmem:$0xB400] =	vst v63  }
0x1bc: {  	s1 =	simm.s32 $0xE00;
	s13 =	rddreg [dreg:$0xa]  }
0x1bd: {  	[tilespmem:s1], [sflag:$0x1] =	stream.linear.gather [hbm4b:s13+s2], $0x200, $0x38;
	[tilespmem:$0xB400] =	vst v63  }
0x1be: {  	s16 =	rddreg [dreg:$0xb]  }
0x1bf: {  	[tilespmem:s20], [sflag:$0x1] =	stream.linear.gather [hbm4b:s16+s2], $0x200, $0x38;
	[tilespmem:$0xB400] =	vst v63  }
0x1c0: {  	s13 =	rddreg [dreg:$0xc]  }
0x1c1: {  	[tilespmem:s25], [sflag:$0x1] =	stream.linear.gather [hbm4b:s13+s2], $0x200, $0x38;
	[tilespmem:$0xB400] =	vst v63  }
0x1c2: {  	s16 =	rddreg [dreg:$0xd]  }
0x1c3: {  	[tilespmem:s26], [sflag:$0x1] =	stream.linear.gather [hbm4b:s16+s2], $0x200, $0x38;
	[tilespmem:$0xB400] =	vst v63  }
0x1c4: {  	s13 =	rddreg [dreg:$0xe]  }
0x1c5: {  	[tilespmem:s30], [sflag:$0x1] =	stream.linear.gather [hbm4b:s13+s2], $0x200, $0x38;
	[tilespmem:$0xB400] =	vst v63  }
0x1c6: {  	s16 =	rddreg [dreg:$0xf]  }
0x1c7: {  	[tilespmem:s28], [sflag:$0x1] =	stream.linear.gather [hbm4b:s16+s2], $0x200, $0x38;
	[tilespmem:$0xB400] =	vst v63  }
0x1c8: {  	s13 =	rddreg [dreg:$0x10]  }
0x1c9: {  	[tilespmem:s29], [sflag:$0x1] =	stream.linear.gather [hbm4b:s13+s2], $0x200, $0x38;
	[tilespmem:$0xB400] =	vst v63  }
0x1ca: {  	s16 =	rddreg [dreg:$0x11]  }
0x1cb: {  	[tilespmem:s19], [sflag:$0x1] =	stream.linear.gather [hbm4b:s16+s2], $0x200, $0x38;
	[tilespmem:$0xB400] =	vst v63  }
0x1cc: {  	s13 =	rddreg [dreg:$0x12]  }
0x1cd: {  	[tilespmem:s31], [sflag:$0x1] =	stream.linear.gather [hbm4b:s13+s2], $0x200, $0x38;
	[tilespmem:$0xB400] =	vst v63  }
0x1ce: {  	s16 =	rddreg [dreg:$0x13]  }
0x1cf: {  	[tilespmem:s21], [sflag:$0x1] =	stream.linear.gather [hbm4b:s16+s2], $0x200, $0x38;
	[tilespmem:$0xB400] =	vst v63  }
0x1d0: {  	s13 =	rddreg [dreg:$0x14]  }
0x1d1: {  	[tilespmem:s22], [sflag:$0x1] =	stream.linear.gather [hbm4b:s13+s2], $0x200, $0x38;
	[tilespmem:$0xB400] =	vst v63  }
0x1d2: {  	s16 =	rddreg [dreg:$0x15]  }
0x1d3: {  	[tilespmem:s23], [sflag:$0x1] =	stream.linear.gather [hbm4b:s16+s2], $0x200, $0x38;
	[tilespmem:$0xB400] =	vst v63  }
0x1d4: {  	s13 =	rddreg [dreg:$0x16]  }
0x1d5: {  	[tilespmem:s24], [sflag:$0x1] =	stream.linear.gather [hbm4b:s13+s2], $0x200, $0x38;
	[tilespmem:$0xB400] =	vst v63  }
0x1d6: {  	s16 =	rddreg [dreg:$0x17];
	s13 =	simm.s32 $0x2800  }
0x1d7: {  	[tilespmem:s13], [sflag:$0x1] =	stream.linear.gather [hbm4b:s16+s2], $0x200, $0x38;
	[tilespmem:$0xB400] =	vst v63  }
0x1d8: {  	s17 =	rddreg [dreg:$0x18];
	s13 =	simm.s32 $0x2A00  }
0x1d9: {  	[tilespmem:s13], [sflag:$0x1] =	stream.linear.gather [hbm4b:s17+s2], $0x200, $0x38;
	[tilespmem:$0xB400] =	vst v63  }
0x1da: {  	s16 =	rddreg [dreg:$0x19];
	s13 =	simm.s32 $0x2C00  }
0x1db: {  	[tilespmem:s13], [sflag:$0x1] =	stream.linear.gather [hbm4b:s16+s2], $0x200, $0x38;
	[tilespmem:$0xB400] =	vst v63  }
0x1dc: {  	s17 =	rddreg [dreg:$0x1a];
	s13 =	simm.s32 $0x2E00  }
0x1dd: {  	[tilespmem:s13], [sflag:$0x1] =	stream.linear.gather [hbm4b:s17+s2], $0x200, $0x38;
	[tilespmem:$0xB400] =	vst v63  }
0x1de: {  	s16 =	rddreg [dreg:$0x1b];
	s13 =	simm.s32 $0x3000  }
0x1df: {  	[tilespmem:s13], [sflag:$0x1] =	stream.linear.gather [hbm4b:s16+s2], $0x200, $0x38;
	[tilespmem:$0xB400] =	vst v63  }
0x1e0: {  	s17 =	rddreg [dreg:$0x1c];
	s16 =	simm.s32 $0x3200  }
0x1e1: {  	[tilespmem:s16], [sflag:$0x1] =	stream.linear.gather [hbm4b:s17+s2], $0x200, $0x38;
	[tilespmem:$0xB400] =	vst v63  }
0x1e2: {  	_ =	swait.ge [sflag:s14], $0x200  }
0x1e3: {  	[sflag:s14] =	ssyncset.done $0x0  }
0x1e4: {  	[sflag:s14] =	ssyncadd.s32 $0xFFFFFE00  }
0x1e5: {  	_ =	swait.ge [sflag:s14], $0x200  }
0x1e6: {  	[sflag:s14] =	ssyncset.done $0x0  }
0x1e7: {  	[sflag:s14] =	ssyncadd.s32 $0xFFFFFE00  }
0x1e8: {  	_ =	swait.ge [sflag:s14], $0x200  }
0x1e9: {  	[sflag:s14] =	ssyncset.done $0x0  }
0x1ea: {  	[sflag:s14] =	ssyncadd.s32 $0xFFFFFE00  }
0x1eb: {  	_ =	swait.ge [sflag:s14], $0x200  }
0x1ec: {  	[sflag:s14] =	ssyncset.done $0x0  }
0x1ed: {  	[sflag:s14] =	ssyncadd.s32 $0xFFFFFE00  }
0x1ee: {  	_ =	swait.ge [sflag:s14], $0x200  }
0x1ef: {  	[sflag:s14] =	ssyncset.done $0x0  }
0x1f0: {  	[sflag:s14] =	ssyncadd.s32 $0xFFFFFE00  }
0x1f1: {  	_ =	swait.ge [sflag:s14], $0x200  }
0x1f2: {  	[sflag:s14] =	ssyncset.done $0x0  }
0x1f3: {  	[sflag:s14] =	ssyncadd.s32 $0xFFFFFE00  }
0x1f4: {  	_ =	swait.ge [sflag:s14], $0x200  }
0x1f5: {  	[sflag:s14] =	ssyncset.done $0x0  }
0x1f6: {  	[sflag:s14] =	ssyncadd.s32 $0xFFFFFE00  }
0x1f7: {  	_ =	swait.ge [sflag:s14], $0x200  }
0x1f8: {  	[sflag:s14] =	ssyncset.done $0x0  }
0x1f9: {  	[sflag:s14] =	ssyncadd.s32 $0xFFFFFE00  }
0x1fa: {  	_ =	swait.ge [sflag:s14], $0x200  }
0x1fb: {  	[sflag:s14] =	ssyncset.done $0x0  }
0x1fc: {  	[sflag:s14] =	ssyncadd.s32 $0xFFFFFE00  }
0x1fd: {  	_ =	swait.ge [sflag:s14], $0x200  }
0x1fe: {  	[sflag:s14] =	ssyncset.done $0x0  }
0x1ff: {  	[sflag:s14] =	ssyncadd.s32 $0xFFFFFE00  }
0x200: {  	_ =	swait.ge [sflag:s14], $0x200  }
0x201: {  	[sflag:s14] =	ssyncset.done $0x0  }
0x202: {  	[sflag:s14] =	ssyncadd.s32 $0xFFFFFE00  }
0x203: {  	_ =	swait.ge [sflag:s14], $0x200  }
0x204: {  	[sflag:s14] =	ssyncset.done $0x0  }
0x205: {  	[sflag:s14] =	ssyncadd.s32 $0xFFFFFE00  }
0x206: {  	_ =	swait.ge [sflag:s14], $0x200  }
0x207: {  	[sflag:s14] =	ssyncset.done $0x0  }
0x208: {  	[sflag:s14] =	ssyncadd.s32 $0xFFFFFE00  }
0x209: {  	_ =	swait.ge [sflag:s14], $0x200  }
0x20a: {  	[sflag:s14] =	ssyncset.done $0x0  }
0x20b: {  	[sflag:s14] =	ssyncadd.s32 $0xFFFFFE00  }
0x20c: {  	_ =	swait.ge [sflag:s14], $0x200  }
0x20d: {  	[sflag:s14] =	ssyncset.done $0x0  }
0x20e: {  	[sflag:s14] =	ssyncadd.s32 $0xFFFFFE00  }
0x20f: {  	_ =	swait.ge [sflag:s14], $0x200  }
0x210: {  	[sflag:s14] =	ssyncset.done $0x0  }
0x211: {  	[sflag:s14] =	ssyncadd.s32 $0xFFFFFE00  }
0x212: {  	_ =	swait.ge [sflag:s14], $0x200  }
0x213: {  	[sflag:s14] =	ssyncset.done $0x0  }
0x214: {  	[sflag:s14] =	ssyncadd.s32 $0xFFFFFE00  }
0x215: {  	_ =	swait.ge [sflag:s14], $0x200  }
0x216: {  	[sflag:s14] =	ssyncset.done $0x0  }
0x217: {  	[sflag:s14] =	ssyncadd.s32 $0xFFFFFE00  }
0x218: {  	_ =	swait.ge [sflag:s14], $0x200  }
0x219: {  	[sflag:s14] =	ssyncset.done $0x0  }
0x21a: {  	[sflag:s14] =	ssyncadd.s32 $0xFFFFFE00  }
0x21b: {  	_ =	swait.ge [sflag:s14], $0x200  }
0x21c: {  	[sflag:s14] =	ssyncset.done $0x0  }
0x21d: {  	[sflag:s14] =	ssyncadd.s32 $0xFFFFFE00  }
0x21e: {  	_ =	swait.ge [sflag:s14], $0x200  }
0x21f: {  	[sflag:s14] =	ssyncset.done $0x0  }
0x220: {  	[sflag:s14] =	ssyncadd.s32 $0xFFFFFE00  }
0x221: {  	_ =	swait.ge [sflag:s14], $0x200  }
0x222: {  	[sflag:s14] =	ssyncset.done $0x0  }
0x223: {  	[sflag:s14] =	ssyncadd.s32 $0xFFFFFE00  }
0x224: {  	_ =	swait.ge [sflag:s14], $0x200  }
0x225: {  	[sflag:s14] =	ssyncset.done $0x0  }
0x226: {  	[sflag:s14] =	ssyncadd.s32 $0xFFFFFE00  }
0x227: {  	_ =	swait.ge [sflag:s14], $0x200  }
0x228: {  	[sflag:s14] =	ssyncset.done $0x0  }
0x229: {  	[sflag:s14] =	ssyncadd.s32 $0xFFFFFE00  }
0x22a: {  	_ =	swait.ge [sflag:s14], $0x200  }
0x22b: {  	[sflag:s14] =	ssyncset.done $0x0  }
0x22c: {  	[sflag:s14] =	ssyncadd.s32 $0xFFFFFE00  }
0x22d: {  	_ =	swait.ge [sflag:s14], $0x200  }
0x22e: {  	[sflag:s14] =	ssyncset.done $0x0  }
0x22f: {  	[sflag:s14] =	ssyncadd.s32 $0xFFFFFE00  }
0x230: {  	[tilespmem:s8], [sflag:$0x2] =	stream.indirect.gather [hbm4b:s3+s4], $0x20, s2, s4, $0xb8;
	[tilespmem:$0xB400] =	vst v63  }
0x231: {  	_ = 	snop  }
0x232: {  	[tilespmem:s7], [sflag:$0x3] =	stream.indirect.gather [hbm4b:s3+s4], $0x20, s4, s4, $0xb8;
	[tilespmem:$0xB400] =	vst v63  }
0x233: {  	_ =	swait.ge [sflag:s11], $0x4000  }
0x234: {  	s16 =	sld [smem:$0x7FC]  }
0x235: {  	[sflag:s11] =	ssyncset.done $0x0  }
0x236: {  	[sflag:s11] =	ssyncadd.s32 $0xFFFFC000  }
0x237: {  	[hbm4b:s16+s2] =	stream.linear.scatter [tilespmem:s8], [sflag:$0x4], $0x4000, $0x38;
	[tilespmem:$0xB400] =	vst v63  }
0x238: {  	_ =	swait.ge [sflag:s6], $0x4000  }
0x239: {  	[sflag:s6] =	ssyncset.done $0x0  }
0x23a: {  	[sflag:s6] =	ssyncadd.s32 $0xFFFFC000  }
0x23b: {  	[tilespmem:s8], [sflag:$0x2] =	stream.indirect.gather [hbm4b:s3+s4], $0x20, s0, s4, $0xb8;
	[tilespmem:$0xB400] =	vst v63  }
0x23c: {  	_ =	swait.ge [sflag:s9], $0x4000  }
0x23d: {  	[sflag:s9] =	ssyncset.done $0x0  }
0x23e: {  	s0 =	rddreg [dreg:$0x1d];
	[sflag:s9] =	ssyncadd.s32 $0xFFFFC000  }
0x23f: {  	[hbm4b:s0+s2] =	stream.linear.scatter [tilespmem:s7], [sflag:$0x5], $0x4000, $0x38;
	[tilespmem:$0xB400] =	vst v63  }
0x240: {  	_ =	swait.ge [sflag:s5], $0x4000  }
0x241: {  	[sflag:s5] =	ssyncset.done $0x0  }
0x242: {  	[sflag:s5] =	ssyncadd.s32 $0xFFFFC000  }
0x243: {  	[tilespmem:s7], [sflag:$0x3] =	stream.indirect.gather [hbm4b:s3+s4], $0x20, s18, s4, $0xb8;
	[tilespmem:$0xB400] =	vst v63  }
0x244: {  	_ =	swait.ge [sflag:s11], $0x4000  }
0x245: {  	[sflag:s11] =	ssyncset.done $0x0  }
0x246: {  	s13 =	rddreg [dreg:$0x1e];
	[sflag:s11] =	ssyncadd.s32 $0xFFFFC000  }
0x247: {  	[hbm4b:s13+s2] =	stream.linear.scatter [tilespmem:s8], [sflag:$0x4], $0x4000, $0x38;
	[tilespmem:$0xB400] =	vst v63  }
0x248: {  	_ =	swait.ge [sflag:s6], $0x4000  }
0x249: {  	[sflag:s6] =	ssyncset.done $0x0  }
0x24a: {  	s12 =	simm.s32 $0x800;
	[sflag:s6] =	ssyncadd.s32 $0xFFFFC000  }
0x24b: {  	[tilespmem:s8], [sflag:$0x2] =	stream.indirect.gather [hbm4b:s3+s4], $0x20, s12, s4, $0xb8;
	[tilespmem:$0xB400] =	vst v63  }
0x24c: {  	_ =	swait.ge [sflag:s9], $0x4000  }
0x24d: {  	[sflag:s9] =	ssyncset.done $0x0  }
0x24e: {  	s0 =	rddreg [dreg:$0x1f];
	[sflag:s9] =	ssyncadd.s32 $0xFFFFC000  }
0x24f: {  	[hbm4b:s0+s2] =	stream.linear.scatter [tilespmem:s7], [sflag:$0x5], $0x4000, $0x38;
	[tilespmem:$0xB400] =	vst v63  }
0x250: {  	_ =	swait.ge [sflag:s5], $0x4000  }
0x251: {  	[sflag:s5] =	ssyncset.done $0x0  }
0x252: {  	s10 =	simm.s32 $0xA00;
	[sflag:s5] =	ssyncadd.s32 $0xFFFFC000  }
0x253: {  	[tilespmem:s7], [sflag:$0x3] =	stream.indirect.gather [hbm4b:s3+s4], $0x20, s10, s4, $0xb8;
	[tilespmem:$0xB400] =	vst v63  }
0x254: {  	_ =	swait.ge [sflag:s11], $0x4000  }
0x255: {  	s13 =	sld [smem:$0x7E7]  }
0x256: {  	[sflag:s11] =	ssyncset.done $0x0  }
0x257: {  	[sflag:s11] =	ssyncadd.s32 $0xFFFFC000  }
0x258: {  	[hbm4b:s13+s2] =	stream.linear.scatter [tilespmem:s8], [sflag:$0x4], $0x4000, $0x38;
	[tilespmem:$0xB400] =	vst v63  }
0x259: {  	_ =	swait.ge [sflag:s6], $0x4000  }
0x25a: {  	[sflag:s6] =	ssyncset.done $0x0  }
0x25b: {  	s1 =	simm.s32 $0xC00;
	[sflag:s6] =	ssyncadd.s32 $0xFFFFC000  }
0x25c: {  	[tilespmem:s8], [sflag:$0x2] =	stream.indirect.gather [hbm4b:s3+s4], $0x20, s1, s4, $0xb8;
	[tilespmem:$0xB400] =	vst v63  }
0x25d: {  	_ =	swait.ge [sflag:s9], $0x4000  }
0x25e: {  	s0 =	sld [smem:$0x7E8]  }
0x25f: {  	[sflag:s9] =	ssyncset.done $0x0  }
0x260: {  	[sflag:s9] =	ssyncadd.s32 $0xFFFFC000  }
0x261: {  	[hbm4b:s0+s2] =	stream.linear.scatter [tilespmem:s7], [sflag:$0x5], $0x4000, $0x38;
	[tilespmem:$0xB400] =	vst v63  }
0x262: {  	_ =	swait.ge [sflag:s5], $0x4000  }
0x263: {  	[sflag:s5] =	ssyncset.done $0x0  }
0x264: {  	s17 =	simm.s32 $0xE00;
	[sflag:s5] =	ssyncadd.s32 $0xFFFFC000  }
0x265: {  	[tilespmem:s7], [sflag:$0x3] =	stream.indirect.gather [hbm4b:s3+s4], $0x20, s17, s4, $0xb8;
	[tilespmem:$0xB400] =	vst v63  }
0x266: {  	_ =	swait.ge [sflag:s11], $0x4000  }
0x267: {  	s13 =	sld [smem:$0x7E9]  }
0x268: {  	[sflag:s11] =	ssyncset.done $0x0  }
0x269: {  	[sflag:s11] =	ssyncadd.s32 $0xFFFFC000  }
0x26a: {  	[hbm4b:s13+s2] =	stream.linear.scatter [tilespmem:s8], [sflag:$0x4], $0x4000, $0x38;
	[tilespmem:$0xB400] =	vst v63  }
0x26b: {  	_ =	swait.ge [sflag:s6], $0x4000  }
0x26c: {  	[sflag:s6] =	ssyncset.done $0x0  }
0x26d: {  	[sflag:s6] =	ssyncadd.s32 $0xFFFFC000  }
0x26e: {  	[tilespmem:s8], [sflag:$0x2] =	stream.indirect.gather [hbm4b:s3+s4], $0x20, s20, s4, $0xb8;
	[tilespmem:$0xB400] =	vst v63  }
0x26f: {  	_ =	swait.ge [sflag:s9], $0x4000  }
0x270: {  	s0 =	sld [smem:$0x7EA]  }
0x271: {  	[sflag:s9] =	ssyncset.done $0x0  }
0x272: {  	[sflag:s9] =	ssyncadd.s32 $0xFFFFC000  }
0x273: {  	[hbm4b:s0+s2] =	stream.linear.scatter [tilespmem:s7], [sflag:$0x5], $0x4000, $0x38;
	[tilespmem:$0xB400] =	vst v63  }
0x274: {  	_ =	swait.ge [sflag:s5], $0x4000  }
0x275: {  	[sflag:s5] =	ssyncset.done $0x0  }
0x276: {  	[sflag:s5] =	ssyncadd.s32 $0xFFFFC000  }
0x277: {  	[tilespmem:s7], [sflag:$0x3] =	stream.indirect.gather [hbm4b:s3+s4], $0x20, s25, s4, $0xb8;
	[tilespmem:$0xB400] =	vst v63  }
0x278: {  	_ =	swait.ge [sflag:s11], $0x4000  }
0x279: {  	s13 =	sld [smem:$0x7EB]  }
0x27a: {  	[sflag:s11] =	ssyncset.done $0x0  }
0x27b: {  	[sflag:s11] =	ssyncadd.s32 $0xFFFFC000  }
0x27c: {  	[hbm4b:s13+s2] =	stream.linear.scatter [tilespmem:s8], [sflag:$0x4], $0x4000, $0x38;
	[tilespmem:$0xB400] =	vst v63  }
0x27d: {  	_ =	swait.ge [sflag:s6], $0x4000  }
0x27e: {  	[sflag:s6] =	ssyncset.done $0x0  }
0x27f: {  	[sflag:s6] =	ssyncadd.s32 $0xFFFFC000  }
0x280: {  	[tilespmem:s8], [sflag:$0x2] =	stream.indirect.gather [hbm4b:s3+s4], $0x20, s26, s4, $0xb8;
	[tilespmem:$0xB400] =	vst v63  }
0x281: {  	_ =	swait.ge [sflag:s9], $0x4000  }
0x282: {  	s0 =	sld [smem:$0x7EC]  }
0x283: {  	[sflag:s9] =	ssyncset.done $0x0  }
0x284: {  	[sflag:s9] =	ssyncadd.s32 $0xFFFFC000  }
0x285: {  	[hbm4b:s0+s2] =	stream.linear.scatter [tilespmem:s7], [sflag:$0x5], $0x4000, $0x38;
	[tilespmem:$0xB400] =	vst v63  }
0x286: {  	_ =	swait.ge [sflag:s5], $0x4000  }
0x287: {  	[sflag:s5] =	ssyncset.done $0x0  }
0x288: {  	[sflag:s5] =	ssyncadd.s32 $0xFFFFC000  }
0x289: {  	[tilespmem:s7], [sflag:$0x3] =	stream.indirect.gather [hbm4b:s3+s4], $0x20, s30, s4, $0xb8;
	[tilespmem:$0xB400] =	vst v63  }
0x28a: {  	_ =	swait.ge [sflag:s11], $0x4000  }
0x28b: {  	s13 =	sld [smem:$0x7ED]  }
0x28c: {  	[sflag:s11] =	ssyncset.done $0x0  }
0x28d: {  	[sflag:s11] =	ssyncadd.s32 $0xFFFFC000  }
0x28e: {  	[hbm4b:s13+s2] =	stream.linear.scatter [tilespmem:s8], [sflag:$0x4], $0x4000, $0x38;
	[tilespmem:$0xB400] =	vst v63  }
0x28f: {  	_ =	swait.ge [sflag:s6], $0x4000  }
0x290: {  	[sflag:s6] =	ssyncset.done $0x0  }
0x291: {  	[sflag:s6] =	ssyncadd.s32 $0xFFFFC000  }
0x292: {  	[tilespmem:s8], [sflag:$0x2] =	stream.indirect.gather [hbm4b:s3+s4], $0x20, s28, s4, $0xb8;
	[tilespmem:$0xB400] =	vst v63  }
0x293: {  	_ =	swait.ge [sflag:s9], $0x4000  }
0x294: {  	s0 =	sld [smem:$0x7EE]  }
0x295: {  	[sflag:s9] =	ssyncset.done $0x0  }
0x296: {  	[sflag:s9] =	ssyncadd.s32 $0xFFFFC000  }
0x297: {  	[hbm4b:s0+s2] =	stream.linear.scatter [tilespmem:s7], [sflag:$0x5], $0x4000, $0x38;
	[tilespmem:$0xB400] =	vst v63  }
0x298: {  	_ =	swait.ge [sflag:s5], $0x4000  }
0x299: {  	[sflag:s5] =	ssyncset.done $0x0  }
0x29a: {  	[sflag:s5] =	ssyncadd.s32 $0xFFFFC000  }
0x29b: {  	[tilespmem:s7], [sflag:$0x3] =	stream.indirect.gather [hbm4b:s3+s4], $0x20, s29, s4, $0xb8;
	[tilespmem:$0xB400] =	vst v63  }
0x29c: {  	_ =	swait.ge [sflag:s11], $0x4000  }
0x29d: {  	s13 =	sld [smem:$0x7EF]  }
0x29e: {  	[sflag:s11] =	ssyncset.done $0x0  }
0x29f: {  	[sflag:s11] =	ssyncadd.s32 $0xFFFFC000  }
0x2a0: {  	[hbm4b:s13+s2] =	stream.linear.scatter [tilespmem:s8], [sflag:$0x4], $0x4000, $0x38;
	[tilespmem:$0xB400] =	vst v63  }
0x2a1: {  	_ =	swait.ge [sflag:s6], $0x4000  }
0x2a2: {  	[sflag:s6] =	ssyncset.done $0x0  }
0x2a3: {  	[sflag:s6] =	ssyncadd.s32 $0xFFFFC000  }
0x2a4: {  	[tilespmem:s8], [sflag:$0x2] =	stream.indirect.gather [hbm4b:s3+s4], $0x20, s19, s4, $0xb8;
	[tilespmem:$0xB400] =	vst v63  }
0x2a5: {  	_ =	swait.ge [sflag:s9], $0x4000  }
0x2a6: {  	s0 =	sld [smem:$0x7F0]  }
0x2a7: {  	[sflag:s9] =	ssyncset.done $0x0  }
0x2a8: {  	[sflag:s9] =	ssyncadd.s32 $0xFFFFC000  }
0x2a9: {  	[hbm4b:s0+s2] =	stream.linear.scatter [tilespmem:s7], [sflag:$0x5], $0x4000, $0x38;
	[tilespmem:$0xB400] =	vst v63  }
0x2aa: {  	_ =	swait.ge [sflag:s5], $0x4000  }
0x2ab: {  	[sflag:s5] =	ssyncset.done $0x0  }
0x2ac: {  	[sflag:s5] =	ssyncadd.s32 $0xFFFFC000  }
0x2ad: {  	[tilespmem:s7], [sflag:$0x3] =	stream.indirect.gather [hbm4b:s3+s4], $0x20, s31, s4, $0xb8;
	[tilespmem:$0xB400] =	vst v63  }
0x2ae: {  	_ =	swait.ge [sflag:s11], $0x4000  }
0x2af: {  	s13 =	sld [smem:$0x7F1]  }
0x2b0: {  	[sflag:s11] =	ssyncset.done $0x0  }
0x2b1: {  	[sflag:s11] =	ssyncadd.s32 $0xFFFFC000  }
0x2b2: {  	[hbm4b:s13+s2] =	stream.linear.scatter [tilespmem:s8], [sflag:$0x4], $0x4000, $0x38;
	[tilespmem:$0xB400] =	vst v63  }
0x2b3: {  	_ =	swait.ge [sflag:s6], $0x4000  }
0x2b4: {  	[sflag:s6] =	ssyncset.done $0x0  }
0x2b5: {  	[sflag:s6] =	ssyncadd.s32 $0xFFFFC000  }
0x2b6: {  	[tilespmem:s8], [sflag:$0x2] =	stream.indirect.gather [hbm4b:s3+s4], $0x20, s21, s4, $0xb8;
	[tilespmem:$0xB400] =	vst v63  }
0x2b7: {  	_ =	swait.ge [sflag:s9], $0x4000  }
0x2b8: {  	s0 =	sld [smem:$0x7F2]  }
0x2b9: {  	[sflag:s9] =	ssyncset.done $0x0  }
0x2ba: {  	[sflag:s9] =	ssyncadd.s32 $0xFFFFC000  }
0x2bb: {  	[hbm4b:s0+s2] =	stream.linear.scatter [tilespmem:s7], [sflag:$0x5], $0x4000, $0x38;
	[tilespmem:$0xB400] =	vst v63  }
0x2bc: {  	_ =	swait.ge [sflag:s5], $0x4000  }
0x2bd: {  	[sflag:s5] =	ssyncset.done $0x0  }
0x2be: {  	[sflag:s5] =	ssyncadd.s32 $0xFFFFC000  }
0x2bf: {  	[tilespmem:s7], [sflag:$0x3] =	stream.indirect.gather [hbm4b:s3+s4], $0x20, s22, s4, $0xb8;
	[tilespmem:$0xB400] =	vst v63  }
0x2c0: {  	_ =	swait.ge [sflag:s11], $0x4000  }
0x2c1: {  	s13 =	sld [smem:$0x7F3]  }
0x2c2: {  	[sflag:s11] =	ssyncset.done $0x0  }
0x2c3: {  	[sflag:s11] =	ssyncadd.s32 $0xFFFFC000  }
0x2c4: {  	[hbm4b:s13+s2] =	stream.linear.scatter [tilespmem:s8], [sflag:$0x4], $0x4000, $0x38;
	[tilespmem:$0xB400] =	vst v63  }
0x2c5: {  	_ =	swait.ge [sflag:s6], $0x4000  }
0x2c6: {  	[sflag:s6] =	ssyncset.done $0x0  }
0x2c7: {  	[sflag:s6] =	ssyncadd.s32 $0xFFFFC000  }
0x2c8: {  	[tilespmem:s8], [sflag:$0x2] =	stream.indirect.gather [hbm4b:s3+s4], $0x20, s23, s4, $0xb8;
	[tilespmem:$0xB400] =	vst v63  }
0x2c9: {  	_ =	swait.ge [sflag:s9], $0x4000  }
0x2ca: {  	s0 =	sld [smem:$0x7F4]  }
0x2cb: {  	[sflag:s9] =	ssyncset.done $0x0  }
0x2cc: {  	[sflag:s9] =	ssyncadd.s32 $0xFFFFC000  }
0x2cd: {  	[hbm4b:s0+s2] =	stream.linear.scatter [tilespmem:s7], [sflag:$0x5], $0x4000, $0x38;
	[tilespmem:$0xB400] =	vst v63  }
0x2ce: {  	_ =	swait.ge [sflag:s5], $0x4000  }
0x2cf: {  	[sflag:s5] =	ssyncset.done $0x0  }
0x2d0: {  	[sflag:s5] =	ssyncadd.s32 $0xFFFFC000  }
0x2d1: {  	[tilespmem:s7], [sflag:$0x3] =	stream.indirect.gather [hbm4b:s3+s4], $0x20, s24, s4, $0xb8;
	[tilespmem:$0xB400] =	vst v63  }
0x2d2: {  	_ =	swait.ge [sflag:s11], $0x4000  }
0x2d3: {  	s13 =	sld [smem:$0x7F5]  }
0x2d4: {  	[sflag:s11] =	ssyncset.done $0x0  }
0x2d5: {  	[sflag:s11] =	ssyncadd.s32 $0xFFFFC000  }
0x2d6: {  	[hbm4b:s13+s2] =	stream.linear.scatter [tilespmem:s8], [sflag:$0x4], $0x4000, $0x38;
	[tilespmem:$0xB400] =	vst v63  }
0x2d7: {  	_ =	swait.ge [sflag:s6], $0x4000  }
0x2d8: {  	[sflag:s6] =	ssyncset.done $0x0  }
0x2d9: {  	s16 =	simm.s32 $0x2800;
	[sflag:s6] =	ssyncadd.s32 $0xFFFFC000  }
0x2da: {  	[tilespmem:s8], [sflag:$0x2] =	stream.indirect.gather [hbm4b:s3+s4], $0x20, s16, s4, $0xb8;
	[tilespmem:$0xB400] =	vst v63  }
0x2db: {  	_ =	swait.ge [sflag:s9], $0x4000  }
0x2dc: {  	s13 =	sld [smem:$0x7F6]  }
0x2dd: {  	[sflag:s9] =	ssyncset.done $0x0  }
0x2de: {  	[sflag:s9] =	ssyncadd.s32 $0xFFFFC000  }
0x2df: {  	[hbm4b:s13+s2] =	stream.linear.scatter [tilespmem:s7], [sflag:$0x5], $0x4000, $0x38;
	[tilespmem:$0xB400] =	vst v63  }
0x2e0: {  	_ =	swait.ge [sflag:s5], $0x4000  }
0x2e1: {  	[sflag:s5] =	ssyncset.done $0x0  }
0x2e2: {  	s16 =	simm.s32 $0x2A00;
	[sflag:s5] =	ssyncadd.s32 $0xFFFFC000  }
0x2e3: {  	[tilespmem:s7], [sflag:$0x3] =	stream.indirect.gather [hbm4b:s3+s4], $0x20, s16, s4, $0xb8;
	[tilespmem:$0xB400] =	vst v63  }
0x2e4: {  	_ =	swait.ge [sflag:s11], $0x4000  }
0x2e5: {  	s13 =	sld [smem:$0x7F7]  }
0x2e6: {  	[sflag:s11] =	ssyncset.done $0x0  }
0x2e7: {  	[sflag:s11] =	ssyncadd.s32 $0xFFFFC000  }
0x2e8: {  	[hbm4b:s13+s2] =	stream.linear.scatter [tilespmem:s8], [sflag:$0x4], $0x4000, $0x38;
	[tilespmem:$0xB400] =	vst v63  }
0x2e9: {  	_ =	swait.ge [sflag:s6], $0x4000  }
0x2ea: {  	[sflag:s6] =	ssyncset.done $0x0  }
0x2eb: {  	s16 =	simm.s32 $0x2C00;
	[sflag:s6] =	ssyncadd.s32 $0xFFFFC000  }
0x2ec: {  	[tilespmem:s8], [sflag:$0x2] =	stream.indirect.gather [hbm4b:s3+s4], $0x20, s16, s4, $0xb8;
	[tilespmem:$0xB400] =	vst v63  }
0x2ed: {  	_ =	swait.ge [sflag:s9], $0x4000  }
0x2ee: {  	s13 =	sld [smem:$0x7F8]  }
0x2ef: {  	[sflag:s9] =	ssyncset.done $0x0  }
0x2f0: {  	[sflag:s9] =	ssyncadd.s32 $0xFFFFC000  }
0x2f1: {  	[hbm4b:s13+s2] =	stream.linear.scatter [tilespmem:s7], [sflag:$0x5], $0x4000, $0x38;
	[tilespmem:$0xB400] =	vst v63  }
0x2f2: {  	_ =	swait.ge [sflag:s5], $0x4000  }
0x2f3: {  	[sflag:s5] =	ssyncset.done $0x0  }
0x2f4: {  	s16 =	simm.s32 $0x2E00;
	[sflag:s5] =	ssyncadd.s32 $0xFFFFC000  }
0x2f5: {  	[tilespmem:s7], [sflag:$0x3] =	stream.indirect.gather [hbm4b:s3+s4], $0x20, s16, s4, $0xb8;
	[tilespmem:$0xB400] =	vst v63  }
0x2f6: {  	_ =	swait.ge [sflag:s11], $0x4000  }
0x2f7: {  	s13 =	sld [smem:$0x7F9]  }
0x2f8: {  	[sflag:s11] =	ssyncset.done $0x0  }
0x2f9: {  	[sflag:s11] =	ssyncadd.s32 $0xFFFFC000  }
0x2fa: {  	[hbm4b:s13+s2] =	stream.linear.scatter [tilespmem:s8], [sflag:$0x4], $0x4000, $0x38;
	[tilespmem:$0xB400] =	vst v63  }
0x2fb: {  	_ =	swait.ge [sflag:s6], $0x4000  }
0x2fc: {  	[sflag:s6] =	ssyncset.done $0x0  }
0x2fd: {  	s16 =	simm.s32 $0x3000;
	[sflag:s6] =	ssyncadd.s32 $0xFFFFC000  }
0x2fe: {  	[tilespmem:s8], [sflag:$0x2] =	stream.indirect.gather [hbm4b:s3+s4], $0x20, s16, s4, $0xb8;
	[tilespmem:$0xB400] =	vst v63  }
0x2ff: {  	_ =	swait.ge [sflag:s9], $0x4000  }
0x300: {  	s13 =	sld [smem:$0x7FA]  }
0x301: {  	[sflag:s9] =	ssyncset.done $0x0  }
0x302: {  	[sflag:s9] =	ssyncadd.s32 $0xFFFFC000  }
0x303: {  	[hbm4b:s13+s2] =	stream.linear.scatter [tilespmem:s7], [sflag:$0x5], $0x4000, $0x38;
	[tilespmem:$0xB400] =	vst v63  }
0x304: {  	_ =	swait.ge [sflag:s5], $0x4000  }
0x305: {  	[sflag:s5] =	ssyncset.done $0x0  }
0x306: {  	s16 =	simm.s32 $0x3200;
	[sflag:s5] =	ssyncadd.s32 $0xFFFFC000  }
0x307: {  	[tilespmem:s7], [sflag:$0x3] =	stream.indirect.gather [hbm4b:s3+s4], $0x20, s16, s4, $0xb8;
	[tilespmem:$0xB400] =	vst v63  }
0x308: {  	_ =	swait.ge [sflag:s11], $0x4000  }
0x309: {  	s0 =	sld [smem:$0x7FB]  }
0x30a: {  	[sflag:s11] =	ssyncset.done $0x0  }
0x30b: {  	[sflag:s11] =	ssyncadd.s32 $0xFFFFC000  }
0x30c: {  	[hbm4b:s0+s2] =	stream.linear.scatter [tilespmem:s8], [sflag:$0x4], $0x4000, $0x38;
	[tilespmem:$0xB400] =	vst v63  }
0x30d: {  	_ =	swait.ge [sflag:s9], $0x4000  }
0x30e: {  	s13 =	sld [smem:$0x7FD]  }
0x30f: {  	[sflag:s9] =	ssyncset.done $0x0  }
0x310: {  	p1 =	sne.s32 s15, $0x1;
	[sflag:s9] =	ssyncadd.s32 $0xFFFFC000  }
0x311: {  	[hbm4b:s13+s2] =	stream.linear.scatter [tilespmem:s7], [sflag:$0x5], $0x4000, $0x38;
	[tilespmem:$0xB400] =	vst v63  }
.Ltmp2:
0x312: {  	_ =	swait.ge [sflag:s6], $0x4000;
	(pc) =	sbr.rel @p1 .LBB2_4-.Ltmp2, $4  }
0x313: {  	[sflag:s6] =	ssyncset.done $0x0  }
0x314: {  	[sflag:s6] =	ssyncadd.s32 $0xFFFFC000  }
0x315: {  	_ =	swait.ge [sflag:s5], $0x4000  }
0x316: {  	s15 =	sadd.s32 $0xFFFFFFFF, s15;
	s16 =	rddreg [dreg:$0x3];
	[sflag:s5] =	ssyncset.done $0x0  }
0x317: {  	s13 =	sld [smem:$0x7FC];
	s21 =	stileid.u32;
	s23 =	simm.s32 $0x400  }
.LBB2_6:
0x318: {  	[sflag:s5] =	ssyncadd.s32 @p0 $0xFFFFC000  }
0x319: {  	[tilespmem:s2], [sflag:$0x1] =	stream.linear.gather [hbm4b:s16+s2], $0x200, $0x38;
	[tilespmem:$0xB400] =	vst v63  }
0x31a: {  	s15 =	rddreg [dreg:$0x4]  }
0x31b: {  	[tilespmem:s4], [sflag:$0x1] =	stream.linear.gather [hbm4b:s15+s2], $0x200, $0x38;
	[tilespmem:$0xB400] =	vst v63  }
0x31c: {  	s22 =	rddreg [dreg:$0x5]  }
0x31d: {  	[tilespmem:s23], [sflag:$0x1] =	stream.linear.gather [hbm4b:s22+s2], $0x200, $0x38;
	[tilespmem:$0xB400] =	vst v63  }
0x31e: {  	s24 =	rddreg [dreg:$0x6];
	s0 =	simm.s32 $0x600  }
0x31f: {  	[tilespmem:s0], [sflag:$0x1] =	stream.linear.gather [hbm4b:s24+s2], $0x200, $0x38;
	[tilespmem:$0xB400] =	vst v63  }
0x320: {  	s25 =	rddreg [dreg:$0x7]  }
0x321: {  	[tilespmem:s12], [sflag:$0x1] =	stream.linear.gather [hbm4b:s25+s2], $0x200, $0x38;
	[tilespmem:$0xB400] =	vst v63  }
0x322: {  	s26 =	rddreg [dreg:$0x8]  }
0x323: {  	[tilespmem:s10], [sflag:$0x1] =	stream.linear.gather [hbm4b:s26+s2], $0x200, $0x38;
	[tilespmem:$0xB400] =	vst v63  }
0x324: {  	s28 =	rddreg [dreg:$0x9]  }
0x325: {  	[tilespmem:s1], [sflag:$0x1] =	stream.linear.gather [hbm4b:s28+s2], $0x200, $0x38;
	[tilespmem:$0xB400] =	vst v63  }
0x326: {  	s29 =	rddreg [dreg:$0xa]  }
0x327: {  	[tilespmem:s17], [sflag:$0x1] =	stream.linear.gather [hbm4b:s29+s2], $0x200, $0x38;
	[tilespmem:$0xB400] =	vst v63  }
0x328: {  	s30 =	rddreg [dreg:$0xb];
	s17 =	simm.s32 $0x1000  }
0x329: {  	[tilespmem:s17], [sflag:$0x1] =	stream.linear.gather [hbm4b:s30+s2], $0x200, $0x38;
	[tilespmem:$0xB400] =	vst v63  }
0x32a: {  	s31 =	rddreg [dreg:$0xc];
	s1 =	simm.s32 $0x1200  }
0x32b: {  	[tilespmem:s1], [sflag:$0x1] =	stream.linear.gather [hbm4b:s31+s2], $0x200, $0x38;
	[tilespmem:$0xB400] =	vst v63  }
0x32c: {  	s18 =	simm.s32 $0x1400;
	s10 =	rddreg [dreg:$0xd]  }
0x32d: {  	[tilespmem:s18], [sflag:$0x1] =	stream.linear.gather [hbm4b:s10+s2], $0x200, $0x38;
	[tilespmem:$0xB400] =	vst v63  }
0x32e: {  	s12 =	rddreg [dreg:$0xe];
	s29 =	simm.s32 $0x1600  }
0x32f: {  	[tilespmem:s29], [sflag:$0x1] =	stream.linear.gather [hbm4b:s12+s2], $0x200, $0x38;
	[tilespmem:$0xB400] =	vst v63  }
0x330: {  	s19 =	rddreg [dreg:$0xf];
	s31 =	simm.s32 $0x1800  }
0x331: {  	[tilespmem:s31], [sflag:$0x1] =	stream.linear.gather [hbm4b:s19+s2], $0x200, $0x38;
	[tilespmem:$0xB400] =	vst v63  }
0x332: {  	s22 =	rddreg [dreg:$0x10];
	s19 =	simm.s32 $0x1A00  }
0x333: {  	[tilespmem:s19], [sflag:$0x1] =	stream.linear.gather [hbm4b:s22+s2], $0x200, $0x38;
	[tilespmem:$0xB400] =	vst v63  }
0x334: {  	s23 =	rddreg [dreg:$0x11];
	s30 =	simm.s32 $0x1C00  }
0x335: {  	[tilespmem:s30], [sflag:$0x1] =	stream.linear.gather [hbm4b:s23+s2], $0x200, $0x38;
	[tilespmem:$0xB400] =	vst v63  }
0x336: {  	s24 =	rddreg [dreg:$0x12];
	s28 =	simm.s32 $0x1E00  }
0x337: {  	[tilespmem:s28], [sflag:$0x1] =	stream.linear.gather [hbm4b:s24+s2], $0x200, $0x38;
	[tilespmem:$0xB400] =	vst v63  }
0x338: {  	s25 =	rddreg [dreg:$0x13];
	s26 =	simm.s32 $0x2000  }
0x339: {  	[tilespmem:s26], [sflag:$0x1] =	stream.linear.gather [hbm4b:s25+s2], $0x200, $0x38;
	[tilespmem:$0xB400] =	vst v63  }
0x33a: {  	s10 =	rddreg [dreg:$0x14];
	s25 =	simm.s32 $0x2200  }
0x33b: {  	[tilespmem:s25], [sflag:$0x1] =	stream.linear.gather [hbm4b:s10+s2], $0x200, $0x38;
	[tilespmem:$0xB400] =	vst v63  }
0x33c: {  	s12 =	rddreg [dreg:$0x15];
	s24 =	simm.s32 $0x2400  }
0x33d: {  	[tilespmem:s24], [sflag:$0x1] =	stream.linear.gather [hbm4b:s12+s2], $0x200, $0x38;
	[tilespmem:$0xB400] =	vst v63  }
0x33e: {  	s22 =	rddreg [dreg:$0x16];
	s23 =	simm.s32 $0x2600  }
0x33f: {  	[tilespmem:s23], [sflag:$0x1] =	stream.linear.gather [hbm4b:s22+s2], $0x200, $0x38;
	[tilespmem:$0xB400] =	vst v63  }
0x340: {  	s12 =	rddreg [dreg:$0x17];
	s22 =	simm.s32 $0x2800  }
0x341: {  	[tilespmem:s22], [sflag:$0x1] =	stream.linear.gather [hbm4b:s12+s2], $0x200, $0x38;
	[tilespmem:$0xB400] =	vst v63  }
0x342: {  	s15 =	rddreg [dreg:$0x18];
	s12 =	simm.s32 $0x2A00  }
0x343: {  	[tilespmem:s12], [sflag:$0x1] =	stream.linear.gather [hbm4b:s15+s2], $0x200, $0x38;
	[tilespmem:$0xB400] =	vst v63  }
0x344: {  	s16 =	rddreg [dreg:$0x19];
	s12 =	simm.s32 $0x2C00  }
0x345: {  	[tilespmem:s12], [sflag:$0x1] =	stream.linear.gather [hbm4b:s16+s2], $0x200, $0x38;
	[tilespmem:$0xB400] =	vst v63  }
0x346: {  	s15 =	rddreg [dreg:$0x1a];
	s12 =	simm.s32 $0x2E00  }
0x347: {  	[tilespmem:s12], [sflag:$0x1] =	stream.linear.gather [hbm4b:s15+s2], $0x200, $0x38;
	[tilespmem:$0xB400] =	vst v63  }
0x348: {  	s16 =	rddreg [dreg:$0x1b];
	s12 =	simm.s32 $0x3000  }
0x349: {  	[tilespmem:s12], [sflag:$0x1] =	stream.linear.gather [hbm4b:s16+s2], $0x200, $0x38;
	[tilespmem:$0xB400] =	vst v63  }
0x34a: {  	s15 =	rddreg [dreg:$0x1c];
	s16 =	simm.s32 $0x3200  }
0x34b: {  	[tilespmem:s16], [sflag:$0x1] =	stream.linear.gather [hbm4b:s15+s2], $0x200, $0x38;
	[tilespmem:$0xB400] =	vst v63  }
0x34c: {  	_ =	swait.ge [sflag:s14], $0x200  }
0x34d: {  	[sflag:s14] =	ssyncset.done $0x0  }
0x34e: {  	[sflag:s14] =	ssyncadd.s32 $0xFFFFFE00  }
0x34f: {  	_ =	swait.ge [sflag:s14], $0x200  }
0x350: {  	[sflag:s14] =	ssyncset.done $0x0  }
0x351: {  	[sflag:s14] =	ssyncadd.s32 $0xFFFFFE00  }
0x352: {  	_ =	swait.ge [sflag:s14], $0x200  }
0x353: {  	[sflag:s14] =	ssyncset.done $0x0  }
0x354: {  	[sflag:s14] =	ssyncadd.s32 $0xFFFFFE00  }
0x355: {  	_ =	swait.ge [sflag:s14], $0x200  }
0x356: {  	[sflag:s14] =	ssyncset.done $0x0  }
0x357: {  	[sflag:s14] =	ssyncadd.s32 $0xFFFFFE00  }
0x358: {  	_ =	swait.ge [sflag:s14], $0x200  }
0x359: {  	[sflag:s14] =	ssyncset.done $0x0  }
0x35a: {  	[sflag:s14] =	ssyncadd.s32 $0xFFFFFE00  }
0x35b: {  	_ =	swait.ge [sflag:s14], $0x200  }
0x35c: {  	[sflag:s14] =	ssyncset.done $0x0  }
0x35d: {  	[sflag:s14] =	ssyncadd.s32 $0xFFFFFE00  }
0x35e: {  	_ =	swait.ge [sflag:s14], $0x200  }
0x35f: {  	[sflag:s14] =	ssyncset.done $0x0  }
0x360: {  	[sflag:s14] =	ssyncadd.s32 $0xFFFFFE00  }
0x361: {  	_ =	swait.ge [sflag:s14], $0x200  }
0x362: {  	[sflag:s14] =	ssyncset.done $0x0  }
0x363: {  	[sflag:s14] =	ssyncadd.s32 $0xFFFFFE00  }
0x364: {  	_ =	swait.ge [sflag:s14], $0x200  }
0x365: {  	[sflag:s14] =	ssyncset.done $0x0  }
0x366: {  	[sflag:s14] =	ssyncadd.s32 $0xFFFFFE00  }
0x367: {  	_ =	swait.ge [sflag:s14], $0x200  }
0x368: {  	[sflag:s14] =	ssyncset.done $0x0  }
0x369: {  	[sflag:s14] =	ssyncadd.s32 $0xFFFFFE00  }
0x36a: {  	_ =	swait.ge [sflag:s14], $0x200  }
0x36b: {  	[sflag:s14] =	ssyncset.done $0x0  }
0x36c: {  	[sflag:s14] =	ssyncadd.s32 $0xFFFFFE00  }
0x36d: {  	_ =	swait.ge [sflag:s14], $0x200  }
0x36e: {  	[sflag:s14] =	ssyncset.done $0x0  }
0x36f: {  	[sflag:s14] =	ssyncadd.s32 $0xFFFFFE00  }
0x370: {  	_ =	swait.ge [sflag:s14], $0x200  }
0x371: {  	[sflag:s14] =	ssyncset.done $0x0  }
0x372: {  	[sflag:s14] =	ssyncadd.s32 $0xFFFFFE00  }
0x373: {  	_ =	swait.ge [sflag:s14], $0x200  }
0x374: {  	[sflag:s14] =	ssyncset.done $0x0  }
0x375: {  	[sflag:s14] =	ssyncadd.s32 $0xFFFFFE00  }
0x376: {  	_ =	swait.ge [sflag:s14], $0x200  }
0x377: {  	[sflag:s14] =	ssyncset.done $0x0  }
0x378: {  	[sflag:s14] =	ssyncadd.s32 $0xFFFFFE00  }
0x379: {  	_ =	swait.ge [sflag:s14], $0x200  }
0x37a: {  	[sflag:s14] =	ssyncset.done $0x0  }
0x37b: {  	[sflag:s14] =	ssyncadd.s32 $0xFFFFFE00  }
0x37c: {  	_ =	swait.ge [sflag:s14], $0x200  }
0x37d: {  	[sflag:s14] =	ssyncset.done $0x0  }
0x37e: {  	[sflag:s14] =	ssyncadd.s32 $0xFFFFFE00  }
0x37f: {  	_ =	swait.ge [sflag:s14], $0x200  }
0x380: {  	[sflag:s14] =	ssyncset.done $0x0  }
0x381: {  	[sflag:s14] =	ssyncadd.s32 $0xFFFFFE00  }
0x382: {  	_ =	swait.ge [sflag:s14], $0x200  }
0x383: {  	[sflag:s14] =	ssyncset.done $0x0  }
0x384: {  	[sflag:s14] =	ssyncadd.s32 $0xFFFFFE00  }
0x385: {  	_ =	swait.ge [sflag:s14], $0x200  }
0x386: {  	[sflag:s14] =	ssyncset.done $0x0  }
0x387: {  	[sflag:s14] =	ssyncadd.s32 $0xFFFFFE00  }
0x388: {  	_ =	swait.ge [sflag:s14], $0x200  }
0x389: {  	[sflag:s14] =	ssyncset.done $0x0  }
0x38a: {  	[sflag:s14] =	ssyncadd.s32 $0xFFFFFE00  }
0x38b: {  	_ =	swait.ge [sflag:s14], $0x200  }
0x38c: {  	[sflag:s14] =	ssyncset.done $0x0  }
0x38d: {  	[sflag:s14] =	ssyncadd.s32 $0xFFFFFE00  }
0x38e: {  	_ =	swait.ge [sflag:s14], $0x200  }
0x38f: {  	[sflag:s14] =	ssyncset.done $0x0  }
0x390: {  	[sflag:s14] =	ssyncadd.s32 $0xFFFFFE00  }
0x391: {  	_ =	swait.ge [sflag:s14], $0x200  }
0x392: {  	[sflag:s14] =	ssyncset.done $0x0  }
0x393: {  	[sflag:s14] =	ssyncadd.s32 $0xFFFFFE00  }
0x394: {  	_ =	swait.ge [sflag:s14], $0x200  }
0x395: {  	[sflag:s14] =	ssyncset.done $0x0  }
0x396: {  	[sflag:s14] =	ssyncadd.s32 $0xFFFFFE00  }
0x397: {  	_ =	swait.ge [sflag:s14], $0x200  }
0x398: {  	[sflag:s14] =	ssyncset.done $0x0  }
0x399: {  	[sflag:s14] =	ssyncadd.s32 $0xFFFFFE00  }
0x39a: {  	[tilespmem:s8], [sflag:$0x2] =	stream.indirect.gather [hbm4b:s3+s4], $0x20, s2, s4, $0xb8;
	[tilespmem:$0xB400] =	vst v63  }
0x39b: {  	_ = 	snop  }
0x39c: {  	[tilespmem:s7], [sflag:$0x3] =	stream.indirect.gather [hbm4b:s3+s4], $0x20, s4, s4, $0xb8;
	[tilespmem:$0xB400] =	vst v63  }
0x39d: {  	_ =	swait.ge [sflag:s11], $0x4000  }
0x39e: {  	[sflag:s11] =	ssyncset.done $0x0  }
0x39f: {  	[sflag:s11] =	ssyncadd.s32 $0xFFFFC000  }
0x3a0: {  	[hbm4b:s13+s2] =	stream.linear.scatter [tilespmem:s8], [sflag:$0x4], $0x4000, $0x38;
	[tilespmem:$0xB400] =	vst v63  }
0x3a1: {  	_ =	swait.ge [sflag:s6], $0x4000  }
0x3a2: {  	[sflag:s6] =	ssyncset.done $0x0  }
0x3a3: {  	s10 =	simm.s32 $0x400;
	[sflag:s6] =	ssyncadd.s32 $0xFFFFC000  }
0x3a4: {  	[tilespmem:s8], [sflag:$0x2] =	stream.indirect.gather [hbm4b:s3+s4], $0x20, s10, s4, $0xb8;
	[tilespmem:$0xB400] =	vst v63  }
0x3a5: {  	_ =	swait.ge [sflag:s9], $0x4000  }
0x3a6: {  	[sflag:s9] =	ssyncset.done $0x0  }
0x3a7: {  	s15 =	rddreg [dreg:$0x1d];
	[sflag:s9] =	ssyncadd.s32 $0xFFFFC000  }
0x3a8: {  	[hbm4b:s15+s2] =	stream.linear.scatter [tilespmem:s7], [sflag:$0x5], $0x4000, $0x38;
	[tilespmem:$0xB400] =	vst v63  }
0x3a9: {  	_ =	swait.ge [sflag:s5], $0x4000  }
0x3aa: {  	[sflag:s5] =	ssyncset.done $0x0  }
0x3ab: {  	[sflag:s5] =	ssyncadd.s32 $0xFFFFC000  }
0x3ac: {  	[tilespmem:s7], [sflag:$0x3] =	stream.indirect.gather [hbm4b:s3+s4], $0x20, s0, s4, $0xb8;
	[tilespmem:$0xB400] =	vst v63  }
0x3ad: {  	_ =	swait.ge [sflag:s11], $0x4000  }
0x3ae: {  	[sflag:s11] =	ssyncset.done $0x0  }
0x3af: {  	s13 =	rddreg [dreg:$0x1e];
	[sflag:s11] =	ssyncadd.s32 $0xFFFFC000  }
0x3b0: {  	[hbm4b:s13+s2] =	stream.linear.scatter [tilespmem:s8], [sflag:$0x4], $0x4000, $0x38;
	[tilespmem:$0xB400] =	vst v63  }
0x3b1: {  	_ =	swait.ge [sflag:s6], $0x4000  }
0x3b2: {  	[sflag:s6] =	ssyncset.done $0x0  }
0x3b3: {  	s10 =	simm.s32 $0x800;
	[sflag:s6] =	ssyncadd.s32 $0xFFFFC000  }
0x3b4: {  	[tilespmem:s8], [sflag:$0x2] =	stream.indirect.gather [hbm4b:s3+s4], $0x20, s10, s4, $0xb8;
	[tilespmem:$0xB400] =	vst v63  }
0x3b5: {  	_ =	swait.ge [sflag:s9], $0x4000  }
0x3b6: {  	[sflag:s9] =	ssyncset.done $0x0  }
0x3b7: {  	s15 =	rddreg [dreg:$0x1f];
	[sflag:s9] =	ssyncadd.s32 $0xFFFFC000  }
0x3b8: {  	[hbm4b:s15+s2] =	stream.linear.scatter [tilespmem:s7], [sflag:$0x5], $0x4000, $0x38;
	[tilespmem:$0xB400] =	vst v63  }
0x3b9: {  	_ =	swait.ge [sflag:s5], $0x4000  }
0x3ba: {  	[sflag:s5] =	ssyncset.done $0x0  }
0x3bb: {  	s14 =	simm.s32 $0xA00;
	[sflag:s5] =	ssyncadd.s32 $0xFFFFC000  }
0x3bc: {  	[tilespmem:s7], [sflag:$0x3] =	stream.indirect.gather [hbm4b:s3+s4], $0x20, s14, s4, $0xb8;
	[tilespmem:$0xB400] =	vst v63  }
0x3bd: {  	_ =	swait.ge [sflag:s11], $0x4000  }
0x3be: {  	s10 =	sld [smem:$0x7E7]  }
0x3bf: {  	[sflag:s11] =	ssyncset.done $0x0  }
0x3c0: {  	[sflag:s11] =	ssyncadd.s32 $0xFFFFC000  }
0x3c1: {  	[hbm4b:s10+s2] =	stream.linear.scatter [tilespmem:s8], [sflag:$0x4], $0x4000, $0x38;
	[tilespmem:$0xB400] =	vst v63  }
0x3c2: {  	_ =	swait.ge [sflag:s6], $0x4000  }
0x3c3: {  	[sflag:s6] =	ssyncset.done $0x0  }
0x3c4: {  	s20 =	simm.s32 $0xC00;
	[sflag:s6] =	ssyncadd.s32 $0xFFFFC000  }
0x3c5: {  	[tilespmem:s8], [sflag:$0x2] =	stream.indirect.gather [hbm4b:s3+s4], $0x20, s20, s4, $0xb8;
	[tilespmem:$0xB400] =	vst v63  }
0x3c6: {  	_ =	swait.ge [sflag:s9], $0x4000  }
0x3c7: {  	s12 =	sld [smem:$0x7E8]  }
0x3c8: {  	[sflag:s9] =	ssyncset.done $0x0  }
0x3c9: {  	[sflag:s9] =	ssyncadd.s32 $0xFFFFC000  }
0x3ca: {  	[hbm4b:s12+s2] =	stream.linear.scatter [tilespmem:s7], [sflag:$0x5], $0x4000, $0x38;
	[tilespmem:$0xB400] =	vst v63  }
0x3cb: {  	_ =	swait.ge [sflag:s5], $0x4000  }
0x3cc: {  	[sflag:s5] =	ssyncset.done $0x0  }
0x3cd: {  	s13 =	simm.s32 $0xE00;
	[sflag:s5] =	ssyncadd.s32 $0xFFFFC000  }
0x3ce: {  	[tilespmem:s7], [sflag:$0x3] =	stream.indirect.gather [hbm4b:s3+s4], $0x20, s13, s4, $0xb8;
	[tilespmem:$0xB400] =	vst v63  }
0x3cf: {  	_ =	swait.ge [sflag:s11], $0x4000  }
0x3d0: {  	s14 =	sld [smem:$0x7E9]  }
0x3d1: {  	[sflag:s11] =	ssyncset.done $0x0  }
0x3d2: {  	[sflag:s11] =	ssyncadd.s32 $0xFFFFC000  }
0x3d3: {  	[hbm4b:s14+s2] =	stream.linear.scatter [tilespmem:s8], [sflag:$0x4], $0x4000, $0x38;
	[tilespmem:$0xB400] =	vst v63  }
0x3d4: {  	_ =	swait.ge [sflag:s6], $0x4000  }
0x3d5: {  	[sflag:s6] =	ssyncset.done $0x0  }
0x3d6: {  	[sflag:s6] =	ssyncadd.s32 $0xFFFFC000  }
0x3d7: {  	[tilespmem:s8], [sflag:$0x2] =	stream.indirect.gather [hbm4b:s3+s4], $0x20, s17, s4, $0xb8;
	[tilespmem:$0xB400] =	vst v63  }
0x3d8: {  	_ =	swait.ge [sflag:s9], $0x4000  }
0x3d9: {  	s15 =	sld [smem:$0x7EA]  }
0x3da: {  	[sflag:s9] =	ssyncset.done $0x0  }
0x3db: {  	[sflag:s9] =	ssyncadd.s32 $0xFFFFC000  }
0x3dc: {  	[hbm4b:s15+s2] =	stream.linear.scatter [tilespmem:s7], [sflag:$0x5], $0x4000, $0x38;
	[tilespmem:$0xB400] =	vst v63  }
0x3dd: {  	_ =	swait.ge [sflag:s5], $0x4000  }
0x3de: {  	[sflag:s5] =	ssyncset.done $0x0  }
0x3df: {  	[sflag:s5] =	ssyncadd.s32 $0xFFFFC000  }
0x3e0: {  	[tilespmem:s7], [sflag:$0x3] =	stream.indirect.gather [hbm4b:s3+s4], $0x20, s1, s4, $0xb8;
	[tilespmem:$0xB400] =	vst v63  }
0x3e1: {  	_ =	swait.ge [sflag:s11], $0x4000  }
0x3e2: {  	s17 =	sld [smem:$0x7EB]  }
0x3e3: {  	[sflag:s11] =	ssyncset.done $0x0  }
0x3e4: {  	[sflag:s11] =	ssyncadd.s32 $0xFFFFC000  }
0x3e5: {  	[hbm4b:s17+s2] =	stream.linear.scatter [tilespmem:s8], [sflag:$0x4], $0x4000, $0x38;
	[tilespmem:$0xB400] =	vst v63  }
0x3e6: {  	_ =	swait.ge [sflag:s6], $0x4000  }
0x3e7: {  	[sflag:s6] =	ssyncset.done $0x0  }
0x3e8: {  	[sflag:s6] =	ssyncadd.s32 $0xFFFFC000  }
0x3e9: {  	[tilespmem:s8], [sflag:$0x2] =	stream.indirect.gather [hbm4b:s3+s4], $0x20, s18, s4, $0xb8;
	[tilespmem:$0xB400] =	vst v63  }
0x3ea: {  	_ =	swait.ge [sflag:s9], $0x4000  }
0x3eb: {  	s20 =	sld [smem:$0x7EC]  }
0x3ec: {  	[sflag:s9] =	ssyncset.done $0x0  }
0x3ed: {  	[sflag:s9] =	ssyncadd.s32 $0xFFFFC000  }
0x3ee: {  	[hbm4b:s20+s2] =	stream.linear.scatter [tilespmem:s7], [sflag:$0x5], $0x4000, $0x38;
	[tilespmem:$0xB400] =	vst v63  }
0x3ef: {  	_ =	swait.ge [sflag:s5], $0x4000  }
0x3f0: {  	[sflag:s5] =	ssyncset.done $0x0  }
0x3f1: {  	[sflag:s5] =	ssyncadd.s32 $0xFFFFC000  }
0x3f2: {  	[tilespmem:s7], [sflag:$0x3] =	stream.indirect.gather [hbm4b:s3+s4], $0x20, s29, s4, $0xb8;
	[tilespmem:$0xB400] =	vst v63  }
0x3f3: {  	_ =	swait.ge [sflag:s11], $0x4000  }
0x3f4: {  	s29 =	sld [smem:$0x7ED]  }
0x3f5: {  	[sflag:s11] =	ssyncset.done $0x0  }
0x3f6: {  	[sflag:s11] =	ssyncadd.s32 $0xFFFFC000  }
0x3f7: {  	[hbm4b:s29+s2] =	stream.linear.scatter [tilespmem:s8], [sflag:$0x4], $0x4000, $0x38;
	[tilespmem:$0xB400] =	vst v63  }
0x3f8: {  	_ =	swait.ge [sflag:s6], $0x4000  }
0x3f9: {  	[sflag:s6] =	ssyncset.done $0x0  }
0x3fa: {  	[sflag:s6] =	ssyncadd.s32 $0xFFFFC000  }
0x3fb: {  	[tilespmem:s8], [sflag:$0x2] =	stream.indirect.gather [hbm4b:s3+s4], $0x20, s31, s4, $0xb8;
	[tilespmem:$0xB400] =	vst v63  }
0x3fc: {  	_ =	swait.ge [sflag:s9], $0x4000  }
0x3fd: {  	s1 =	sld [smem:$0x7EE]  }
0x3fe: {  	[sflag:s9] =	ssyncset.done $0x0  }
0x3ff: {  	[sflag:s9] =	ssyncadd.s32 $0xFFFFC000  }
0x400: {  	[hbm4b:s1+s2] =	stream.linear.scatter [tilespmem:s7], [sflag:$0x5], $0x4000, $0x38;
	[tilespmem:$0xB400] =	vst v63  }
0x401: {  	_ =	swait.ge [sflag:s5], $0x4000  }
0x402: {  	[sflag:s5] =	ssyncset.done $0x0  }
0x403: {  	[sflag:s5] =	ssyncadd.s32 $0xFFFFC000  }
0x404: {  	[tilespmem:s7], [sflag:$0x3] =	stream.indirect.gather [hbm4b:s3+s4], $0x20, s19, s4, $0xb8;
	[tilespmem:$0xB400] =	vst v63  }
0x405: {  	_ =	swait.ge [sflag:s11], $0x4000  }
0x406: {  	s10 =	sld [smem:$0x7EF]  }
0x407: {  	[sflag:s11] =	ssyncset.done $0x0  }
0x408: {  	[sflag:s11] =	ssyncadd.s32 $0xFFFFC000  }
0x409: {  	[hbm4b:s10+s2] =	stream.linear.scatter [tilespmem:s8], [sflag:$0x4], $0x4000, $0x38;
	[tilespmem:$0xB400] =	vst v63  }
0x40a: {  	_ =	swait.ge [sflag:s6], $0x4000  }
0x40b: {  	[sflag:s6] =	ssyncset.done $0x0  }
0x40c: {  	[sflag:s6] =	ssyncadd.s32 $0xFFFFC000  }
0x40d: {  	[tilespmem:s8], [sflag:$0x2] =	stream.indirect.gather [hbm4b:s3+s4], $0x20, s30, s4, $0xb8;
	[tilespmem:$0xB400] =	vst v63  }
0x40e: {  	_ =	swait.ge [sflag:s9], $0x4000  }
0x40f: {  	s12 =	sld [smem:$0x7F0]  }
0x410: {  	[sflag:s9] =	ssyncset.done $0x0  }
0x411: {  	[sflag:s9] =	ssyncadd.s32 $0xFFFFC000  }
0x412: {  	[hbm4b:s12+s2] =	stream.linear.scatter [tilespmem:s7], [sflag:$0x5], $0x4000, $0x38;
	[tilespmem:$0xB400] =	vst v63  }
0x413: {  	_ =	swait.ge [sflag:s5], $0x4000  }
0x414: {  	[sflag:s5] =	ssyncset.done $0x0  }
0x415: {  	[sflag:s5] =	ssyncadd.s32 $0xFFFFC000  }
0x416: {  	[tilespmem:s7], [sflag:$0x3] =	stream.indirect.gather [hbm4b:s3+s4], $0x20, s28, s4, $0xb8;
	[tilespmem:$0xB400] =	vst v63  }
0x417: {  	_ =	swait.ge [sflag:s11], $0x4000  }
0x418: {  	s13 =	sld [smem:$0x7F1]  }
0x419: {  	[sflag:s11] =	ssyncset.done $0x0  }
0x41a: {  	[sflag:s11] =	ssyncadd.s32 $0xFFFFC000  }
0x41b: {  	[hbm4b:s13+s2] =	stream.linear.scatter [tilespmem:s8], [sflag:$0x4], $0x4000, $0x38;
	[tilespmem:$0xB400] =	vst v63  }
0x41c: {  	_ =	swait.ge [sflag:s6], $0x4000  }
0x41d: {  	[sflag:s6] =	ssyncset.done $0x0  }
0x41e: {  	[sflag:s6] =	ssyncadd.s32 $0xFFFFC000  }
0x41f: {  	[tilespmem:s8], [sflag:$0x2] =	stream.indirect.gather [hbm4b:s3+s4], $0x20, s26, s4, $0xb8;
	[tilespmem:$0xB400] =	vst v63  }
0x420: {  	_ =	swait.ge [sflag:s9], $0x4000  }
0x421: {  	s14 =	sld [smem:$0x7F2]  }
0x422: {  	[sflag:s9] =	ssyncset.done $0x0  }
0x423: {  	[sflag:s9] =	ssyncadd.s32 $0xFFFFC000  }
0x424: {  	[hbm4b:s14+s2] =	stream.linear.scatter [tilespmem:s7], [sflag:$0x5], $0x4000, $0x38;
	[tilespmem:$0xB400] =	vst v63  }
0x425: {  	_ =	swait.ge [sflag:s5], $0x4000  }
0x426: {  	[sflag:s5] =	ssyncset.done $0x0  }
0x427: {  	[sflag:s5] =	ssyncadd.s32 $0xFFFFC000  }
0x428: {  	[tilespmem:s7], [sflag:$0x3] =	stream.indirect.gather [hbm4b:s3+s4], $0x20, s25, s4, $0xb8;
	[tilespmem:$0xB400] =	vst v63  }
0x429: {  	_ =	swait.ge [sflag:s11], $0x4000  }
0x42a: {  	s15 =	sld [smem:$0x7F3]  }
0x42b: {  	[sflag:s11] =	ssyncset.done $0x0  }
0x42c: {  	[sflag:s11] =	ssyncadd.s32 $0xFFFFC000  }
0x42d: {  	[hbm4b:s15+s2] =	stream.linear.scatter [tilespmem:s8], [sflag:$0x4], $0x4000, $0x38;
	[tilespmem:$0xB400] =	vst v63  }
0x42e: {  	_ =	swait.ge [sflag:s6], $0x4000  }
0x42f: {  	[sflag:s6] =	ssyncset.done $0x0  }
0x430: {  	[sflag:s6] =	ssyncadd.s32 $0xFFFFC000  }
0x431: {  	[tilespmem:s8], [sflag:$0x2] =	stream.indirect.gather [hbm4b:s3+s4], $0x20, s24, s4, $0xb8;
	[tilespmem:$0xB400] =	vst v63  }
0x432: {  	_ =	swait.ge [sflag:s9], $0x4000  }
0x433: {  	s17 =	sld [smem:$0x7F4]  }
0x434: {  	[sflag:s9] =	ssyncset.done $0x0  }
0x435: {  	[sflag:s9] =	ssyncadd.s32 $0xFFFFC000  }
0x436: {  	[hbm4b:s17+s2] =	stream.linear.scatter [tilespmem:s7], [sflag:$0x5], $0x4000, $0x38;
	[tilespmem:$0xB400] =	vst v63  }
0x437: {  	_ =	swait.ge [sflag:s5], $0x4000  }
0x438: {  	[sflag:s5] =	ssyncset.done $0x0  }
0x439: {  	[sflag:s5] =	ssyncadd.s32 $0xFFFFC000  }
0x43a: {  	[tilespmem:s7], [sflag:$0x3] =	stream.indirect.gather [hbm4b:s3+s4], $0x20, s23, s4, $0xb8;
	[tilespmem:$0xB400] =	vst v63  }
0x43b: {  	_ =	swait.ge [sflag:s11], $0x4000  }
0x43c: {  	s18 =	sld [smem:$0x7F5]  }
0x43d: {  	[sflag:s11] =	ssyncset.done $0x0  }
0x43e: {  	[sflag:s11] =	ssyncadd.s32 $0xFFFFC000  }
0x43f: {  	[hbm4b:s18+s2] =	stream.linear.scatter [tilespmem:s8], [sflag:$0x4], $0x4000, $0x38;
	[tilespmem:$0xB400] =	vst v63  }
0x440: {  	_ =	swait.ge [sflag:s6], $0x4000  }
0x441: {  	[sflag:s6] =	ssyncset.done $0x0  }
0x442: {  	[sflag:s6] =	ssyncadd.s32 $0xFFFFC000  }
0x443: {  	[tilespmem:s8], [sflag:$0x2] =	stream.indirect.gather [hbm4b:s3+s4], $0x20, s22, s4, $0xb8;
	[tilespmem:$0xB400] =	vst v63  }
0x444: {  	_ =	swait.ge [sflag:s9], $0x4000  }
0x445: {  	s19 =	sld [smem:$0x7F6]  }
0x446: {  	[sflag:s9] =	ssyncset.done $0x0  }
0x447: {  	[sflag:s9] =	ssyncadd.s32 $0xFFFFC000  }
0x448: {  	[hbm4b:s19+s2] =	stream.linear.scatter [tilespmem:s7], [sflag:$0x5], $0x4000, $0x38;
	[tilespmem:$0xB400] =	vst v63  }
0x449: {  	_ =	swait.ge [sflag:s5], $0x4000  }
0x44a: {  	[sflag:s5] =	ssyncset.done $0x0  }
0x44b: {  	s20 =	simm.s32 $0x2A00;
	[sflag:s5] =	ssyncadd.s32 $0xFFFFC000  }
0x44c: {  	[tilespmem:s7], [sflag:$0x3] =	stream.indirect.gather [hbm4b:s3+s4], $0x20, s20, s4, $0xb8;
	[tilespmem:$0xB400] =	vst v63  }
0x44d: {  	_ =	swait.ge [sflag:s11], $0x4000  }
0x44e: {  	s22 =	sld [smem:$0x7F7]  }
0x44f: {  	[sflag:s11] =	ssyncset.done $0x0  }
0x450: {  	[sflag:s11] =	ssyncadd.s32 $0xFFFFC000  }
0x451: {  	[hbm4b:s22+s2] =	stream.linear.scatter [tilespmem:s8], [sflag:$0x4], $0x4000, $0x38;
	[tilespmem:$0xB400] =	vst v63  }
0x452: {  	_ =	swait.ge [sflag:s6], $0x4000  }
0x453: {  	[sflag:s6] =	ssyncset.done $0x0  }
0x454: {  	s23 =	simm.s32 $0x2C00;
	[sflag:s6] =	ssyncadd.s32 $0xFFFFC000  }
0x455: {  	[tilespmem:s8], [sflag:$0x2] =	stream.indirect.gather [hbm4b:s3+s4], $0x20, s23, s4, $0xb8;
	[tilespmem:$0xB400] =	vst v63  }
0x456: {  	_ =	swait.ge [sflag:s9], $0x4000  }
0x457: {  	s24 =	sld [smem:$0x7F8]  }
0x458: {  	[sflag:s9] =	ssyncset.done $0x0  }
0x459: {  	[sflag:s9] =	ssyncadd.s32 $0xFFFFC000  }
0x45a: {  	[hbm4b:s24+s2] =	stream.linear.scatter [tilespmem:s7], [sflag:$0x5], $0x4000, $0x38;
	[tilespmem:$0xB400] =	vst v63  }
0x45b: {  	_ =	swait.ge [sflag:s5], $0x4000  }
0x45c: {  	[sflag:s5] =	ssyncset.done $0x0  }
0x45d: {  	s25 =	simm.s32 $0x2E00;
	[sflag:s5] =	ssyncadd.s32 $0xFFFFC000  }
0x45e: {  	[tilespmem:s7], [sflag:$0x3] =	stream.indirect.gather [hbm4b:s3+s4], $0x20, s25, s4, $0xb8;
	[tilespmem:$0xB400] =	vst v63  }
0x45f: {  	_ =	swait.ge [sflag:s11], $0x4000  }
0x460: {  	s26 =	sld [smem:$0x7F9]  }
0x461: {  	[sflag:s11] =	ssyncset.done $0x0  }
0x462: {  	[sflag:s11] =	ssyncadd.s32 $0xFFFFC000  }
0x463: {  	[hbm4b:s26+s2] =	stream.linear.scatter [tilespmem:s8], [sflag:$0x4], $0x4000, $0x38;
	[tilespmem:$0xB400] =	vst v63  }
0x464: {  	_ =	swait.ge [sflag:s6], $0x4000  }
0x465: {  	[sflag:s6] =	ssyncset.done $0x0  }
0x466: {  	s28 =	simm.s32 $0x3000;
	[sflag:s6] =	ssyncadd.s32 $0xFFFFC000  }
0x467: {  	[tilespmem:s8], [sflag:$0x2] =	stream.indirect.gather [hbm4b:s3+s4], $0x20, s28, s4, $0xb8;
	[tilespmem:$0xB400] =	vst v63  }
0x468: {  	_ =	swait.ge [sflag:s9], $0x4000  }
0x469: {  	s29 =	sld [smem:$0x7FA]  }
0x46a: {  	[sflag:s9] =	ssyncset.done $0x0  }
0x46b: {  	[sflag:s9] =	ssyncadd.s32 $0xFFFFC000  }
0x46c: {  	[hbm4b:s29+s2] =	stream.linear.scatter [tilespmem:s7], [sflag:$0x5], $0x4000, $0x38;
	[tilespmem:$0xB400] =	vst v63  }
0x46d: {  	_ =	swait.ge [sflag:s5], $0x4000  }
0x46e: {  	[sflag:s5] =	ssyncset.done $0x0  }
0x46f: {  	[sflag:s5] =	ssyncadd.s32 $0xFFFFC000  }
0x470: {  	[tilespmem:s7], [sflag:$0x3] =	stream.indirect.gather [hbm4b:s3+s4], $0x20, s16, s4, $0xb8;
	[tilespmem:$0xB400] =	vst v63  }
0x471: {  	_ =	swait.ge [sflag:s11], $0x4000  }
0x472: {  	s30 =	sld [smem:$0x7FB]  }
0x473: {  	[sflag:s11] =	ssyncset.done $0x0  }
0x474: {  	[sflag:s11] =	ssyncadd.s32 $0xFFFFC000  }
0x475: {  	[hbm4b:s30+s2] =	stream.linear.scatter [tilespmem:s8], [sflag:$0x4], $0x4000, $0x38;
	[tilespmem:$0xB400] =	vst v63  }
0x476: {  	_ =	swait.ge [sflag:s9], $0x4000  }
0x477: {  	s31 =	sld [smem:$0x7FD]  }
0x478: {  	[sflag:s9] =	ssyncset.done $0x0  }
0x479: {  	[sflag:s9] =	ssyncadd.s32 $0xFFFFC000  }
0x47a: {  	[hbm4b:s31+s2] =	stream.linear.scatter [tilespmem:s7], [sflag:$0x5], $0x4000, $0x38;
	[tilespmem:$0xB400] =	vst v63  }
0x47b: {  	_ =	swait.ge [sflag:s6], $0x4000  }
0x47c: {  	[sflag:s6] =	ssyncset.done $0x0  }
0x47d: {  	[sflag:s6] =	ssyncadd.s32 $0xFFFFC000  }
0x47e: {  	_ =	swait.ge [sflag:s5], $0x4000  }
0x47f: {  	[sflag:s5] =	ssyncset.done $0x0  }
0x480: {  	[sflag:s5] =	ssyncadd.s32 $0xFFFFC000  }
0x481: {  	_ =	sfence.sel $0x180000  }
0x482: {  	[bflag:$0x0] =	sbarrier.arrive $0xFFFF  }
0x483: {  	_ =	strace $0x90000047  }
0x484: {  	[bflag:$0x2] =	sbarrier.arrive $0xFFFF  }
0x485: {  	p0 =	sne.s32 s21, $0x0;
	s0 =	rddreg [dreg:$0x2]  }
0x486: {  	s0 =	sadd.s32 @!p0 $0x100000, s0  }
0x487: {  	[sflag:s0] =	ssyncadd.tile.s32 @!p0 $0x1;
	_ =	shalt  }
.LBB2_1:
.Ltmp3:
0x488: {  	(pc) =	sbr.rel .LBB2_6-.Ltmp3, $2  }
0x489: {  	_ =	sdelay $0x2  }
0x48a: {  	s13 =	sld [smem:$0x7FC];
	s21 =	stileid.u32  }
.LBB2_7:
.Ltmp4:
0x48b: {  	(pc) =	sbr.rel .LBB2_6-.Ltmp4, $2  }
0x48c: {  	_ =	sdelay $0x2  }
0x48d: {  	s13 =	sld [smem:$0x7FC];
	s21 =	stileid.u32;
	s23 =	simm.s32 $0x400  }
.Lfunc_end2:
_tile_overlayer_lowered:
.L_overlay_start_2:
0x48e: {  	(tag) =	ssettag $0x2  }
0x48f: {  	s0 =	rddreg [dreg:$0x0];
	s2 =	stileid.u32  }
0x490: {  	s1 =	rddreg [dreg:$0x1];
	p0 =	sne.s32 s2, $0x0  }
0x491: {  	s3 =	rddreg [dreg:$0x2];
	[bflag:$0x3] =	sbarrier.arrive $0xFFFF;
	s2 =	simm.s32 @!p0 $0x1C06  }
0x492: {  	[timem:s3], [sflag:s2] =	dma.local @!p0 [hbm:s0], s1  }
0x493: {  	s0 =	simm.s32 @!p0 $0x6  }
0x494: {  	_ =	swait.ge @!p0 [sflag:s0], s1  }
0x495: {  	s1 =	ssub.s32 @!p0 $0x0, s1;
	[sflag:s0] =	ssyncset.done @!p0 $0x0  }
0x496: {  	[sflag:s0] =	ssyncadd.s32 @!p0 s1  }
0x497: {  	[bflag:$0x3] =	sbarrier.arrive $0xFFFF  }
0x498: {  	_ =	shalt  }

// kernel: sparse-core-data-format-call.cloned.1.call-start
scs
called_computation_lowered:
.L_overlay_start_0:
0x0: {  	s2 =	sld [smem:$0x3FD9]  }
0x1: {  	s3 =	sld [smem:$0x3FFE];
	_ =	sdelay $0x1  }
0x2: {  	s1 =	srdreg.scid  }
0x3: {  	s0 =	sand.u32 $0x1, s1  }
0x4: {  	s18 =	sshll.u32 s0, $0xA;
	s2 =	sadd.s32 s3, s2  }
0x5: {  	s2 =	sadd.s32 s2, s18  }
0x6: {  	[smem:$0x3FC6] =	sst s2  }
0x7: {  	_ = 	snop  }
0x8: {  	s2 =	sld [smem:$0x3FD0];
	(tm) =	ssettm $0x1  }
0x9: {  	s19 =	sld [smem:$0x3FFB];
	_ =	sdelay $0x3  }
0xa: {  	_ =	strace s19  }
0xb: {  	s3 =	sld [smem:$0x3FFC];
	_ =	sdelay $0x3  }
0xc: {  	_ =	strace s3  }
0xd: {  	s3 =	sld [smem:$0x3FFD];
	_ =	sdelay $0x3  }
0xe: {  	_ =	strace s3  }
0xf: {  	_ =	strace $0x8FFFFFFF  }
0x10: {  	s20 =	sld [smem:$0x3FDB];
	_ =	sdelay $0x1  }
0x11: {  	s4 =	simm.s32 $_scs_section_size  }
0x12: {  	s5 =	simm.s32 $_size__tile_overlayer_lowered;
	s6 =	simm.s32 $_tile_overlayer_lowered  }
0x13: {  	s23 =	simm.s32 $0x1BFF;
	s22 =	sshll.u32 s6, $0x1;
	s3 =	sadd.s32 s4, s20  }
0x14: {  	s7 =	simm.s32 $0x0;
	s21 =	sshll.u32 s5, $0x1;
	s5 =	sadd.s32 s22, s3  }
0x15: {  	[timem:s7], [sflag:s23] =	dma.local [hbm:s5], s21  }
0x16: {  	_ =	swait.ge [sflag:s23], s21  }
0x17: {  	s4 =	ssub.s32 $0x0, s21;
	[sflag:s23] =	ssyncset.done $0x0  }
0x18: {  	[sflag:s23] =	ssyncadd.s32 s4;
	_ =	sdelay $0x1  }
0x19: {  	s24 =	simm.s32 $0x1B8B  }
0x1a: {  	_ =	swait.ge [sflag:s24], $0x1  }
0x1b: {  	[sflag:s24] =	ssyncset.done $0x0  }
0x1c: {  	s26 =	simm.s32 $0x1B8E;
	s25 =	sld [smem:$0x3FFE];
	[sflag:s24] =	ssyncadd.s32 $0xFFFFFFFF  }
0x1d: {  	s27 =	simm.s32 $execute0_lowered;
	[smem:$0x3FD2] =	sst s26  }
0x1e: {  	s5 =	sshll.u32 s27, $0x1;
	_ =	strace $0x80000049;
	[dreg:$0x1] =	wrdreg $0xFFFFFFFF  }
0x1f: {  	s28 =	simm.s32 $_size_execute0_lowered;
	s3 =	sadd.s32 s3, s5;
	[dreg:$0x0] =	wrdreg $0x0  }
0x20: {  	s5 =	sshll.u32 s28, $0x1;
	[dreg:$0x2] =	wrdreg s3  }
0x21: {  	[dreg:$0x3] =	wrdreg s5  }
0x22: {  	[dreg:$0x4] =	wrdreg $0xC0  }
0x23: {  	_ =	task [dreg:s7], $0x5FFFF  }
0x24: {  	[dreg:$0x1] =	wrdreg $0xFFFFFFFF  }
0x25: {  	[dreg:$0x0] =	wrdreg $0x60  }
0x26: {  	[dreg:$0x2] =	wrdreg s25  }
0x27: {  	[dreg:$0x3] =	wrdreg s2  }
0x28: {  	[dreg:$0x4] =	wrdreg $0x9  }
0x29: {  	_ =	task.clear_ibuf [dreg:s7], $0x5FFFF;
	_ =	strace $0x90000049  }
0x2a: {  	s29 =	simm.s32 $0x9;
	_ =	strace $0x8000004B  }
0x2b: {  	_ =	swait.ge [sflag:s29], $0x1  }
0x2c: {  	[sflag:s29] =	ssyncadd.s32 $0xFFFFFFFF  }
0x2d: {  	_ =	strace $0x9000004B  }
0x2e: {  	_ =	sfence  }
0x2f: {  	s30 =	sld [smem:$0x0];
	_ =	sdelay $0x2  }
0x30: {  	s31 =	sshll.u32 s1, $0xD;
	s1 =	sshrl.u32 s1, $0x2  }
0x31: {  	s3 =	sand.u32 $0x4000, s31;
	s1 =	sadd.s32 s1, s30  }
0x32: {  	s0 =	sor.u32 s3, s0;
	s1 =	sshll.u32 s1, $0x11  }
0x33: {  	s0 =	sor.u32 s1, s0  }
0x34: {  	s0 =	sadd.s32 $0x8F2B, s0  }
0x35: {  	[sflag:s0] =	ssyncadd.remote.s32 $0x1  }
0x36: {  	_ =	sfence.sel $0xFFFF  }
0x37: {  	[dreg:$0x0] =	wrdreg $0xFFFFFFFF;
	(pc) =	sbr.abs _section_cstart, $3  }
0x38: {  	[dreg:$0x1] =	wrdreg $0xFFFFFFFF  }
0x39: {  	_ =	task.clear_ibuf [dreg:s7], $0x2FFFF;
	_ =	strace $0x9FFFFFFF  }
0x3a: {  	(tm) =	ssettm $0x7FFFFFFF  }
0x3b: {  	_ =	shalt  }
tec
execute0_lowered:
.L_overlay_start_1:
0x0: {  	(tag) =	ssettag $0x1  }
0x1: {  	s0 =	srdreg.scid  }
0x2: {  	s1 =	sshll.u32 s0, $0x4  }
0x3: {  	s0 =	stileid.u32;
	s1 =	sand.u32 $0x10, s1  }
0x4: {  	s7 =	rddreg [dreg:$0x0];
	s1 =	sor.u32 s0, s1  }
0x5: {  	s4 =	simm.s32 $0x1;
	s8 =	simm.s32 $0x2;
	s2 =	sshll.u32 s1, $0x7  }
0x6: {  	s13 =	simm.s32 $0x0;
	s9 =	simm.s32 $0x20000;
	s1 =	ssub.s32 $0x4000, s2  }
0x7: {  	s14 =	simm.s32 $0x0;
	s11 =	simm.s32 $0x0;
	s3 =	sand.u32 $0xF80, s1  }
0x8: {  	s12 =	simm.s32 $0x0;
	s5 =	sshrl.u32 s1, $0xC;
	p0 =	sne.s32 s3, $0x0  }
.Ltmp0:
0x9: {  	s1 =	rddreg [dreg:$0x2];
	s4 =	simm.s32 @!p0 $0x0;
	(pc) =	sbr.rel .LBB1_1-.Ltmp0, $4  }
0xa: {  	s6 =	sadd.s32 $0xA00, s7;
	s3 =	rddreg [dreg:$0x1];
	s5 =	sadd.s32 s4, s5  }
0xb: {  	_ =	strace $0x8000004A;
	s4 =	simm.s32 $0x1;
	s5 =	smul.u32 $0xD, s5  }
0xc: {  	s7 =	sadd.s32 $0x40A00, s7;
	s10 =	smov.u32 s2;
	[sflag:s4] =	ssyncpa.u1 $0x0  }
0xd: {  	p0 =	por $0x0, $0x0;
	[sflag:s8] =	ssyncpa.u1 $0x0;
	s8 =	sadd.s32 $0x1, s5  }
.LBB1_7:
0xe: {  	s15 =	sadd.s32 $0x1000, s10  }
0xf: {  	s13 =	sadd.s32 $0x2, s11;
	s17 =	smov.u32 s11;
	p2 =	sgt.s32 s15, $0x3FFF  }
0x10: {  	s17 =	smov.u32 @p2 s13  }
0x11: {  	s15 =	smov.u32 @p2 s2;
	p2 =	sgt.s32 s17, $0x19  }
0x12: {  	s17 =	simm.s32 @p2 $0x0;
	p2 =	sne.s32 s12, s8  }
.Ltmp1:
0x13: {  	p1 =	slt.u32 s12, $0x2;
	(pc) =	sbr.rel @!p2 .LBB1_8-.Ltmp1, $4  }
0x14: {  	s16 =	simm.s32 @!p1 $0x2  }
0x15: {  	s14 =	smov.u32 s11;
	p0 =	por !p0, !p0;
	_ =	swait.ge @!p1 [sflag:s16], $0x2000  }
0x16: {  	s13 =	smov.u32 s10;
	[sflag:s16] =	ssyncset.done @!p1 $0x0;
	s10 =	smov.u32 s15  }
0x17: {  	s12 =	sadd.s32 $0x1, s12;
	[sflag:s16] =	ssyncadd.s32 @!p1 $0xFFFFE000;
	s11 =	smov.u32 s17  }
.LBB1_1:
0x18: {  	p1 =	sge.u32 s12, s5  }
0x19: {  	s15 =	sxor.u32 @!p1 $0xFFFFFFFF, s12;
	s16 =	sshll.u32 @!p1 s11, $0x12  }
0x1a: {  	s17 =	sshll.u32 @!p1 s10, $0x4;
	s19 =	simm.s32 @!p1 $0x20;
	s20 =	simm.s32 @!p1 $0x80  }
0x1b: {  	s15 =	sshll.u32 @!p1 s15, $0xD;
	s17 =	sand.u32 @!p1 $0x3FFF0, s17;
	s18 =	sadd.s32 @!p1 s6, s16  }
0x1c: {  	s16 =	sadd.s32 @!p1 s16, s7;
	s15 =	sand.u32 @!p1 $0x2000, s15;
	s18 =	sadd.s32 @!p1 s17, s18  }
0x1d: {  	[tilespmem:s15], [sflag:$0x1] =	stream.strided.gather @!p1 [hbm4b:s18+s19], $0x1000, s20, s19, $0x38;
	[tilespmem:$0x8080] =	vst v63  }
0x1e: {  	s31 =	sadd.s32 $0xFFFFFFFF, s12;
	s16 =	sadd.s32 @!p1 s17, s16;
	s15 =	sor.u32 @!p1 $0x1000, s15  }
0x1f: {  	[tilespmem:s15], [sflag:$0x1] =	stream.strided.gather @!p1 [hbm4b:s16+s19], $0x1000, s20, s19, $0x38;
	[tilespmem:$0x8080] =	vst v63  }
0x20: {  	p1 =	sge.u32 s31, s5  }
.Ltmp2:
0x21: {  	_ = 	snop;
	(pc) =	sbr.rel @p1 .LBB1_7-.Ltmp2, $1  }
0x22: {  	_ =	sdelay $0x3  }
0x23: {  	s15 =	simm.s32 $0x1;
	s17 =	sand.u32 $0x1, s12  }
0x24: {  	_ =	swait.ge [sflag:s4], $0x2000;
	s15 =	simm.s32 @!p0 $0x0;
	s17 =	smul.u32 $0x8100, s17  }
0x25: {  	p2 =	por $0x1, $0x1;
	[sflag:s4] =	ssyncset.done $0x0;
	s16 =	smul.u32 $0x8100, s15  }
0x26: {  	s18 =	sshll.u32 s15, $0xF;
	[sflag:s4] =	ssyncadd.s32 $0xFFFFE000;
	s30 =	sshrl.u32 s17, $0x2  }
0x27: {  	s31 =	sshrl.u32 s18, $0x2;
	s18 =	simm.s32 $0x0;
	s16 =	sshrl.u32 s16, $0x2  }
0x28: {  	s15 =	sor.u32 $0x4000, s30;
	s17 =	sadd.s32 $0x10, s31;
	s16 =	sor.u32 $0x4000, s16  }
.LBB1_3:
0x29: {  	s19 =	sshll.u32 s18, $0xC  }
0x2a: {  	s19 =	sand.u32 $0x3FFFF000, s19  }
0x2b: {  	s20 =	sadd.s32 s19, s17  }
0x2c: {  	s31 =	smul.u32 $0x4080, s18;
	v1 =	vld [tilespmem:s20+$0x0]  }
0x2d: {  	v0 =	vld [tilespmem:s20+$0xFFFFFFF0]  }
0x2e: {  	s18 =	sshra.s32 s31, $0x2  }
0x2f: {  	s18 =	sadd.s32 s18, s16  }
0x30: {  	s21 =	sadd.s32 $0x0, s18  }
0x31: {  	p1 =	por p2, p2;
	s19 =	simm.s32 $0x4;
	s20 =	sadd.s32 $0x20, s20;
	[tilespmem:s21+$0x810 ss:$0x81] =	vst.msk $0xffff, v1  }
.LBB1_4:
0x32: {  	v1 =	vld [tilespmem:s20+$0x0];
	p2 =	sne.s32 s19, $0x1FC;
	[tilespmem:s21+$0x0 ss:$0x81] =	vst.msk $0xffff, v0;
	s21 =	smov.u32 s19;
	s19 =	sadd.s32 $0x4, s19  }
.Ltmp3:
0x33: {  	v0 =	vld [tilespmem:s20+$0xFFFFFFF0];
	(pc) =	sbr.rel @p2 .LBB1_4-.Ltmp3, $4  }
0x34: {  	_ = 	snop  }
0x35: {  	s21 =	sshra.s32 s21, $0x2  }
0x36: {  	s21 =	sadd.s32 s21, s18  }
0x37: {  	s20 =	sadd.s32 $0x20, s20;
	[tilespmem:s21+$0x810 ss:$0x81] =	vst.msk $0xffff, v1  }
.Ltmp4:
0x38: {  	(pc) =	sbr.rel @p1 .LBB1_3-.Ltmp4, $2  }
0x39: {  	_ =	sdelay $0x2  }
0x3a: {  	[tilespmem:s21+$0x0 ss:$0x81] =	vst.msk $0xffff, v0;
	s18 =	simm.s32 $0x1;
	p2 =	por $0x0, $0x0  }
0x3b: {  	s16 =	sshll.u32 s13, $0x3;
	s17 =	sand.u32 $0x78, s13;
	s14 =	sshll.u32 s14, $0x10  }
.Ltmp5:
0x3c: {  	s30 =	sand.u32 $0xF800, s13;
	s16 =	sand.u32 $0x3C00, s16;
	(pc) =	sbr.rel .LBB1_7-.Ltmp5, $4  }
0x3d: {  	s31 =	sand.u32 $0x7, s13;
	s14 =	sadd.s32 s3, s14;
	s16 =	sor.u32 s17, s16  }
0x3e: {  	s13 =	sshll.u32 s31, $0x12;
	s14 =	sadd.s32 s30, s14;
	s16 =	sshrl.u32 s16, $0x3  }
0x3f: {  	s13 =	sor.u32 $0x400, s13;
	s14 =	sadd.s32 s16, s14  }
0x40: {  	[hbm4b:s14+s13] =	stream.strided.scatter [tilespmem:s15], [sflag:$0x2], $0x2000, s9, s13, $0x20;
	[tilespmem:$0x8080] =	vst v63  }
.LBB1_8:
0x41: {  	_ =	sfence.sel $0x180000  }
0x42: {  	s2 =	simm.s32 $0x1;
	[bflag:$0x0] =	sbarrier.arrive $0xFFFF  }
0x43: {  	s31 =	simm.s32 $0x2;
	[sflag:s2] =	ssyncpa.u1 $0x1  }
0x44: {  	[sflag:s31] =	ssyncpa.u1 $0x1  }
0x45: {  	p0 =	sne.s32 s0, $0x0;
	_ =	strace $0x9000004A  }
0x46: {  	s0 =	sadd.s32 @!p0 $0x100000, s1;
	[bflag:$0x2] =	sbarrier.arrive $0xFFFF  }
0x47: {  	[sflag:s0] =	ssyncadd.tile.s32 @!p0 $0x1;
	_ =	shalt  }
.Lfunc_end1:
_tile_overlayer_lowered:
.L_overlay_start_2:
0x48: {  	(tag) =	ssettag $0x2  }
0x49: {  	s0 =	rddreg [dreg:$0x0];
	s2 =	stileid.u32  }
0x4a: {  	s1 =	rddreg [dreg:$0x1];
	p0 =	sne.s32 s2, $0x0  }
0x4b: {  	s3 =	rddreg [dreg:$0x2];
	[bflag:$0x3] =	sbarrier.arrive $0xFFFF;
	s2 =	simm.s32 @!p0 $0x1C01  }
0x4c: {  	[timem:s3], [sflag:s2] =	dma.local @!p0 [hbm:s0], s1  }
0x4d: {  	s0 =	simm.s32 @!p0 $0x1  }
0x4e: {  	_ =	swait.ge @!p0 [sflag:s0], s1  }
0x4f: {  	s1 =	ssub.s32 @!p0 $0x0, s1;
	[sflag:s0] =	ssyncset.done @!p0 $0x0  }
0x50: {  	[sflag:s0] =	ssyncadd.s32 @!p0 s1  }
0x51: {  	[bflag:$0x3] =	sbarrier.arrive $0xFFFF  }
0x52: {  	_ =	shalt  }

</sc_bundles>
